<compile_context>
chip_gen: v7x
topology: tpu7x:2x2x1
jax: 0.10.2.dev20260603
libtpu: 0.0.44.dev20260713+nightly
codegen_flags: <defaults>
</compile_context>

<pallas_src>
import functools

import jax
import jax.numpy as jnp
from jax import lax
from jax.experimental import pallas as pl
from jax.experimental.pallas import tpu as pltpu
from jax.experimental.pallas import tpu_sc as plsc

_N = 10000
_E = 320000
_D = 128
_NC = 2
_NS = 16
_NW = _NC * _NS
_EPT = _E // _NW
_C = 64
_NCHUNK = 157
_EPTP = _NCHUNK * _C
_EP = _NW * _EPTP
_NA = _N + 8
_RA = 640
_RL = _N - 15 * _RA
_ZR = 40
_R = 1000
_G = _N // _R


_EPS = _E // _NS
_NP = 10240
_RN = _NP // _NS


def _rsqrt16(x):
    i = plsc.bitcast(x, jnp.int32)
    i = jnp.int32(0x5F3759DF) - lax.shift_right_arithmetic(i, 1)
    y = plsc.bitcast(i, jnp.float32)
    for _ in range(3):
        y = y * (1.5 - 0.5 * x * y * y)
    return y


def _sc_norms(src, dst):
    mesh = plsc.VectorSubcoreMesh(core_axis_name="c", subcore_axis_name="s")

    @functools.partial(
        pl.kernel,
        out_type=(
            jax.ShapeDtypeStruct((_NP,), jnp.float32),
            jax.ShapeDtypeStruct((_NP,), jnp.float32),
        ),
        mesh=mesh,
        compiler_params=pltpu.CompilerParams(needs_layout_passes=False),
        scratch_types=[
            pltpu.VMEM((_EPS,), jnp.int32),
            pltpu.VMEM((_NP,), jnp.float32),
            pltpu.VMEM((_NS, _RN), jnp.float32),
            pltpu.VMEM((_RN,), jnp.float32),
            pltpu.VMEM_SHARED((_NS, _NP), jnp.float32),
        ],
    )
    def k(src_hbm, dst_hbm, ns_hbm, nd_hbm, idx_v, cnt_v, red_v, nrm_v, stage_s):
        c = lax.axis_index("c")
        s = lax.axis_index("s")
        row0 = s * _RN

        def half(ih, oh):
            pltpu.sync_copy(ih.at[pl.ds(s * _EPS, _EPS)], idx_v)

            def zero_body(i, _):
                cnt_v[pl.ds(i * 16, 16)] = jnp.zeros((16,), jnp.float32)
                return 0

            lax.fori_loop(0, _NP // 16, zero_body, 0)

            def cnt_body(i, _):
                v = idx_v[pl.ds(i * 16, 16)]
                plsc.addupdate_scatter(cnt_v, [v], jnp.ones((16,), jnp.float32))
                return 0

            lax.fori_loop(0, _EPS // 16, cnt_body, 0)
            pltpu.sync_copy(cnt_v, stage_s.at[s])
            plsc.subcore_barrier()

            pltpu.sync_copy(stage_s.at[:, pl.ds(row0, _RN)], red_v)

            def red_body(g, _):
                acc = red_v[0, pl.ds(g * 16, 16)]
                for t in range(1, _NS):
                    acc = acc + red_v[t, pl.ds(g * 16, 16)]
                nrm_v[pl.ds(g * 16, 16)] = _rsqrt16(jnp.maximum(acc, 1.0))
                return 0

            lax.fori_loop(0, _RN // 16, red_body, 0)
            pltpu.sync_copy(nrm_v, oh.at[pl.ds(row0, _RN)])

        @pl.when(c == 0)
        def _():
            half(src_hbm, ns_hbm)

        @pl.when(c == 1)
        def _():
            half(dst_hbm, nd_hbm)

    return k(src, dst)


def _sc_spmm(hs, src, dst3):
    mesh = plsc.VectorSubcoreMesh(core_axis_name="c", subcore_axis_name="s")

    @functools.partial(
        pl.kernel,
        out_type=jax.ShapeDtypeStruct((_NC, _N, _D), jnp.float32),
        mesh=mesh,
        compiler_params=pltpu.CompilerParams(needs_layout_passes=False),
        scratch_types=[
            pltpu.VMEM((_EPTP,), jnp.int32),
            pltpu.VMEM((_NCHUNK, _C), jnp.int32),
            pltpu.VMEM((_C, _D), jnp.float32),
            pltpu.VMEM((_C, _D), jnp.float32),
            pltpu.VMEM_SHARED((_NA, _D), jnp.float32),
            pltpu.SemaphoreType.DMA,
            pltpu.SemaphoreType.DMA,
        ],
    )
    def k(h_hbm, src_hbm, dst_hbm, out_hbm, is_v, id_v, r0_v, r1_v,
          agg_s, sem0, sem1):
        c = lax.axis_index("c")
        s = lax.axis_index("s")
        wid = c * _NS + s

        pltpu.sync_copy(src_hbm.at[pl.ds(wid * _EPTP, _EPTP)], is_v)
        pltpu.sync_copy(dst_hbm.at[wid], id_v)
        pltpu.async_copy(h_hbm.at[is_v.at[pl.ds(0, _C)]], r0_v, sem0)

        def zb_body(i, _):
            r1_v[i // 8, pl.ds((i % 8) * 16, 16)] = jnp.zeros((16,), jnp.float32)
            return 0

        lax.fori_loop(0, _ZR * (_D // 16), zb_body, 0)
        row0 = s * _RA
        zb = r1_v.at[pl.ds(0, _ZR)]

        @pl.when(s < _NS - 1)
        def _():
            for z in range(_RA // _ZR):
                pltpu.sync_copy(zb, agg_s.at[pl.ds(row0 + z * _ZR, _ZR)])

        @pl.when(s == _NS - 1)
        def _():
            for z in range(_RL // _ZR):
                pltpu.sync_copy(zb, agg_s.at[pl.ds(row0 + z * _ZR, _ZR)])

        plsc.subcore_barrier()

        def pair(g, _):
            j = 2 * g
            pltpu.async_copy(
                h_hbm.at[is_v.at[pl.ds((j + 1) * _C, _C)]], r1_v, sem1)
            pltpu.make_async_copy(
                h_hbm.at[is_v.at[pl.ds(j * _C, _C)]], r0_v, sem0).wait()
            pltpu.sync_copy(r0_v, agg_s.at[id_v.at[j]], add=True)
            pltpu.async_copy(
                h_hbm.at[is_v.at[pl.ds((j + 2) * _C, _C)]], r0_v, sem0)
            pltpu.make_async_copy(
                h_hbm.at[is_v.at[pl.ds((j + 1) * _C, _C)]], r1_v, sem1).wait()
            pltpu.sync_copy(r1_v, agg_s.at[id_v.at[j + 1]], add=True)
            return 0

        lax.fori_loop(0, (_NCHUNK - 1) // 2, pair, 0)
        pltpu.make_async_copy(
            h_hbm.at[is_v.at[pl.ds((_NCHUNK - 1) * _C, _C)]], r0_v, sem0).wait()
        pltpu.sync_copy(r0_v, agg_s.at[id_v.at[_NCHUNK - 1]], add=True)
        plsc.subcore_barrier()

        @pl.when(s < _NS - 1)
        def _():
            pltpu.sync_copy(
                agg_s.at[pl.ds(row0, _RA)],
                out_hbm.at[c, pl.ds(row0, _RA)],
            )

        @pl.when(s == _NS - 1)
        def _():
            pltpu.sync_copy(
                agg_s.at[pl.ds(row0, _RL)],
                out_hbm.at[c, pl.ds(row0, _RL)],
            )

    return k(hs, src, dst3)


def _tc_scale(x, ns):
    def body(x_ref, ns_ref, h0_ref):
        h0_ref[...] = x_ref[...] * ns_ref[...]

    return pl.pallas_call(
        body,
        grid=(_G,),
        in_specs=[
            pl.BlockSpec((_R, _D), lambda i: (i, 0)),
            pl.BlockSpec((_R, 1), lambda i: (i, 0)),
        ],
        out_specs=pl.BlockSpec((_R, _D), lambda i: (i, 0)),
        out_shape=jax.ShapeDtypeStruct((_N, _D), jnp.float32),
    )(x, ns)


def _tc_layer(parts, ns, nd, W, b):
    def body(p_ref, nd_ref, ns_ref, w_ref, b_ref, o_ref):
        agg = p_ref[0] + p_ref[1]
        h = agg * nd_ref[...]
        y = jnp.dot(h, w_ref[...], preferred_element_type=jnp.float32)
        y = jnp.maximum(y + b_ref[...], 0.0)
        o_ref[...] = y * ns_ref[...]

    return pl.pallas_call(
        body,
        grid=(_G,),
        in_specs=[
            pl.BlockSpec((_NC, _R, _D), lambda i: (0, i, 0)),
            pl.BlockSpec((_R, 1), lambda i: (i, 0)),
            pl.BlockSpec((_R, 1), lambda i: (i, 0)),
            pl.BlockSpec((_D, _D), lambda i: (0, 0)),
            pl.BlockSpec((1, _D), lambda i: (0, 0)),
        ],
        out_specs=pl.BlockSpec((_R, _D), lambda i: (i, 0)),
        out_shape=jax.ShapeDtypeStruct((_N, _D), jnp.float32),
    )(parts, nd, ns, W, b)


def _tc_final(parts, nd, W, b, Wl, bl):
    def body(p_ref, nd_ref, w_ref, b_ref, wl_ref, bl_ref, o_ref, acc_ref):
        i = pl.program_id(0)
        agg = p_ref[0] + p_ref[1]
        h = agg * nd_ref[...]
        y = jnp.dot(h, w_ref[...], preferred_element_type=jnp.float32)
        y = jnp.maximum(y + b_ref[...], 0.0)
        colsum = jnp.sum(y, axis=0, keepdims=True)

        @pl.when(i == 0)
        def _():
            acc_ref[...] = colsum

        @pl.when(i > 0)
        def _():
            acc_ref[...] += colsum

        @pl.when(i == _G - 1)
        def _():
            hg = acc_ref[...] * (1.0 / _N)
            o = jnp.dot(hg, wl_ref[...], preferred_element_type=jnp.float32)
            o_ref[...] = jnp.maximum(o + bl_ref[...], 0.0)

    return pl.pallas_call(
        body,
        grid=(_G,),
        in_specs=[
            pl.BlockSpec((_NC, _R, _D), lambda i: (0, i, 0)),
            pl.BlockSpec((_R, 1), lambda i: (i, 0)),
            pl.BlockSpec((_D, _D), lambda i: (0, 0)),
            pl.BlockSpec((1, _D), lambda i: (0, 0)),
            pl.BlockSpec((_D, _D), lambda i: (0, 0)),
            pl.BlockSpec((1, _D), lambda i: (0, 0)),
        ],
        out_specs=pl.BlockSpec((1, _D), lambda i: (0, 0)),
        out_shape=jax.ShapeDtypeStruct((1, _D), jnp.float32),
        scratch_shapes=[pltpu.VMEM((1, _D), jnp.float32)],
    )(parts, nd, W, b, Wl, bl)


def kernel(x, edge_index, W1, b1, W2, b2, W3, b3, Wl, bl):
    src = edge_index[0]
    dst = edge_index[1]
    pad = _EP - _E
    src_p = jnp.concatenate([src, jnp.zeros((pad,), jnp.int32)])
    dst_p = jnp.concatenate([dst, jnp.full((pad,), _N, jnp.int32)])
    dst3 = dst_p.reshape(_NW, _NCHUNK, _C)
    ns1, nd1 = _sc_norms(src, dst)
    ns = ns1[:_N].reshape(_N, 1)
    nd = nd1[:_N].reshape(_N, 1)
    h0s = _tc_scale(x, ns)
    p = _sc_spmm(h0s, src_p, dst3)
    h1s = _tc_layer(p, ns, nd, W1, b1.reshape(1, -1))
    p = _sc_spmm(h1s, src_p, dst3)
    h2s = _tc_layer(p, ns, nd, W2, b2.reshape(1, -1))
    p = _sc_spmm(h2s, src_p, dst3)
    return _tc_final(p, nd, W3, b3.reshape(1, -1), Wl, bl.reshape(1, -1))

# --- scband reference (transcript-rebuilt; emitter-appended) ---
"""Pipeline reference for scband-gcn-36541581754764 (READ-ONLY COPY).

The authoritative reference and input builder live on the scoring server;
editing this copy changes nothing except your own understanding.
"""

import jax, jax.numpy as jnp
import numpy as np

N = 10000
E = 320000
D_IN = 128
H1 = 128
H2 = 128
D_OUT = 128


def setup_inputs(seed: int = 0) -> dict:
    key = jax.random.key(seed)
    ks = jax.random.split(key, 12)
    x = jax.random.normal(ks[0], (N, D_IN), dtype=jnp.float32)
    edge_index = jax.random.randint(ks[1], (2, E), 0, N, dtype=jnp.int32)
    W1 = jax.random.normal(ks[2], (D_IN, H1), dtype=jnp.float32) * (1.0 / np.sqrt(D_IN))
    b1 = jnp.zeros((H1,), dtype=jnp.float32)
    W2 = jax.random.normal(ks[3], (H1, H2), dtype=jnp.float32) * (1.0 / np.sqrt(H1))
    b2 = jnp.zeros((H2,), dtype=jnp.float32)
    W3 = jax.random.normal(ks[4], (H2, H2), dtype=jnp.float32) * (1.0 / np.sqrt(H2))
    b3 = jnp.zeros((H2,), dtype=jnp.float32)
    Wl = jax.random.normal(ks[5], (H2, D_OUT), dtype=jnp.float32) * (1.0 / np.sqrt(H2))
    bl = jnp.zeros((D_OUT,), dtype=jnp.float32)
    return {"x": x, "edge_index": edge_index, "W1": W1, "b1": b1, "W2": W2, "b2": b2, "W3": W3, "b3": b3, "Wl": Wl, "bl": bl}


def _graph_conv(h, W, b, src, dst, norm_src, norm_dst, n_nodes):
    # DGL GraphConv with norm='both': D_out^{-1/2} gather -> scatter-add -> D_in^{-1/2} -> linear
    h = h * norm_src
    m = jnp.take(h, src, axis=0)
    agg = jax.ops.segment_sum(m, dst, num_segments=n_nodes)
    agg = agg * norm_dst
    return agg @ W + b


def reference(x, edge_index, W1, b1, W2, b2, W3, b3, Wl, bl):
    src = edge_index[0]
    dst = edge_index[1]
    n_nodes = x.shape[0]
    ones = jnp.ones(src.shape[0], dtype=jnp.float32)
    deg_out = jax.ops.segment_sum(ones, src, num_segments=n_nodes)
    deg_in = jax.ops.segment_sum(ones, dst, num_segments=n_nodes)
    norm_src = (1.0 / jnp.sqrt(jnp.maximum(deg_out, 1.0)))[:, None]
    norm_dst = (1.0 / jnp.sqrt(jnp.maximum(deg_in, 1.0)))[:, None]
    h = jax.nn.relu(_graph_conv(x, W1, b1, src, dst, norm_src, norm_dst, n_nodes))
    h = jax.nn.relu(_graph_conv(h, W2, b2, src, dst, norm_src, norm_dst, n_nodes))
    h = jax.nn.relu(_graph_conv(h, W3, b3, src, dst, norm_src, norm_dst, n_nodes))
    # dgl.mean_nodes over a single graph -> [1, H2]
    hg = jnp.mean(h, axis=0, keepdims=True)
    return jax.nn.relu(hg @ Wl + bl)

if __name__ == "__main__":
    import jax
    _d = setup_inputs()
    print(jax.jit(kernel)(*tuple(_d.values())))

</pallas_src>

<mosaic_0001>
#map = affine_map<(d0, d1) -> (0, 0)>
#map1 = affine_map<(d0, d1) -> (0)>
#map2 = affine_map<(d0, d1) -> (0, 0, 0)>
module attributes {stable_mosaic.version = 14 : i64} {
  func.func @k(%arg0: i32, %arg1: i32, %arg2: memref<10000x128xf32, #tpu.memory_space<hbm>>, %arg3: memref<321536xi32, #tpu.memory_space<hbm>>, %arg4: memref<32x157x64xi32, #tpu.memory_space<hbm>>, %arg5: memref<2x10000x128xf32, #tpu.memory_space<hbm>>, %arg6: memref<10048xi32, #tpu.memory_space<vmem>>, %arg7: memref<157x64xi32, #tpu.memory_space<vmem>>, %arg8: memref<64x128xf32, #tpu.memory_space<vmem>>, %arg9: memref<64x128xf32, #tpu.memory_space<vmem>>, %arg10: memref<10008x128xf32, #tpu.memory_space<vmem_shared>>, %arg11: memref<!tpu.dma_semaphore, #tpu.memory_space<semaphore_mem>>, %arg12: memref<!tpu.dma_semaphore, #tpu.memory_space<semaphore_mem>>) attributes {dimension_semantics = [#tpu.dimension_semantics<core_parallel>, #tpu.dimension_semantics<subcore_parallel>], iteration_bounds = array<i64: 2, 16>, scalar_prefetch = 0 : i64, scratch_operands = 7 : i64, tpu.core_type = #tpu.core_type<sc_vector_subcore>, window_params = [{transform_indices = #map}, {transform_indices = #map1}, {transform_indices = #map2}, {transform_indices = #map2}]} {
    %mul3A = arith.constant 16 : i32
    %mul3A_0 = arith.muli %arg0, %mul3A : i32
    %add3A = arith.addi %mul3A_0, %arg1 : i32
    %mul3A_1 = arith.constant 10048 : i32
    %mul3A_2 = arith.muli %add3A, %mul3A_1 : i32
    "tpu.region"() ({
      %run_scoped3A_43 = tpu.sem_alloc : memref<!tpu.dma_semaphore, #tpu.memory_space<semaphore_mem>>
      %dma_start3A_44 = tpu.memref_slice %arg3[%mul3A_2] : memref<321536xi32, #tpu.memory_space<hbm>> -> memref<10048xi32, #tpu.memory_space<hbm>>
      %dma_start3A_45 = tpu.memref_slice %arg3[%mul3A_2] : memref<321536xi32, #tpu.memory_space<hbm>> -> memref<10048xi32, #tpu.memory_space<hbm>>
      tpu.enqueue_dma source(%dma_start3A_45 : memref<10048xi32, #tpu.memory_space<hbm>>) target(%arg6 : memref<10048xi32, #tpu.memory_space<vmem>>) target_semaphore(%run_scoped3A_43 : memref<!tpu.dma_semaphore, #tpu.memory_space<semaphore_mem>>)
      %dma_wait3A_46 = tpu.memref_slice %arg3[%mul3A_2] : memref<321536xi32, #tpu.memory_space<hbm>> -> memref<10048xi32, #tpu.memory_space<hbm>>
      %dma_wait3A_47 = tpu.memref_slice %arg3[%mul3A_2] : memref<321536xi32, #tpu.memory_space<hbm>> -> memref<10048xi32, #tpu.memory_space<hbm>>
      tpu.wait_dma2 semaphore(%run_scoped3A_43 : memref<!tpu.dma_semaphore, #tpu.memory_space<semaphore_mem>>) src(%dma_wait3A_47 : memref<10048xi32, #tpu.memory_space<hbm>>) dst(%arg6 : memref<10048xi32, #tpu.memory_space<vmem>>)
      tpu.yield
    }) : () -> ()
    "tpu.region"() ({
      %run_scoped3A_43 = tpu.sem_alloc : memref<!tpu.dma_semaphore, #tpu.memory_space<semaphore_mem>>
      %dma_start3A_44 = arith.constant 0 : i32
      %dma_start3A_45 = arith.constant 0 : i32
      %dma_start3A_46 = tpu.memref_slice %arg4[%add3A, %dma_start3A_44, %dma_start3A_45] : memref<32x157x64xi32, #tpu.memory_space<hbm>> -> memref<1x157x64xi32, #tpu.memory_space<hbm>>
      %dma_start3A_47 = tpu.memref_squeeze %dma_start3A_46 : memref<1x157x64xi32, #tpu.memory_space<hbm>> -> memref<157x64xi32, #tpu.memory_space<hbm>>
      %dma_start3A_48 = arith.constant 0 : i32
      %dma_start3A_49 = arith.constant 0 : i32
      %dma_start3A_50 = tpu.memref_slice %arg4[%add3A, %dma_start3A_48, %dma_start3A_49] : memref<32x157x64xi32, #tpu.memory_space<hbm>> -> memref<1x157x64xi32, #tpu.memory_space<hbm>>
      %dma_start3A_51 = tpu.memref_squeeze %dma_start3A_50 : memref<1x157x64xi32, #tpu.memory_space<hbm>> -> memref<157x64xi32, #tpu.memory_space<hbm>>
      tpu.enqueue_dma source(%dma_start3A_51 : memref<157x64xi32, #tpu.memory_space<hbm>>) target(%arg7 : memref<157x64xi32, #tpu.memory_space<vmem>>) target_semaphore(%run_scoped3A_43 : memref<!tpu.dma_semaphore, #tpu.memory_space<semaphore_mem>>)
      %dma_wait3A_52 = arith.constant 0 : i32
      %dma_wait3A_53 = arith.constant 0 : i32
      %dma_wait3A_54 = tpu.memref_slice %arg4[%add3A, %dma_wait3A_52, %dma_wait3A_53] : memref<32x157x64xi32, #tpu.memory_space<hbm>> -> memref<1x157x64xi32, #tpu.memory_space<hbm>>
      %dma_wait3A_55 = tpu.memref_squeeze %dma_wait3A_54 : memref<1x157x64xi32, #tpu.memory_space<hbm>> -> memref<157x64xi32, #tpu.memory_space<hbm>>
      %dma_wait3A_56 = arith.constant 0 : i32
      %dma_wait3A_57 = arith.constant 0 : i32
      %dma_wait3A_58 = tpu.memref_slice %arg4[%add3A, %dma_wait3A_56, %dma_wait3A_57] : memref<32x157x64xi32, #tpu.memory_space<hbm>> -> memref<1x157x64xi32, #tpu.memory_space<hbm>>
      %dma_wait3A_59 = tpu.memref_squeeze %dma_wait3A_58 : memref<1x157x64xi32, #tpu.memory_space<hbm>> -> memref<157x64xi32, #tpu.memory_space<hbm>>
      tpu.wait_dma2 semaphore(%run_scoped3A_43 : memref<!tpu.dma_semaphore, #tpu.memory_space<semaphore_mem>>) src(%dma_wait3A_59 : memref<157x64xi32, #tpu.memory_space<hbm>>) dst(%arg7 : memref<157x64xi32, #tpu.memory_space<vmem>>)
      tpu.yield
    }) : () -> ()
    %dma_start3A = arith.constant 0 : i32
    %dma_start3A_3 = tpu.memref_slice %arg6[%dma_start3A] : memref<10048xi32, #tpu.memory_space<vmem>> -> memref<64xi32, #tpu.memory_space<vmem>>
    %dma_start3A_4 = arith.constant 0 : i32
    %dma_start3A_5 = arith.constant 0 : i32
    %dma_start3A_6 = tpu.memref_slice %arg2[%dma_start3A_4, %dma_start3A_5] : memref<10000x128xf32, #tpu.memory_space<hbm>> -> memref<10000x128xf32, #tpu.memory_space<hbm>>
    tpu.enqueue_indirect_dma source(%dma_start3A_6 : memref<10000x128xf32, #tpu.memory_space<hbm>>) target(%arg8 : memref<64x128xf32, #tpu.memory_space<vmem>>) offsets(%dma_start3A_3 : memref<64xi32, #tpu.memory_space<vmem>>) semaphore(%arg11 : memref<!tpu.dma_semaphore, #tpu.memory_space<semaphore_mem>>)
    %scan3A = arith.constant 0 : i32
    %scan3A_7 = arith.constant 0 : i32
    %scan3A_8 = arith.constant 320 : i32
    %scan3A_9 = arith.addi %scan3A_7, %scan3A_8 : i32
    %scan3A_10 = arith.constant 1 : i32
    %scan3A_11 = scf.for %scan3A_43 = %scan3A_7 to %scan3A_9 step %scan3A_10 iter_args(%scan3A_44 = %scan3A) -> (i32)  : i32 {
      %broadcast_in_dim3A = arith.constant 0.000000e+00 : f32
      %broadcast_in_dim3A_45 = vector.broadcast %broadcast_in_dim3A : f32 to vector<16xf32>
      %jit3A = arith.constant 8 : i32
      %div3A = arith.divsi %scan3A_43, %jit3A : i32
      %sign3A = arith.constant 0 : i32
      %sign3A_46 = arith.cmpi sgt, %scan3A_43, %sign3A : i32
      %sign3A_47 = arith.extui %sign3A_46 : i1 to i32
      %sign3A_48 = arith.constant 0 : i32
      %sign3A_49 = arith.cmpi slt, %scan3A_43, %sign3A_48 : i32
      %sign3A_50 = arith.extui %sign3A_49 : i1 to i32
      %sign3A_51 = arith.subi %sign3A_47, %sign3A_50 : i32
      %sign3A_52 = arith.constant 0 : i32
      %sign3A_53 = arith.cmpi sgt, %jit3A, %sign3A_52 : i32
      %sign3A_54 = arith.extui %sign3A_53 : i1 to i32
      %sign3A_55 = arith.constant 0 : i32
      %sign3A_56 = arith.cmpi slt, %jit3A, %sign3A_55 : i32
      %sign3A_57 = arith.extui %sign3A_56 : i1 to i32
      %sign3A_58 = arith.subi %sign3A_54, %sign3A_57 : i32
      %ne3A = arith.cmpi ne, %sign3A_51, %sign3A_58 : i32
      %rem3A = arith.remsi %scan3A_43, %jit3A : i32
      %ne3A_59 = arith.constant 0 : i32
      %ne3A_60 = arith.cmpi ne, %rem3A, %ne3A_59 : i32
      %and3A = arith.andi %ne3A, %ne3A_60 : i1
      %sub3A = arith.constant 1 : i32
      %sub3A_61 = arith.subi %div3A, %sub3A : i32
      %select_n3A = arith.select %and3A, %sub3A_61, %div3A : i32
      %jit3A_62 = arith.constant 8 : i32
      %eq3A_63 = arith.constant 0 : i32
      %eq3A_64 = arith.cmpi eq, %jit3A_62, %eq3A_63 : i32
      %jit3A_65 = arith.constant 1 : i32
      %select_n3A_66 = arith.select %eq3A_64, %jit3A_65, %jit3A_62 : i32
      %rem3A_67 = arith.remsi %scan3A_43, %select_n3A_66 : i32
      %ne3A_68 = arith.constant 0 : i32
      %ne3A_69 = arith.cmpi ne, %rem3A_67, %ne3A_68 : i32
      %lt3A_70 = arith.constant 0 : i32
      %lt3A_71 = arith.cmpi slt, %rem3A_67, %lt3A_70 : i32
      %lt3A_72 = arith.constant 0 : i32
      %lt3A_73 = arith.cmpi slt, %select_n3A_66, %lt3A_72 : i32
      %ne3A_74 = arith.xori %lt3A_71, %lt3A_73 : i1
      %and3A_75 = arith.andi %ne3A_74, %ne3A_69 : i1
      %add3A_76 = arith.addi %rem3A_67, %select_n3A_66 : i32
      %select_n3A_77 = arith.select %and3A_75, %add3A_76, %rem3A_67 : i32
      %mul3A_78 = arith.constant 16 : i32
      %mul3A_79 = arith.muli %select_n3A_77, %mul3A_78 : i32
      %swap3A = arith.index_cast %select_n3A : i32 to index
      %swap3A_80 = arith.index_cast %mul3A_79 : i32 to index
      %swap3A_81 = tpu.vector_load %arg9[%swap3A, %swap3A_80] {strides = array<i32>} : memref<64x128xf32, #tpu.memory_space<vmem>>, vector<16xf32>,
      tpu.vector_store %arg9[%swap3A, %swap3A_80], %broadcast_in_dim3A_45 {strides = array<i32>} : memref<64x128xf32, #tpu.memory_space<vmem>>, vector<16xf32>,
      %scan3A_82 = arith.constant 0 : i32
      scf.yield %scan3A_82 : i32
    }
    %scan3A_12 = arith.constant 320 : i32
    %mul3A_13 = arith.constant 640 : i32
    %mul3A_14 = arith.muli %arg1, %mul3A_13 : i32
    %lt3A = arith.constant 15 : i32
    %lt3A_15 = arith.cmpi slt, %arg1, %lt3A : i32
    %convert_element_type3A = arith.extui %lt3A_15 : i1 to i32
    %cond3A = arith.constant 0 : i32
    %cond3A_16 = arith.cmpi ne, %convert_element_type3A, %cond3A : i32
    scf.if %cond3A_16 {
      %add3A_43 = arith.constant 0 : i32
      %add3A_44 = arith.addi %mul3A_14, %add3A_43 : i32
      "tpu.region"() ({
        %run_scoped3A_75 = tpu.sem_alloc : memref<!tpu.dma_semaphore, #tpu.memory_space<semaphore_mem>>
        %dma_start3A_76 = arith.constant 0 : i32
        %dma_start3A_77 = arith.constant 0 : i32
        %dma_start3A_78 = tpu.memref_slice %arg9[%dma_start3A_76, %dma_start3A_77] : memref<64x128xf32, #tpu.memory_space<vmem>> -> memref<40x128xf32, #tpu.memory_space<vmem>>
        %dma_start3A_79 = arith.constant 0 : i32
        %dma_start3A_80 = tpu.memref_slice %arg10[%add3A_44, %dma_start3A_79] : memref<10008x128xf32, #tpu.memory_space<vmem_shared>> -> memref<40x128xf32, #tpu.memory_space<vmem_shared>>
        %dma_start3A_81 = arith.constant 0 : i32
        %dma_start3A_82 = tpu.memref_slice %arg10[%add3A_44, %dma_start3A_81] : memref<10008x128xf32, #tpu.memory_space<vmem_shared>> -> memref<40x128xf32, #tpu.memory_space<vmem_shared>>
        %dma_start3A_83 = arith.constant 0 : i32
        %dma_start3A_84 = arith.constant 0 : i32
        %dma_start3A_85 = tpu.memref_slice %arg9[%dma_start3A_83, %dma_start3A_84] : memref<64x128xf32, #tpu.memory_space<vmem>> -> memref<40x128xf32, #tpu.memory_space<vmem>>
        tpu.enqueue_dma source(%dma_start3A_85 : memref<40x128xf32, #tpu.memory_space<vmem>>) target(%dma_start3A_82 : memref<40x128xf32, #tpu.memory_space<vmem_shared>>) target_semaphore(%run_scoped3A_75 : memref<!tpu.dma_semaphore, #tpu.memory_space<semaphore_mem>>)
        %dma_wait3A_86 = arith.constant 0 : i32
        %dma_wait3A_87 = arith.constant 0 : i32
        %dma_wait3A_88 = tpu.memref_slice %arg9[%dma_wait3A_86, %dma_wait3A_87] : memref<64x128xf32, #tpu.memory_space<vmem>> -> memref<40x128xf32, #tpu.memory_space<vmem>>
        %dma_wait3A_89 = arith.constant 0 : i32
        %dma_wait3A_90 = tpu.memref_slice %arg10[%add3A_44, %dma_wait3A_89] : memref<10008x128xf32, #tpu.memory_space<vmem_shared>> -> memref<40x128xf32, #tpu.memory_space<vmem_shared>>
        %dma_wait3A_91 = arith.constant 0 : i32
        %dma_wait3A_92 = tpu.memref_slice %arg10[%add3A_44, %dma_wait3A_91] : memref<10008x128xf32, #tpu.memory_space<vmem_shared>> -> memref<40x128xf32, #tpu.memory_space<vmem_shared>>
        %dma_wait3A_93 = arith.constant 0 : i32
        %dma_wait3A_94 = arith.constant 0 : i32
        %dma_wait3A_95 = tpu.memref_slice %arg9[%dma_wait3A_93, %dma_wait3A_94] : memref<64x128xf32, #tpu.memory_space<vmem>> -> memref<40x128xf32, #tpu.memory_space<vmem>>
        tpu.wait_dma2 semaphore(%run_scoped3A_75 : memref<!tpu.dma_semaphore, #tpu.memory_space<semaphore_mem>>) src(%dma_wait3A_95 : memref<40x128xf32, #tpu.memory_space<vmem>>) dst(%dma_wait3A_92 : memref<40x128xf32, #tpu.memory_space<vmem_shared>>)
        tpu.yield
      }) : () -> ()
      %add3A_45 = arith.constant 40 : i32
      %add3A_46 = arith.addi %mul3A_14, %add3A_45 : i32
      "tpu.region"() ({
        %run_scoped3A_75 = tpu.sem_alloc : memref<!tpu.dma_semaphore, #tpu.memory_space<semaphore_mem>>
        %dma_start3A_76 = arith.constant 0 : i32
        %dma_start3A_77 = arith.constant 0 : i32
        %dma_start3A_78 = tpu.memref_slice %arg9[%dma_start3A_76, %dma_start3A_77] : memref<64x128xf32, #tpu.memory_space<vmem>> -> memref<40x128xf32, #tpu.memory_space<vmem>>
        %dma_start3A_79 = arith.constant 0 : i32
        %dma_start3A_80 = tpu.memref_slice %arg10[%add3A_46, %dma_start3A_79] : memref<10008x128xf32, #tpu.memory_space<vmem_shared>> -> memref<40x128xf32, #tpu.memory_space<vmem_shared>>
        %dma_start3A_81 = arith.constant 0 : i32
        %dma_start3A_82 = tpu.memref_slice %arg10[%add3A_46, %dma_start3A_81] : memref<10008x128xf32, #tpu.memory_space<vmem_shared>> -> memref<40x128xf32, #tpu.memory_space<vmem_shared>>
        %dma_start3A_83 = arith.constant 0 : i32
        %dma_start3A_84 = arith.constant 0 : i32
        %dma_start3A_85 = tpu.memref_slice %arg9[%dma_start3A_83, %dma_start3A_84] : memref<64x128xf32, #tpu.memory_space<vmem>> -> memref<40x128xf32, #tpu.memory_space<vmem>>
        tpu.enqueue_dma source(%dma_start3A_85 : memref<40x128xf32, #tpu.memory_space<vmem>>) target(%dma_start3A_82 : memref<40x128xf32, #tpu.memory_space<vmem_shared>>) target_semaphore(%run_scoped3A_75 : memref<!tpu.dma_semaphore, #tpu.memory_space<semaphore_mem>>)
        %dma_wait3A_86 = arith.constant 0 : i32
        %dma_wait3A_87 = arith.constant 0 : i32
        %dma_wait3A_88 = tpu.memref_slice %arg9[%dma_wait3A_86, %dma_wait3A_87] : memref<64x128xf32, #tpu.memory_space<vmem>> -> memref<40x128xf32, #tpu.memory_space<vmem>>
        %dma_wait3A_89 = arith.constant 0 : i32
        %dma_wait3A_90 = tpu.memref_slice %arg10[%add3A_46, %dma_wait3A_89] : memref<10008x128xf32, #tpu.memory_space<vmem_shared>> -> memref<40x128xf32, #tpu.memory_space<vmem_shared>>
        %dma_wait3A_91 = arith.constant 0 : i32
        %dma_wait3A_92 = tpu.memref_slice %arg10[%add3A_46, %dma_wait3A_91] : memref<10008x128xf32, #tpu.memory_space<vmem_shared>> -> memref<40x128xf32, #tpu.memory_space<vmem_shared>>
        %dma_wait3A_93 = arith.constant 0 : i32
        %dma_wait3A_94 = arith.constant 0 : i32
        %dma_wait3A_95 = tpu.memref_slice %arg9[%dma_wait3A_93, %dma_wait3A_94] : memref<64x128xf32, #tpu.memory_space<vmem>> -> memref<40x128xf32, #tpu.memory_space<vmem>>
        tpu.wait_dma2 semaphore(%run_scoped3A_75 : memref<!tpu.dma_semaphore, #tpu.memory_space<semaphore_mem>>) src(%dma_wait3A_95 : memref<40x128xf32, #tpu.memory_space<vmem>>) dst(%dma_wait3A_92 : memref<40x128xf32, #tpu.memory_space<vmem_shared>>)
        tpu.yield
      }) : () -> ()
      %add3A_47 = arith.constant 80 : i32
      %add3A_48 = arith.addi %mul3A_14, %add3A_47 : i32
      "tpu.region"() ({
        %run_scoped3A_75 = tpu.sem_alloc : memref<!tpu.dma_semaphore, #tpu.memory_space<semaphore_mem>>
        %dma_start3A_76 = arith.constant 0 : i32
        %dma_start3A_77 = arith.constant 0 : i32
        %dma_start3A_78 = tpu.memref_slice %arg9[%dma_start3A_76, %dma_start3A_77] : memref<64x128xf32, #tpu.memory_space<vmem>> -> memref<40x128xf32, #tpu.memory_space<vmem>>
        %dma_start3A_79 = arith.constant 0 : i32
        %dma_start3A_80 = tpu.memref_slice %arg10[%add3A_48, %dma_start3A_79] : memref<10008x128xf32, #tpu.memory_space<vmem_shared>> -> memref<40x128xf32, #tpu.memory_space<vmem_shared>>
        %dma_start3A_81 = arith.constant 0 : i32
        %dma_start3A_82 = tpu.memref_slice %arg10[%add3A_48, %dma_start3A_81] : memref<10008x128xf32, #tpu.memory_space<vmem_shared>> -> memref<40x128xf32, #tpu.memory_space<vmem_shared>>
        %dma_start3A_83 = arith.constant 0 : i32
        %dma_start3A_84 = arith.constant 0 : i32
        %dma_start3A_85 = tpu.memref_slice %arg9[%dma_start3A_83, %dma_start3A_84] : memref<64x128xf32, #tpu.memory_space<vmem>> -> memref<40x128xf32, #tpu.memory_space<vmem>>
        tpu.enqueue_dma source(%dma_start3A_85 : memref<40x128xf32, #tpu.memory_space<vmem>>) target(%dma_start3A_82 : memref<40x128xf32, #tpu.memory_space<vmem_shared>>) target_semaphore(%run_scoped3A_75 : memref<!tpu.dma_semaphore, #tpu.memory_space<semaphore_mem>>)
        %dma_wait3A_86 = arith.constant 0 : i32
        %dma_wait3A_87 = arith.constant 0 : i32
        %dma_wait3A_88 = tpu.memref_slice %arg9[%dma_wait3A_86, %dma_wait3A_87] : memref<64x128xf32, #tpu.memory_space<vmem>> -> memref<40x128xf32, #tpu.memory_space<vmem>>
        %dma_wait3A_89 = arith.constant 0 : i32
        %dma_wait3A_90 = tpu.memref_slice %arg10[%add3A_48, %dma_wait3A_89] : memref<10008x128xf32, #tpu.memory_space<vmem_shared>> -> memref<40x128xf32, #tpu.memory_space<vmem_shared>>
        %dma_wait3A_91 = arith.constant 0 : i32
        %dma_wait3A_92 = tpu.memref_slice %arg10[%add3A_48, %dma_wait3A_91] : memref<10008x128xf32, #tpu.memory_space<vmem_shared>> -> memref<40x128xf32, #tpu.memory_space<vmem_shared>>
        %dma_wait3A_93 = arith.constant 0 : i32
        %dma_wait3A_94 = arith.constant 0 : i32
        %dma_wait3A_95 = tpu.memref_slice %arg9[%dma_wait3A_93, %dma_wait3A_94] : memref<64x128xf32, #tpu.memory_space<vmem>> -> memref<40x128xf32, #tpu.memory_space<vmem>>
        tpu.wait_dma2 semaphore(%run_scoped3A_75 : memref<!tpu.dma_semaphore, #tpu.memory_space<semaphore_mem>>) src(%dma_wait3A_95 : memref<40x128xf32, #tpu.memory_space<vmem>>) dst(%dma_wait3A_92 : memref<40x128xf32, #tpu.memory_space<vmem_shared>>)
        tpu.yield
      }) : () -> ()
      %add3A_49 = arith.constant 120 : i32
      %add3A_50 = arith.addi %mul3A_14, %add3A_49 : i32
      "tpu.region"() ({
        %run_scoped3A_75 = tpu.sem_alloc : memref<!tpu.dma_semaphore, #tpu.memory_space<semaphore_mem>>
        %dma_start3A_76 = arith.constant 0 : i32
        %dma_start3A_77 = arith.constant 0 : i32
        %dma_start3A_78 = tpu.memref_slice %arg9[%dma_start3A_76, %dma_start3A_77] : memref<64x128xf32, #tpu.memory_space<vmem>> -> memref<40x128xf32, #tpu.memory_space<vmem>>
        %dma_start3A_79 = arith.constant 0 : i32
        %dma_start3A_80 = tpu.memref_slice %arg10[%add3A_50, %dma_start3A_79] : memref<10008x128xf32, #tpu.memory_space<vmem_shared>> -> memref<40x128xf32, #tpu.memory_space<vmem_shared>>
        %dma_start3A_81 = arith.constant 0 : i32
        %dma_start3A_82 = tpu.memref_slice %arg10[%add3A_50, %dma_start3A_81] : memref<10008x128xf32, #tpu.memory_space<vmem_shared>> -> memref<40x128xf32, #tpu.memory_space<vmem_shared>>
        %dma_start3A_83 = arith.constant 0 : i32
        %dma_start3A_84 = arith.constant 0 : i32
        %dma_start3A_85 = tpu.memref_slice %arg9[%dma_start3A_83, %dma_start3A_84] : memref<64x128xf32, #tpu.memory_space<vmem>> -> memref<40x128xf32, #tpu.memory_space<vmem>>
        tpu.enqueue_dma source(%dma_start3A_85 : memref<40x128xf32, #tpu.memory_space<vmem>>) target(%dma_start3A_82 : memref<40x128xf32, #tpu.memory_space<vmem_shared>>) target_semaphore(%run_scoped3A_75 : memref<!tpu.dma_semaphore, #tpu.memory_space<semaphore_mem>>)
        %dma_wait3A_86 = arith.constant 0 : i32
        %dma_wait3A_87 = arith.constant 0 : i32
        %dma_wait3A_88 = tpu.memref_slice %arg9[%dma_wait3A_86, %dma_wait3A_87] : memref<64x128xf32, #tpu.memory_space<vmem>> -> memref<40x128xf32, #tpu.memory_space<vmem>>
        %dma_wait3A_89 = arith.constant 0 : i32
        %dma_wait3A_90 = tpu.memref_slice %arg10[%add3A_50, %dma_wait3A_89] : memref<10008x128xf32, #tpu.memory_space<vmem_shared>> -> memref<40x128xf32, #tpu.memory_space<vmem_shared>>
        %dma_wait3A_91 = arith.constant 0 : i32
        %dma_wait3A_92 = tpu.memref_slice %arg10[%add3A_50, %dma_wait3A_91] : memref<10008x128xf32, #tpu.memory_space<vmem_shared>> -> memref<40x128xf32, #tpu.memory_space<vmem_shared>>
        %dma_wait3A_93 = arith.constant 0 : i32
        %dma_wait3A_94 = arith.constant 0 : i32
        %dma_wait3A_95 = tpu.memref_slice %arg9[%dma_wait3A_93, %dma_wait3A_94] : memref<64x128xf32, #tpu.memory_space<vmem>> -> memref<40x128xf32, #tpu.memory_space<vmem>>
        tpu.wait_dma2 semaphore(%run_scoped3A_75 : memref<!tpu.dma_semaphore, #tpu.memory_space<semaphore_mem>>) src(%dma_wait3A_95 : memref<40x128xf32, #tpu.memory_space<vmem>>) dst(%dma_wait3A_92 : memref<40x128xf32, #tpu.memory_space<vmem_shared>>)
        tpu.yield
      }) : () -> ()
      %add3A_51 = arith.constant 160 : i32
      %add3A_52 = arith.addi %mul3A_14, %add3A_51 : i32
      "tpu.region"() ({
        %run_scoped3A_75 = tpu.sem_alloc : memref<!tpu.dma_semaphore, #tpu.memory_space<semaphore_mem>>
        %dma_start3A_76 = arith.constant 0 : i32
        %dma_start3A_77 = arith.constant 0 : i32
        %dma_start3A_78 = tpu.memref_slice %arg9[%dma_start3A_76, %dma_start3A_77] : memref<64x128xf32, #tpu.memory_space<vmem>> -> memref<40x128xf32, #tpu.memory_space<vmem>>
        %dma_start3A_79 = arith.constant 0 : i32
        %dma_start3A_80 = tpu.memref_slice %arg10[%add3A_52, %dma_start3A_79] : memref<10008x128xf32, #tpu.memory_space<vmem_shared>> -> memref<40x128xf32, #tpu.memory_space<vmem_shared>>
        %dma_start3A_81 = arith.constant 0 : i32
        %dma_start3A_82 = tpu.memref_slice %arg10[%add3A_52, %dma_start3A_81] : memref<10008x128xf32, #tpu.memory_space<vmem_shared>> -> memref<40x128xf32, #tpu.memory_space<vmem_shared>>
        %dma_start3A_83 = arith.constant 0 : i32
        %dma_start3A_84 = arith.constant 0 : i32
        %dma_start3A_85 = tpu.memref_slice %arg9[%dma_start3A_83, %dma_start3A_84] : memref<64x128xf32, #tpu.memory_space<vmem>> -> memref<40x128xf32, #tpu.memory_space<vmem>>
        tpu.enqueue_dma source(%dma_start3A_85 : memref<40x128xf32, #tpu.memory_space<vmem>>) target(%dma_start3A_82 : memref<40x128xf32, #tpu.memory_space<vmem_shared>>) target_semaphore(%run_scoped3A_75 : memref<!tpu.dma_semaphore, #tpu.memory_space<semaphore_mem>>)
        %dma_wait3A_86 = arith.constant 0 : i32
        %dma_wait3A_87 = arith.constant 0 : i32
        %dma_wait3A_88 = tpu.memref_slice %arg9[%dma_wait3A_86, %dma_wait3A_87] : memref<64x128xf32, #tpu.memory_space<vmem>> -> memref<40x128xf32, #tpu.memory_space<vmem>>
        %dma_wait3A_89 = arith.constant 0 : i32
        %dma_wait3A_90 = tpu.memref_slice %arg10[%add3A_52, %dma_wait3A_89] : memref<10008x128xf32, #tpu.memory_space<vmem_shared>> -> memref<40x128xf32, #tpu.memory_space<vmem_shared>>
        %dma_wait3A_91 = arith.constant 0 : i32
        %dma_wait3A_92 = tpu.memref_slice %arg10[%add3A_52, %dma_wait3A_91] : memref<10008x128xf32, #tpu.memory_space<vmem_shared>> -> memref<40x128xf32, #tpu.memory_space<vmem_shared>>
        %dma_wait3A_93 = arith.constant 0 : i32
        %dma_wait3A_94 = arith.constant 0 : i32
        %dma_wait3A_95 = tpu.memref_slice %arg9[%dma_wait3A_93, %dma_wait3A_94] : memref<64x128xf32, #tpu.memory_space<vmem>> -> memref<40x128xf32, #tpu.memory_space<vmem>>
        tpu.wait_dma2 semaphore(%run_scoped3A_75 : memref<!tpu.dma_semaphore, #tpu.memory_space<semaphore_mem>>) src(%dma_wait3A_95 : memref<40x128xf32, #tpu.memory_space<vmem>>) dst(%dma_wait3A_92 : memref<40x128xf32, #tpu.memory_space<vmem_shared>>)
        tpu.yield
      }) : () -> ()
      %add3A_53 = arith.constant 200 : i32
      %add3A_54 = arith.addi %mul3A_14, %add3A_53 : i32
      "tpu.region"() ({
        %run_scoped3A_75 = tpu.sem_alloc : memref<!tpu.dma_semaphore, #tpu.memory_space<semaphore_mem>>
        %dma_start3A_76 = arith.constant 0 : i32
        %dma_start3A_77 = arith.constant 0 : i32
        %dma_start3A_78 = tpu.memref_slice %arg9[%dma_start3A_76, %dma_start3A_77] : memref<64x128xf32, #tpu.memory_space<vmem>> -> memref<40x128xf32, #tpu.memory_space<vmem>>
        %dma_start3A_79 = arith.constant 0 : i32
        %dma_start3A_80 = tpu.memref_slice %arg10[%add3A_54, %dma_start3A_79] : memref<10008x128xf32, #tpu.memory_space<vmem_shared>> -> memref<40x128xf32, #tpu.memory_space<vmem_shared>>
        %dma_start3A_81 = arith.constant 0 : i32
        %dma_start3A_82 = tpu.memref_slice %arg10[%add3A_54, %dma_start3A_81] : memref<10008x128xf32, #tpu.memory_space<vmem_shared>> -> memref<40x128xf32, #tpu.memory_space<vmem_shared>>
        %dma_start3A_83 = arith.constant 0 : i32
        %dma_start3A_84 = arith.constant 0 : i32
        %dma_start3A_85 = tpu.memref_slice %arg9[%dma_start3A_83, %dma_start3A_84] : memref<64x128xf32, #tpu.memory_space<vmem>> -> memref<40x128xf32, #tpu.memory_space<vmem>>
        tpu.enqueue_dma source(%dma_start3A_85 : memref<40x128xf32, #tpu.memory_space<vmem>>) target(%dma_start3A_82 : memref<40x128xf32, #tpu.memory_space<vmem_shared>>) target_semaphore(%run_scoped3A_75 : memref<!tpu.dma_semaphore, #tpu.memory_space<semaphore_mem>>)
        %dma_wait3A_86 = arith.constant 0 : i32
        %dma_wait3A_87 = arith.constant 0 : i32
        %dma_wait3A_88 = tpu.memref_slice %arg9[%dma_wait3A_86, %dma_wait3A_87] : memref<64x128xf32, #tpu.memory_space<vmem>> -> memref<40x128xf32, #tpu.memory_space<vmem>>
        %dma_wait3A_89 = arith.constant 0 : i32
        %dma_wait3A_90 = tpu.memref_slice %arg10[%add3A_54, %dma_wait3A_89] : memref<10008x128xf32, #tpu.memory_space<vmem_shared>> -> memref<40x128xf32, #tpu.memory_space<vmem_shared>>
        %dma_wait3A_91 = arith.constant 0 : i32
        %dma_wait3A_92 = tpu.memref_slice %arg10[%add3A_54, %dma_wait3A_91] : memref<10008x128xf32, #tpu.memory_space<vmem_shared>> -> memref<40x128xf32, #tpu.memory_space<vmem_shared>>
        %dma_wait3A_93 = arith.constant 0 : i32
        %dma_wait3A_94 = arith.constant 0 : i32
        %dma_wait3A_95 = tpu.memref_slice %arg9[%dma_wait3A_93, %dma_wait3A_94] : memref<64x128xf32, #tpu.memory_space<vmem>> -> memref<40x128xf32, #tpu.memory_space<vmem>>
        tpu.wait_dma2 semaphore(%run_scoped3A_75 : memref<!tpu.dma_semaphore, #tpu.memory_space<semaphore_mem>>) src(%dma_wait3A_95 : memref<40x128xf32, #tpu.memory_space<vmem>>) dst(%dma_wait3A_92 : memref<40x128xf32, #tpu.memory_space<vmem_shared>>)
        tpu.yield
      }) : () -> ()
      %add3A_55 = arith.constant 240 : i32
      %add3A_56 = arith.addi %mul3A_14, %add3A_55 : i32
      "tpu.region"() ({
        %run_scoped3A_75 = tpu.sem_alloc : memref<!tpu.dma_semaphore, #tpu.memory_space<semaphore_mem>>
        %dma_start3A_76 = arith.constant 0 : i32
        %dma_start3A_77 = arith.constant 0 : i32
        %dma_start3A_78 = tpu.memref_slice %arg9[%dma_start3A_76, %dma_start3A_77] : memref<64x128xf32, #tpu.memory_space<vmem>> -> memref<40x128xf32, #tpu.memory_space<vmem>>
        %dma_start3A_79 = arith.constant 0 : i32
        %dma_start3A_80 = tpu.memref_slice %arg10[%add3A_56, %dma_start3A_79] : memref<10008x128xf32, #tpu.memory_space<vmem_shared>> -> memref<40x128xf32, #tpu.memory_space<vmem_shared>>
        %dma_start3A_81 = arith.constant 0 : i32
        %dma_start3A_82 = tpu.memref_slice %arg10[%add3A_56, %dma_start3A_81] : memref<10008x128xf32, #tpu.memory_space<vmem_shared>> -> memref<40x128xf32, #tpu.memory_space<vmem_shared>>
        %dma_start3A_83 = arith.constant 0 : i32
        %dma_start3A_84 = arith.constant 0 : i32
        %dma_start3A_85 = tpu.memref_slice %arg9[%dma_start3A_83, %dma_start3A_84] : memref<64x128xf32, #tpu.memory_space<vmem>> -> memref<40x128xf32, #tpu.memory_space<vmem>>
        tpu.enqueue_dma source(%dma_start3A_85 : memref<40x128xf32, #tpu.memory_space<vmem>>) target(%dma_start3A_82 : memref<40x128xf32, #tpu.memory_space<vmem_shared>>) target_semaphore(%run_scoped3A_75 : memref<!tpu.dma_semaphore, #tpu.memory_space<semaphore_mem>>)
        %dma_wait3A_86 = arith.constant 0 : i32
        %dma_wait3A_87 = arith.constant 0 : i32
        %dma_wait3A_88 = tpu.memref_slice %arg9[%dma_wait3A_86, %dma_wait3A_87] : memref<64x128xf32, #tpu.memory_space<vmem>> -> memref<40x128xf32, #tpu.memory_space<vmem>>
        %dma_wait3A_89 = arith.constant 0 : i32
        %dma_wait3A_90 = tpu.memref_slice %arg10[%add3A_56, %dma_wait3A_89] : memref<10008x128xf32, #tpu.memory_space<vmem_shared>> -> memref<40x128xf32, #tpu.memory_space<vmem_shared>>
        %dma_wait3A_91 = arith.constant 0 : i32
        %dma_wait3A_92 = tpu.memref_slice %arg10[%add3A_56, %dma_wait3A_91] : memref<10008x128xf32, #tpu.memory_space<vmem_shared>> -> memref<40x128xf32, #tpu.memory_space<vmem_shared>>
        %dma_wait3A_93 = arith.constant 0 : i32
        %dma_wait3A_94 = arith.constant 0 : i32
        %dma_wait3A_95 = tpu.memref_slice %arg9[%dma_wait3A_93, %dma_wait3A_94] : memref<64x128xf32, #tpu.memory_space<vmem>> -> memref<40x128xf32, #tpu.memory_space<vmem>>
        tpu.wait_dma2 semaphore(%run_scoped3A_75 : memref<!tpu.dma_semaphore, #tpu.memory_space<semaphore_mem>>) src(%dma_wait3A_95 : memref<40x128xf32, #tpu.memory_space<vmem>>) dst(%dma_wait3A_92 : memref<40x128xf32, #tpu.memory_space<vmem_shared>>)
        tpu.yield
      }) : () -> ()
      %add3A_57 = arith.constant 280 : i32
      %add3A_58 = arith.addi %mul3A_14, %add3A_57 : i32
      "tpu.region"() ({
        %run_scoped3A_75 = tpu.sem_alloc : memref<!tpu.dma_semaphore, #tpu.memory_space<semaphore_mem>>
        %dma_start3A_76 = arith.constant 0 : i32
        %dma_start3A_77 = arith.constant 0 : i32
        %dma_start3A_78 = tpu.memref_slice %arg9[%dma_start3A_76, %dma_start3A_77] : memref<64x128xf32, #tpu.memory_space<vmem>> -> memref<40x128xf32, #tpu.memory_space<vmem>>
        %dma_start3A_79 = arith.constant 0 : i32
        %dma_start3A_80 = tpu.memref_slice %arg10[%add3A_58, %dma_start3A_79] : memref<10008x128xf32, #tpu.memory_space<vmem_shared>> -> memref<40x128xf32, #tpu.memory_space<vmem_shared>>
        %dma_start3A_81 = arith.constant 0 : i32
        %dma_start3A_82 = tpu.memref_slice %arg10[%add3A_58, %dma_start3A_81] : memref<10008x128xf32, #tpu.memory_space<vmem_shared>> -> memref<40x128xf32, #tpu.memory_space<vmem_shared>>
        %dma_start3A_83 = arith.constant 0 : i32
        %dma_start3A_84 = arith.constant 0 : i32
        %dma_start3A_85 = tpu.memref_slice %arg9[%dma_start3A_83, %dma_start3A_84] : memref<64x128xf32, #tpu.memory_space<vmem>> -> memref<40x128xf32, #tpu.memory_space<vmem>>
        tpu.enqueue_dma source(%dma_start3A_85 : memref<40x128xf32, #tpu.memory_space<vmem>>) target(%dma_start3A_82 : memref<40x128xf32, #tpu.memory_space<vmem_shared>>) target_semaphore(%run_scoped3A_75 : memref<!tpu.dma_semaphore, #tpu.memory_space<semaphore_mem>>)
        %dma_wait3A_86 = arith.constant 0 : i32
        %dma_wait3A_87 = arith.constant 0 : i32
        %dma_wait3A_88 = tpu.memref_slice %arg9[%dma_wait3A_86, %dma_wait3A_87] : memref<64x128xf32, #tpu.memory_space<vmem>> -> memref<40x128xf32, #tpu.memory_space<vmem>>
        %dma_wait3A_89 = arith.constant 0 : i32
        %dma_wait3A_90 = tpu.memref_slice %arg10[%add3A_58, %dma_wait3A_89] : memref<10008x128xf32, #tpu.memory_space<vmem_shared>> -> memref<40x128xf32, #tpu.memory_space<vmem_shared>>
        %dma_wait3A_91 = arith.constant 0 : i32
        %dma_wait3A_92 = tpu.memref_slice %arg10[%add3A_58, %dma_wait3A_91] : memref<10008x128xf32, #tpu.memory_space<vmem_shared>> -> memref<40x128xf32, #tpu.memory_space<vmem_shared>>
        %dma_wait3A_93 = arith.constant 0 : i32
        %dma_wait3A_94 = arith.constant 0 : i32
        %dma_wait3A_95 = tpu.memref_slice %arg9[%dma_wait3A_93, %dma_wait3A_94] : memref<64x128xf32, #tpu.memory_space<vmem>> -> memref<40x128xf32, #tpu.memory_space<vmem>>
        tpu.wait_dma2 semaphore(%run_scoped3A_75 : memref<!tpu.dma_semaphore, #tpu.memory_space<semaphore_mem>>) src(%dma_wait3A_95 : memref<40x128xf32, #tpu.memory_space<vmem>>) dst(%dma_wait3A_92 : memref<40x128xf32, #tpu.memory_space<vmem_shared>>)
        tpu.yield
      }) : () -> ()
      %add3A_59 = arith.constant 320 : i32
      %add3A_60 = arith.addi %mul3A_14, %add3A_59 : i32
      "tpu.region"() ({
        %run_scoped3A_75 = tpu.sem_alloc : memref<!tpu.dma_semaphore, #tpu.memory_space<semaphore_mem>>
        %dma_start3A_76 = arith.constant 0 : i32
        %dma_start3A_77 = arith.constant 0 : i32
        %dma_start3A_78 = tpu.memref_slice %arg9[%dma_start3A_76, %dma_start3A_77] : memref<64x128xf32, #tpu.memory_space<vmem>> -> memref<40x128xf32, #tpu.memory_space<vmem>>
        %dma_start3A_79 = arith.constant 0 : i32
        %dma_start3A_80 = tpu.memref_slice %arg10[%add3A_60, %dma_start3A_79] : memref<10008x128xf32, #tpu.memory_space<vmem_shared>> -> memref<40x128xf32, #tpu.memory_space<vmem_shared>>
        %dma_start3A_81 = arith.constant 0 : i32
        %dma_start3A_82 = tpu.memref_slice %arg10[%add3A_60, %dma_start3A_81] : memref<10008x128xf32, #tpu.memory_space<vmem_shared>> -> memref<40x128xf32, #tpu.memory_space<vmem_shared>>
        %dma_start3A_83 = arith.constant 0 : i32
        %dma_start3A_84 = arith.constant 0 : i32
        %dma_start3A_85 = tpu.memref_slice %arg9[%dma_start3A_83, %dma_start3A_84] : memref<64x128xf32, #tpu.memory_space<vmem>> -> memref<40x128xf32, #tpu.memory_space<vmem>>
        tpu.enqueue_dma source(%dma_start3A_85 : memref<40x128xf32, #tpu.memory_space<vmem>>) target(%dma_start3A_82 : memref<40x128xf32, #tpu.memory_space<vmem_shared>>) target_semaphore(%run_scoped3A_75 : memref<!tpu.dma_semaphore, #tpu.memory_space<semaphore_mem>>)
        %dma_wait3A_86 = arith.constant 0 : i32
        %dma_wait3A_87 = arith.constant 0 : i32
        %dma_wait3A_88 = tpu.memref_slice %arg9[%dma_wait3A_86, %dma_wait3A_87] : memref<64x128xf32, #tpu.memory_space<vmem>> -> memref<40x128xf32, #tpu.memory_space<vmem>>
        %dma_wait3A_89 = arith.constant 0 : i32
        %dma_wait3A_90 = tpu.memref_slice %arg10[%add3A_60, %dma_wait3A_89] : memref<10008x128xf32, #tpu.memory_space<vmem_shared>> -> memref<40x128xf32, #tpu.memory_space<vmem_shared>>
        %dma_wait3A_91 = arith.constant 0 : i32
        %dma_wait3A_92 = tpu.memref_slice %arg10[%add3A_60, %dma_wait3A_91] : memref<10008x128xf32, #tpu.memory_space<vmem_shared>> -> memref<40x128xf32, #tpu.memory_space<vmem_shared>>
        %dma_wait3A_93 = arith.constant 0 : i32
        %dma_wait3A_94 = arith.constant 0 : i32
        %dma_wait3A_95 = tpu.memref_slice %arg9[%dma_wait3A_93, %dma_wait3A_94] : memref<64x128xf32, #tpu.memory_space<vmem>> -> memref<40x128xf32, #tpu.memory_space<vmem>>
        tpu.wait_dma2 semaphore(%run_scoped3A_75 : memref<!tpu.dma_semaphore, #tpu.memory_space<semaphore_mem>>) src(%dma_wait3A_95 : memref<40x128xf32, #tpu.memory_space<vmem>>) dst(%dma_wait3A_92 : memref<40x128xf32, #tpu.memory_space<vmem_shared>>)
        tpu.yield
      }) : () -> ()
      %add3A_61 = arith.constant 360 : i32
      %add3A_62 = arith.addi %mul3A_14, %add3A_61 : i32
      "tpu.region"() ({
        %run_scoped3A_75 = tpu.sem_alloc : memref<!tpu.dma_semaphore, #tpu.memory_space<semaphore_mem>>
        %dma_start3A_76 = arith.constant 0 : i32
        %dma_start3A_77 = arith.constant 0 : i32
        %dma_start3A_78 = tpu.memref_slice %arg9[%dma_start3A_76, %dma_start3A_77] : memref<64x128xf32, #tpu.memory_space<vmem>> -> memref<40x128xf32, #tpu.memory_space<vmem>>
        %dma_start3A_79 = arith.constant 0 : i32
        %dma_start3A_80 = tpu.memref_slice %arg10[%add3A_62, %dma_start3A_79] : memref<10008x128xf32, #tpu.memory_space<vmem_shared>> -> memref<40x128xf32, #tpu.memory_space<vmem_shared>>
        %dma_start3A_81 = arith.constant 0 : i32
        %dma_start3A_82 = tpu.memref_slice %arg10[%add3A_62, %dma_start3A_81] : memref<10008x128xf32, #tpu.memory_space<vmem_shared>> -> memref<40x128xf32, #tpu.memory_space<vmem_shared>>
        %dma_start3A_83 = arith.constant 0 : i32
        %dma_start3A_84 = arith.constant 0 : i32
        %dma_start3A_85 = tpu.memref_slice %arg9[%dma_start3A_83, %dma_start3A_84] : memref<64x128xf32, #tpu.memory_space<vmem>> -> memref<40x128xf32, #tpu.memory_space<vmem>>
        tpu.enqueue_dma source(%dma_start3A_85 : memref<40x128xf32, #tpu.memory_space<vmem>>) target(%dma_start3A_82 : memref<40x128xf32, #tpu.memory_space<vmem_shared>>) target_semaphore(%run_scoped3A_75 : memref<!tpu.dma_semaphore, #tpu.memory_space<semaphore_mem>>)
        %dma_wait3A_86 = arith.constant 0 : i32
        %dma_wait3A_87 = arith.constant 0 : i32
        %dma_wait3A_88 = tpu.memref_slice %arg9[%dma_wait3A_86, %dma_wait3A_87] : memref<64x128xf32, #tpu.memory_space<vmem>> -> memref<40x128xf32, #tpu.memory_space<vmem>>
        %dma_wait3A_89 = arith.constant 0 : i32
        %dma_wait3A_90 = tpu.memref_slice %arg10[%add3A_62, %dma_wait3A_89] : memref<10008x128xf32, #tpu.memory_space<vmem_shared>> -> memref<40x128xf32, #tpu.memory_space<vmem_shared>>
        %dma_wait3A_91 = arith.constant 0 : i32
        %dma_wait3A_92 = tpu.memref_slice %arg10[%add3A_62, %dma_wait3A_91] : memref<10008x128xf32, #tpu.memory_space<vmem_shared>> -> memref<40x128xf32, #tpu.memory_space<vmem_shared>>
        %dma_wait3A_93 = arith.constant 0 : i32
        %dma_wait3A_94 = arith.constant 0 : i32
        %dma_wait3A_95 = tpu.memref_slice %arg9[%dma_wait3A_93, %dma_wait3A_94] : memref<64x128xf32, #tpu.memory_space<vmem>> -> memref<40x128xf32, #tpu.memory_space<vmem>>
        tpu.wait_dma2 semaphore(%run_scoped3A_75 : memref<!tpu.dma_semaphore, #tpu.memory_space<semaphore_mem>>) src(%dma_wait3A_95 : memref<40x128xf32, #tpu.memory_space<vmem>>) dst(%dma_wait3A_92 : memref<40x128xf32, #tpu.memory_space<vmem_shared>>)
        tpu.yield
      }) : () -> ()
      %add3A_63 = arith.constant 400 : i32
      %add3A_64 = arith.addi %mul3A_14, %add3A_63 : i32
      "tpu.region"() ({
        %run_scoped3A_75 = tpu.sem_alloc : memref<!tpu.dma_semaphore, #tpu.memory_space<semaphore_mem>>
        %dma_start3A_76 = arith.constant 0 : i32
        %dma_start3A_77 = arith.constant 0 : i32
        %dma_start3A_78 = tpu.memref_slice %arg9[%dma_start3A_76, %dma_start3A_77] : memref<64x128xf32, #tpu.memory_space<vmem>> -> memref<40x128xf32, #tpu.memory_space<vmem>>
        %dma_start3A_79 = arith.constant 0 : i32
        %dma_start3A_80 = tpu.memref_slice %arg10[%add3A_64, %dma_start3A_79] : memref<10008x128xf32, #tpu.memory_space<vmem_shared>> -> memref<40x128xf32, #tpu.memory_space<vmem_shared>>
        %dma_start3A_81 = arith.constant 0 : i32
        %dma_start3A_82 = tpu.memref_slice %arg10[%add3A_64, %dma_start3A_81] : memref<10008x128xf32, #tpu.memory_space<vmem_shared>> -> memref<40x128xf32, #tpu.memory_space<vmem_shared>>
        %dma_start3A_83 = arith.constant 0 : i32
        %dma_start3A_84 = arith.constant 0 : i32
        %dma_start3A_85 = tpu.memref_slice %arg9[%dma_start3A_83, %dma_start3A_84] : memref<64x128xf32, #tpu.memory_space<vmem>> -> memref<40x128xf32, #tpu.memory_space<vmem>>
        tpu.enqueue_dma source(%dma_start3A_85 : memref<40x128xf32, #tpu.memory_space<vmem>>) target(%dma_start3A_82 : memref<40x128xf32, #tpu.memory_space<vmem_shared>>) target_semaphore(%run_scoped3A_75 : memref<!tpu.dma_semaphore, #tpu.memory_space<semaphore_mem>>)
        %dma_wait3A_86 = arith.constant 0 : i32
        %dma_wait3A_87 = arith.constant 0 : i32
        %dma_wait3A_88 = tpu.memref_slice %arg9[%dma_wait3A_86, %dma_wait3A_87] : memref<64x128xf32, #tpu.memory_space<vmem>> -> memref<40x128xf32, #tpu.memory_space<vmem>>
        %dma_wait3A_89 = arith.constant 0 : i32
        %dma_wait3A_90 = tpu.memref_slice %arg10[%add3A_64, %dma_wait3A_89] : memref<10008x128xf32, #tpu.memory_space<vmem_shared>> -> memref<40x128xf32, #tpu.memory_space<vmem_shared>>
        %dma_wait3A_91 = arith.constant 0 : i32
        %dma_wait3A_92 = tpu.memref_slice %arg10[%add3A_64, %dma_wait3A_91] : memref<10008x128xf32, #tpu.memory_space<vmem_shared>> -> memref<40x128xf32, #tpu.memory_space<vmem_shared>>
        %dma_wait3A_93 = arith.constant 0 : i32
        %dma_wait3A_94 = arith.constant 0 : i32
        %dma_wait3A_95 = tpu.memref_slice %arg9[%dma_wait3A_93, %dma_wait3A_94] : memref<64x128xf32, #tpu.memory_space<vmem>> -> memref<40x128xf32, #tpu.memory_space<vmem>>
        tpu.wait_dma2 semaphore(%run_scoped3A_75 : memref<!tpu.dma_semaphore, #tpu.memory_space<semaphore_mem>>) src(%dma_wait3A_95 : memref<40x128xf32, #tpu.memory_space<vmem>>) dst(%dma_wait3A_92 : memref<40x128xf32, #tpu.memory_space<vmem_shared>>)
        tpu.yield
      }) : () -> ()
      %add3A_65 = arith.constant 440 : i32
      %add3A_66 = arith.addi %mul3A_14, %add3A_65 : i32
      "tpu.region"() ({
        %run_scoped3A_75 = tpu.sem_alloc : memref<!tpu.dma_semaphore, #tpu.memory_space<semaphore_mem>>
        %dma_start3A_76 = arith.constant 0 : i32
        %dma_start3A_77 = arith.constant 0 : i32
        %dma_start3A_78 = tpu.memref_slice %arg9[%dma_start3A_76, %dma_start3A_77] : memref<64x128xf32, #tpu.memory_space<vmem>> -> memref<40x128xf32, #tpu.memory_space<vmem>>
        %dma_start3A_79 = arith.constant 0 : i32
        %dma_start3A_80 = tpu.memref_slice %arg10[%add3A_66, %dma_start3A_79] : memref<10008x128xf32, #tpu.memory_space<vmem_shared>> -> memref<40x128xf32, #tpu.memory_space<vmem_shared>>
        %dma_start3A_81 = arith.constant 0 : i32
        %dma_start3A_82 = tpu.memref_slice %arg10[%add3A_66, %dma_start3A_81] : memref<10008x128xf32, #tpu.memory_space<vmem_shared>> -> memref<40x128xf32, #tpu.memory_space<vmem_shared>>
        %dma_start3A_83 = arith.constant 0 : i32
        %dma_start3A_84 = arith.constant 0 : i32
        %dma_start3A_85 = tpu.memref_slice %arg9[%dma_start3A_83, %dma_start3A_84] : memref<64x128xf32, #tpu.memory_space<vmem>> -> memref<40x128xf32, #tpu.memory_space<vmem>>
        tpu.enqueue_dma source(%dma_start3A_85 : memref<40x128xf32, #tpu.memory_space<vmem>>) target(%dma_start3A_82 : memref<40x128xf32, #tpu.memory_space<vmem_shared>>) target_semaphore(%run_scoped3A_75 : memref<!tpu.dma_semaphore, #tpu.memory_space<semaphore_mem>>)
        %dma_wait3A_86 = arith.constant 0 : i32
        %dma_wait3A_87 = arith.constant 0 : i32
        %dma_wait3A_88 = tpu.memref_slice %arg9[%dma_wait3A_86, %dma_wait3A_87] : memref<64x128xf32, #tpu.memory_space<vmem>> -> memref<40x128xf32, #tpu.memory_space<vmem>>
        %dma_wait3A_89 = arith.constant 0 : i32
        %dma_wait3A_90 = tpu.memref_slice %arg10[%add3A_66, %dma_wait3A_89] : memref<10008x128xf32, #tpu.memory_space<vmem_shared>> -> memref<40x128xf32, #tpu.memory_space<vmem_shared>>
        %dma_wait3A_91 = arith.constant 0 : i32
        %dma_wait3A_92 = tpu.memref_slice %arg10[%add3A_66, %dma_wait3A_91] : memref<10008x128xf32, #tpu.memory_space<vmem_shared>> -> memref<40x128xf32, #tpu.memory_space<vmem_shared>>
        %dma_wait3A_93 = arith.constant 0 : i32
        %dma_wait3A_94 = arith.constant 0 : i32
        %dma_wait3A_95 = tpu.memref_slice %arg9[%dma_wait3A_93, %dma_wait3A_94] : memref<64x128xf32, #tpu.memory_space<vmem>> -> memref<40x128xf32, #tpu.memory_space<vmem>>
        tpu.wait_dma2 semaphore(%run_scoped3A_75 : memref<!tpu.dma_semaphore, #tpu.memory_space<semaphore_mem>>) src(%dma_wait3A_95 : memref<40x128xf32, #tpu.memory_space<vmem>>) dst(%dma_wait3A_92 : memref<40x128xf32, #tpu.memory_space<vmem_shared>>)
        tpu.yield
      }) : () -> ()
      %add3A_67 = arith.constant 480 : i32
      %add3A_68 = arith.addi %mul3A_14, %add3A_67 : i32
      "tpu.region"() ({
        %run_scoped3A_75 = tpu.sem_alloc : memref<!tpu.dma_semaphore, #tpu.memory_space<semaphore_mem>>
        %dma_start3A_76 = arith.constant 0 : i32
        %dma_start3A_77 = arith.constant 0 : i32
        %dma_start3A_78 = tpu.memref_slice %arg9[%dma_start3A_76, %dma_start3A_77] : memref<64x128xf32, #tpu.memory_space<vmem>> -> memref<40x128xf32, #tpu.memory_space<vmem>>
        %dma_start3A_79 = arith.constant 0 : i32
        %dma_start3A_80 = tpu.memref_slice %arg10[%add3A_68, %dma_start3A_79] : memref<10008x128xf32, #tpu.memory_space<vmem_shared>> -> memref<40x128xf32, #tpu.memory_space<vmem_shared>>
        %dma_start3A_81 = arith.constant 0 : i32
        %dma_start3A_82 = tpu.memref_slice %arg10[%add3A_68, %dma_start3A_81] : memref<10008x128xf32, #tpu.memory_space<vmem_shared>> -> memref<40x128xf32, #tpu.memory_space<vmem_shared>>
        %dma_start3A_83 = arith.constant 0 : i32
        %dma_start3A_84 = arith.constant 0 : i32
        %dma_start3A_85 = tpu.memref_slice %arg9[%dma_start3A_83, %dma_start3A_84] : memref<64x128xf32, #tpu.memory_space<vmem>> -> memref<40x128xf32, #tpu.memory_space<vmem>>
        tpu.enqueue_dma source(%dma_start3A_85 : memref<40x128xf32, #tpu.memory_space<vmem>>) target(%dma_start3A_82 : memref<40x128xf32, #tpu.memory_space<vmem_shared>>) target_semaphore(%run_scoped3A_75 : memref<!tpu.dma_semaphore, #tpu.memory_space<semaphore_mem>>)
        %dma_wait3A_86 = arith.constant 0 : i32
        %dma_wait3A_87 = arith.constant 0 : i32
        %dma_wait3A_88 = tpu.memref_slice %arg9[%dma_wait3A_86, %dma_wait3A_87] : memref<64x128xf32, #tpu.memory_space<vmem>> -> memref<40x128xf32, #tpu.memory_space<vmem>>
        %dma_wait3A_89 = arith.constant 0 : i32
        %dma_wait3A_90 = tpu.memref_slice %arg10[%add3A_68, %dma_wait3A_89] : memref<10008x128xf32, #tpu.memory_space<vmem_shared>> -> memref<40x128xf32, #tpu.memory_space<vmem_shared>>
        %dma_wait3A_91 = arith.constant 0 : i32
        %dma_wait3A_92 = tpu.memref_slice %arg10[%add3A_68, %dma_wait3A_91] : memref<10008x128xf32, #tpu.memory_space<vmem_shared>> -> memref<40x128xf32, #tpu.memory_space<vmem_shared>>
        %dma_wait3A_93 = arith.constant 0 : i32
        %dma_wait3A_94 = arith.constant 0 : i32
        %dma_wait3A_95 = tpu.memref_slice %arg9[%dma_wait3A_93, %dma_wait3A_94] : memref<64x128xf32, #tpu.memory_space<vmem>> -> memref<40x128xf32, #tpu.memory_space<vmem>>
        tpu.wait_dma2 semaphore(%run_scoped3A_75 : memref<!tpu.dma_semaphore, #tpu.memory_space<semaphore_mem>>) src(%dma_wait3A_95 : memref<40x128xf32, #tpu.memory_space<vmem>>) dst(%dma_wait3A_92 : memref<40x128xf32, #tpu.memory_space<vmem_shared>>)
        tpu.yield
      }) : () -> ()
      %add3A_69 = arith.constant 520 : i32
      %add3A_70 = arith.addi %mul3A_14, %add3A_69 : i32
      "tpu.region"() ({
        %run_scoped3A_75 = tpu.sem_alloc : memref<!tpu.dma_semaphore, #tpu.memory_space<semaphore_mem>>
        %dma_start3A_76 = arith.constant 0 : i32
        %dma_start3A_77 = arith.constant 0 : i32
        %dma_start3A_78 = tpu.memref_slice %arg9[%dma_start3A_76, %dma_start3A_77] : memref<64x128xf32, #tpu.memory_space<vmem>> -> memref<40x128xf32, #tpu.memory_space<vmem>>
        %dma_start3A_79 = arith.constant 0 : i32
        %dma_start3A_80 = tpu.memref_slice %arg10[%add3A_70, %dma_start3A_79] : memref<10008x128xf32, #tpu.memory_space<vmem_shared>> -> memref<40x128xf32, #tpu.memory_space<vmem_shared>>
        %dma_start3A_81 = arith.constant 0 : i32
        %dma_start3A_82 = tpu.memref_slice %arg10[%add3A_70, %dma_start3A_81] : memref<10008x128xf32, #tpu.memory_space<vmem_shared>> -> memref<40x128xf32, #tpu.memory_space<vmem_shared>>
        %dma_start3A_83 = arith.constant 0 : i32
        %dma_start3A_84 = arith.constant 0 : i32
        %dma_start3A_85 = tpu.memref_slice %arg9[%dma_start3A_83, %dma_start3A_84] : memref<64x128xf32, #tpu.memory_space<vmem>> -> memref<40x128xf32, #tpu.memory_space<vmem>>
        tpu.enqueue_dma source(%dma_start3A_85 : memref<40x128xf32, #tpu.memory_space<vmem>>) target(%dma_start3A_82 : memref<40x128xf32, #tpu.memory_space<vmem_shared>>) target_semaphore(%run_scoped3A_75 : memref<!tpu.dma_semaphore, #tpu.memory_space<semaphore_mem>>)
        %dma_wait3A_86 = arith.constant 0 : i32
        %dma_wait3A_87 = arith.constant 0 : i32
        %dma_wait3A_88 = tpu.memref_slice %arg9[%dma_wait3A_86, %dma_wait3A_87] : memref<64x128xf32, #tpu.memory_space<vmem>> -> memref<40x128xf32, #tpu.memory_space<vmem>>
        %dma_wait3A_89 = arith.constant 0 : i32
        %dma_wait3A_90 = tpu.memref_slice %arg10[%add3A_70, %dma_wait3A_89] : memref<10008x128xf32, #tpu.memory_space<vmem_shared>> -> memref<40x128xf32, #tpu.memory_space<vmem_shared>>
        %dma_wait3A_91 = arith.constant 0 : i32
        %dma_wait3A_92 = tpu.memref_slice %arg10[%add3A_70, %dma_wait3A_91] : memref<10008x128xf32, #tpu.memory_space<vmem_shared>> -> memref<40x128xf32, #tpu.memory_space<vmem_shared>>
        %dma_wait3A_93 = arith.constant 0 : i32
        %dma_wait3A_94 = arith.constant 0 : i32
        %dma_wait3A_95 = tpu.memref_slice %arg9[%dma_wait3A_93, %dma_wait3A_94] : memref<64x128xf32, #tpu.memory_space<vmem>> -> memref<40x128xf32, #tpu.memory_space<vmem>>
        tpu.wait_dma2 semaphore(%run_scoped3A_75 : memref<!tpu.dma_semaphore, #tpu.memory_space<semaphore_mem>>) src(%dma_wait3A_95 : memref<40x128xf32, #tpu.memory_space<vmem>>) dst(%dma_wait3A_92 : memref<40x128xf32, #tpu.memory_space<vmem_shared>>)
        tpu.yield
      }) : () -> ()
      %add3A_71 = arith.constant 560 : i32
      %add3A_72 = arith.addi %mul3A_14, %add3A_71 : i32
      "tpu.region"() ({
        %run_scoped3A_75 = tpu.sem_alloc : memref<!tpu.dma_semaphore, #tpu.memory_space<semaphore_mem>>
        %dma_start3A_76 = arith.constant 0 : i32
        %dma_start3A_77 = arith.constant 0 : i32
        %dma_start3A_78 = tpu.memref_slice %arg9[%dma_start3A_76, %dma_start3A_77] : memref<64x128xf32, #tpu.memory_space<vmem>> -> memref<40x128xf32, #tpu.memory_space<vmem>>
        %dma_start3A_79 = arith.constant 0 : i32
        %dma_start3A_80 = tpu.memref_slice %arg10[%add3A_72, %dma_start3A_79] : memref<10008x128xf32, #tpu.memory_space<vmem_shared>> -> memref<40x128xf32, #tpu.memory_space<vmem_shared>>
        %dma_start3A_81 = arith.constant 0 : i32
        %dma_start3A_82 = tpu.memref_slice %arg10[%add3A_72, %dma_start3A_81] : memref<10008x128xf32, #tpu.memory_space<vmem_shared>> -> memref<40x128xf32, #tpu.memory_space<vmem_shared>>
        %dma_start3A_83 = arith.constant 0 : i32
        %dma_start3A_84 = arith.constant 0 : i32
        %dma_start3A_85 = tpu.memref_slice %arg9[%dma_start3A_83, %dma_start3A_84] : memref<64x128xf32, #tpu.memory_space<vmem>> -> memref<40x128xf32, #tpu.memory_space<vmem>>
        tpu.enqueue_dma source(%dma_start3A_85 : memref<40x128xf32, #tpu.memory_space<vmem>>) target(%dma_start3A_82 : memref<40x128xf32, #tpu.memory_space<vmem_shared>>) target_semaphore(%run_scoped3A_75 : memref<!tpu.dma_semaphore, #tpu.memory_space<semaphore_mem>>)
        %dma_wait3A_86 = arith.constant 0 : i32
        %dma_wait3A_87 = arith.constant 0 : i32
        %dma_wait3A_88 = tpu.memref_slice %arg9[%dma_wait3A_86, %dma_wait3A_87] : memref<64x128xf32, #tpu.memory_space<vmem>> -> memref<40x128xf32, #tpu.memory_space<vmem>>
        %dma_wait3A_89 = arith.constant 0 : i32
        %dma_wait3A_90 = tpu.memref_slice %arg10[%add3A_72, %dma_wait3A_89] : memref<10008x128xf32, #tpu.memory_space<vmem_shared>> -> memref<40x128xf32, #tpu.memory_space<vmem_shared>>
        %dma_wait3A_91 = arith.constant 0 : i32
        %dma_wait3A_92 = tpu.memref_slice %arg10[%add3A_72, %dma_wait3A_91] : memref<10008x128xf32, #tpu.memory_space<vmem_shared>> -> memref<40x128xf32, #tpu.memory_space<vmem_shared>>
        %dma_wait3A_93 = arith.constant 0 : i32
        %dma_wait3A_94 = arith.constant 0 : i32
        %dma_wait3A_95 = tpu.memref_slice %arg9[%dma_wait3A_93, %dma_wait3A_94] : memref<64x128xf32, #tpu.memory_space<vmem>> -> memref<40x128xf32, #tpu.memory_space<vmem>>
        tpu.wait_dma2 semaphore(%run_scoped3A_75 : memref<!tpu.dma_semaphore, #tpu.memory_space<semaphore_mem>>) src(%dma_wait3A_95 : memref<40x128xf32, #tpu.memory_space<vmem>>) dst(%dma_wait3A_92 : memref<40x128xf32, #tpu.memory_space<vmem_shared>>)
        tpu.yield
      }) : () -> ()
      %add3A_73 = arith.constant 600 : i32
      %add3A_74 = arith.addi %mul3A_14, %add3A_73 : i32
      "tpu.region"() ({
        %run_scoped3A_75 = tpu.sem_alloc : memref<!tpu.dma_semaphore, #tpu.memory_space<semaphore_mem>>
        %dma_start3A_76 = arith.constant 0 : i32
        %dma_start3A_77 = arith.constant 0 : i32
        %dma_start3A_78 = tpu.memref_slice %arg9[%dma_start3A_76, %dma_start3A_77] : memref<64x128xf32, #tpu.memory_space<vmem>> -> memref<40x128xf32, #tpu.memory_space<vmem>>
        %dma_start3A_79 = arith.constant 0 : i32
        %dma_start3A_80 = tpu.memref_slice %arg10[%add3A_74, %dma_start3A_79] : memref<10008x128xf32, #tpu.memory_space<vmem_shared>> -> memref<40x128xf32, #tpu.memory_space<vmem_shared>>
        %dma_start3A_81 = arith.constant 0 : i32
        %dma_start3A_82 = tpu.memref_slice %arg10[%add3A_74, %dma_start3A_81] : memref<10008x128xf32, #tpu.memory_space<vmem_shared>> -> memref<40x128xf32, #tpu.memory_space<vmem_shared>>
        %dma_start3A_83 = arith.constant 0 : i32
        %dma_start3A_84 = arith.constant 0 : i32
        %dma_start3A_85 = tpu.memref_slice %arg9[%dma_start3A_83, %dma_start3A_84] : memref<64x128xf32, #tpu.memory_space<vmem>> -> memref<40x128xf32, #tpu.memory_space<vmem>>
        tpu.enqueue_dma source(%dma_start3A_85 : memref<40x128xf32, #tpu.memory_space<vmem>>) target(%dma_start3A_82 : memref<40x128xf32, #tpu.memory_space<vmem_shared>>) target_semaphore(%run_scoped3A_75 : memref<!tpu.dma_semaphore, #tpu.memory_space<semaphore_mem>>)
        %dma_wait3A_86 = arith.constant 0 : i32
        %dma_wait3A_87 = arith.constant 0 : i32
        %dma_wait3A_88 = tpu.memref_slice %arg9[%dma_wait3A_86, %dma_wait3A_87] : memref<64x128xf32, #tpu.memory_space<vmem>> -> memref<40x128xf32, #tpu.memory_space<vmem>>
        %dma_wait3A_89 = arith.constant 0 : i32
        %dma_wait3A_90 = tpu.memref_slice %arg10[%add3A_74, %dma_wait3A_89] : memref<10008x128xf32, #tpu.memory_space<vmem_shared>> -> memref<40x128xf32, #tpu.memory_space<vmem_shared>>
        %dma_wait3A_91 = arith.constant 0 : i32
        %dma_wait3A_92 = tpu.memref_slice %arg10[%add3A_74, %dma_wait3A_91] : memref<10008x128xf32, #tpu.memory_space<vmem_shared>> -> memref<40x128xf32, #tpu.memory_space<vmem_shared>>
        %dma_wait3A_93 = arith.constant 0 : i32
        %dma_wait3A_94 = arith.constant 0 : i32
        %dma_wait3A_95 = tpu.memref_slice %arg9[%dma_wait3A_93, %dma_wait3A_94] : memref<64x128xf32, #tpu.memory_space<vmem>> -> memref<40x128xf32, #tpu.memory_space<vmem>>
        tpu.wait_dma2 semaphore(%run_scoped3A_75 : memref<!tpu.dma_semaphore, #tpu.memory_space<semaphore_mem>>) src(%dma_wait3A_95 : memref<40x128xf32, #tpu.memory_space<vmem>>) dst(%dma_wait3A_92 : memref<40x128xf32, #tpu.memory_space<vmem_shared>>)
        tpu.yield
      }) : () -> ()
    } else {
    }
    %eq3A = arith.constant 15 : i32
    %eq3A_17 = arith.cmpi eq, %arg1, %eq3A : i32
    %convert_element_type3A_18 = arith.extui %eq3A_17 : i1 to i32
    %cond3A_19 = arith.constant 0 : i32
    %cond3A_20 = arith.cmpi ne, %convert_element_type3A_18, %cond3A_19 : i32
    scf.if %cond3A_20 {
      %add3A_43 = arith.constant 0 : i32
      %add3A_44 = arith.addi %mul3A_14, %add3A_43 : i32
      "tpu.region"() ({
        %run_scoped3A_63 = tpu.sem_alloc : memref<!tpu.dma_semaphore, #tpu.memory_space<semaphore_mem>>
        %dma_start3A_64 = arith.constant 0 : i32
        %dma_start3A_65 = arith.constant 0 : i32
        %dma_start3A_66 = tpu.memref_slice %arg9[%dma_start3A_64, %dma_start3A_65] : memref<64x128xf32, #tpu.memory_space<vmem>> -> memref<40x128xf32, #tpu.memory_space<vmem>>
        %dma_start3A_67 = arith.constant 0 : i32
        %dma_start3A_68 = tpu.memref_slice %arg10[%add3A_44, %dma_start3A_67] : memref<10008x128xf32, #tpu.memory_space<vmem_shared>> -> memref<40x128xf32, #tpu.memory_space<vmem_shared>>
        %dma_start3A_69 = arith.constant 0 : i32
        %dma_start3A_70 = tpu.memref_slice %arg10[%add3A_44, %dma_start3A_69] : memref<10008x128xf32, #tpu.memory_space<vmem_shared>> -> memref<40x128xf32, #tpu.memory_space<vmem_shared>>
        %dma_start3A_71 = arith.constant 0 : i32
        %dma_start3A_72 = arith.constant 0 : i32
        %dma_start3A_73 = tpu.memref_slice %arg9[%dma_start3A_71, %dma_start3A_72] : memref<64x128xf32, #tpu.memory_space<vmem>> -> memref<40x128xf32, #tpu.memory_space<vmem>>
        tpu.enqueue_dma source(%dma_start3A_73 : memref<40x128xf32, #tpu.memory_space<vmem>>) target(%dma_start3A_70 : memref<40x128xf32, #tpu.memory_space<vmem_shared>>) target_semaphore(%run_scoped3A_63 : memref<!tpu.dma_semaphore, #tpu.memory_space<semaphore_mem>>)
        %dma_wait3A_74 = arith.constant 0 : i32
        %dma_wait3A_75 = arith.constant 0 : i32
        %dma_wait3A_76 = tpu.memref_slice %arg9[%dma_wait3A_74, %dma_wait3A_75] : memref<64x128xf32, #tpu.memory_space<vmem>> -> memref<40x128xf32, #tpu.memory_space<vmem>>
        %dma_wait3A_77 = arith.constant 0 : i32
        %dma_wait3A_78 = tpu.memref_slice %arg10[%add3A_44, %dma_wait3A_77] : memref<10008x128xf32, #tpu.memory_space<vmem_shared>> -> memref<40x128xf32, #tpu.memory_space<vmem_shared>>
        %dma_wait3A_79 = arith.constant 0 : i32
        %dma_wait3A_80 = tpu.memref_slice %arg10[%add3A_44, %dma_wait3A_79] : memref<10008x128xf32, #tpu.memory_space<vmem_shared>> -> memref<40x128xf32, #tpu.memory_space<vmem_shared>>
        %dma_wait3A_81 = arith.constant 0 : i32
        %dma_wait3A_82 = arith.constant 0 : i32
        %dma_wait3A_83 = tpu.memref_slice %arg9[%dma_wait3A_81, %dma_wait3A_82] : memref<64x128xf32, #tpu.memory_space<vmem>> -> memref<40x128xf32, #tpu.memory_space<vmem>>
        tpu.wait_dma2 semaphore(%run_scoped3A_63 : memref<!tpu.dma_semaphore, #tpu.memory_space<semaphore_mem>>) src(%dma_wait3A_83 : memref<40x128xf32, #tpu.memory_space<vmem>>) dst(%dma_wait3A_80 : memref<40x128xf32, #tpu.memory_space<vmem_shared>>)
        tpu.yield
      }) : () -> ()
      %add3A_45 = arith.constant 40 : i32
      %add3A_46 = arith.addi %mul3A_14, %add3A_45 : i32
      "tpu.region"() ({
        %run_scoped3A_63 = tpu.sem_alloc : memref<!tpu.dma_semaphore, #tpu.memory_space<semaphore_mem>>
        %dma_start3A_64 = arith.constant 0 : i32
        %dma_start3A_65 = arith.constant 0 : i32
        %dma_start3A_66 = tpu.memref_slice %arg9[%dma_start3A_64, %dma_start3A_65] : memref<64x128xf32, #tpu.memory_space<vmem>> -> memref<40x128xf32, #tpu.memory_space<vmem>>
        %dma_start3A_67 = arith.constant 0 : i32
        %dma_start3A_68 = tpu.memref_slice %arg10[%add3A_46, %dma_start3A_67] : memref<10008x128xf32, #tpu.memory_space<vmem_shared>> -> memref<40x128xf32, #tpu.memory_space<vmem_shared>>
        %dma_start3A_69 = arith.constant 0 : i32
        %dma_start3A_70 = tpu.memref_slice %arg10[%add3A_46, %dma_start3A_69] : memref<10008x128xf32, #tpu.memory_space<vmem_shared>> -> memref<40x128xf32, #tpu.memory_space<vmem_shared>>
        %dma_start3A_71 = arith.constant 0 : i32
        %dma_start3A_72 = arith.constant 0 : i32
        %dma_start3A_73 = tpu.memref_slice %arg9[%dma_start3A_71, %dma_start3A_72] : memref<64x128xf32, #tpu.memory_space<vmem>> -> memref<40x128xf32, #tpu.memory_space<vmem>>
        tpu.enqueue_dma source(%dma_start3A_73 : memref<40x128xf32, #tpu.memory_space<vmem>>) target(%dma_start3A_70 : memref<40x128xf32, #tpu.memory_space<vmem_shared>>) target_semaphore(%run_scoped3A_63 : memref<!tpu.dma_semaphore, #tpu.memory_space<semaphore_mem>>)
        %dma_wait3A_74 = arith.constant 0 : i32
        %dma_wait3A_75 = arith.constant 0 : i32
        %dma_wait3A_76 = tpu.memref_slice %arg9[%dma_wait3A_74, %dma_wait3A_75] : memref<64x128xf32, #tpu.memory_space<vmem>> -> memref<40x128xf32, #tpu.memory_space<vmem>>
        %dma_wait3A_77 = arith.constant 0 : i32
        %dma_wait3A_78 = tpu.memref_slice %arg10[%add3A_46, %dma_wait3A_77] : memref<10008x128xf32, #tpu.memory_space<vmem_shared>> -> memref<40x128xf32, #tpu.memory_space<vmem_shared>>
        %dma_wait3A_79 = arith.constant 0 : i32
        %dma_wait3A_80 = tpu.memref_slice %arg10[%add3A_46, %dma_wait3A_79] : memref<10008x128xf32, #tpu.memory_space<vmem_shared>> -> memref<40x128xf32, #tpu.memory_space<vmem_shared>>
        %dma_wait3A_81 = arith.constant 0 : i32
        %dma_wait3A_82 = arith.constant 0 : i32
        %dma_wait3A_83 = tpu.memref_slice %arg9[%dma_wait3A_81, %dma_wait3A_82] : memref<64x128xf32, #tpu.memory_space<vmem>> -> memref<40x128xf32, #tpu.memory_space<vmem>>
        tpu.wait_dma2 semaphore(%run_scoped3A_63 : memref<!tpu.dma_semaphore, #tpu.memory_space<semaphore_mem>>) src(%dma_wait3A_83 : memref<40x128xf32, #tpu.memory_space<vmem>>) dst(%dma_wait3A_80 : memref<40x128xf32, #tpu.memory_space<vmem_shared>>)
        tpu.yield
      }) : () -> ()
      %add3A_47 = arith.constant 80 : i32
      %add3A_48 = arith.addi %mul3A_14, %add3A_47 : i32
      "tpu.region"() ({
        %run_scoped3A_63 = tpu.sem_alloc : memref<!tpu.dma_semaphore, #tpu.memory_space<semaphore_mem>>
        %dma_start3A_64 = arith.constant 0 : i32
        %dma_start3A_65 = arith.constant 0 : i32
        %dma_start3A_66 = tpu.memref_slice %arg9[%dma_start3A_64, %dma_start3A_65] : memref<64x128xf32, #tpu.memory_space<vmem>> -> memref<40x128xf32, #tpu.memory_space<vmem>>
        %dma_start3A_67 = arith.constant 0 : i32
        %dma_start3A_68 = tpu.memref_slice %arg10[%add3A_48, %dma_start3A_67] : memref<10008x128xf32, #tpu.memory_space<vmem_shared>> -> memref<40x128xf32, #tpu.memory_space<vmem_shared>>
        %dma_start3A_69 = arith.constant 0 : i32
        %dma_start3A_70 = tpu.memref_slice %arg10[%add3A_48, %dma_start3A_69] : memref<10008x128xf32, #tpu.memory_space<vmem_shared>> -> memref<40x128xf32, #tpu.memory_space<vmem_shared>>
        %dma_start3A_71 = arith.constant 0 : i32
        %dma_start3A_72 = arith.constant 0 : i32
        %dma_start3A_73 = tpu.memref_slice %arg9[%dma_start3A_71, %dma_start3A_72] : memref<64x128xf32, #tpu.memory_space<vmem>> -> memref<40x128xf32, #tpu.memory_space<vmem>>
        tpu.enqueue_dma source(%dma_start3A_73 : memref<40x128xf32, #tpu.memory_space<vmem>>) target(%dma_start3A_70 : memref<40x128xf32, #tpu.memory_space<vmem_shared>>) target_semaphore(%run_scoped3A_63 : memref<!tpu.dma_semaphore, #tpu.memory_space<semaphore_mem>>)
        %dma_wait3A_74 = arith.constant 0 : i32
        %dma_wait3A_75 = arith.constant 0 : i32
        %dma_wait3A_76 = tpu.memref_slice %arg9[%dma_wait3A_74, %dma_wait3A_75] : memref<64x128xf32, #tpu.memory_space<vmem>> -> memref<40x128xf32, #tpu.memory_space<vmem>>
        %dma_wait3A_77 = arith.constant 0 : i32
        %dma_wait3A_78 = tpu.memref_slice %arg10[%add3A_48, %dma_wait3A_77] : memref<10008x128xf32, #tpu.memory_space<vmem_shared>> -> memref<40x128xf32, #tpu.memory_space<vmem_shared>>
        %dma_wait3A_79 = arith.constant 0 : i32
        %dma_wait3A_80 = tpu.memref_slice %arg10[%add3A_48, %dma_wait3A_79] : memref<10008x128xf32, #tpu.memory_space<vmem_shared>> -> memref<40x128xf32, #tpu.memory_space<vmem_shared>>
        %dma_wait3A_81 = arith.constant 0 : i32
        %dma_wait3A_82 = arith.constant 0 : i32
        %dma_wait3A_83 = tpu.memref_slice %arg9[%dma_wait3A_81, %dma_wait3A_82] : memref<64x128xf32, #tpu.memory_space<vmem>> -> memref<40x128xf32, #tpu.memory_space<vmem>>
        tpu.wait_dma2 semaphore(%run_scoped3A_63 : memref<!tpu.dma_semaphore, #tpu.memory_space<semaphore_mem>>) src(%dma_wait3A_83 : memref<40x128xf32, #tpu.memory_space<vmem>>) dst(%dma_wait3A_80 : memref<40x128xf32, #tpu.memory_space<vmem_shared>>)
        tpu.yield
      }) : () -> ()
      %add3A_49 = arith.constant 120 : i32
      %add3A_50 = arith.addi %mul3A_14, %add3A_49 : i32
      "tpu.region"() ({
        %run_scoped3A_63 = tpu.sem_alloc : memref<!tpu.dma_semaphore, #tpu.memory_space<semaphore_mem>>
        %dma_start3A_64 = arith.constant 0 : i32
        %dma_start3A_65 = arith.constant 0 : i32
        %dma_start3A_66 = tpu.memref_slice %arg9[%dma_start3A_64, %dma_start3A_65] : memref<64x128xf32, #tpu.memory_space<vmem>> -> memref<40x128xf32, #tpu.memory_space<vmem>>
        %dma_start3A_67 = arith.constant 0 : i32
        %dma_start3A_68 = tpu.memref_slice %arg10[%add3A_50, %dma_start3A_67] : memref<10008x128xf32, #tpu.memory_space<vmem_shared>> -> memref<40x128xf32, #tpu.memory_space<vmem_shared>>
        %dma_start3A_69 = arith.constant 0 : i32
        %dma_start3A_70 = tpu.memref_slice %arg10[%add3A_50, %dma_start3A_69] : memref<10008x128xf32, #tpu.memory_space<vmem_shared>> -> memref<40x128xf32, #tpu.memory_space<vmem_shared>>
        %dma_start3A_71 = arith.constant 0 : i32
        %dma_start3A_72 = arith.constant 0 : i32
        %dma_start3A_73 = tpu.memref_slice %arg9[%dma_start3A_71, %dma_start3A_72] : memref<64x128xf32, #tpu.memory_space<vmem>> -> memref<40x128xf32, #tpu.memory_space<vmem>>
        tpu.enqueue_dma source(%dma_start3A_73 : memref<40x128xf32, #tpu.memory_space<vmem>>) target(%dma_start3A_70 : memref<40x128xf32, #tpu.memory_space<vmem_shared>>) target_semaphore(%run_scoped3A_63 : memref<!tpu.dma_semaphore, #tpu.memory_space<semaphore_mem>>)
        %dma_wait3A_74 = arith.constant 0 : i32
        %dma_wait3A_75 = arith.constant 0 : i32
        %dma_wait3A_76 = tpu.memref_slice %arg9[%dma_wait3A_74, %dma_wait3A_75] : memref<64x128xf32, #tpu.memory_space<vmem>> -> memref<40x128xf32, #tpu.memory_space<vmem>>
        %dma_wait3A_77 = arith.constant 0 : i32
        %dma_wait3A_78 = tpu.memref_slice %arg10[%add3A_50, %dma_wait3A_77] : memref<10008x128xf32, #tpu.memory_space<vmem_shared>> -> memref<40x128xf32, #tpu.memory_space<vmem_shared>>
        %dma_wait3A_79 = arith.constant 0 : i32
        %dma_wait3A_80 = tpu.memref_slice %arg10[%add3A_50, %dma_wait3A_79] : memref<10008x128xf32, #tpu.memory_space<vmem_shared>> -> memref<40x128xf32, #tpu.memory_space<vmem_shared>>
        %dma_wait3A_81 = arith.constant 0 : i32
        %dma_wait3A_82 = arith.constant 0 : i32
        %dma_wait3A_83 = tpu.memref_slice %arg9[%dma_wait3A_81, %dma_wait3A_82] : memref<64x128xf32, #tpu.memory_space<vmem>> -> memref<40x128xf32, #tpu.memory_space<vmem>>
        tpu.wait_dma2 semaphore(%run_scoped3A_63 : memref<!tpu.dma_semaphore, #tpu.memory_space<semaphore_mem>>) src(%dma_wait3A_83 : memref<40x128xf32, #tpu.memory_space<vmem>>) dst(%dma_wait3A_80 : memref<40x128xf32, #tpu.memory_space<vmem_shared>>)
        tpu.yield
      }) : () -> ()
      %add3A_51 = arith.constant 160 : i32
      %add3A_52 = arith.addi %mul3A_14, %add3A_51 : i32
      "tpu.region"() ({
        %run_scoped3A_63 = tpu.sem_alloc : memref<!tpu.dma_semaphore, #tpu.memory_space<semaphore_mem>>
        %dma_start3A_64 = arith.constant 0 : i32
        %dma_start3A_65 = arith.constant 0 : i32
        %dma_start3A_66 = tpu.memref_slice %arg9[%dma_start3A_64, %dma_start3A_65] : memref<64x128xf32, #tpu.memory_space<vmem>> -> memref<40x128xf32, #tpu.memory_space<vmem>>
        %dma_start3A_67 = arith.constant 0 : i32
        %dma_start3A_68 = tpu.memref_slice %arg10[%add3A_52, %dma_start3A_67] : memref<10008x128xf32, #tpu.memory_space<vmem_shared>> -> memref<40x128xf32, #tpu.memory_space<vmem_shared>>
        %dma_start3A_69 = arith.constant 0 : i32
        %dma_start3A_70 = tpu.memref_slice %arg10[%add3A_52, %dma_start3A_69] : memref<10008x128xf32, #tpu.memory_space<vmem_shared>> -> memref<40x128xf32, #tpu.memory_space<vmem_shared>>
        %dma_start3A_71 = arith.constant 0 : i32
        %dma_start3A_72 = arith.constant 0 : i32
        %dma_start3A_73 = tpu.memref_slice %arg9[%dma_start3A_71, %dma_start3A_72] : memref<64x128xf32, #tpu.memory_space<vmem>> -> memref<40x128xf32, #tpu.memory_space<vmem>>
        tpu.enqueue_dma source(%dma_start3A_73 : memref<40x128xf32, #tpu.memory_space<vmem>>) target(%dma_start3A_70 : memref<40x128xf32, #tpu.memory_space<vmem_shared>>) target_semaphore(%run_scoped3A_63 : memref<!tpu.dma_semaphore, #tpu.memory_space<semaphore_mem>>)
        %dma_wait3A_74 = arith.constant 0 : i32
        %dma_wait3A_75 = arith.constant 0 : i32
        %dma_wait3A_76 = tpu.memref_slice %arg9[%dma_wait3A_74, %dma_wait3A_75] : memref<64x128xf32, #tpu.memory_space<vmem>> -> memref<40x128xf32, #tpu.memory_space<vmem>>
        %dma_wait3A_77 = arith.constant 0 : i32
        %dma_wait3A_78 = tpu.memref_slice %arg10[%add3A_52, %dma_wait3A_77] : memref<10008x128xf32, #tpu.memory_space<vmem_shared>> -> memref<40x128xf32, #tpu.memory_space<vmem_shared>>
        %dma_wait3A_79 = arith.constant 0 : i32
        %dma_wait3A_80 = tpu.memref_slice %arg10[%add3A_52, %dma_wait3A_79] : memref<10008x128xf32, #tpu.memory_space<vmem_shared>> -> memref<40x128xf32, #tpu.memory_space<vmem_shared>>
        %dma_wait3A_81 = arith.constant 0 : i32
        %dma_wait3A_82 = arith.constant 0 : i32
        %dma_wait3A_83 = tpu.memref_slice %arg9[%dma_wait3A_81, %dma_wait3A_82] : memref<64x128xf32, #tpu.memory_space<vmem>> -> memref<40x128xf32, #tpu.memory_space<vmem>>
        tpu.wait_dma2 semaphore(%run_scoped3A_63 : memref<!tpu.dma_semaphore, #tpu.memory_space<semaphore_mem>>) src(%dma_wait3A_83 : memref<40x128xf32, #tpu.memory_space<vmem>>) dst(%dma_wait3A_80 : memref<40x128xf32, #tpu.memory_space<vmem_shared>>)
        tpu.yield
      }) : () -> ()
      %add3A_53 = arith.constant 200 : i32
      %add3A_54 = arith.addi %mul3A_14, %add3A_53 : i32
      "tpu.region"() ({
        %run_scoped3A_63 = tpu.sem_alloc : memref<!tpu.dma_semaphore, #tpu.memory_space<semaphore_mem>>
        %dma_start3A_64 = arith.constant 0 : i32
        %dma_start3A_65 = arith.constant 0 : i32
        %dma_start3A_66 = tpu.memref_slice %arg9[%dma_start3A_64, %dma_start3A_65] : memref<64x128xf32, #tpu.memory_space<vmem>> -> memref<40x128xf32, #tpu.memory_space<vmem>>
        %dma_start3A_67 = arith.constant 0 : i32
        %dma_start3A_68 = tpu.memref_slice %arg10[%add3A_54, %dma_start3A_67] : memref<10008x128xf32, #tpu.memory_space<vmem_shared>> -> memref<40x128xf32, #tpu.memory_space<vmem_shared>>
        %dma_start3A_69 = arith.constant 0 : i32
        %dma_start3A_70 = tpu.memref_slice %arg10[%add3A_54, %dma_start3A_69] : memref<10008x128xf32, #tpu.memory_space<vmem_shared>> -> memref<40x128xf32, #tpu.memory_space<vmem_shared>>
        %dma_start3A_71 = arith.constant 0 : i32
        %dma_start3A_72 = arith.constant 0 : i32
        %dma_start3A_73 = tpu.memref_slice %arg9[%dma_start3A_71, %dma_start3A_72] : memref<64x128xf32, #tpu.memory_space<vmem>> -> memref<40x128xf32, #tpu.memory_space<vmem>>
        tpu.enqueue_dma source(%dma_start3A_73 : memref<40x128xf32, #tpu.memory_space<vmem>>) target(%dma_start3A_70 : memref<40x128xf32, #tpu.memory_space<vmem_shared>>) target_semaphore(%run_scoped3A_63 : memref<!tpu.dma_semaphore, #tpu.memory_space<semaphore_mem>>)
        %dma_wait3A_74 = arith.constant 0 : i32
        %dma_wait3A_75 = arith.constant 0 : i32
        %dma_wait3A_76 = tpu.memref_slice %arg9[%dma_wait3A_74, %dma_wait3A_75] : memref<64x128xf32, #tpu.memory_space<vmem>> -> memref<40x128xf32, #tpu.memory_space<vmem>>
        %dma_wait3A_77 = arith.constant 0 : i32
        %dma_wait3A_78 = tpu.memref_slice %arg10[%add3A_54, %dma_wait3A_77] : memref<10008x128xf32, #tpu.memory_space<vmem_shared>> -> memref<40x128xf32, #tpu.memory_space<vmem_shared>>
        %dma_wait3A_79 = arith.constant 0 : i32
        %dma_wait3A_80 = tpu.memref_slice %arg10[%add3A_54, %dma_wait3A_79] : memref<10008x128xf32, #tpu.memory_space<vmem_shared>> -> memref<40x128xf32, #tpu.memory_space<vmem_shared>>
        %dma_wait3A_81 = arith.constant 0 : i32
        %dma_wait3A_82 = arith.constant 0 : i32
        %dma_wait3A_83 = tpu.memref_slice %arg9[%dma_wait3A_81, %dma_wait3A_82] : memref<64x128xf32, #tpu.memory_space<vmem>> -> memref<40x128xf32, #tpu.memory_space<vmem>>
        tpu.wait_dma2 semaphore(%run_scoped3A_63 : memref<!tpu.dma_semaphore, #tpu.memory_space<semaphore_mem>>) src(%dma_wait3A_83 : memref<40x128xf32, #tpu.memory_space<vmem>>) dst(%dma_wait3A_80 : memref<40x128xf32, #tpu.memory_space<vmem_shared>>)
        tpu.yield
      }) : () -> ()
      %add3A_55 = arith.constant 240 : i32
      %add3A_56 = arith.addi %mul3A_14, %add3A_55 : i32
      "tpu.region"() ({
        %run_scoped3A_63 = tpu.sem_alloc : memref<!tpu.dma_semaphore, #tpu.memory_space<semaphore_mem>>
        %dma_start3A_64 = arith.constant 0 : i32
        %dma_start3A_65 = arith.constant 0 : i32
        %dma_start3A_66 = tpu.memref_slice %arg9[%dma_start3A_64, %dma_start3A_65] : memref<64x128xf32, #tpu.memory_space<vmem>> -> memref<40x128xf32, #tpu.memory_space<vmem>>
        %dma_start3A_67 = arith.constant 0 : i32
        %dma_start3A_68 = tpu.memref_slice %arg10[%add3A_56, %dma_start3A_67] : memref<10008x128xf32, #tpu.memory_space<vmem_shared>> -> memref<40x128xf32, #tpu.memory_space<vmem_shared>>
        %dma_start3A_69 = arith.constant 0 : i32
        %dma_start3A_70 = tpu.memref_slice %arg10[%add3A_56, %dma_start3A_69] : memref<10008x128xf32, #tpu.memory_space<vmem_shared>> -> memref<40x128xf32, #tpu.memory_space<vmem_shared>>
        %dma_start3A_71 = arith.constant 0 : i32
        %dma_start3A_72 = arith.constant 0 : i32
        %dma_start3A_73 = tpu.memref_slice %arg9[%dma_start3A_71, %dma_start3A_72] : memref<64x128xf32, #tpu.memory_space<vmem>> -> memref<40x128xf32, #tpu.memory_space<vmem>>
        tpu.enqueue_dma source(%dma_start3A_73 : memref<40x128xf32, #tpu.memory_space<vmem>>) target(%dma_start3A_70 : memref<40x128xf32, #tpu.memory_space<vmem_shared>>) target_semaphore(%run_scoped3A_63 : memref<!tpu.dma_semaphore, #tpu.memory_space<semaphore_mem>>)
        %dma_wait3A_74 = arith.constant 0 : i32
        %dma_wait3A_75 = arith.constant 0 : i32
        %dma_wait3A_76 = tpu.memref_slice %arg9[%dma_wait3A_74, %dma_wait3A_75] : memref<64x128xf32, #tpu.memory_space<vmem>> -> memref<40x128xf32, #tpu.memory_space<vmem>>
        %dma_wait3A_77 = arith.constant 0 : i32
        %dma_wait3A_78 = tpu.memref_slice %arg10[%add3A_56, %dma_wait3A_77] : memref<10008x128xf32, #tpu.memory_space<vmem_shared>> -> memref<40x128xf32, #tpu.memory_space<vmem_shared>>
        %dma_wait3A_79 = arith.constant 0 : i32
        %dma_wait3A_80 = tpu.memref_slice %arg10[%add3A_56, %dma_wait3A_79] : memref<10008x128xf32, #tpu.memory_space<vmem_shared>> -> memref<40x128xf32, #tpu.memory_space<vmem_shared>>
        %dma_wait3A_81 = arith.constant 0 : i32
        %dma_wait3A_82 = arith.constant 0 : i32
        %dma_wait3A_83 = tpu.memref_slice %arg9[%dma_wait3A_81, %dma_wait3A_82] : memref<64x128xf32, #tpu.memory_space<vmem>> -> memref<40x128xf32, #tpu.memory_space<vmem>>
        tpu.wait_dma2 semaphore(%run_scoped3A_63 : memref<!tpu.dma_semaphore, #tpu.memory_space<semaphore_mem>>) src(%dma_wait3A_83 : memref<40x128xf32, #tpu.memory_space<vmem>>) dst(%dma_wait3A_80 : memref<40x128xf32, #tpu.memory_space<vmem_shared>>)
        tpu.yield
      }) : () -> ()
      %add3A_57 = arith.constant 280 : i32
      %add3A_58 = arith.addi %mul3A_14, %add3A_57 : i32
      "tpu.region"() ({
        %run_scoped3A_63 = tpu.sem_alloc : memref<!tpu.dma_semaphore, #tpu.memory_space<semaphore_mem>>
        %dma_start3A_64 = arith.constant 0 : i32
        %dma_start3A_65 = arith.constant 0 : i32
        %dma_start3A_66 = tpu.memref_slice %arg9[%dma_start3A_64, %dma_start3A_65] : memref<64x128xf32, #tpu.memory_space<vmem>> -> memref<40x128xf32, #tpu.memory_space<vmem>>
        %dma_start3A_67 = arith.constant 0 : i32
        %dma_start3A_68 = tpu.memref_slice %arg10[%add3A_58, %dma_start3A_67] : memref<10008x128xf32, #tpu.memory_space<vmem_shared>> -> memref<40x128xf32, #tpu.memory_space<vmem_shared>>
        %dma_start3A_69 = arith.constant 0 : i32
        %dma_start3A_70 = tpu.memref_slice %arg10[%add3A_58, %dma_start3A_69] : memref<10008x128xf32, #tpu.memory_space<vmem_shared>> -> memref<40x128xf32, #tpu.memory_space<vmem_shared>>
        %dma_start3A_71 = arith.constant 0 : i32
        %dma_start3A_72 = arith.constant 0 : i32
        %dma_start3A_73 = tpu.memref_slice %arg9[%dma_start3A_71, %dma_start3A_72] : memref<64x128xf32, #tpu.memory_space<vmem>> -> memref<40x128xf32, #tpu.memory_space<vmem>>
        tpu.enqueue_dma source(%dma_start3A_73 : memref<40x128xf32, #tpu.memory_space<vmem>>) target(%dma_start3A_70 : memref<40x128xf32, #tpu.memory_space<vmem_shared>>) target_semaphore(%run_scoped3A_63 : memref<!tpu.dma_semaphore, #tpu.memory_space<semaphore_mem>>)
        %dma_wait3A_74 = arith.constant 0 : i32
        %dma_wait3A_75 = arith.constant 0 : i32
        %dma_wait3A_76 = tpu.memref_slice %arg9[%dma_wait3A_74, %dma_wait3A_75] : memref<64x128xf32, #tpu.memory_space<vmem>> -> memref<40x128xf32, #tpu.memory_space<vmem>>
        %dma_wait3A_77 = arith.constant 0 : i32
        %dma_wait3A_78 = tpu.memref_slice %arg10[%add3A_58, %dma_wait3A_77] : memref<10008x128xf32, #tpu.memory_space<vmem_shared>> -> memref<40x128xf32, #tpu.memory_space<vmem_shared>>
        %dma_wait3A_79 = arith.constant 0 : i32
        %dma_wait3A_80 = tpu.memref_slice %arg10[%add3A_58, %dma_wait3A_79] : memref<10008x128xf32, #tpu.memory_space<vmem_shared>> -> memref<40x128xf32, #tpu.memory_space<vmem_shared>>
        %dma_wait3A_81 = arith.constant 0 : i32
        %dma_wait3A_82 = arith.constant 0 : i32
        %dma_wait3A_83 = tpu.memref_slice %arg9[%dma_wait3A_81, %dma_wait3A_82] : memref<64x128xf32, #tpu.memory_space<vmem>> -> memref<40x128xf32, #tpu.memory_space<vmem>>
        tpu.wait_dma2 semaphore(%run_scoped3A_63 : memref<!tpu.dma_semaphore, #tpu.memory_space<semaphore_mem>>) src(%dma_wait3A_83 : memref<40x128xf32, #tpu.memory_space<vmem>>) dst(%dma_wait3A_80 : memref<40x128xf32, #tpu.memory_space<vmem_shared>>)
        tpu.yield
      }) : () -> ()
      %add3A_59 = arith.constant 320 : i32
      %add3A_60 = arith.addi %mul3A_14, %add3A_59 : i32
      "tpu.region"() ({
        %run_scoped3A_63 = tpu.sem_alloc : memref<!tpu.dma_semaphore, #tpu.memory_space<semaphore_mem>>
        %dma_start3A_64 = arith.constant 0 : i32
        %dma_start3A_65 = arith.constant 0 : i32
        %dma_start3A_66 = tpu.memref_slice %arg9[%dma_start3A_64, %dma_start3A_65] : memref<64x128xf32, #tpu.memory_space<vmem>> -> memref<40x128xf32, #tpu.memory_space<vmem>>
        %dma_start3A_67 = arith.constant 0 : i32
        %dma_start3A_68 = tpu.memref_slice %arg10[%add3A_60, %dma_start3A_67] : memref<10008x128xf32, #tpu.memory_space<vmem_shared>> -> memref<40x128xf32, #tpu.memory_space<vmem_shared>>
        %dma_start3A_69 = arith.constant 0 : i32
        %dma_start3A_70 = tpu.memref_slice %arg10[%add3A_60, %dma_start3A_69] : memref<10008x128xf32, #tpu.memory_space<vmem_shared>> -> memref<40x128xf32, #tpu.memory_space<vmem_shared>>
        %dma_start3A_71 = arith.constant 0 : i32
        %dma_start3A_72 = arith.constant 0 : i32
        %dma_start3A_73 = tpu.memref_slice %arg9[%dma_start3A_71, %dma_start3A_72] : memref<64x128xf32, #tpu.memory_space<vmem>> -> memref<40x128xf32, #tpu.memory_space<vmem>>
        tpu.enqueue_dma source(%dma_start3A_73 : memref<40x128xf32, #tpu.memory_space<vmem>>) target(%dma_start3A_70 : memref<40x128xf32, #tpu.memory_space<vmem_shared>>) target_semaphore(%run_scoped3A_63 : memref<!tpu.dma_semaphore, #tpu.memory_space<semaphore_mem>>)
        %dma_wait3A_74 = arith.constant 0 : i32
        %dma_wait3A_75 = arith.constant 0 : i32
        %dma_wait3A_76 = tpu.memref_slice %arg9[%dma_wait3A_74, %dma_wait3A_75] : memref<64x128xf32, #tpu.memory_space<vmem>> -> memref<40x128xf32, #tpu.memory_space<vmem>>
        %dma_wait3A_77 = arith.constant 0 : i32
        %dma_wait3A_78 = tpu.memref_slice %arg10[%add3A_60, %dma_wait3A_77] : memref<10008x128xf32, #tpu.memory_space<vmem_shared>> -> memref<40x128xf32, #tpu.memory_space<vmem_shared>>
        %dma_wait3A_79 = arith.constant 0 : i32
        %dma_wait3A_80 = tpu.memref_slice %arg10[%add3A_60, %dma_wait3A_79] : memref<10008x128xf32, #tpu.memory_space<vmem_shared>> -> memref<40x128xf32, #tpu.memory_space<vmem_shared>>
        %dma_wait3A_81 = arith.constant 0 : i32
        %dma_wait3A_82 = arith.constant 0 : i32
        %dma_wait3A_83 = tpu.memref_slice %arg9[%dma_wait3A_81, %dma_wait3A_82] : memref<64x128xf32, #tpu.memory_space<vmem>> -> memref<40x128xf32, #tpu.memory_space<vmem>>
        tpu.wait_dma2 semaphore(%run_scoped3A_63 : memref<!tpu.dma_semaphore, #tpu.memory_space<semaphore_mem>>) src(%dma_wait3A_83 : memref<40x128xf32, #tpu.memory_space<vmem>>) dst(%dma_wait3A_80 : memref<40x128xf32, #tpu.memory_space<vmem_shared>>)
        tpu.yield
      }) : () -> ()
      %add3A_61 = arith.constant 360 : i32
      %add3A_62 = arith.addi %mul3A_14, %add3A_61 : i32
      "tpu.region"() ({
        %run_scoped3A_63 = tpu.sem_alloc : memref<!tpu.dma_semaphore, #tpu.memory_space<semaphore_mem>>
        %dma_start3A_64 = arith.constant 0 : i32
        %dma_start3A_65 = arith.constant 0 : i32
        %dma_start3A_66 = tpu.memref_slice %arg9[%dma_start3A_64, %dma_start3A_65] : memref<64x128xf32, #tpu.memory_space<vmem>> -> memref<40x128xf32, #tpu.memory_space<vmem>>
        %dma_start3A_67 = arith.constant 0 : i32
        %dma_start3A_68 = tpu.memref_slice %arg10[%add3A_62, %dma_start3A_67] : memref<10008x128xf32, #tpu.memory_space<vmem_shared>> -> memref<40x128xf32, #tpu.memory_space<vmem_shared>>
        %dma_start3A_69 = arith.constant 0 : i32
        %dma_start3A_70 = tpu.memref_slice %arg10[%add3A_62, %dma_start3A_69] : memref<10008x128xf32, #tpu.memory_space<vmem_shared>> -> memref<40x128xf32, #tpu.memory_space<vmem_shared>>
        %dma_start3A_71 = arith.constant 0 : i32
        %dma_start3A_72 = arith.constant 0 : i32
        %dma_start3A_73 = tpu.memref_slice %arg9[%dma_start3A_71, %dma_start3A_72] : memref<64x128xf32, #tpu.memory_space<vmem>> -> memref<40x128xf32, #tpu.memory_space<vmem>>
        tpu.enqueue_dma source(%dma_start3A_73 : memref<40x128xf32, #tpu.memory_space<vmem>>) target(%dma_start3A_70 : memref<40x128xf32, #tpu.memory_space<vmem_shared>>) target_semaphore(%run_scoped3A_63 : memref<!tpu.dma_semaphore, #tpu.memory_space<semaphore_mem>>)
        %dma_wait3A_74 = arith.constant 0 : i32
        %dma_wait3A_75 = arith.constant 0 : i32
        %dma_wait3A_76 = tpu.memref_slice %arg9[%dma_wait3A_74, %dma_wait3A_75] : memref<64x128xf32, #tpu.memory_space<vmem>> -> memref<40x128xf32, #tpu.memory_space<vmem>>
        %dma_wait3A_77 = arith.constant 0 : i32
        %dma_wait3A_78 = tpu.memref_slice %arg10[%add3A_62, %dma_wait3A_77] : memref<10008x128xf32, #tpu.memory_space<vmem_shared>> -> memref<40x128xf32, #tpu.memory_space<vmem_shared>>
        %dma_wait3A_79 = arith.constant 0 : i32
        %dma_wait3A_80 = tpu.memref_slice %arg10[%add3A_62, %dma_wait3A_79] : memref<10008x128xf32, #tpu.memory_space<vmem_shared>> -> memref<40x128xf32, #tpu.memory_space<vmem_shared>>
        %dma_wait3A_81 = arith.constant 0 : i32
        %dma_wait3A_82 = arith.constant 0 : i32
        %dma_wait3A_83 = tpu.memref_slice %arg9[%dma_wait3A_81, %dma_wait3A_82] : memref<64x128xf32, #tpu.memory_space<vmem>> -> memref<40x128xf32, #tpu.memory_space<vmem>>
        tpu.wait_dma2 semaphore(%run_scoped3A_63 : memref<!tpu.dma_semaphore, #tpu.memory_space<semaphore_mem>>) src(%dma_wait3A_83 : memref<40x128xf32, #tpu.memory_space<vmem>>) dst(%dma_wait3A_80 : memref<40x128xf32, #tpu.memory_space<vmem_shared>>)
        tpu.yield
      }) : () -> ()
    } else {
    }
    %barrier3A = arith.constant 0 : index
    tpu.barrier barrier_id(%barrier3A)
    %scan3A_21 = arith.constant 0 : i32
    %scan3A_22 = arith.constant 0 : i32
    %scan3A_23 = arith.constant 78 : i32
    %scan3A_24 = arith.addi %scan3A_22, %scan3A_23 : i32
    %scan3A_25 = arith.constant 1 : i32
    %scan3A_26 = scf.for %scan3A_43 = %scan3A_22 to %scan3A_24 step %scan3A_25 iter_args(%scan3A_44 = %scan3A_21) -> (i32)  : i32 {
      %mul3A_45 = arith.constant 2 : i32
      %mul3A_46 = arith.muli %mul3A_45, %scan3A_43 : i32
      %add3A_47 = arith.constant 1 : i32
      %add3A_48 = arith.addi %mul3A_46, %add3A_47 : i32
      %mul3A_49 = arith.constant 64 : i32
      %mul3A_50 = arith.muli %add3A_48, %mul3A_49 : i32
      %dma_start3A_51 = tpu.memref_slice %arg6[%mul3A_50] : memref<10048xi32, #tpu.memory_space<vmem>> -> memref<64xi32, #tpu.memory_space<vmem>>
      %dma_start3A_52 = arith.constant 0 : i32
      %dma_start3A_53 = arith.constant 0 : i32
      %dma_start3A_54 = tpu.memref_slice %arg2[%dma_start3A_52, %dma_start3A_53] : memref<10000x128xf32, #tpu.memory_space<hbm>> -> memref<10000x128xf32, #tpu.memory_space<hbm>>
      tpu.enqueue_indirect_dma source(%dma_start3A_54 : memref<10000x128xf32, #tpu.memory_space<hbm>>) target(%arg9 : memref<64x128xf32, #tpu.memory_space<vmem>>) offsets(%dma_start3A_51 : memref<64xi32, #tpu.memory_space<vmem>>) semaphore(%arg12 : memref<!tpu.dma_semaphore, #tpu.memory_space<semaphore_mem>>)
      %mul3A_55 = arith.constant 64 : i32
      %mul3A_56 = arith.muli %mul3A_46, %mul3A_55 : i32
      %dma_wait3A_57 = tpu.memref_slice %arg6[%mul3A_56] : memref<10048xi32, #tpu.memory_space<vmem>> -> memref<64xi32, #tpu.memory_space<vmem>>
      %dma_wait3A_58 = arith.constant 0 : i32
      %dma_wait3A_59 = arith.constant 0 : i32
      %dma_wait3A_60 = tpu.memref_slice %arg2[%dma_wait3A_58, %dma_wait3A_59] : memref<10000x128xf32, #tpu.memory_space<hbm>> -> memref<10000x128xf32, #tpu.memory_space<hbm>>
      tpu.wait_indirect_dma semaphore(%arg11 : memref<!tpu.dma_semaphore, #tpu.memory_space<semaphore_mem>>) src(%dma_wait3A_60 : memref<10000x128xf32, #tpu.memory_space<hbm>>) dst(%arg8 : memref<64x128xf32, #tpu.memory_space<vmem>>)
      "tpu.region"() ({
        %run_scoped3A_80 = tpu.sem_alloc : memref<!tpu.dma_semaphore, #tpu.memory_space<semaphore_mem>>
        %dma_start3A_81 = arith.constant 0 : i32
        %dma_start3A_82 = tpu.memref_slice %arg7[%mul3A_46, %dma_start3A_81] : memref<157x64xi32, #tpu.memory_space<vmem>> -> memref<1x64xi32, #tpu.memory_space<vmem>>
        %dma_start3A_83 = tpu.memref_squeeze %dma_start3A_82 : memref<1x64xi32, #tpu.memory_space<vmem>> -> memref<64xi32, #tpu.memory_space<vmem>>
        %dma_start3A_84 = arith.constant 0 : i32
        %dma_start3A_85 = arith.constant 0 : i32
        %dma_start3A_86 = tpu.memref_slice %arg10[%dma_start3A_84, %dma_start3A_85] : memref<10008x128xf32, #tpu.memory_space<vmem_shared>> -> memref<10008x128xf32, #tpu.memory_space<vmem_shared>>
        tpu.enqueue_indirect_dma source(%arg8 : memref<64x128xf32, #tpu.memory_space<vmem>>) target(%dma_start3A_86 : memref<10008x128xf32, #tpu.memory_space<vmem_shared>>) offsets(%dma_start3A_83 : memref<64xi32, #tpu.memory_space<vmem>>) semaphore(%run_scoped3A_80 : memref<!tpu.dma_semaphore, #tpu.memory_space<semaphore_mem>>) {add = true}
        %dma_wait3A_87 = arith.constant 0 : i32
        %dma_wait3A_88 = tpu.memref_slice %arg7[%mul3A_46, %dma_wait3A_87] : memref<157x64xi32, #tpu.memory_space<vmem>> -> memref<1x64xi32, #tpu.memory_space<vmem>>
        %dma_wait3A_89 = tpu.memref_squeeze %dma_wait3A_88 : memref<1x64xi32, #tpu.memory_space<vmem>> -> memref<64xi32, #tpu.memory_space<vmem>>
        %dma_wait3A_90 = arith.constant 0 : i32
        %dma_wait3A_91 = arith.constant 0 : i32
        %dma_wait3A_92 = tpu.memref_slice %arg10[%dma_wait3A_90, %dma_wait3A_91] : memref<10008x128xf32, #tpu.memory_space<vmem_shared>> -> memref<10008x128xf32, #tpu.memory_space<vmem_shared>>
        tpu.wait_indirect_dma semaphore(%run_scoped3A_80 : memref<!tpu.dma_semaphore, #tpu.memory_space<semaphore_mem>>) src(%arg8 : memref<64x128xf32, #tpu.memory_space<vmem>>) dst(%dma_wait3A_92 : memref<10008x128xf32, #tpu.memory_space<vmem_shared>>)
        tpu.yield
      }) : () -> ()
      %add3A_61 = arith.constant 2 : i32
      %add3A_62 = arith.addi %mul3A_46, %add3A_61 : i32
      %mul3A_63 = arith.constant 64 : i32
      %mul3A_64 = arith.muli %add3A_62, %mul3A_63 : i32
      %dma_start3A_65 = tpu.memref_slice %arg6[%mul3A_64] : memref<10048xi32, #tpu.memory_space<vmem>> -> memref<64xi32, #tpu.memory_space<vmem>>
      %dma_start3A_66 = arith.constant 0 : i32
      %dma_start3A_67 = arith.constant 0 : i32
      %dma_start3A_68 = tpu.memref_slice %arg2[%dma_start3A_66, %dma_start3A_67] : memref<10000x128xf32, #tpu.memory_space<hbm>> -> memref<10000x128xf32, #tpu.memory_space<hbm>>
      tpu.enqueue_indirect_dma source(%dma_start3A_68 : memref<10000x128xf32, #tpu.memory_space<hbm>>) target(%arg8 : memref<64x128xf32, #tpu.memory_space<vmem>>) offsets(%dma_start3A_65 : memref<64xi32, #tpu.memory_space<vmem>>) semaphore(%arg11 : memref<!tpu.dma_semaphore, #tpu.memory_space<semaphore_mem>>)
      %add3A_69 = arith.constant 1 : i32
      %add3A_70 = arith.addi %mul3A_46, %add3A_69 : i32
      %mul3A_71 = arith.constant 64 : i32
      %mul3A_72 = arith.muli %add3A_70, %mul3A_71 : i32
      %dma_wait3A_73 = tpu.memref_slice %arg6[%mul3A_72] : memref<10048xi32, #tpu.memory_space<vmem>> -> memref<64xi32, #tpu.memory_space<vmem>>
      %dma_wait3A_74 = arith.constant 0 : i32
      %dma_wait3A_75 = arith.constant 0 : i32
      %dma_wait3A_76 = tpu.memref_slice %arg2[%dma_wait3A_74, %dma_wait3A_75] : memref<10000x128xf32, #tpu.memory_space<hbm>> -> memref<10000x128xf32, #tpu.memory_space<hbm>>
      tpu.wait_indirect_dma semaphore(%arg12 : memref<!tpu.dma_semaphore, #tpu.memory_space<semaphore_mem>>) src(%dma_wait3A_76 : memref<10000x128xf32, #tpu.memory_space<hbm>>) dst(%arg9 : memref<64x128xf32, #tpu.memory_space<vmem>>)
      %add3A_77 = arith.constant 1 : i32
      %add3A_78 = arith.addi %mul3A_46, %add3A_77 : i32
      "tpu.region"() ({
        %run_scoped3A_80 = tpu.sem_alloc : memref<!tpu.dma_semaphore, #tpu.memory_space<semaphore_mem>>
        %dma_start3A_81 = arith.constant 0 : i32
        %dma_start3A_82 = tpu.memref_slice %arg7[%add3A_78, %dma_start3A_81] : memref<157x64xi32, #tpu.memory_space<vmem>> -> memref<1x64xi32, #tpu.memory_space<vmem>>
        %dma_start3A_83 = tpu.memref_squeeze %dma_start3A_82 : memref<1x64xi32, #tpu.memory_space<vmem>> -> memref<64xi32, #tpu.memory_space<vmem>>
        %dma_start3A_84 = arith.constant 0 : i32
        %dma_start3A_85 = arith.constant 0 : i32
        %dma_start3A_86 = tpu.memref_slice %arg10[%dma_start3A_84, %dma_start3A_85] : memref<10008x128xf32, #tpu.memory_space<vmem_shared>> -> memref<10008x128xf32, #tpu.memory_space<vmem_shared>>
        tpu.enqueue_indirect_dma source(%arg9 : memref<64x128xf32, #tpu.memory_space<vmem>>) target(%dma_start3A_86 : memref<10008x128xf32, #tpu.memory_space<vmem_shared>>) offsets(%dma_start3A_83 : memref<64xi32, #tpu.memory_space<vmem>>) semaphore(%run_scoped3A_80 : memref<!tpu.dma_semaphore, #tpu.memory_space<semaphore_mem>>) {add = true}
        %dma_wait3A_87 = arith.constant 0 : i32
        %dma_wait3A_88 = tpu.memref_slice %arg7[%add3A_78, %dma_wait3A_87] : memref<157x64xi32, #tpu.memory_space<vmem>> -> memref<1x64xi32, #tpu.memory_space<vmem>>
        %dma_wait3A_89 = tpu.memref_squeeze %dma_wait3A_88 : memref<1x64xi32, #tpu.memory_space<vmem>> -> memref<64xi32, #tpu.memory_space<vmem>>
        %dma_wait3A_90 = arith.constant 0 : i32
        %dma_wait3A_91 = arith.constant 0 : i32
        %dma_wait3A_92 = tpu.memref_slice %arg10[%dma_wait3A_90, %dma_wait3A_91] : memref<10008x128xf32, #tpu.memory_space<vmem_shared>> -> memref<10008x128xf32, #tpu.memory_space<vmem_shared>>
        tpu.wait_indirect_dma semaphore(%run_scoped3A_80 : memref<!tpu.dma_semaphore, #tpu.memory_space<semaphore_mem>>) src(%arg9 : memref<64x128xf32, #tpu.memory_space<vmem>>) dst(%dma_wait3A_92 : memref<10008x128xf32, #tpu.memory_space<vmem_shared>>)
        tpu.yield
      }) : () -> ()
      %scan3A_79 = arith.constant 0 : i32
      scf.yield %scan3A_79 : i32
    }
    %scan3A_27 = arith.constant 78 : i32
    %dma_wait3A = arith.constant 9984 : i32
    %dma_wait3A_28 = tpu.memref_slice %arg6[%dma_wait3A] : memref<10048xi32, #tpu.memory_space<vmem>> -> memref<64xi32, #tpu.memory_space<vmem>>
    %dma_wait3A_29 = arith.constant 0 : i32
    %dma_wait3A_30 = arith.constant 0 : i32
    %dma_wait3A_31 = tpu.memref_slice %arg2[%dma_wait3A_29, %dma_wait3A_30] : memref<10000x128xf32, #tpu.memory_space<hbm>> -> memref<10000x128xf32, #tpu.memory_space<hbm>>
    tpu.wait_indirect_dma semaphore(%arg11 : memref<!tpu.dma_semaphore, #tpu.memory_space<semaphore_mem>>) src(%dma_wait3A_31 : memref<10000x128xf32, #tpu.memory_space<hbm>>) dst(%arg8 : memref<64x128xf32, #tpu.memory_space<vmem>>)
    %run_scoped3A = arith.constant 156 : i32
    "tpu.region"() ({
      %run_scoped3A_43 = tpu.sem_alloc : memref<!tpu.dma_semaphore, #tpu.memory_space<semaphore_mem>>
      %dma_start3A_44 = arith.constant 0 : i32
      %dma_start3A_45 = tpu.memref_slice %arg7[%run_scoped3A, %dma_start3A_44] : memref<157x64xi32, #tpu.memory_space<vmem>> -> memref<1x64xi32, #tpu.memory_space<vmem>>
      %dma_start3A_46 = tpu.memref_squeeze %dma_start3A_45 : memref<1x64xi32, #tpu.memory_space<vmem>> -> memref<64xi32, #tpu.memory_space<vmem>>
      %dma_start3A_47 = arith.constant 0 : i32
      %dma_start3A_48 = arith.constant 0 : i32
      %dma_start3A_49 = tpu.memref_slice %arg10[%dma_start3A_47, %dma_start3A_48] : memref<10008x128xf32, #tpu.memory_space<vmem_shared>> -> memref<10008x128xf32, #tpu.memory_space<vmem_shared>>
      tpu.enqueue_indirect_dma source(%arg8 : memref<64x128xf32, #tpu.memory_space<vmem>>) target(%dma_start3A_49 : memref<10008x128xf32, #tpu.memory_space<vmem_shared>>) offsets(%dma_start3A_46 : memref<64xi32, #tpu.memory_space<vmem>>) semaphore(%run_scoped3A_43 : memref<!tpu.dma_semaphore, #tpu.memory_space<semaphore_mem>>) {add = true}
      %dma_wait3A_50 = arith.constant 0 : i32
      %dma_wait3A_51 = tpu.memref_slice %arg7[%run_scoped3A, %dma_wait3A_50] : memref<157x64xi32, #tpu.memory_space<vmem>> -> memref<1x64xi32, #tpu.memory_space<vmem>>
      %dma_wait3A_52 = tpu.memref_squeeze %dma_wait3A_51 : memref<1x64xi32, #tpu.memory_space<vmem>> -> memref<64xi32, #tpu.memory_space<vmem>>
      %dma_wait3A_53 = arith.constant 0 : i32
      %dma_wait3A_54 = arith.constant 0 : i32
      %dma_wait3A_55 = tpu.memref_slice %arg10[%dma_wait3A_53, %dma_wait3A_54] : memref<10008x128xf32, #tpu.memory_space<vmem_shared>> -> memref<10008x128xf32, #tpu.memory_space<vmem_shared>>
      tpu.wait_indirect_dma semaphore(%run_scoped3A_43 : memref<!tpu.dma_semaphore, #tpu.memory_space<semaphore_mem>>) src(%arg8 : memref<64x128xf32, #tpu.memory_space<vmem>>) dst(%dma_wait3A_55 : memref<10008x128xf32, #tpu.memory_space<vmem_shared>>)
      tpu.yield
    }) : () -> ()
    %barrier3A_32 = arith.constant 0 : index
    tpu.barrier barrier_id(%barrier3A_32)
    %lt3A_33 = arith.constant 15 : i32
    %lt3A_34 = arith.cmpi slt, %arg1, %lt3A_33 : i32
    %convert_element_type3A_35 = arith.extui %lt3A_34 : i1 to i32
    %cond3A_36 = arith.constant 0 : i32
    %cond3A_37 = arith.cmpi ne, %convert_element_type3A_35, %cond3A_36 : i32
    scf.if %cond3A_37 {
      "tpu.region"() ({
        %run_scoped3A_43 = tpu.sem_alloc : memref<!tpu.dma_semaphore, #tpu.memory_space<semaphore_mem>>
        %dma_start3A_44 = arith.constant 0 : i32
        %dma_start3A_45 = tpu.memref_slice %arg5[%arg0, %mul3A_14, %dma_start3A_44] : memref<2x10000x128xf32, #tpu.memory_space<hbm>> -> memref<1x640x128xf32, #tpu.memory_space<hbm>>
        %dma_start3A_46 = tpu.memref_squeeze %dma_start3A_45 : memref<1x640x128xf32, #tpu.memory_space<hbm>> -> memref<640x128xf32, #tpu.memory_space<hbm>>
        %dma_start3A_47 = arith.constant 0 : i32
        %dma_start3A_48 = tpu.memref_slice %arg10[%mul3A_14, %dma_start3A_47] : memref<10008x128xf32, #tpu.memory_space<vmem_shared>> -> memref<640x128xf32, #tpu.memory_space<vmem_shared>>
        tpu.enqueue_dma source(%dma_start3A_48 : memref<640x128xf32, #tpu.memory_space<vmem_shared>>) target(%dma_start3A_46 : memref<640x128xf32, #tpu.memory_space<hbm>>) target_semaphore(%run_scoped3A_43 : memref<!tpu.dma_semaphore, #tpu.memory_space<semaphore_mem>>)
        %dma_wait3A_49 = arith.constant 0 : i32
        %dma_wait3A_50 = tpu.memref_slice %arg5[%arg0, %mul3A_14, %dma_wait3A_49] : memref<2x10000x128xf32, #tpu.memory_space<hbm>> -> memref<1x640x128xf32, #tpu.memory_space<hbm>>
        %dma_wait3A_51 = tpu.memref_squeeze %dma_wait3A_50 : memref<1x640x128xf32, #tpu.memory_space<hbm>> -> memref<640x128xf32, #tpu.memory_space<hbm>>
        %dma_wait3A_52 = arith.constant 0 : i32
        %dma_wait3A_53 = tpu.memref_slice %arg10[%mul3A_14, %dma_wait3A_52] : memref<10008x128xf32, #tpu.memory_space<vmem_shared>> -> memref<640x128xf32, #tpu.memory_space<vmem_shared>>
        tpu.wait_dma2 semaphore(%run_scoped3A_43 : memref<!tpu.dma_semaphore, #tpu.memory_space<semaphore_mem>>) src(%dma_wait3A_53 : memref<640x128xf32, #tpu.memory_space<vmem_shared>>) dst(%dma_wait3A_51 : memref<640x128xf32, #tpu.memory_space<hbm>>)
        tpu.yield
      }) : () -> ()
    } else {
    }
    %eq3A_38 = arith.constant 15 : i32
    %eq3A_39 = arith.cmpi eq, %arg1, %eq3A_38 : i32
    %convert_element_type3A_40 = arith.extui %eq3A_39 : i1 to i32
    %cond3A_41 = arith.constant 0 : i32
    %cond3A_42 = arith.cmpi ne, %convert_element_type3A_40, %cond3A_41 : i32
    scf.if %cond3A_42 {
      "tpu.region"() ({
        %run_scoped3A_43 = tpu.sem_alloc : memref<!tpu.dma_semaphore, #tpu.memory_space<semaphore_mem>>
        %dma_start3A_44 = arith.constant 0 : i32
        %dma_start3A_45 = tpu.memref_slice %arg5[%arg0, %mul3A_14, %dma_start3A_44] : memref<2x10000x128xf32, #tpu.memory_space<hbm>> -> memref<1x400x128xf32, #tpu.memory_space<hbm>>
        %dma_start3A_46 = tpu.memref_squeeze %dma_start3A_45 : memref<1x400x128xf32, #tpu.memory_space<hbm>> -> memref<400x128xf32, #tpu.memory_space<hbm>>
        %dma_start3A_47 = arith.constant 0 : i32
        %dma_start3A_48 = tpu.memref_slice %arg10[%mul3A_14, %dma_start3A_47] : memref<10008x128xf32, #tpu.memory_space<vmem_shared>> -> memref<400x128xf32, #tpu.memory_space<vmem_shared>>
        tpu.enqueue_dma source(%dma_start3A_48 : memref<400x128xf32, #tpu.memory_space<vmem_shared>>) target(%dma_start3A_46 : memref<400x128xf32, #tpu.memory_space<hbm>>) target_semaphore(%run_scoped3A_43 : memref<!tpu.dma_semaphore, #tpu.memory_space<semaphore_mem>>)
        %dma_wait3A_49 = arith.constant 0 : i32
        %dma_wait3A_50 = tpu.memref_slice %arg5[%arg0, %mul3A_14, %dma_wait3A_49] : memref<2x10000x128xf32, #tpu.memory_space<hbm>> -> memref<1x400x128xf32, #tpu.memory_space<hbm>>
        %dma_wait3A_51 = tpu.memref_squeeze %dma_wait3A_50 : memref<1x400x128xf32, #tpu.memory_space<hbm>> -> memref<400x128xf32, #tpu.memory_space<hbm>>
        %dma_wait3A_52 = arith.constant 0 : i32
        %dma_wait3A_53 = tpu.memref_slice %arg10[%mul3A_14, %dma_wait3A_52] : memref<10008x128xf32, #tpu.memory_space<vmem_shared>> -> memref<400x128xf32, #tpu.memory_space<vmem_shared>>
        tpu.wait_dma2 semaphore(%run_scoped3A_43 : memref<!tpu.dma_semaphore, #tpu.memory_space<semaphore_mem>>) src(%dma_wait3A_53 : memref<400x128xf32, #tpu.memory_space<vmem_shared>>) dst(%dma_wait3A_51 : memref<400x128xf32, #tpu.memory_space<hbm>>)
        tpu.yield
      }) : () -> ()
    } else {
    }
    return
  }
}

#map = affine_map<(d0, d1) -> (0)>
module attributes {stable_mosaic.version = 14 : i64} {
  func.func @k(%arg0: i32, %arg1: i32, %arg2: memref<320000xi32, #tpu.memory_space<hbm>>, %arg3: memref<320000xi32, #tpu.memory_space<hbm>>, %arg4: memref<10240xf32, #tpu.memory_space<hbm>>, %arg5: memref<10240xf32, #tpu.memory_space<hbm>>, %arg6: memref<20000xi32, #tpu.memory_space<vmem>>, %arg7: memref<10240xf32, #tpu.memory_space<vmem>>, %arg8: memref<16x640xf32, #tpu.memory_space<vmem>>, %arg9: memref<640xf32, #tpu.memory_space<vmem>>, %arg10: memref<16x10240xf32, #tpu.memory_space<vmem_shared>>) attributes {dimension_semantics = [#tpu.dimension_semantics<core_parallel>, #tpu.dimension_semantics<subcore_parallel>], iteration_bounds = array<i64: 2, 16>, scalar_prefetch = 0 : i64, scratch_operands = 5 : i64, tpu.core_type = #tpu.core_type<sc_vector_subcore>, window_params = [{transform_indices = #map}, {transform_indices = #map}, {transform_indices = #map}, {transform_indices = #map}]} {
    %mul3A = arith.constant 640 : i32
    %mul3A_0 = arith.muli %arg1, %mul3A : i32
    %eq3A = arith.constant 0 : i32
    %eq3A_1 = arith.cmpi eq, %arg0, %eq3A : i32
    %convert_element_type3A = arith.extui %eq3A_1 : i1 to i32
    %cond3A = arith.constant 0 : i32
    %cond3A_2 = arith.cmpi ne, %convert_element_type3A, %cond3A : i32
    scf.if %cond3A_2 {
      %mul3A_8 = arith.constant 20000 : i32
      %mul3A_9 = arith.muli %arg1, %mul3A_8 : i32
      "tpu.region"() ({
        %run_scoped3A = tpu.sem_alloc : memref<!tpu.dma_semaphore, #tpu.memory_space<semaphore_mem>>
        %dma_start3A = tpu.memref_slice %arg2[%mul3A_9] : memref<320000xi32, #tpu.memory_space<hbm>> -> memref<20000xi32, #tpu.memory_space<hbm>>
        %dma_start3A_30 = tpu.memref_slice %arg2[%mul3A_9] : memref<320000xi32, #tpu.memory_space<hbm>> -> memref<20000xi32, #tpu.memory_space<hbm>>
        tpu.enqueue_dma source(%dma_start3A_30 : memref<20000xi32, #tpu.memory_space<hbm>>) target(%arg6 : memref<20000xi32, #tpu.memory_space<vmem>>) target_semaphore(%run_scoped3A : memref<!tpu.dma_semaphore, #tpu.memory_space<semaphore_mem>>)
        %dma_wait3A = tpu.memref_slice %arg2[%mul3A_9] : memref<320000xi32, #tpu.memory_space<hbm>> -> memref<20000xi32, #tpu.memory_space<hbm>>
        %dma_wait3A_31 = tpu.memref_slice %arg2[%mul3A_9] : memref<320000xi32, #tpu.memory_space<hbm>> -> memref<20000xi32, #tpu.memory_space<hbm>>
        tpu.wait_dma2 semaphore(%run_scoped3A : memref<!tpu.dma_semaphore, #tpu.memory_space<semaphore_mem>>) src(%dma_wait3A_31 : memref<20000xi32, #tpu.memory_space<hbm>>) dst(%arg6 : memref<20000xi32, #tpu.memory_space<vmem>>)
        tpu.yield
      }) : () -> ()
      %scan3A = arith.constant 0 : i32
      %scan3A_10 = arith.constant 0 : i32
      %scan3A_11 = arith.constant 640 : i32
      %scan3A_12 = arith.addi %scan3A_10, %scan3A_11 : i32
      %scan3A_13 = arith.constant 1 : i32
      %scan3A_14 = scf.for %scan3A_30 = %scan3A_10 to %scan3A_12 step %scan3A_13 iter_args(%scan3A_31 = %scan3A) -> (i32)  : i32 {
        %broadcast_in_dim3A = arith.constant 0.000000e+00 : f32
        %broadcast_in_dim3A_32 = vector.broadcast %broadcast_in_dim3A : f32 to vector<16xf32>
        %mul3A_33 = arith.constant 16 : i32
        %mul3A_34 = arith.muli %scan3A_30, %mul3A_33 : i32
        %swap3A = arith.index_cast %mul3A_34 : i32 to index
        %swap3A_35 = tpu.vector_load %arg7[%swap3A] {strides = array<i32>} : memref<10240xf32, #tpu.memory_space<vmem>>, vector<16xf32>,
        tpu.vector_store %arg7[%swap3A], %broadcast_in_dim3A_32 {strides = array<i32>} : memref<10240xf32, #tpu.memory_space<vmem>>, vector<16xf32>,
        %scan3A_36 = arith.constant 0 : i32
        scf.yield %scan3A_36 : i32
      }
      %scan3A_15 = arith.constant 640 : i32
      %scan3A_16 = arith.constant 0 : i32
      %scan3A_17 = arith.constant 0 : i32
      %scan3A_18 = arith.constant 1250 : i32
      %scan3A_19 = arith.addi %scan3A_17, %scan3A_18 : i32
      %scan3A_20 = arith.constant 1 : i32
      %scan3A_21 = scf.for %scan3A_30 = %scan3A_17 to %scan3A_19 step %scan3A_20 iter_args(%scan3A_31 = %scan3A_16) -> (i32)  : i32 {
        %mul3A_32 = arith.constant 16 : i32
        %mul3A_33 = arith.muli %scan3A_30, %mul3A_32 : i32
        %get3A = arith.index_cast %mul3A_33 : i32 to index
        %get3A_34 = tpu.vector_load %arg6[%get3A] {strides = array<i32>} : memref<20000xi32, #tpu.memory_space<vmem>>, vector<16xi32>,
        %broadcast_in_dim3A = arith.constant 1.000000e+00 : f32
        %broadcast_in_dim3A_35 = vector.broadcast %broadcast_in_dim3A : f32 to vector<16xf32>
        tpu.vector_store_idx %arg7[%get3A_34], %broadcast_in_dim3A_35 {add = true} : memref<10240xf32, #tpu.memory_space<vmem>>[vector<16xi32>], vector<16xf32>,
        %scan3A_36 = arith.constant 0 : i32
        scf.yield %scan3A_36 : i32
      }
      %scan3A_22 = arith.constant 1250 : i32
      "tpu.region"() ({
        %run_scoped3A = tpu.sem_alloc : memref<!tpu.dma_semaphore, #tpu.memory_space<semaphore_mem>>
        %dma_start3A = arith.constant 0 : i32
        %dma_start3A_30 = tpu.memref_slice %arg10[%arg1, %dma_start3A] : memref<16x10240xf32, #tpu.memory_space<vmem_shared>> -> memref<1x10240xf32, #tpu.memory_space<vmem_shared>>
        %dma_start3A_31 = tpu.memref_squeeze %dma_start3A_30 : memref<1x10240xf32, #tpu.memory_space<vmem_shared>> -> memref<10240xf32, #tpu.memory_space<vmem_shared>>
        %dma_start3A_32 = arith.constant 0 : i32
        %dma_start3A_33 = tpu.memref_slice %arg10[%arg1, %dma_start3A_32] : memref<16x10240xf32, #tpu.memory_space<vmem_shared>> -> memref<1x10240xf32, #tpu.memory_space<vmem_shared>>
        %dma_start3A_34 = tpu.memref_squeeze %dma_start3A_33 : memref<1x10240xf32, #tpu.memory_space<vmem_shared>> -> memref<10240xf32, #tpu.memory_space<vmem_shared>>
        tpu.enqueue_dma source(%arg7 : memref<10240xf32, #tpu.memory_space<vmem>>) target(%dma_start3A_34 : memref<10240xf32, #tpu.memory_space<vmem_shared>>) target_semaphore(%run_scoped3A : memref<!tpu.dma_semaphore, #tpu.memory_space<semaphore_mem>>)
        %dma_wait3A = arith.constant 0 : i32
        %dma_wait3A_35 = tpu.memref_slice %arg10[%arg1, %dma_wait3A] : memref<16x10240xf32, #tpu.memory_space<vmem_shared>> -> memref<1x10240xf32, #tpu.memory_space<vmem_shared>>
        %dma_wait3A_36 = tpu.memref_squeeze %dma_wait3A_35 : memref<1x10240xf32, #tpu.memory_space<vmem_shared>> -> memref<10240xf32, #tpu.memory_space<vmem_shared>>
        %dma_wait3A_37 = arith.constant 0 : i32
        %dma_wait3A_38 = tpu.memref_slice %arg10[%arg1, %dma_wait3A_37] : memref<16x10240xf32, #tpu.memory_space<vmem_shared>> -> memref<1x10240xf32, #tpu.memory_space<vmem_shared>>
        %dma_wait3A_39 = tpu.memref_squeeze %dma_wait3A_38 : memref<1x10240xf32, #tpu.memory_space<vmem_shared>> -> memref<10240xf32, #tpu.memory_space<vmem_shared>>
        tpu.wait_dma2 semaphore(%run_scoped3A : memref<!tpu.dma_semaphore, #tpu.memory_space<semaphore_mem>>) src(%arg7 : memref<10240xf32, #tpu.memory_space<vmem>>) dst(%dma_wait3A_39 : memref<10240xf32, #tpu.memory_space<vmem_shared>>)
        tpu.yield
      }) : () -> ()
      %barrier3A = arith.constant 0 : index
      tpu.barrier barrier_id(%barrier3A)
      "tpu.region"() ({
        %run_scoped3A = tpu.sem_alloc : memref<!tpu.dma_semaphore, #tpu.memory_space<semaphore_mem>>
        %dma_start3A = arith.constant 0 : i32
        %dma_start3A_30 = tpu.memref_slice %arg10[%dma_start3A, %mul3A_0] : memref<16x10240xf32, #tpu.memory_space<vmem_shared>> -> memref<16x640xf32, #tpu.memory_space<vmem_shared>>
        %dma_start3A_31 = arith.constant 0 : i32
        %dma_start3A_32 = tpu.memref_slice %arg10[%dma_start3A_31, %mul3A_0] : memref<16x10240xf32, #tpu.memory_space<vmem_shared>> -> memref<16x640xf32, #tpu.memory_space<vmem_shared>>
        tpu.enqueue_dma source(%dma_start3A_32 : memref<16x640xf32, #tpu.memory_space<vmem_shared>>) target(%arg8 : memref<16x640xf32, #tpu.memory_space<vmem>>) target_semaphore(%run_scoped3A : memref<!tpu.dma_semaphore, #tpu.memory_space<semaphore_mem>>)
        %dma_wait3A = arith.constant 0 : i32
        %dma_wait3A_33 = tpu.memref_slice %arg10[%dma_wait3A, %mul3A_0] : memref<16x10240xf32, #tpu.memory_space<vmem_shared>> -> memref<16x640xf32, #tpu.memory_space<vmem_shared>>
        %dma_wait3A_34 = arith.constant 0 : i32
        %dma_wait3A_35 = tpu.memref_slice %arg10[%dma_wait3A_34, %mul3A_0] : memref<16x10240xf32, #tpu.memory_space<vmem_shared>> -> memref<16x640xf32, #tpu.memory_space<vmem_shared>>
        tpu.wait_dma2 semaphore(%run_scoped3A : memref<!tpu.dma_semaphore, #tpu.memory_space<semaphore_mem>>) src(%dma_wait3A_35 : memref<16x640xf32, #tpu.memory_space<vmem_shared>>) dst(%arg8 : memref<16x640xf32, #tpu.memory_space<vmem>>)
        tpu.yield
      }) : () -> ()
      %scan3A_23 = arith.constant 0 : i32
      %scan3A_24 = arith.constant 0 : i32
      %scan3A_25 = arith.constant 40 : i32
      %scan3A_26 = arith.addi %scan3A_24, %scan3A_25 : i32
      %scan3A_27 = arith.constant 1 : i32
      %scan3A_28 = scf.for %scan3A_30 = %scan3A_24 to %scan3A_26 step %scan3A_27 iter_args(%scan3A_31 = %scan3A_23) -> (i32)  : i32 {
        %mul3A_32 = arith.constant 16 : i32
        %mul3A_33 = arith.muli %scan3A_30, %mul3A_32 : i32
        %get3A = arith.constant 0 : i32
        %get3A_34 = arith.index_cast %get3A : i32 to index
        %get3A_35 = arith.index_cast %mul3A_33 : i32 to index
        %get3A_36 = tpu.vector_load %arg8[%get3A_34, %get3A_35] {strides = array<i32>} : memref<16x640xf32, #tpu.memory_space<vmem>>, vector<16xf32>,
        %mul3A_37 = arith.constant 16 : i32
        %mul3A_38 = arith.muli %scan3A_30, %mul3A_37 : i32
        %get3A_39 = arith.constant 1 : i32
        %get3A_40 = arith.index_cast %get3A_39 : i32 to index
        %get3A_41 = arith.index_cast %mul3A_38 : i32 to index
        %get3A_42 = tpu.vector_load %arg8[%get3A_40, %get3A_41] {strides = array<i32>} : memref<16x640xf32, #tpu.memory_space<vmem>>, vector<16xf32>,
        %add3A = arith.addf %get3A_36, %get3A_42 : vector<16xf32>
        %mul3A_43 = arith.constant 16 : i32
        %mul3A_44 = arith.muli %scan3A_30, %mul3A_43 : i32
        %get3A_45 = arith.constant 2 : i32
        %get3A_46 = arith.index_cast %get3A_45 : i32 to index
        %get3A_47 = arith.index_cast %mul3A_44 : i32 to index
        %get3A_48 = tpu.vector_load %arg8[%get3A_46, %get3A_47] {strides = array<i32>} : memref<16x640xf32, #tpu.memory_space<vmem>>, vector<16xf32>,
        %add3A_49 = arith.addf %add3A, %get3A_48 : vector<16xf32>
        %mul3A_50 = arith.constant 16 : i32
        %mul3A_51 = arith.muli %scan3A_30, %mul3A_50 : i32
        %get3A_52 = arith.constant 3 : i32
        %get3A_53 = arith.index_cast %get3A_52 : i32 to index
        %get3A_54 = arith.index_cast %mul3A_51 : i32 to index
        %get3A_55 = tpu.vector_load %arg8[%get3A_53, %get3A_54] {strides = array<i32>} : memref<16x640xf32, #tpu.memory_space<vmem>>, vector<16xf32>,
        %add3A_56 = arith.addf %add3A_49, %get3A_55 : vector<16xf32>
        %mul3A_57 = arith.constant 16 : i32
        %mul3A_58 = arith.muli %scan3A_30, %mul3A_57 : i32
        %get3A_59 = arith.constant 4 : i32
        %get3A_60 = arith.index_cast %get3A_59 : i32 to index
        %get3A_61 = arith.index_cast %mul3A_58 : i32 to index
        %get3A_62 = tpu.vector_load %arg8[%get3A_60, %get3A_61] {strides = array<i32>} : memref<16x640xf32, #tpu.memory_space<vmem>>, vector<16xf32>,
        %add3A_63 = arith.addf %add3A_56, %get3A_62 : vector<16xf32>
        %mul3A_64 = arith.constant 16 : i32
        %mul3A_65 = arith.muli %scan3A_30, %mul3A_64 : i32
        %get3A_66 = arith.constant 5 : i32
        %get3A_67 = arith.index_cast %get3A_66 : i32 to index
        %get3A_68 = arith.index_cast %mul3A_65 : i32 to index
        %get3A_69 = tpu.vector_load %arg8[%get3A_67, %get3A_68] {strides = array<i32>} : memref<16x640xf32, #tpu.memory_space<vmem>>, vector<16xf32>,
        %add3A_70 = arith.addf %add3A_63, %get3A_69 : vector<16xf32>
        %mul3A_71 = arith.constant 16 : i32
        %mul3A_72 = arith.muli %scan3A_30, %mul3A_71 : i32
        %get3A_73 = arith.constant 6 : i32
        %get3A_74 = arith.index_cast %get3A_73 : i32 to index
        %get3A_75 = arith.index_cast %mul3A_72 : i32 to index
        %get3A_76 = tpu.vector_load %arg8[%get3A_74, %get3A_75] {strides = array<i32>} : memref<16x640xf32, #tpu.memory_space<vmem>>, vector<16xf32>,
        %add3A_77 = arith.addf %add3A_70, %get3A_76 : vector<16xf32>
        %mul3A_78 = arith.constant 16 : i32
        %mul3A_79 = arith.muli %scan3A_30, %mul3A_78 : i32
        %get3A_80 = arith.constant 7 : i32
        %get3A_81 = arith.index_cast %get3A_80 : i32 to index
        %get3A_82 = arith.index_cast %mul3A_79 : i32 to index
        %get3A_83 = tpu.vector_load %arg8[%get3A_81, %get3A_82] {strides = array<i32>} : memref<16x640xf32, #tpu.memory_space<vmem>>, vector<16xf32>,
        %add3A_84 = arith.addf %add3A_77, %get3A_83 : vector<16xf32>
        %mul3A_85 = arith.constant 16 : i32
        %mul3A_86 = arith.muli %scan3A_30, %mul3A_85 : i32
        %get3A_87 = arith.constant 8 : i32
        %get3A_88 = arith.index_cast %get3A_87 : i32 to index
        %get3A_89 = arith.index_cast %mul3A_86 : i32 to index
        %get3A_90 = tpu.vector_load %arg8[%get3A_88, %get3A_89] {strides = array<i32>} : memref<16x640xf32, #tpu.memory_space<vmem>>, vector<16xf32>,
        %add3A_91 = arith.addf %add3A_84, %get3A_90 : vector<16xf32>
        %mul3A_92 = arith.constant 16 : i32
        %mul3A_93 = arith.muli %scan3A_30, %mul3A_92 : i32
        %get3A_94 = arith.constant 9 : i32
        %get3A_95 = arith.index_cast %get3A_94 : i32 to index
        %get3A_96 = arith.index_cast %mul3A_93 : i32 to index
        %get3A_97 = tpu.vector_load %arg8[%get3A_95, %get3A_96] {strides = array<i32>} : memref<16x640xf32, #tpu.memory_space<vmem>>, vector<16xf32>,
        %add3A_98 = arith.addf %add3A_91, %get3A_97 : vector<16xf32>
        %mul3A_99 = arith.constant 16 : i32
        %mul3A_100 = arith.muli %scan3A_30, %mul3A_99 : i32
        %get3A_101 = arith.constant 10 : i32
        %get3A_102 = arith.index_cast %get3A_101 : i32 to index
        %get3A_103 = arith.index_cast %mul3A_100 : i32 to index
        %get3A_104 = tpu.vector_load %arg8[%get3A_102, %get3A_103] {strides = array<i32>} : memref<16x640xf32, #tpu.memory_space<vmem>>, vector<16xf32>,
        %add3A_105 = arith.addf %add3A_98, %get3A_104 : vector<16xf32>
        %mul3A_106 = arith.constant 16 : i32
        %mul3A_107 = arith.muli %scan3A_30, %mul3A_106 : i32
        %get3A_108 = arith.constant 11 : i32
        %get3A_109 = arith.index_cast %get3A_108 : i32 to index
        %get3A_110 = arith.index_cast %mul3A_107 : i32 to index
        %get3A_111 = tpu.vector_load %arg8[%get3A_109, %get3A_110] {strides = array<i32>} : memref<16x640xf32, #tpu.memory_space<vmem>>, vector<16xf32>,
        %add3A_112 = arith.addf %add3A_105, %get3A_111 : vector<16xf32>
        %mul3A_113 = arith.constant 16 : i32
        %mul3A_114 = arith.muli %scan3A_30, %mul3A_113 : i32
        %get3A_115 = arith.constant 12 : i32
        %get3A_116 = arith.index_cast %get3A_115 : i32 to index
        %get3A_117 = arith.index_cast %mul3A_114 : i32 to index
        %get3A_118 = tpu.vector_load %arg8[%get3A_116, %get3A_117] {strides = array<i32>} : memref<16x640xf32, #tpu.memory_space<vmem>>, vector<16xf32>,
        %add3A_119 = arith.addf %add3A_112, %get3A_118 : vector<16xf32>
        %mul3A_120 = arith.constant 16 : i32
        %mul3A_121 = arith.muli %scan3A_30, %mul3A_120 : i32
        %get3A_122 = arith.constant 13 : i32
        %get3A_123 = arith.index_cast %get3A_122 : i32 to index
        %get3A_124 = arith.index_cast %mul3A_121 : i32 to index
        %get3A_125 = tpu.vector_load %arg8[%get3A_123, %get3A_124] {strides = array<i32>} : memref<16x640xf32, #tpu.memory_space<vmem>>, vector<16xf32>,
        %add3A_126 = arith.addf %add3A_119, %get3A_125 : vector<16xf32>
        %mul3A_127 = arith.constant 16 : i32
        %mul3A_128 = arith.muli %scan3A_30, %mul3A_127 : i32
        %get3A_129 = arith.constant 14 : i32
        %get3A_130 = arith.index_cast %get3A_129 : i32 to index
        %get3A_131 = arith.index_cast %mul3A_128 : i32 to index
        %get3A_132 = tpu.vector_load %arg8[%get3A_130, %get3A_131] {strides = array<i32>} : memref<16x640xf32, #tpu.memory_space<vmem>>, vector<16xf32>,
        %add3A_133 = arith.addf %add3A_126, %get3A_132 : vector<16xf32>
        %mul3A_134 = arith.constant 16 : i32
        %mul3A_135 = arith.muli %scan3A_30, %mul3A_134 : i32
        %get3A_136 = arith.constant 15 : i32
        %get3A_137 = arith.index_cast %get3A_136 : i32 to index
        %get3A_138 = arith.index_cast %mul3A_135 : i32 to index
        %get3A_139 = tpu.vector_load %arg8[%get3A_137, %get3A_138] {strides = array<i32>} : memref<16x640xf32, #tpu.memory_space<vmem>>, vector<16xf32>,
        %add3A_140 = arith.addf %add3A_133, %get3A_139 : vector<16xf32>
        %max3A = arith.constant 1.000000e+00 : f32
        %max3A_141 = vector.broadcast %max3A : f32 to vector<16xf32>
        %max3A_142 = arith.maximumf %add3A_140, %max3A_141 : vector<16xf32>
        %bitcast3A = vector.bitcast %max3A_142 : vector<16xf32> to vector<16xi32>
        %shift_right_arithmetic3A = arith.constant 1 : i32
        %shift_right_arithmetic3A_143 = vector.broadcast %shift_right_arithmetic3A : i32 to vector<16xi32>
        %shift_right_arithmetic3A_144 = arith.shrsi %bitcast3A, %shift_right_arithmetic3A_143 : vector<16xi32>
        %sub3A = arith.constant 1597463007 : i32
        %sub3A_145 = vector.broadcast %sub3A : i32 to vector<16xi32>
        %sub3A_146 = arith.subi %sub3A_145, %shift_right_arithmetic3A_144 : vector<16xi32>
        %bitcast3A_147 = vector.bitcast %sub3A_146 : vector<16xi32> to vector<16xf32>
        %mul3A_148 = arith.constant 5.000000e-01 : f32
        %mul3A_149 = vector.broadcast %mul3A_148 : f32 to vector<16xf32>
        %mul3A_150 = arith.mulf %mul3A_149, %max3A_142 : vector<16xf32>
        %mul3A_151 = arith.mulf %mul3A_150, %bitcast3A_147 : vector<16xf32>
        %mul3A_152 = arith.mulf %mul3A_151, %bitcast3A_147 : vector<16xf32>
        %sub3A_153 = arith.constant 1.500000e+00 : f32
        %sub3A_154 = vector.broadcast %sub3A_153 : f32 to vector<16xf32>
        %sub3A_155 = arith.subf %sub3A_154, %mul3A_152 : vector<16xf32>
        %mul3A_156 = arith.mulf %bitcast3A_147, %sub3A_155 : vector<16xf32>
        %mul3A_157 = arith.constant 5.000000e-01 : f32
        %mul3A_158 = vector.broadcast %mul3A_157 : f32 to vector<16xf32>
        %mul3A_159 = arith.mulf %mul3A_158, %max3A_142 : vector<16xf32>
        %mul3A_160 = arith.mulf %mul3A_159, %mul3A_156 : vector<16xf32>
        %mul3A_161 = arith.mulf %mul3A_160, %mul3A_156 : vector<16xf32>
        %sub3A_162 = arith.constant 1.500000e+00 : f32
        %sub3A_163 = vector.broadcast %sub3A_162 : f32 to vector<16xf32>
        %sub3A_164 = arith.subf %sub3A_163, %mul3A_161 : vector<16xf32>
        %mul3A_165 = arith.mulf %mul3A_156, %sub3A_164 : vector<16xf32>
        %mul3A_166 = arith.constant 5.000000e-01 : f32
        %mul3A_167 = vector.broadcast %mul3A_166 : f32 to vector<16xf32>
        %mul3A_168 = arith.mulf %mul3A_167, %max3A_142 : vector<16xf32>
        %mul3A_169 = arith.mulf %mul3A_168, %mul3A_165 : vector<16xf32>
        %mul3A_170 = arith.mulf %mul3A_169, %mul3A_165 : vector<16xf32>
        %sub3A_171 = arith.constant 1.500000e+00 : f32
        %sub3A_172 = vector.broadcast %sub3A_171 : f32 to vector<16xf32>
        %sub3A_173 = arith.subf %sub3A_172, %mul3A_170 : vector<16xf32>
        %mul3A_174 = arith.mulf %mul3A_165, %sub3A_173 : vector<16xf32>
        %mul3A_175 = arith.constant 16 : i32
        %mul3A_176 = arith.muli %scan3A_30, %mul3A_175 : i32
        %swap3A = arith.index_cast %mul3A_176 : i32 to index
        %swap3A_177 = tpu.vector_load %arg9[%swap3A] {strides = array<i32>} : memref<640xf32, #tpu.memory_space<vmem>>, vector<16xf32>,
        tpu.vector_store %arg9[%swap3A], %mul3A_174 {strides = array<i32>} : memref<640xf32, #tpu.memory_space<vmem>>, vector<16xf32>,
        %scan3A_178 = arith.constant 0 : i32
        scf.yield %scan3A_178 : i32
      }
      %scan3A_29 = arith.constant 40 : i32
      "tpu.region"() ({
        %run_scoped3A = tpu.sem_alloc : memref<!tpu.dma_semaphore, #tpu.memory_space<semaphore_mem>>
        %dma_start3A = tpu.memref_slice %arg4[%mul3A_0] : memref<10240xf32, #tpu.memory_space<hbm>> -> memref<640xf32, #tpu.memory_space<hbm>>
        %dma_start3A_30 = tpu.memref_slice %arg4[%mul3A_0] : memref<10240xf32, #tpu.memory_space<hbm>> -> memref<640xf32, #tpu.memory_space<hbm>>
        tpu.enqueue_dma source(%arg9 : memref<640xf32, #tpu.memory_space<vmem>>) target(%dma_start3A_30 : memref<640xf32, #tpu.memory_space<hbm>>) target_semaphore(%run_scoped3A : memref<!tpu.dma_semaphore, #tpu.memory_space<semaphore_mem>>)
        %dma_wait3A = tpu.memref_slice %arg4[%mul3A_0] : memref<10240xf32, #tpu.memory_space<hbm>> -> memref<640xf32, #tpu.memory_space<hbm>>
        %dma_wait3A_31 = tpu.memref_slice %arg4[%mul3A_0] : memref<10240xf32, #tpu.memory_space<hbm>> -> memref<640xf32, #tpu.memory_space<hbm>>
        tpu.wait_dma2 semaphore(%run_scoped3A : memref<!tpu.dma_semaphore, #tpu.memory_space<semaphore_mem>>) src(%arg9 : memref<640xf32, #tpu.memory_space<vmem>>) dst(%dma_wait3A_31 : memref<640xf32, #tpu.memory_space<hbm>>)
        tpu.yield
      }) : () -> ()
    } else {
    }
    %eq3A_3 = arith.constant 1 : i32
    %eq3A_4 = arith.cmpi eq, %arg0, %eq3A_3 : i32
    %convert_element_type3A_5 = arith.extui %eq3A_4 : i1 to i32
    %cond3A_6 = arith.constant 0 : i32
    %cond3A_7 = arith.cmpi ne, %convert_element_type3A_5, %cond3A_6 : i32
    scf.if %cond3A_7 {
      %mul3A_8 = arith.constant 20000 : i32
      %mul3A_9 = arith.muli %arg1, %mul3A_8 : i32
      "tpu.region"() ({
        %run_scoped3A = tpu.sem_alloc : memref<!tpu.dma_semaphore, #tpu.memory_space<semaphore_mem>>
        %dma_start3A = tpu.memref_slice %arg3[%mul3A_9] : memref<320000xi32, #tpu.memory_space<hbm>> -> memref<20000xi32, #tpu.memory_space<hbm>>
        %dma_start3A_30 = tpu.memref_slice %arg3[%mul3A_9] : memref<320000xi32, #tpu.memory_space<hbm>> -> memref<20000xi32, #tpu.memory_space<hbm>>
        tpu.enqueue_dma source(%dma_start3A_30 : memref<20000xi32, #tpu.memory_space<hbm>>) target(%arg6 : memref<20000xi32, #tpu.memory_space<vmem>>) target_semaphore(%run_scoped3A : memref<!tpu.dma_semaphore, #tpu.memory_space<semaphore_mem>>)
        %dma_wait3A = tpu.memref_slice %arg3[%mul3A_9] : memref<320000xi32, #tpu.memory_space<hbm>> -> memref<20000xi32, #tpu.memory_space<hbm>>
        %dma_wait3A_31 = tpu.memref_slice %arg3[%mul3A_9] : memref<320000xi32, #tpu.memory_space<hbm>> -> memref<20000xi32, #tpu.memory_space<hbm>>
        tpu.wait_dma2 semaphore(%run_scoped3A : memref<!tpu.dma_semaphore, #tpu.memory_space<semaphore_mem>>) src(%dma_wait3A_31 : memref<20000xi32, #tpu.memory_space<hbm>>) dst(%arg6 : memref<20000xi32, #tpu.memory_space<vmem>>)
        tpu.yield
      }) : () -> ()
      %scan3A = arith.constant 0 : i32
      %scan3A_10 = arith.constant 0 : i32
      %scan3A_11 = arith.constant 640 : i32
      %scan3A_12 = arith.addi %scan3A_10, %scan3A_11 : i32
      %scan3A_13 = arith.constant 1 : i32
      %scan3A_14 = scf.for %scan3A_30 = %scan3A_10 to %scan3A_12 step %scan3A_13 iter_args(%scan3A_31 = %scan3A) -> (i32)  : i32 {
        %broadcast_in_dim3A = arith.constant 0.000000e+00 : f32
        %broadcast_in_dim3A_32 = vector.broadcast %broadcast_in_dim3A : f32 to vector<16xf32>
        %mul3A_33 = arith.constant 16 : i32
        %mul3A_34 = arith.muli %scan3A_30, %mul3A_33 : i32
        %swap3A = arith.index_cast %mul3A_34 : i32 to index
        %swap3A_35 = tpu.vector_load %arg7[%swap3A] {strides = array<i32>} : memref<10240xf32, #tpu.memory_space<vmem>>, vector<16xf32>,
        tpu.vector_store %arg7[%swap3A], %broadcast_in_dim3A_32 {strides = array<i32>} : memref<10240xf32, #tpu.memory_space<vmem>>, vector<16xf32>,
        %scan3A_36 = arith.constant 0 : i32
        scf.yield %scan3A_36 : i32
      }
      %scan3A_15 = arith.constant 640 : i32
      %scan3A_16 = arith.constant 0 : i32
      %scan3A_17 = arith.constant 0 : i32
      %scan3A_18 = arith.constant 1250 : i32
      %scan3A_19 = arith.addi %scan3A_17, %scan3A_18 : i32
      %scan3A_20 = arith.constant 1 : i32
      %scan3A_21 = scf.for %scan3A_30 = %scan3A_17 to %scan3A_19 step %scan3A_20 iter_args(%scan3A_31 = %scan3A_16) -> (i32)  : i32 {
        %mul3A_32 = arith.constant 16 : i32
        %mul3A_33 = arith.muli %scan3A_30, %mul3A_32 : i32
        %get3A = arith.index_cast %mul3A_33 : i32 to index
        %get3A_34 = tpu.vector_load %arg6[%get3A] {strides = array<i32>} : memref<20000xi32, #tpu.memory_space<vmem>>, vector<16xi32>,
        %broadcast_in_dim3A = arith.constant 1.000000e+00 : f32
        %broadcast_in_dim3A_35 = vector.broadcast %broadcast_in_dim3A : f32 to vector<16xf32>
        tpu.vector_store_idx %arg7[%get3A_34], %broadcast_in_dim3A_35 {add = true} : memref<10240xf32, #tpu.memory_space<vmem>>[vector<16xi32>], vector<16xf32>,
        %scan3A_36 = arith.constant 0 : i32
        scf.yield %scan3A_36 : i32
      }
      %scan3A_22 = arith.constant 1250 : i32
      "tpu.region"() ({
        %run_scoped3A = tpu.sem_alloc : memref<!tpu.dma_semaphore, #tpu.memory_space<semaphore_mem>>
        %dma_start3A = arith.constant 0 : i32
        %dma_start3A_30 = tpu.memref_slice %arg10[%arg1, %dma_start3A] : memref<16x10240xf32, #tpu.memory_space<vmem_shared>> -> memref<1x10240xf32, #tpu.memory_space<vmem_shared>>
        %dma_start3A_31 = tpu.memref_squeeze %dma_start3A_30 : memref<1x10240xf32, #tpu.memory_space<vmem_shared>> -> memref<10240xf32, #tpu.memory_space<vmem_shared>>
        %dma_start3A_32 = arith.constant 0 : i32
        %dma_start3A_33 = tpu.memref_slice %arg10[%arg1, %dma_start3A_32] : memref<16x10240xf32, #tpu.memory_space<vmem_shared>> -> memref<1x10240xf32, #tpu.memory_space<vmem_shared>>
        %dma_start3A_34 = tpu.memref_squeeze %dma_start3A_33 : memref<1x10240xf32, #tpu.memory_space<vmem_shared>> -> memref<10240xf32, #tpu.memory_space<vmem_shared>>
        tpu.enqueue_dma source(%arg7 : memref<10240xf32, #tpu.memory_space<vmem>>) target(%dma_start3A_34 : memref<10240xf32, #tpu.memory_space<vmem_shared>>) target_semaphore(%run_scoped3A : memref<!tpu.dma_semaphore, #tpu.memory_space<semaphore_mem>>)
        %dma_wait3A = arith.constant 0 : i32
        %dma_wait3A_35 = tpu.memref_slice %arg10[%arg1, %dma_wait3A] : memref<16x10240xf32, #tpu.memory_space<vmem_shared>> -> memref<1x10240xf32, #tpu.memory_space<vmem_shared>>
        %dma_wait3A_36 = tpu.memref_squeeze %dma_wait3A_35 : memref<1x10240xf32, #tpu.memory_space<vmem_shared>> -> memref<10240xf32, #tpu.memory_space<vmem_shared>>
        %dma_wait3A_37 = arith.constant 0 : i32
        %dma_wait3A_38 = tpu.memref_slice %arg10[%arg1, %dma_wait3A_37] : memref<16x10240xf32, #tpu.memory_space<vmem_shared>> -> memref<1x10240xf32, #tpu.memory_space<vmem_shared>>
        %dma_wait3A_39 = tpu.memref_squeeze %dma_wait3A_38 : memref<1x10240xf32, #tpu.memory_space<vmem_shared>> -> memref<10240xf32, #tpu.memory_space<vmem_shared>>
        tpu.wait_dma2 semaphore(%run_scoped3A : memref<!tpu.dma_semaphore, #tpu.memory_space<semaphore_mem>>) src(%arg7 : memref<10240xf32, #tpu.memory_space<vmem>>) dst(%dma_wait3A_39 : memref<10240xf32, #tpu.memory_space<vmem_shared>>)
        tpu.yield
      }) : () -> ()
      %barrier3A = arith.constant 0 : index
      tpu.barrier barrier_id(%barrier3A)
      "tpu.region"() ({
        %run_scoped3A = tpu.sem_alloc : memref<!tpu.dma_semaphore, #tpu.memory_space<semaphore_mem>>
        %dma_start3A = arith.constant 0 : i32
        %dma_start3A_30 = tpu.memref_slice %arg10[%dma_start3A, %mul3A_0] : memref<16x10240xf32, #tpu.memory_space<vmem_shared>> -> memref<16x640xf32, #tpu.memory_space<vmem_shared>>
        %dma_start3A_31 = arith.constant 0 : i32
        %dma_start3A_32 = tpu.memref_slice %arg10[%dma_start3A_31, %mul3A_0] : memref<16x10240xf32, #tpu.memory_space<vmem_shared>> -> memref<16x640xf32, #tpu.memory_space<vmem_shared>>
        tpu.enqueue_dma source(%dma_start3A_32 : memref<16x640xf32, #tpu.memory_space<vmem_shared>>) target(%arg8 : memref<16x640xf32, #tpu.memory_space<vmem>>) target_semaphore(%run_scoped3A : memref<!tpu.dma_semaphore, #tpu.memory_space<semaphore_mem>>)
        %dma_wait3A = arith.constant 0 : i32
        %dma_wait3A_33 = tpu.memref_slice %arg10[%dma_wait3A, %mul3A_0] : memref<16x10240xf32, #tpu.memory_space<vmem_shared>> -> memref<16x640xf32, #tpu.memory_space<vmem_shared>>
        %dma_wait3A_34 = arith.constant 0 : i32
        %dma_wait3A_35 = tpu.memref_slice %arg10[%dma_wait3A_34, %mul3A_0] : memref<16x10240xf32, #tpu.memory_space<vmem_shared>> -> memref<16x640xf32, #tpu.memory_space<vmem_shared>>
        tpu.wait_dma2 semaphore(%run_scoped3A : memref<!tpu.dma_semaphore, #tpu.memory_space<semaphore_mem>>) src(%dma_wait3A_35 : memref<16x640xf32, #tpu.memory_space<vmem_shared>>) dst(%arg8 : memref<16x640xf32, #tpu.memory_space<vmem>>)
        tpu.yield
      }) : () -> ()
      %scan3A_23 = arith.constant 0 : i32
      %scan3A_24 = arith.constant 0 : i32
      %scan3A_25 = arith.constant 40 : i32
      %scan3A_26 = arith.addi %scan3A_24, %scan3A_25 : i32
      %scan3A_27 = arith.constant 1 : i32
      %scan3A_28 = scf.for %scan3A_30 = %scan3A_24 to %scan3A_26 step %scan3A_27 iter_args(%scan3A_31 = %scan3A_23) -> (i32)  : i32 {
        %mul3A_32 = arith.constant 16 : i32
        %mul3A_33 = arith.muli %scan3A_30, %mul3A_32 : i32
        %get3A = arith.constant 0 : i32
        %get3A_34 = arith.index_cast %get3A : i32 to index
        %get3A_35 = arith.index_cast %mul3A_33 : i32 to index
        %get3A_36 = tpu.vector_load %arg8[%get3A_34, %get3A_35] {strides = array<i32>} : memref<16x640xf32, #tpu.memory_space<vmem>>, vector<16xf32>,
        %mul3A_37 = arith.constant 16 : i32
        %mul3A_38 = arith.muli %scan3A_30, %mul3A_37 : i32
        %get3A_39 = arith.constant 1 : i32
        %get3A_40 = arith.index_cast %get3A_39 : i32 to index
        %get3A_41 = arith.index_cast %mul3A_38 : i32 to index
        %get3A_42 = tpu.vector_load %arg8[%get3A_40, %get3A_41] {strides = array<i32>} : memref<16x640xf32, #tpu.memory_space<vmem>>, vector<16xf32>,
        %add3A = arith.addf %get3A_36, %get3A_42 : vector<16xf32>
        %mul3A_43 = arith.constant 16 : i32
        %mul3A_44 = arith.muli %scan3A_30, %mul3A_43 : i32
        %get3A_45 = arith.constant 2 : i32
        %get3A_46 = arith.index_cast %get3A_45 : i32 to index
        %get3A_47 = arith.index_cast %mul3A_44 : i32 to index
        %get3A_48 = tpu.vector_load %arg8[%get3A_46, %get3A_47] {strides = array<i32>} : memref<16x640xf32, #tpu.memory_space<vmem>>, vector<16xf32>,
        %add3A_49 = arith.addf %add3A, %get3A_48 : vector<16xf32>
        %mul3A_50 = arith.constant 16 : i32
        %mul3A_51 = arith.muli %scan3A_30, %mul3A_50 : i32
        %get3A_52 = arith.constant 3 : i32
        %get3A_53 = arith.index_cast %get3A_52 : i32 to index
        %get3A_54 = arith.index_cast %mul3A_51 : i32 to index
        %get3A_55 = tpu.vector_load %arg8[%get3A_53, %get3A_54] {strides = array<i32>} : memref<16x640xf32, #tpu.memory_space<vmem>>, vector<16xf32>,
        %add3A_56 = arith.addf %add3A_49, %get3A_55 : vector<16xf32>
        %mul3A_57 = arith.constant 16 : i32
        %mul3A_58 = arith.muli %scan3A_30, %mul3A_57 : i32
        %get3A_59 = arith.constant 4 : i32
        %get3A_60 = arith.index_cast %get3A_59 : i32 to index
        %get3A_61 = arith.index_cast %mul3A_58 : i32 to index
        %get3A_62 = tpu.vector_load %arg8[%get3A_60, %get3A_61] {strides = array<i32>} : memref<16x640xf32, #tpu.memory_space<vmem>>, vector<16xf32>,
        %add3A_63 = arith.addf %add3A_56, %get3A_62 : vector<16xf32>
        %mul3A_64 = arith.constant 16 : i32
        %mul3A_65 = arith.muli %scan3A_30, %mul3A_64 : i32
        %get3A_66 = arith.constant 5 : i32
        %get3A_67 = arith.index_cast %get3A_66 : i32 to index
        %get3A_68 = arith.index_cast %mul3A_65 : i32 to index
        %get3A_69 = tpu.vector_load %arg8[%get3A_67, %get3A_68] {strides = array<i32>} : memref<16x640xf32, #tpu.memory_space<vmem>>, vector<16xf32>,
        %add3A_70 = arith.addf %add3A_63, %get3A_69 : vector<16xf32>
        %mul3A_71 = arith.constant 16 : i32
        %mul3A_72 = arith.muli %scan3A_30, %mul3A_71 : i32
        %get3A_73 = arith.constant 6 : i32
        %get3A_74 = arith.index_cast %get3A_73 : i32 to index
        %get3A_75 = arith.index_cast %mul3A_72 : i32 to index
        %get3A_76 = tpu.vector_load %arg8[%get3A_74, %get3A_75] {strides = array<i32>} : memref<16x640xf32, #tpu.memory_space<vmem>>, vector<16xf32>,
        %add3A_77 = arith.addf %add3A_70, %get3A_76 : vector<16xf32>
        %mul3A_78 = arith.constant 16 : i32
        %mul3A_79 = arith.muli %scan3A_30, %mul3A_78 : i32
        %get3A_80 = arith.constant 7 : i32
        %get3A_81 = arith.index_cast %get3A_80 : i32 to index
        %get3A_82 = arith.index_cast %mul3A_79 : i32 to index
        %get3A_83 = tpu.vector_load %arg8[%get3A_81, %get3A_82] {strides = array<i32>} : memref<16x640xf32, #tpu.memory_space<vmem>>, vector<16xf32>,
        %add3A_84 = arith.addf %add3A_77, %get3A_83 : vector<16xf32>
        %mul3A_85 = arith.constant 16 : i32
        %mul3A_86 = arith.muli %scan3A_30, %mul3A_85 : i32
        %get3A_87 = arith.constant 8 : i32
        %get3A_88 = arith.index_cast %get3A_87 : i32 to index
        %get3A_89 = arith.index_cast %mul3A_86 : i32 to index
        %get3A_90 = tpu.vector_load %arg8[%get3A_88, %get3A_89] {strides = array<i32>} : memref<16x640xf32, #tpu.memory_space<vmem>>, vector<16xf32>,
        %add3A_91 = arith.addf %add3A_84, %get3A_90 : vector<16xf32>
        %mul3A_92 = arith.constant 16 : i32
        %mul3A_93 = arith.muli %scan3A_30, %mul3A_92 : i32
        %get3A_94 = arith.constant 9 : i32
        %get3A_95 = arith.index_cast %get3A_94 : i32 to index
        %get3A_96 = arith.index_cast %mul3A_93 : i32 to index
        %get3A_97 = tpu.vector_load %arg8[%get3A_95, %get3A_96] {strides = array<i32>} : memref<16x640xf32, #tpu.memory_space<vmem>>, vector<16xf32>,
        %add3A_98 = arith.addf %add3A_91, %get3A_97 : vector<16xf32>
        %mul3A_99 = arith.constant 16 : i32
        %mul3A_100 = arith.muli %scan3A_30, %mul3A_99 : i32
        %get3A_101 = arith.constant 10 : i32
        %get3A_102 = arith.index_cast %get3A_101 : i32 to index
        %get3A_103 = arith.index_cast %mul3A_100 : i32 to index
        %get3A_104 = tpu.vector_load %arg8[%get3A_102, %get3A_103] {strides = array<i32>} : memref<16x640xf32, #tpu.memory_space<vmem>>, vector<16xf32>,
        %add3A_105 = arith.addf %add3A_98, %get3A_104 : vector<16xf32>
        %mul3A_106 = arith.constant 16 : i32
        %mul3A_107 = arith.muli %scan3A_30, %mul3A_106 : i32
        %get3A_108 = arith.constant 11 : i32
        %get3A_109 = arith.index_cast %get3A_108 : i32 to index
        %get3A_110 = arith.index_cast %mul3A_107 : i32 to index
        %get3A_111 = tpu.vector_load %arg8[%get3A_109, %get3A_110] {strides = array<i32>} : memref<16x640xf32, #tpu.memory_space<vmem>>, vector<16xf32>,
        %add3A_112 = arith.addf %add3A_105, %get3A_111 : vector<16xf32>
        %mul3A_113 = arith.constant 16 : i32
        %mul3A_114 = arith.muli %scan3A_30, %mul3A_113 : i32
        %get3A_115 = arith.constant 12 : i32
        %get3A_116 = arith.index_cast %get3A_115 : i32 to index
        %get3A_117 = arith.index_cast %mul3A_114 : i32 to index
        %get3A_118 = tpu.vector_load %arg8[%get3A_116, %get3A_117] {strides = array<i32>} : memref<16x640xf32, #tpu.memory_space<vmem>>, vector<16xf32>,
        %add3A_119 = arith.addf %add3A_112, %get3A_118 : vector<16xf32>
        %mul3A_120 = arith.constant 16 : i32
        %mul3A_121 = arith.muli %scan3A_30, %mul3A_120 : i32
        %get3A_122 = arith.constant 13 : i32
        %get3A_123 = arith.index_cast %get3A_122 : i32 to index
        %get3A_124 = arith.index_cast %mul3A_121 : i32 to index
        %get3A_125 = tpu.vector_load %arg8[%get3A_123, %get3A_124] {strides = array<i32>} : memref<16x640xf32, #tpu.memory_space<vmem>>, vector<16xf32>,
        %add3A_126 = arith.addf %add3A_119, %get3A_125 : vector<16xf32>
        %mul3A_127 = arith.constant 16 : i32
        %mul3A_128 = arith.muli %scan3A_30, %mul3A_127 : i32
        %get3A_129 = arith.constant 14 : i32
        %get3A_130 = arith.index_cast %get3A_129 : i32 to index
        %get3A_131 = arith.index_cast %mul3A_128 : i32 to index
        %get3A_132 = tpu.vector_load %arg8[%get3A_130, %get3A_131] {strides = array<i32>} : memref<16x640xf32, #tpu.memory_space<vmem>>, vector<16xf32>,
        %add3A_133 = arith.addf %add3A_126, %get3A_132 : vector<16xf32>
        %mul3A_134 = arith.constant 16 : i32
        %mul3A_135 = arith.muli %scan3A_30, %mul3A_134 : i32
        %get3A_136 = arith.constant 15 : i32
        %get3A_137 = arith.index_cast %get3A_136 : i32 to index
        %get3A_138 = arith.index_cast %mul3A_135 : i32 to index
        %get3A_139 = tpu.vector_load %arg8[%get3A_137, %get3A_138] {strides = array<i32>} : memref<16x640xf32, #tpu.memory_space<vmem>>, vector<16xf32>,
        %add3A_140 = arith.addf %add3A_133, %get3A_139 : vector<16xf32>
        %max3A = arith.constant 1.000000e+00 : f32
        %max3A_141 = vector.broadcast %max3A : f32 to vector<16xf32>
        %max3A_142 = arith.maximumf %add3A_140, %max3A_141 : vector<16xf32>
        %bitcast3A = vector.bitcast %max3A_142 : vector<16xf32> to vector<16xi32>
        %shift_right_arithmetic3A = arith.constant 1 : i32
        %shift_right_arithmetic3A_143 = vector.broadcast %shift_right_arithmetic3A : i32 to vector<16xi32>
        %shift_right_arithmetic3A_144 = arith.shrsi %bitcast3A, %shift_right_arithmetic3A_143 : vector<16xi32>
        %sub3A = arith.constant 1597463007 : i32
        %sub3A_145 = vector.broadcast %sub3A : i32 to vector<16xi32>
        %sub3A_146 = arith.subi %sub3A_145, %shift_right_arithmetic3A_144 : vector<16xi32>
        %bitcast3A_147 = vector.bitcast %sub3A_146 : vector<16xi32> to vector<16xf32>
        %mul3A_148 = arith.constant 5.000000e-01 : f32
        %mul3A_149 = vector.broadcast %mul3A_148 : f32 to vector<16xf32>
        %mul3A_150 = arith.mulf %mul3A_149, %max3A_142 : vector<16xf32>
        %mul3A_151 = arith.mulf %mul3A_150, %bitcast3A_147 : vector<16xf32>
        %mul3A_152 = arith.mulf %mul3A_151, %bitcast3A_147 : vector<16xf32>
        %sub3A_153 = arith.constant 1.500000e+00 : f32
        %sub3A_154 = vector.broadcast %sub3A_153 : f32 to vector<16xf32>
        %sub3A_155 = arith.subf %sub3A_154, %mul3A_152 : vector<16xf32>
        %mul3A_156 = arith.mulf %bitcast3A_147, %sub3A_155 : vector<16xf32>
        %mul3A_157 = arith.constant 5.000000e-01 : f32
        %mul3A_158 = vector.broadcast %mul3A_157 : f32 to vector<16xf32>
        %mul3A_159 = arith.mulf %mul3A_158, %max3A_142 : vector<16xf32>
        %mul3A_160 = arith.mulf %mul3A_159, %mul3A_156 : vector<16xf32>
        %mul3A_161 = arith.mulf %mul3A_160, %mul3A_156 : vector<16xf32>
        %sub3A_162 = arith.constant 1.500000e+00 : f32
        %sub3A_163 = vector.broadcast %sub3A_162 : f32 to vector<16xf32>
        %sub3A_164 = arith.subf %sub3A_163, %mul3A_161 : vector<16xf32>
        %mul3A_165 = arith.mulf %mul3A_156, %sub3A_164 : vector<16xf32>
        %mul3A_166 = arith.constant 5.000000e-01 : f32
        %mul3A_167 = vector.broadcast %mul3A_166 : f32 to vector<16xf32>
        %mul3A_168 = arith.mulf %mul3A_167, %max3A_142 : vector<16xf32>
        %mul3A_169 = arith.mulf %mul3A_168, %mul3A_165 : vector<16xf32>
        %mul3A_170 = arith.mulf %mul3A_169, %mul3A_165 : vector<16xf32>
        %sub3A_171 = arith.constant 1.500000e+00 : f32
        %sub3A_172 = vector.broadcast %sub3A_171 : f32 to vector<16xf32>
        %sub3A_173 = arith.subf %sub3A_172, %mul3A_170 : vector<16xf32>
        %mul3A_174 = arith.mulf %mul3A_165, %sub3A_173 : vector<16xf32>
        %mul3A_175 = arith.constant 16 : i32
        %mul3A_176 = arith.muli %scan3A_30, %mul3A_175 : i32
        %swap3A = arith.index_cast %mul3A_176 : i32 to index
        %swap3A_177 = tpu.vector_load %arg9[%swap3A] {strides = array<i32>} : memref<640xf32, #tpu.memory_space<vmem>>, vector<16xf32>,
        tpu.vector_store %arg9[%swap3A], %mul3A_174 {strides = array<i32>} : memref<640xf32, #tpu.memory_space<vmem>>, vector<16xf32>,
        %scan3A_178 = arith.constant 0 : i32
        scf.yield %scan3A_178 : i32
      }
      %scan3A_29 = arith.constant 40 : i32
      "tpu.region"() ({
        %run_scoped3A = tpu.sem_alloc : memref<!tpu.dma_semaphore, #tpu.memory_space<semaphore_mem>>
        %dma_start3A = tpu.memref_slice %arg5[%mul3A_0] : memref<10240xf32, #tpu.memory_space<hbm>> -> memref<640xf32, #tpu.memory_space<hbm>>
        %dma_start3A_30 = tpu.memref_slice %arg5[%mul3A_0] : memref<10240xf32, #tpu.memory_space<hbm>> -> memref<640xf32, #tpu.memory_space<hbm>>
        tpu.enqueue_dma source(%arg9 : memref<640xf32, #tpu.memory_space<vmem>>) target(%dma_start3A_30 : memref<640xf32, #tpu.memory_space<hbm>>) target_semaphore(%run_scoped3A : memref<!tpu.dma_semaphore, #tpu.memory_space<semaphore_mem>>)
        %dma_wait3A = tpu.memref_slice %arg5[%mul3A_0] : memref<10240xf32, #tpu.memory_space<hbm>> -> memref<640xf32, #tpu.memory_space<hbm>>
        %dma_wait3A_31 = tpu.memref_slice %arg5[%mul3A_0] : memref<10240xf32, #tpu.memory_space<hbm>> -> memref<640xf32, #tpu.memory_space<hbm>>
        tpu.wait_dma2 semaphore(%run_scoped3A : memref<!tpu.dma_semaphore, #tpu.memory_space<semaphore_mem>>) src(%arg9 : memref<640xf32, #tpu.memory_space<vmem>>) dst(%dma_wait3A_31 : memref<640xf32, #tpu.memory_space<hbm>>)
        tpu.yield
      }) : () -> ()
    } else {
    }
    return
  }
}

#map = affine_map<(d0, d1) -> (0, 0)>
#map1 = affine_map<(d0, d1) -> (0)>
#map2 = affine_map<(d0, d1) -> (0, 0, 0)>
module attributes {stable_mosaic.version = 14 : i64} {
  func.func @k(%arg0: i32, %arg1: i32, %arg2: memref<10000x128xf32, #tpu.memory_space<hbm>>, %arg3: memref<321536xi32, #tpu.memory_space<hbm>>, %arg4: memref<32x157x64xi32, #tpu.memory_space<hbm>>, %arg5: memref<2x10000x128xf32, #tpu.memory_space<hbm>>, %arg6: memref<10048xi32, #tpu.memory_space<vmem>>, %arg7: memref<157x64xi32, #tpu.memory_space<vmem>>, %arg8: memref<64x128xf32, #tpu.memory_space<vmem>>, %arg9: memref<64x128xf32, #tpu.memory_space<vmem>>, %arg10: memref<10008x128xf32, #tpu.memory_space<vmem_shared>>, %arg11: memref<!tpu.dma_semaphore, #tpu.memory_space<semaphore_mem>>, %arg12: memref<!tpu.dma_semaphore, #tpu.memory_space<semaphore_mem>>) attributes {dimension_semantics = [#tpu.dimension_semantics<core_parallel>, #tpu.dimension_semantics<subcore_parallel>], iteration_bounds = array<i64: 2, 16>, scalar_prefetch = 0 : i64, scratch_operands = 7 : i64, tpu.core_type = #tpu.core_type<sc_vector_subcore>, window_params = [{transform_indices = #map}, {transform_indices = #map1}, {transform_indices = #map2}, {transform_indices = #map2}]} {
    %mul3A = arith.constant 16 : i32
    %mul3A_0 = arith.muli %arg0, %mul3A : i32
    %add3A = arith.addi %mul3A_0, %arg1 : i32
    %mul3A_1 = arith.constant 10048 : i32
    %mul3A_2 = arith.muli %add3A, %mul3A_1 : i32
    "tpu.region"() ({
      %run_scoped3A_43 = tpu.sem_alloc : memref<!tpu.dma_semaphore, #tpu.memory_space<semaphore_mem>>
      %dma_start3A_44 = tpu.memref_slice %arg3[%mul3A_2] : memref<321536xi32, #tpu.memory_space<hbm>> -> memref<10048xi32, #tpu.memory_space<hbm>>
      %dma_start3A_45 = tpu.memref_slice %arg3[%mul3A_2] : memref<321536xi32, #tpu.memory_space<hbm>> -> memref<10048xi32, #tpu.memory_space<hbm>>
      tpu.enqueue_dma source(%dma_start3A_45 : memref<10048xi32, #tpu.memory_space<hbm>>) target(%arg6 : memref<10048xi32, #tpu.memory_space<vmem>>) target_semaphore(%run_scoped3A_43 : memref<!tpu.dma_semaphore, #tpu.memory_space<semaphore_mem>>)
      %dma_wait3A_46 = tpu.memref_slice %arg3[%mul3A_2] : memref<321536xi32, #tpu.memory_space<hbm>> -> memref<10048xi32, #tpu.memory_space<hbm>>
      %dma_wait3A_47 = tpu.memref_slice %arg3[%mul3A_2] : memref<321536xi32, #tpu.memory_space<hbm>> -> memref<10048xi32, #tpu.memory_space<hbm>>
      tpu.wait_dma2 semaphore(%run_scoped3A_43 : memref<!tpu.dma_semaphore, #tpu.memory_space<semaphore_mem>>) src(%dma_wait3A_47 : memref<10048xi32, #tpu.memory_space<hbm>>) dst(%arg6 : memref<10048xi32, #tpu.memory_space<vmem>>)
      tpu.yield
    }) : () -> ()
    "tpu.region"() ({
      %run_scoped3A_43 = tpu.sem_alloc : memref<!tpu.dma_semaphore, #tpu.memory_space<semaphore_mem>>
      %dma_start3A_44 = arith.constant 0 : i32
      %dma_start3A_45 = arith.constant 0 : i32
      %dma_start3A_46 = tpu.memref_slice %arg4[%add3A, %dma_start3A_44, %dma_start3A_45] : memref<32x157x64xi32, #tpu.memory_space<hbm>> -> memref<1x157x64xi32, #tpu.memory_space<hbm>>
      %dma_start3A_47 = tpu.memref_squeeze %dma_start3A_46 : memref<1x157x64xi32, #tpu.memory_space<hbm>> -> memref<157x64xi32, #tpu.memory_space<hbm>>
      %dma_start3A_48 = arith.constant 0 : i32
      %dma_start3A_49 = arith.constant 0 : i32
      %dma_start3A_50 = tpu.memref_slice %arg4[%add3A, %dma_start3A_48, %dma_start3A_49] : memref<32x157x64xi32, #tpu.memory_space<hbm>> -> memref<1x157x64xi32, #tpu.memory_space<hbm>>
      %dma_start3A_51 = tpu.memref_squeeze %dma_start3A_50 : memref<1x157x64xi32, #tpu.memory_space<hbm>> -> memref<157x64xi32, #tpu.memory_space<hbm>>
      tpu.enqueue_dma source(%dma_start3A_51 : memref<157x64xi32, #tpu.memory_space<hbm>>) target(%arg7 : memref<157x64xi32, #tpu.memory_space<vmem>>) target_semaphore(%run_scoped3A_43 : memref<!tpu.dma_semaphore, #tpu.memory_space<semaphore_mem>>)
      %dma_wait3A_52 = arith.constant 0 : i32
      %dma_wait3A_53 = arith.constant 0 : i32
      %dma_wait3A_54 = tpu.memref_slice %arg4[%add3A, %dma_wait3A_52, %dma_wait3A_53] : memref<32x157x64xi32, #tpu.memory_space<hbm>> -> memref<1x157x64xi32, #tpu.memory_space<hbm>>
      %dma_wait3A_55 = tpu.memref_squeeze %dma_wait3A_54 : memref<1x157x64xi32, #tpu.memory_space<hbm>> -> memref<157x64xi32, #tpu.memory_space<hbm>>
      %dma_wait3A_56 = arith.constant 0 : i32
      %dma_wait3A_57 = arith.constant 0 : i32
      %dma_wait3A_58 = tpu.memref_slice %arg4[%add3A, %dma_wait3A_56, %dma_wait3A_57] : memref<32x157x64xi32, #tpu.memory_space<hbm>> -> memref<1x157x64xi32, #tpu.memory_space<hbm>>
      %dma_wait3A_59 = tpu.memref_squeeze %dma_wait3A_58 : memref<1x157x64xi32, #tpu.memory_space<hbm>> -> memref<157x64xi32, #tpu.memory_space<hbm>>
      tpu.wait_dma2 semaphore(%run_scoped3A_43 : memref<!tpu.dma_semaphore, #tpu.memory_space<semaphore_mem>>) src(%dma_wait3A_59 : memref<157x64xi32, #tpu.memory_space<hbm>>) dst(%arg7 : memref<157x64xi32, #tpu.memory_space<vmem>>)
      tpu.yield
    }) : () -> ()
    %dma_start3A = arith.constant 0 : i32
    %dma_start3A_3 = tpu.memref_slice %arg6[%dma_start3A] : memref<10048xi32, #tpu.memory_space<vmem>> -> memref<64xi32, #tpu.memory_space<vmem>>
    %dma_start3A_4 = arith.constant 0 : i32
    %dma_start3A_5 = arith.constant 0 : i32
    %dma_start3A_6 = tpu.memref_slice %arg2[%dma_start3A_4, %dma_start3A_5] : memref<10000x128xf32, #tpu.memory_space<hbm>> -> memref<10000x128xf32, #tpu.memory_space<hbm>>
    tpu.enqueue_indirect_dma source(%dma_start3A_6 : memref<10000x128xf32, #tpu.memory_space<hbm>>) target(%arg8 : memref<64x128xf32, #tpu.memory_space<vmem>>) offsets(%dma_start3A_3 : memref<64xi32, #tpu.memory_space<vmem>>) semaphore(%arg11 : memref<!tpu.dma_semaphore, #tpu.memory_space<semaphore_mem>>)
    %scan3A = arith.constant 0 : i32
    %scan3A_7 = arith.constant 0 : i32
    %scan3A_8 = arith.constant 320 : i32
    %scan3A_9 = arith.addi %scan3A_7, %scan3A_8 : i32
    %scan3A_10 = arith.constant 1 : i32
    %scan3A_11 = scf.for %scan3A_43 = %scan3A_7 to %scan3A_9 step %scan3A_10 iter_args(%scan3A_44 = %scan3A) -> (i32)  : i32 {
      %broadcast_in_dim3A = arith.constant 0.000000e+00 : f32
      %broadcast_in_dim3A_45 = vector.broadcast %broadcast_in_dim3A : f32 to vector<16xf32>
      %jit3A = arith.constant 8 : i32
      %div3A = arith.divsi %scan3A_43, %jit3A : i32
      %sign3A = arith.constant 0 : i32
      %sign3A_46 = arith.cmpi sgt, %scan3A_43, %sign3A : i32
      %sign3A_47 = arith.extui %sign3A_46 : i1 to i32
      %sign3A_48 = arith.constant 0 : i32
      %sign3A_49 = arith.cmpi slt, %scan3A_43, %sign3A_48 : i32
      %sign3A_50 = arith.extui %sign3A_49 : i1 to i32
      %sign3A_51 = arith.subi %sign3A_47, %sign3A_50 : i32
      %sign3A_52 = arith.constant 0 : i32
      %sign3A_53 = arith.cmpi sgt, %jit3A, %sign3A_52 : i32
      %sign3A_54 = arith.extui %sign3A_53 : i1 to i32
      %sign3A_55 = arith.constant 0 : i32
      %sign3A_56 = arith.cmpi slt, %jit3A, %sign3A_55 : i32
      %sign3A_57 = arith.extui %sign3A_56 : i1 to i32
      %sign3A_58 = arith.subi %sign3A_54, %sign3A_57 : i32
      %ne3A = arith.cmpi ne, %sign3A_51, %sign3A_58 : i32
      %rem3A = arith.remsi %scan3A_43, %jit3A : i32
      %ne3A_59 = arith.constant 0 : i32
      %ne3A_60 = arith.cmpi ne, %rem3A, %ne3A_59 : i32
      %and3A = arith.andi %ne3A, %ne3A_60 : i1
      %sub3A = arith.constant 1 : i32
      %sub3A_61 = arith.subi %div3A, %sub3A : i32
      %select_n3A = arith.select %and3A, %sub3A_61, %div3A : i32
      %jit3A_62 = arith.constant 8 : i32
      %eq3A_63 = arith.constant 0 : i32
      %eq3A_64 = arith.cmpi eq, %jit3A_62, %eq3A_63 : i32
      %jit3A_65 = arith.constant 1 : i32
      %select_n3A_66 = arith.select %eq3A_64, %jit3A_65, %jit3A_62 : i32
      %rem3A_67 = arith.remsi %scan3A_43, %select_n3A_66 : i32
      %ne3A_68 = arith.constant 0 : i32
      %ne3A_69 = arith.cmpi ne, %rem3A_67, %ne3A_68 : i32
      %lt3A_70 = arith.constant 0 : i32
      %lt3A_71 = arith.cmpi slt, %rem3A_67, %lt3A_70 : i32
      %lt3A_72 = arith.constant 0 : i32
      %lt3A_73 = arith.cmpi slt, %select_n3A_66, %lt3A_72 : i32
      %ne3A_74 = arith.xori %lt3A_71, %lt3A_73 : i1
      %and3A_75 = arith.andi %ne3A_74, %ne3A_69 : i1
      %add3A_76 = arith.addi %rem3A_67, %select_n3A_66 : i32
      %select_n3A_77 = arith.select %and3A_75, %add3A_76, %rem3A_67 : i32
      %mul3A_78 = arith.constant 16 : i32
      %mul3A_79 = arith.muli %select_n3A_77, %mul3A_78 : i32
      %swap3A = arith.index_cast %select_n3A : i32 to index
      %swap3A_80 = arith.index_cast %mul3A_79 : i32 to index
      %swap3A_81 = tpu.vector_load %arg9[%swap3A, %swap3A_80] {strides = array<i32>} : memref<64x128xf32, #tpu.memory_space<vmem>>, vector<16xf32>,
      tpu.vector_store %arg9[%swap3A, %swap3A_80], %broadcast_in_dim3A_45 {strides = array<i32>} : memref<64x128xf32, #tpu.memory_space<vmem>>, vector<16xf32>,
      %scan3A_82 = arith.constant 0 : i32
      scf.yield %scan3A_82 : i32
    }
    %scan3A_12 = arith.constant 320 : i32
    %mul3A_13 = arith.constant 640 : i32
    %mul3A_14 = arith.muli %arg1, %mul3A_13 : i32
    %lt3A = arith.constant 15 : i32
    %lt3A_15 = arith.cmpi slt, %arg1, %lt3A : i32
    %convert_element_type3A = arith.extui %lt3A_15 : i1 to i32
    %cond3A = arith.constant 0 : i32
    %cond3A_16 = arith.cmpi ne, %convert_element_type3A, %cond3A : i32
    scf.if %cond3A_16 {
      %add3A_43 = arith.constant 0 : i32
      %add3A_44 = arith.addi %mul3A_14, %add3A_43 : i32
      "tpu.region"() ({
        %run_scoped3A_75 = tpu.sem_alloc : memref<!tpu.dma_semaphore, #tpu.memory_space<semaphore_mem>>
        %dma_start3A_76 = arith.constant 0 : i32
        %dma_start3A_77 = arith.constant 0 : i32
        %dma_start3A_78 = tpu.memref_slice %arg9[%dma_start3A_76, %dma_start3A_77] : memref<64x128xf32, #tpu.memory_space<vmem>> -> memref<40x128xf32, #tpu.memory_space<vmem>>
        %dma_start3A_79 = arith.constant 0 : i32
        %dma_start3A_80 = tpu.memref_slice %arg10[%add3A_44, %dma_start3A_79] : memref<10008x128xf32, #tpu.memory_space<vmem_shared>> -> memref<40x128xf32, #tpu.memory_space<vmem_shared>>
        %dma_start3A_81 = arith.constant 0 : i32
        %dma_start3A_82 = tpu.memref_slice %arg10[%add3A_44, %dma_start3A_81] : memref<10008x128xf32, #tpu.memory_space<vmem_shared>> -> memref<40x128xf32, #tpu.memory_space<vmem_shared>>
        %dma_start3A_83 = arith.constant 0 : i32
        %dma_start3A_84 = arith.constant 0 : i32
        %dma_start3A_85 = tpu.memref_slice %arg9[%dma_start3A_83, %dma_start3A_84] : memref<64x128xf32, #tpu.memory_space<vmem>> -> memref<40x128xf32, #tpu.memory_space<vmem>>
        tpu.enqueue_dma source(%dma_start3A_85 : memref<40x128xf32, #tpu.memory_space<vmem>>) target(%dma_start3A_82 : memref<40x128xf32, #tpu.memory_space<vmem_shared>>) target_semaphore(%run_scoped3A_75 : memref<!tpu.dma_semaphore, #tpu.memory_space<semaphore_mem>>)
        %dma_wait3A_86 = arith.constant 0 : i32
        %dma_wait3A_87 = arith.constant 0 : i32
        %dma_wait3A_88 = tpu.memref_slice %arg9[%dma_wait3A_86, %dma_wait3A_87] : memref<64x128xf32, #tpu.memory_space<vmem>> -> memref<40x128xf32, #tpu.memory_space<vmem>>
        %dma_wait3A_89 = arith.constant 0 : i32
        %dma_wait3A_90 = tpu.memref_slice %arg10[%add3A_44, %dma_wait3A_89] : memref<10008x128xf32, #tpu.memory_space<vmem_shared>> -> memref<40x128xf32, #tpu.memory_space<vmem_shared>>
        %dma_wait3A_91 = arith.constant 0 : i32
        %dma_wait3A_92 = tpu.memref_slice %arg10[%add3A_44, %dma_wait3A_91] : memref<10008x128xf32, #tpu.memory_space<vmem_shared>> -> memref<40x128xf32, #tpu.memory_space<vmem_shared>>
        %dma_wait3A_93 = arith.constant 0 : i32
        %dma_wait3A_94 = arith.constant 0 : i32
        %dma_wait3A_95 = tpu.memref_slice %arg9[%dma_wait3A_93, %dma_wait3A_94] : memref<64x128xf32, #tpu.memory_space<vmem>> -> memref<40x128xf32, #tpu.memory_space<vmem>>
        tpu.wait_dma2 semaphore(%run_scoped3A_75 : memref<!tpu.dma_semaphore, #tpu.memory_space<semaphore_mem>>) src(%dma_wait3A_95 : memref<40x128xf32, #tpu.memory_space<vmem>>) dst(%dma_wait3A_92 : memref<40x128xf32, #tpu.memory_space<vmem_shared>>)
        tpu.yield
      }) : () -> ()
      %add3A_45 = arith.constant 40 : i32
      %add3A_46 = arith.addi %mul3A_14, %add3A_45 : i32
      "tpu.region"() ({
        %run_scoped3A_75 = tpu.sem_alloc : memref<!tpu.dma_semaphore, #tpu.memory_space<semaphore_mem>>
        %dma_start3A_76 = arith.constant 0 : i32
        %dma_start3A_77 = arith.constant 0 : i32
        %dma_start3A_78 = tpu.memref_slice %arg9[%dma_start3A_76, %dma_start3A_77] : memref<64x128xf32, #tpu.memory_space<vmem>> -> memref<40x128xf32, #tpu.memory_space<vmem>>
        %dma_start3A_79 = arith.constant 0 : i32
        %dma_start3A_80 = tpu.memref_slice %arg10[%add3A_46, %dma_start3A_79] : memref<10008x128xf32, #tpu.memory_space<vmem_shared>> -> memref<40x128xf32, #tpu.memory_space<vmem_shared>>
        %dma_start3A_81 = arith.constant 0 : i32
        %dma_start3A_82 = tpu.memref_slice %arg10[%add3A_46, %dma_start3A_81] : memref<10008x128xf32, #tpu.memory_space<vmem_shared>> -> memref<40x128xf32, #tpu.memory_space<vmem_shared>>
        %dma_start3A_83 = arith.constant 0 : i32
        %dma_start3A_84 = arith.constant 0 : i32
        %dma_start3A_85 = tpu.memref_slice %arg9[%dma_start3A_83, %dma_start3A_84] : memref<64x128xf32, #tpu.memory_space<vmem>> -> memref<40x128xf32, #tpu.memory_space<vmem>>
        tpu.enqueue_dma source(%dma_start3A_85 : memref<40x128xf32, #tpu.memory_space<vmem>>) target(%dma_start3A_82 : memref<40x128xf32, #tpu.memory_space<vmem_shared>>) target_semaphore(%run_scoped3A_75 : memref<!tpu.dma_semaphore, #tpu.memory_space<semaphore_mem>>)
        %dma_wait3A_86 = arith.constant 0 : i32
        %dma_wait3A_87 = arith.constant 0 : i32
        %dma_wait3A_88 = tpu.memref_slice %arg9[%dma_wait3A_86, %dma_wait3A_87] : memref<64x128xf32, #tpu.memory_space<vmem>> -> memref<40x128xf32, #tpu.memory_space<vmem>>
        %dma_wait3A_89 = arith.constant 0 : i32
        %dma_wait3A_90 = tpu.memref_slice %arg10[%add3A_46, %dma_wait3A_89] : memref<10008x128xf32, #tpu.memory_space<vmem_shared>> -> memref<40x128xf32, #tpu.memory_space<vmem_shared>>
        %dma_wait3A_91 = arith.constant 0 : i32
        %dma_wait3A_92 = tpu.memref_slice %arg10[%add3A_46, %dma_wait3A_91] : memref<10008x128xf32, #tpu.memory_space<vmem_shared>> -> memref<40x128xf32, #tpu.memory_space<vmem_shared>>
        %dma_wait3A_93 = arith.constant 0 : i32
        %dma_wait3A_94 = arith.constant 0 : i32
        %dma_wait3A_95 = tpu.memref_slice %arg9[%dma_wait3A_93, %dma_wait3A_94] : memref<64x128xf32, #tpu.memory_space<vmem>> -> memref<40x128xf32, #tpu.memory_space<vmem>>
        tpu.wait_dma2 semaphore(%run_scoped3A_75 : memref<!tpu.dma_semaphore, #tpu.memory_space<semaphore_mem>>) src(%dma_wait3A_95 : memref<40x128xf32, #tpu.memory_space<vmem>>) dst(%dma_wait3A_92 : memref<40x128xf32, #tpu.memory_space<vmem_shared>>)
        tpu.yield
      }) : () -> ()
      %add3A_47 = arith.constant 80 : i32
      %add3A_48 = arith.addi %mul3A_14, %add3A_47 : i32
      "tpu.region"() ({
        %run_scoped3A_75 = tpu.sem_alloc : memref<!tpu.dma_semaphore, #tpu.memory_space<semaphore_mem>>
        %dma_start3A_76 = arith.constant 0 : i32
        %dma_start3A_77 = arith.constant 0 : i32
        %dma_start3A_78 = tpu.memref_slice %arg9[%dma_start3A_76, %dma_start3A_77] : memref<64x128xf32, #tpu.memory_space<vmem>> -> memref<40x128xf32, #tpu.memory_space<vmem>>
        %dma_start3A_79 = arith.constant 0 : i32
        %dma_start3A_80 = tpu.memref_slice %arg10[%add3A_48, %dma_start3A_79] : memref<10008x128xf32, #tpu.memory_space<vmem_shared>> -> memref<40x128xf32, #tpu.memory_space<vmem_shared>>
        %dma_start3A_81 = arith.constant 0 : i32
        %dma_start3A_82 = tpu.memref_slice %arg10[%add3A_48, %dma_start3A_81] : memref<10008x128xf32, #tpu.memory_space<vmem_shared>> -> memref<40x128xf32, #tpu.memory_space<vmem_shared>>
        %dma_start3A_83 = arith.constant 0 : i32
        %dma_start3A_84 = arith.constant 0 : i32
        %dma_start3A_85 = tpu.memref_slice %arg9[%dma_start3A_83, %dma_start3A_84] : memref<64x128xf32, #tpu.memory_space<vmem>> -> memref<40x128xf32, #tpu.memory_space<vmem>>
        tpu.enqueue_dma source(%dma_start3A_85 : memref<40x128xf32, #tpu.memory_space<vmem>>) target(%dma_start3A_82 : memref<40x128xf32, #tpu.memory_space<vmem_shared>>) target_semaphore(%run_scoped3A_75 : memref<!tpu.dma_semaphore, #tpu.memory_space<semaphore_mem>>)
        %dma_wait3A_86 = arith.constant 0 : i32
        %dma_wait3A_87 = arith.constant 0 : i32
        %dma_wait3A_88 = tpu.memref_slice %arg9[%dma_wait3A_86, %dma_wait3A_87] : memref<64x128xf32, #tpu.memory_space<vmem>> -> memref<40x128xf32, #tpu.memory_space<vmem>>
        %dma_wait3A_89 = arith.constant 0 : i32
        %dma_wait3A_90 = tpu.memref_slice %arg10[%add3A_48, %dma_wait3A_89] : memref<10008x128xf32, #tpu.memory_space<vmem_shared>> -> memref<40x128xf32, #tpu.memory_space<vmem_shared>>
        %dma_wait3A_91 = arith.constant 0 : i32
        %dma_wait3A_92 = tpu.memref_slice %arg10[%add3A_48, %dma_wait3A_91] : memref<10008x128xf32, #tpu.memory_space<vmem_shared>> -> memref<40x128xf32, #tpu.memory_space<vmem_shared>>
        %dma_wait3A_93 = arith.constant 0 : i32
        %dma_wait3A_94 = arith.constant 0 : i32
        %dma_wait3A_95 = tpu.memref_slice %arg9[%dma_wait3A_93, %dma_wait3A_94] : memref<64x128xf32, #tpu.memory_space<vmem>> -> memref<40x128xf32, #tpu.memory_space<vmem>>
        tpu.wait_dma2 semaphore(%run_scoped3A_75 : memref<!tpu.dma_semaphore, #tpu.memory_space<semaphore_mem>>) src(%dma_wait3A_95 : memref<40x128xf32, #tpu.memory_space<vmem>>) dst(%dma_wait3A_92 : memref<40x128xf32, #tpu.memory_space<vmem_shared>>)
        tpu.yield
      }) : () -> ()
      %add3A_49 = arith.constant 120 : i32
      %add3A_50 = arith.addi %mul3A_14, %add3A_49 : i32
      "tpu.region"() ({
        %run_scoped3A_75 = tpu.sem_alloc : memref<!tpu.dma_semaphore, #tpu.memory_space<semaphore_mem>>
        %dma_start3A_76 = arith.constant 0 : i32
        %dma_start3A_77 = arith.constant 0 : i32
        %dma_start3A_78 = tpu.memref_slice %arg9[%dma_start3A_76, %dma_start3A_77] : memref<64x128xf32, #tpu.memory_space<vmem>> -> memref<40x128xf32, #tpu.memory_space<vmem>>
        %dma_start3A_79 = arith.constant 0 : i32
        %dma_start3A_80 = tpu.memref_slice %arg10[%add3A_50, %dma_start3A_79] : memref<10008x128xf32, #tpu.memory_space<vmem_shared>> -> memref<40x128xf32, #tpu.memory_space<vmem_shared>>
        %dma_start3A_81 = arith.constant 0 : i32
        %dma_start3A_82 = tpu.memref_slice %arg10[%add3A_50, %dma_start3A_81] : memref<10008x128xf32, #tpu.memory_space<vmem_shared>> -> memref<40x128xf32, #tpu.memory_space<vmem_shared>>
        %dma_start3A_83 = arith.constant 0 : i32
        %dma_start3A_84 = arith.constant 0 : i32
        %dma_start3A_85 = tpu.memref_slice %arg9[%dma_start3A_83, %dma_start3A_84] : memref<64x128xf32, #tpu.memory_space<vmem>> -> memref<40x128xf32, #tpu.memory_space<vmem>>
        tpu.enqueue_dma source(%dma_start3A_85 : memref<40x128xf32, #tpu.memory_space<vmem>>) target(%dma_start3A_82 : memref<40x128xf32, #tpu.memory_space<vmem_shared>>) target_semaphore(%run_scoped3A_75 : memref<!tpu.dma_semaphore, #tpu.memory_space<semaphore_mem>>)
        %dma_wait3A_86 = arith.constant 0 : i32
        %dma_wait3A_87 = arith.constant 0 : i32
        %dma_wait3A_88 = tpu.memref_slice %arg9[%dma_wait3A_86, %dma_wait3A_87] : memref<64x128xf32, #tpu.memory_space<vmem>> -> memref<40x128xf32, #tpu.memory_space<vmem>>
        %dma_wait3A_89 = arith.constant 0 : i32
        %dma_wait3A_90 = tpu.memref_slice %arg10[%add3A_50, %dma_wait3A_89] : memref<10008x128xf32, #tpu.memory_space<vmem_shared>> -> memref<40x128xf32, #tpu.memory_space<vmem_shared>>
        %dma_wait3A_91 = arith.constant 0 : i32
        %dma_wait3A_92 = tpu.memref_slice %arg10[%add3A_50, %dma_wait3A_91] : memref<10008x128xf32, #tpu.memory_space<vmem_shared>> -> memref<40x128xf32, #tpu.memory_space<vmem_shared>>
        %dma_wait3A_93 = arith.constant 0 : i32
        %dma_wait3A_94 = arith.constant 0 : i32
        %dma_wait3A_95 = tpu.memref_slice %arg9[%dma_wait3A_93, %dma_wait3A_94] : memref<64x128xf32, #tpu.memory_space<vmem>> -> memref<40x128xf32, #tpu.memory_space<vmem>>
        tpu.wait_dma2 semaphore(%run_scoped3A_75 : memref<!tpu.dma_semaphore, #tpu.memory_space<semaphore_mem>>) src(%dma_wait3A_95 : memref<40x128xf32, #tpu.memory_space<vmem>>) dst(%dma_wait3A_92 : memref<40x128xf32, #tpu.memory_space<vmem_shared>>)
        tpu.yield
      }) : () -> ()
      %add3A_51 = arith.constant 160 : i32
      %add3A_52 = arith.addi %mul3A_14, %add3A_51 : i32
      "tpu.region"() ({
        %run_scoped3A_75 = tpu.sem_alloc : memref<!tpu.dma_semaphore, #tpu.memory_space<semaphore_mem>>
        %dma_start3A_76 = arith.constant 0 : i32
        %dma_start3A_77 = arith.constant 0 : i32
        %dma_start3A_78 = tpu.memref_slice %arg9[%dma_start3A_76, %dma_start3A_77] : memref<64x128xf32, #tpu.memory_space<vmem>> -> memref<40x128xf32, #tpu.memory_space<vmem>>
        %dma_start3A_79 = arith.constant 0 : i32
        %dma_start3A_80 = tpu.memref_slice %arg10[%add3A_52, %dma_start3A_79] : memref<10008x128xf32, #tpu.memory_space<vmem_shared>> -> memref<40x128xf32, #tpu.memory_space<vmem_shared>>
        %dma_start3A_81 = arith.constant 0 : i32
        %dma_start3A_82 = tpu.memref_slice %arg10[%add3A_52, %dma_start3A_81] : memref<10008x128xf32, #tpu.memory_space<vmem_shared>> -> memref<40x128xf32, #tpu.memory_space<vmem_shared>>
        %dma_start3A_83 = arith.constant 0 : i32
        %dma_start3A_84 = arith.constant 0 : i32
        %dma_start3A_85 = tpu.memref_slice %arg9[%dma_start3A_83, %dma_start3A_84] : memref<64x128xf32, #tpu.memory_space<vmem>> -> memref<40x128xf32, #tpu.memory_space<vmem>>
        tpu.enqueue_dma source(%dma_start3A_85 : memref<40x128xf32, #tpu.memory_space<vmem>>) target(%dma_start3A_82 : memref<40x128xf32, #tpu.memory_space<vmem_shared>>) target_semaphore(%run_scoped3A_75 : memref<!tpu.dma_semaphore, #tpu.memory_space<semaphore_mem>>)
        %dma_wait3A_86 = arith.constant 0 : i32
        %dma_wait3A_87 = arith.constant 0 : i32
        %dma_wait3A_88 = tpu.memref_slice %arg9[%dma_wait3A_86, %dma_wait3A_87] : memref<64x128xf32, #tpu.memory_space<vmem>> -> memref<40x128xf32, #tpu.memory_space<vmem>>
        %dma_wait3A_89 = arith.constant 0 : i32
        %dma_wait3A_90 = tpu.memref_slice %arg10[%add3A_52, %dma_wait3A_89] : memref<10008x128xf32, #tpu.memory_space<vmem_shared>> -> memref<40x128xf32, #tpu.memory_space<vmem_shared>>
        %dma_wait3A_91 = arith.constant 0 : i32
        %dma_wait3A_92 = tpu.memref_slice %arg10[%add3A_52, %dma_wait3A_91] : memref<10008x128xf32, #tpu.memory_space<vmem_shared>> -> memref<40x128xf32, #tpu.memory_space<vmem_shared>>
        %dma_wait3A_93 = arith.constant 0 : i32
        %dma_wait3A_94 = arith.constant 0 : i32
        %dma_wait3A_95 = tpu.memref_slice %arg9[%dma_wait3A_93, %dma_wait3A_94] : memref<64x128xf32, #tpu.memory_space<vmem>> -> memref<40x128xf32, #tpu.memory_space<vmem>>
        tpu.wait_dma2 semaphore(%run_scoped3A_75 : memref<!tpu.dma_semaphore, #tpu.memory_space<semaphore_mem>>) src(%dma_wait3A_95 : memref<40x128xf32, #tpu.memory_space<vmem>>) dst(%dma_wait3A_92 : memref<40x128xf32, #tpu.memory_space<vmem_shared>>)
        tpu.yield
      }) : () -> ()
      %add3A_53 = arith.constant 200 : i32
      %add3A_54 = arith.addi %mul3A_14, %add3A_53 : i32
      "tpu.region"() ({
        %run_scoped3A_75 = tpu.sem_alloc : memref<!tpu.dma_semaphore, #tpu.memory_space<semaphore_mem>>
        %dma_start3A_76 = arith.constant 0 : i32
        %dma_start3A_77 = arith.constant 0 : i32
        %dma_start3A_78 = tpu.memref_slice %arg9[%dma_start3A_76, %dma_start3A_77] : memref<64x128xf32, #tpu.memory_space<vmem>> -> memref<40x128xf32, #tpu.memory_space<vmem>>
        %dma_start3A_79 = arith.constant 0 : i32
        %dma_start3A_80 = tpu.memref_slice %arg10[%add3A_54, %dma_start3A_79] : memref<10008x128xf32, #tpu.memory_space<vmem_shared>> -> memref<40x128xf32, #tpu.memory_space<vmem_shared>>
        %dma_start3A_81 = arith.constant 0 : i32
        %dma_start3A_82 = tpu.memref_slice %arg10[%add3A_54, %dma_start3A_81] : memref<10008x128xf32, #tpu.memory_space<vmem_shared>> -> memref<40x128xf32, #tpu.memory_space<vmem_shared>>
        %dma_start3A_83 = arith.constant 0 : i32
        %dma_start3A_84 = arith.constant 0 : i32
        %dma_start3A_85 = tpu.memref_slice %arg9[%dma_start3A_83, %dma_start3A_84] : memref<64x128xf32, #tpu.memory_space<vmem>> -> memref<40x128xf32, #tpu.memory_space<vmem>>
        tpu.enqueue_dma source(%dma_start3A_85 : memref<40x128xf32, #tpu.memory_space<vmem>>) target(%dma_start3A_82 : memref<40x128xf32, #tpu.memory_space<vmem_shared>>) target_semaphore(%run_scoped3A_75 : memref<!tpu.dma_semaphore, #tpu.memory_space<semaphore_mem>>)
        %dma_wait3A_86 = arith.constant 0 : i32
        %dma_wait3A_87 = arith.constant 0 : i32
        %dma_wait3A_88 = tpu.memref_slice %arg9[%dma_wait3A_86, %dma_wait3A_87] : memref<64x128xf32, #tpu.memory_space<vmem>> -> memref<40x128xf32, #tpu.memory_space<vmem>>
        %dma_wait3A_89 = arith.constant 0 : i32
        %dma_wait3A_90 = tpu.memref_slice %arg10[%add3A_54, %dma_wait3A_89] : memref<10008x128xf32, #tpu.memory_space<vmem_shared>> -> memref<40x128xf32, #tpu.memory_space<vmem_shared>>
        %dma_wait3A_91 = arith.constant 0 : i32
        %dma_wait3A_92 = tpu.memref_slice %arg10[%add3A_54, %dma_wait3A_91] : memref<10008x128xf32, #tpu.memory_space<vmem_shared>> -> memref<40x128xf32, #tpu.memory_space<vmem_shared>>
        %dma_wait3A_93 = arith.constant 0 : i32
        %dma_wait3A_94 = arith.constant 0 : i32
        %dma_wait3A_95 = tpu.memref_slice %arg9[%dma_wait3A_93, %dma_wait3A_94] : memref<64x128xf32, #tpu.memory_space<vmem>> -> memref<40x128xf32, #tpu.memory_space<vmem>>
        tpu.wait_dma2 semaphore(%run_scoped3A_75 : memref<!tpu.dma_semaphore, #tpu.memory_space<semaphore_mem>>) src(%dma_wait3A_95 : memref<40x128xf32, #tpu.memory_space<vmem>>) dst(%dma_wait3A_92 : memref<40x128xf32, #tpu.memory_space<vmem_shared>>)
        tpu.yield
      }) : () -> ()
      %add3A_55 = arith.constant 240 : i32
      %add3A_56 = arith.addi %mul3A_14, %add3A_55 : i32
      "tpu.region"() ({
        %run_scoped3A_75 = tpu.sem_alloc : memref<!tpu.dma_semaphore, #tpu.memory_space<semaphore_mem>>
        %dma_start3A_76 = arith.constant 0 : i32
        %dma_start3A_77 = arith.constant 0 : i32
        %dma_start3A_78 = tpu.memref_slice %arg9[%dma_start3A_76, %dma_start3A_77] : memref<64x128xf32, #tpu.memory_space<vmem>> -> memref<40x128xf32, #tpu.memory_space<vmem>>
        %dma_start3A_79 = arith.constant 0 : i32
        %dma_start3A_80 = tpu.memref_slice %arg10[%add3A_56, %dma_start3A_79] : memref<10008x128xf32, #tpu.memory_space<vmem_shared>> -> memref<40x128xf32, #tpu.memory_space<vmem_shared>>
        %dma_start3A_81 = arith.constant 0 : i32
        %dma_start3A_82 = tpu.memref_slice %arg10[%add3A_56, %dma_start3A_81] : memref<10008x128xf32, #tpu.memory_space<vmem_shared>> -> memref<40x128xf32, #tpu.memory_space<vmem_shared>>
        %dma_start3A_83 = arith.constant 0 : i32
        %dma_start3A_84 = arith.constant 0 : i32
        %dma_start3A_85 = tpu.memref_slice %arg9[%dma_start3A_83, %dma_start3A_84] : memref<64x128xf32, #tpu.memory_space<vmem>> -> memref<40x128xf32, #tpu.memory_space<vmem>>
        tpu.enqueue_dma source(%dma_start3A_85 : memref<40x128xf32, #tpu.memory_space<vmem>>) target(%dma_start3A_82 : memref<40x128xf32, #tpu.memory_space<vmem_shared>>) target_semaphore(%run_scoped3A_75 : memref<!tpu.dma_semaphore, #tpu.memory_space<semaphore_mem>>)
        %dma_wait3A_86 = arith.constant 0 : i32
        %dma_wait3A_87 = arith.constant 0 : i32
        %dma_wait3A_88 = tpu.memref_slice %arg9[%dma_wait3A_86, %dma_wait3A_87] : memref<64x128xf32, #tpu.memory_space<vmem>> -> memref<40x128xf32, #tpu.memory_space<vmem>>
        %dma_wait3A_89 = arith.constant 0 : i32
        %dma_wait3A_90 = tpu.memref_slice %arg10[%add3A_56, %dma_wait3A_89] : memref<10008x128xf32, #tpu.memory_space<vmem_shared>> -> memref<40x128xf32, #tpu.memory_space<vmem_shared>>
        %dma_wait3A_91 = arith.constant 0 : i32
        %dma_wait3A_92 = tpu.memref_slice %arg10[%add3A_56, %dma_wait3A_91] : memref<10008x128xf32, #tpu.memory_space<vmem_shared>> -> memref<40x128xf32, #tpu.memory_space<vmem_shared>>
        %dma_wait3A_93 = arith.constant 0 : i32
        %dma_wait3A_94 = arith.constant 0 : i32
        %dma_wait3A_95 = tpu.memref_slice %arg9[%dma_wait3A_93, %dma_wait3A_94] : memref<64x128xf32, #tpu.memory_space<vmem>> -> memref<40x128xf32, #tpu.memory_space<vmem>>
        tpu.wait_dma2 semaphore(%run_scoped3A_75 : memref<!tpu.dma_semaphore, #tpu.memory_space<semaphore_mem>>) src(%dma_wait3A_95 : memref<40x128xf32, #tpu.memory_space<vmem>>) dst(%dma_wait3A_92 : memref<40x128xf32, #tpu.memory_space<vmem_shared>>)
        tpu.yield
      }) : () -> ()
      %add3A_57 = arith.constant 280 : i32
      %add3A_58 = arith.addi %mul3A_14, %add3A_57 : i32
      "tpu.region"() ({
        %run_scoped3A_75 = tpu.sem_alloc : memref<!tpu.dma_semaphore, #tpu.memory_space<semaphore_mem>>
        %dma_start3A_76 = arith.constant 0 : i32
        %dma_start3A_77 = arith.constant 0 : i32
        %dma_start3A_78 = tpu.memref_slice %arg9[%dma_start3A_76, %dma_start3A_77] : memref<64x128xf32, #tpu.memory_space<vmem>> -> memref<40x128xf32, #tpu.memory_space<vmem>>
        %dma_start3A_79 = arith.constant 0 : i32
        %dma_start3A_80 = tpu.memref_slice %arg10[%add3A_58, %dma_start3A_79] : memref<10008x128xf32, #tpu.memory_space<vmem_shared>> -> memref<40x128xf32, #tpu.memory_space<vmem_shared>>
        %dma_start3A_81 = arith.constant 0 : i32
        %dma_start3A_82 = tpu.memref_slice %arg10[%add3A_58, %dma_start3A_81] : memref<10008x128xf32, #tpu.memory_space<vmem_shared>> -> memref<40x128xf32, #tpu.memory_space<vmem_shared>>
        %dma_start3A_83 = arith.constant 0 : i32
        %dma_start3A_84 = arith.constant 0 : i32
        %dma_start3A_85 = tpu.memref_slice %arg9[%dma_start3A_83, %dma_start3A_84] : memref<64x128xf32, #tpu.memory_space<vmem>> -> memref<40x128xf32, #tpu.memory_space<vmem>>
        tpu.enqueue_dma source(%dma_start3A_85 : memref<40x128xf32, #tpu.memory_space<vmem>>) target(%dma_start3A_82 : memref<40x128xf32, #tpu.memory_space<vmem_shared>>) target_semaphore(%run_scoped3A_75 : memref<!tpu.dma_semaphore, #tpu.memory_space<semaphore_mem>>)
        %dma_wait3A_86 = arith.constant 0 : i32
        %dma_wait3A_87 = arith.constant 0 : i32
        %dma_wait3A_88 = tpu.memref_slice %arg9[%dma_wait3A_86, %dma_wait3A_87] : memref<64x128xf32, #tpu.memory_space<vmem>> -> memref<40x128xf32, #tpu.memory_space<vmem>>
        %dma_wait3A_89 = arith.constant 0 : i32
        %dma_wait3A_90 = tpu.memref_slice %arg10[%add3A_58, %dma_wait3A_89] : memref<10008x128xf32, #tpu.memory_space<vmem_shared>> -> memref<40x128xf32, #tpu.memory_space<vmem_shared>>
        %dma_wait3A_91 = arith.constant 0 : i32
        %dma_wait3A_92 = tpu.memref_slice %arg10[%add3A_58, %dma_wait3A_91] : memref<10008x128xf32, #tpu.memory_space<vmem_shared>> -> memref<40x128xf32, #tpu.memory_space<vmem_shared>>
        %dma_wait3A_93 = arith.constant 0 : i32
        %dma_wait3A_94 = arith.constant 0 : i32
        %dma_wait3A_95 = tpu.memref_slice %arg9[%dma_wait3A_93, %dma_wait3A_94] : memref<64x128xf32, #tpu.memory_space<vmem>> -> memref<40x128xf32, #tpu.memory_space<vmem>>
        tpu.wait_dma2 semaphore(%run_scoped3A_75 : memref<!tpu.dma_semaphore, #tpu.memory_space<semaphore_mem>>) src(%dma_wait3A_95 : memref<40x128xf32, #tpu.memory_space<vmem>>) dst(%dma_wait3A_92 : memref<40x128xf32, #tpu.memory_space<vmem_shared>>)
        tpu.yield
      }) : () -> ()
      %add3A_59 = arith.constant 320 : i32
      %add3A_60 = arith.addi %mul3A_14, %add3A_59 : i32
      "tpu.region"() ({
        %run_scoped3A_75 = tpu.sem_alloc : memref<!tpu.dma_semaphore, #tpu.memory_space<semaphore_mem>>
        %dma_start3A_76 = arith.constant 0 : i32
        %dma_start3A_77 = arith.constant 0 : i32
        %dma_start3A_78 = tpu.memref_slice %arg9[%dma_start3A_76, %dma_start3A_77] : memref<64x128xf32, #tpu.memory_space<vmem>> -> memref<40x128xf32, #tpu.memory_space<vmem>>
        %dma_start3A_79 = arith.constant 0 : i32
        %dma_start3A_80 = tpu.memref_slice %arg10[%add3A_60, %dma_start3A_79] : memref<10008x128xf32, #tpu.memory_space<vmem_shared>> -> memref<40x128xf32, #tpu.memory_space<vmem_shared>>
        %dma_start3A_81 = arith.constant 0 : i32
        %dma_start3A_82 = tpu.memref_slice %arg10[%add3A_60, %dma_start3A_81] : memref<10008x128xf32, #tpu.memory_space<vmem_shared>> -> memref<40x128xf32, #tpu.memory_space<vmem_shared>>
        %dma_start3A_83 = arith.constant 0 : i32
        %dma_start3A_84 = arith.constant 0 : i32
        %dma_start3A_85 = tpu.memref_slice %arg9[%dma_start3A_83, %dma_start3A_84] : memref<64x128xf32, #tpu.memory_space<vmem>> -> memref<40x128xf32, #tpu.memory_space<vmem>>
        tpu.enqueue_dma source(%dma_start3A_85 : memref<40x128xf32, #tpu.memory_space<vmem>>) target(%dma_start3A_82 : memref<40x128xf32, #tpu.memory_space<vmem_shared>>) target_semaphore(%run_scoped3A_75 : memref<!tpu.dma_semaphore, #tpu.memory_space<semaphore_mem>>)
        %dma_wait3A_86 = arith.constant 0 : i32
        %dma_wait3A_87 = arith.constant 0 : i32
        %dma_wait3A_88 = tpu.memref_slice %arg9[%dma_wait3A_86, %dma_wait3A_87] : memref<64x128xf32, #tpu.memory_space<vmem>> -> memref<40x128xf32, #tpu.memory_space<vmem>>
        %dma_wait3A_89 = arith.constant 0 : i32
        %dma_wait3A_90 = tpu.memref_slice %arg10[%add3A_60, %dma_wait3A_89] : memref<10008x128xf32, #tpu.memory_space<vmem_shared>> -> memref<40x128xf32, #tpu.memory_space<vmem_shared>>
        %dma_wait3A_91 = arith.constant 0 : i32
        %dma_wait3A_92 = tpu.memref_slice %arg10[%add3A_60, %dma_wait3A_91] : memref<10008x128xf32, #tpu.memory_space<vmem_shared>> -> memref<40x128xf32, #tpu.memory_space<vmem_shared>>
        %dma_wait3A_93 = arith.constant 0 : i32
        %dma_wait3A_94 = arith.constant 0 : i32
        %dma_wait3A_95 = tpu.memref_slice %arg9[%dma_wait3A_93, %dma_wait3A_94] : memref<64x128xf32, #tpu.memory_space<vmem>> -> memref<40x128xf32, #tpu.memory_space<vmem>>
        tpu.wait_dma2 semaphore(%run_scoped3A_75 : memref<!tpu.dma_semaphore, #tpu.memory_space<semaphore_mem>>) src(%dma_wait3A_95 : memref<40x128xf32, #tpu.memory_space<vmem>>) dst(%dma_wait3A_92 : memref<40x128xf32, #tpu.memory_space<vmem_shared>>)
        tpu.yield
      }) : () -> ()
      %add3A_61 = arith.constant 360 : i32
      %add3A_62 = arith.addi %mul3A_14, %add3A_61 : i32
      "tpu.region"() ({
        %run_scoped3A_75 = tpu.sem_alloc : memref<!tpu.dma_semaphore, #tpu.memory_space<semaphore_mem>>
        %dma_start3A_76 = arith.constant 0 : i32
        %dma_start3A_77 = arith.constant 0 : i32
        %dma_start3A_78 = tpu.memref_slice %arg9[%dma_start3A_76, %dma_start3A_77] : memref<64x128xf32, #tpu.memory_space<vmem>> -> memref<40x128xf32, #tpu.memory_space<vmem>>
        %dma_start3A_79 = arith.constant 0 : i32
        %dma_start3A_80 = tpu.memref_slice %arg10[%add3A_62, %dma_start3A_79] : memref<10008x128xf32, #tpu.memory_space<vmem_shared>> -> memref<40x128xf32, #tpu.memory_space<vmem_shared>>
        %dma_start3A_81 = arith.constant 0 : i32
        %dma_start3A_82 = tpu.memref_slice %arg10[%add3A_62, %dma_start3A_81] : memref<10008x128xf32, #tpu.memory_space<vmem_shared>> -> memref<40x128xf32, #tpu.memory_space<vmem_shared>>
        %dma_start3A_83 = arith.constant 0 : i32
        %dma_start3A_84 = arith.constant 0 : i32
        %dma_start3A_85 = tpu.memref_slice %arg9[%dma_start3A_83, %dma_start3A_84] : memref<64x128xf32, #tpu.memory_space<vmem>> -> memref<40x128xf32, #tpu.memory_space<vmem>>
        tpu.enqueue_dma source(%dma_start3A_85 : memref<40x128xf32, #tpu.memory_space<vmem>>) target(%dma_start3A_82 : memref<40x128xf32, #tpu.memory_space<vmem_shared>>) target_semaphore(%run_scoped3A_75 : memref<!tpu.dma_semaphore, #tpu.memory_space<semaphore_mem>>)
        %dma_wait3A_86 = arith.constant 0 : i32
        %dma_wait3A_87 = arith.constant 0 : i32
        %dma_wait3A_88 = tpu.memref_slice %arg9[%dma_wait3A_86, %dma_wait3A_87] : memref<64x128xf32, #tpu.memory_space<vmem>> -> memref<40x128xf32, #tpu.memory_space<vmem>>
        %dma_wait3A_89 = arith.constant 0 : i32
        %dma_wait3A_90 = tpu.memref_slice %arg10[%add3A_62, %dma_wait3A_89] : memref<10008x128xf32, #tpu.memory_space<vmem_shared>> -> memref<40x128xf32, #tpu.memory_space<vmem_shared>>
        %dma_wait3A_91 = arith.constant 0 : i32
        %dma_wait3A_92 = tpu.memref_slice %arg10[%add3A_62, %dma_wait3A_91] : memref<10008x128xf32, #tpu.memory_space<vmem_shared>> -> memref<40x128xf32, #tpu.memory_space<vmem_shared>>
        %dma_wait3A_93 = arith.constant 0 : i32
        %dma_wait3A_94 = arith.constant 0 : i32
        %dma_wait3A_95 = tpu.memref_slice %arg9[%dma_wait3A_93, %dma_wait3A_94] : memref<64x128xf32, #tpu.memory_space<vmem>> -> memref<40x128xf32, #tpu.memory_space<vmem>>
        tpu.wait_dma2 semaphore(%run_scoped3A_75 : memref<!tpu.dma_semaphore, #tpu.memory_space<semaphore_mem>>) src(%dma_wait3A_95 : memref<40x128xf32, #tpu.memory_space<vmem>>) dst(%dma_wait3A_92 : memref<40x128xf32, #tpu.memory_space<vmem_shared>>)
        tpu.yield
      }) : () -> ()
      %add3A_63 = arith.constant 400 : i32
      %add3A_64 = arith.addi %mul3A_14, %add3A_63 : i32
      "tpu.region"() ({
        %run_scoped3A_75 = tpu.sem_alloc : memref<!tpu.dma_semaphore, #tpu.memory_space<semaphore_mem>>
        %dma_start3A_76 = arith.constant 0 : i32
        %dma_start3A_77 = arith.constant 0 : i32
        %dma_start3A_78 = tpu.memref_slice %arg9[%dma_start3A_76, %dma_start3A_77] : memref<64x128xf32, #tpu.memory_space<vmem>> -> memref<40x128xf32, #tpu.memory_space<vmem>>
        %dma_start3A_79 = arith.constant 0 : i32
        %dma_start3A_80 = tpu.memref_slice %arg10[%add3A_64, %dma_start3A_79] : memref<10008x128xf32, #tpu.memory_space<vmem_shared>> -> memref<40x128xf32, #tpu.memory_space<vmem_shared>>
        %dma_start3A_81 = arith.constant 0 : i32
        %dma_start3A_82 = tpu.memref_slice %arg10[%add3A_64, %dma_start3A_81] : memref<10008x128xf32, #tpu.memory_space<vmem_shared>> -> memref<40x128xf32, #tpu.memory_space<vmem_shared>>
        %dma_start3A_83 = arith.constant 0 : i32
        %dma_start3A_84 = arith.constant 0 : i32
        %dma_start3A_85 = tpu.memref_slice %arg9[%dma_start3A_83, %dma_start3A_84] : memref<64x128xf32, #tpu.memory_space<vmem>> -> memref<40x128xf32, #tpu.memory_space<vmem>>
        tpu.enqueue_dma source(%dma_start3A_85 : memref<40x128xf32, #tpu.memory_space<vmem>>) target(%dma_start3A_82 : memref<40x128xf32, #tpu.memory_space<vmem_shared>>) target_semaphore(%run_scoped3A_75 : memref<!tpu.dma_semaphore, #tpu.memory_space<semaphore_mem>>)
        %dma_wait3A_86 = arith.constant 0 : i32
        %dma_wait3A_87 = arith.constant 0 : i32
        %dma_wait3A_88 = tpu.memref_slice %arg9[%dma_wait3A_86, %dma_wait3A_87] : memref<64x128xf32, #tpu.memory_space<vmem>> -> memref<40x128xf32, #tpu.memory_space<vmem>>
        %dma_wait3A_89 = arith.constant 0 : i32
        %dma_wait3A_90 = tpu.memref_slice %arg10[%add3A_64, %dma_wait3A_89] : memref<10008x128xf32, #tpu.memory_space<vmem_shared>> -> memref<40x128xf32, #tpu.memory_space<vmem_shared>>
        %dma_wait3A_91 = arith.constant 0 : i32
        %dma_wait3A_92 = tpu.memref_slice %arg10[%add3A_64, %dma_wait3A_91] : memref<10008x128xf32, #tpu.memory_space<vmem_shared>> -> memref<40x128xf32, #tpu.memory_space<vmem_shared>>
        %dma_wait3A_93 = arith.constant 0 : i32
        %dma_wait3A_94 = arith.constant 0 : i32
        %dma_wait3A_95 = tpu.memref_slice %arg9[%dma_wait3A_93, %dma_wait3A_94] : memref<64x128xf32, #tpu.memory_space<vmem>> -> memref<40x128xf32, #tpu.memory_space<vmem>>
        tpu.wait_dma2 semaphore(%run_scoped3A_75 : memref<!tpu.dma_semaphore, #tpu.memory_space<semaphore_mem>>) src(%dma_wait3A_95 : memref<40x128xf32, #tpu.memory_space<vmem>>) dst(%dma_wait3A_92 : memref<40x128xf32, #tpu.memory_space<vmem_shared>>)
        tpu.yield
      }) : () -> ()
      %add3A_65 = arith.constant 440 : i32
      %add3A_66 = arith.addi %mul3A_14, %add3A_65 : i32
      "tpu.region"() ({
        %run_scoped3A_75 = tpu.sem_alloc : memref<!tpu.dma_semaphore, #tpu.memory_space<semaphore_mem>>
        %dma_start3A_76 = arith.constant 0 : i32
        %dma_start3A_77 = arith.constant 0 : i32
        %dma_start3A_78 = tpu.memref_slice %arg9[%dma_start3A_76, %dma_start3A_77] : memref<64x128xf32, #tpu.memory_space<vmem>> -> memref<40x128xf32, #tpu.memory_space<vmem>>
        %dma_start3A_79 = arith.constant 0 : i32
        %dma_start3A_80 = tpu.memref_slice %arg10[%add3A_66, %dma_start3A_79] : memref<10008x128xf32, #tpu.memory_space<vmem_shared>> -> memref<40x128xf32, #tpu.memory_space<vmem_shared>>
        %dma_start3A_81 = arith.constant 0 : i32
        %dma_start3A_82 = tpu.memref_slice %arg10[%add3A_66, %dma_start3A_81] : memref<10008x128xf32, #tpu.memory_space<vmem_shared>> -> memref<40x128xf32, #tpu.memory_space<vmem_shared>>
        %dma_start3A_83 = arith.constant 0 : i32
        %dma_start3A_84 = arith.constant 0 : i32
        %dma_start3A_85 = tpu.memref_slice %arg9[%dma_start3A_83, %dma_start3A_84] : memref<64x128xf32, #tpu.memory_space<vmem>> -> memref<40x128xf32, #tpu.memory_space<vmem>>
        tpu.enqueue_dma source(%dma_start3A_85 : memref<40x128xf32, #tpu.memory_space<vmem>>) target(%dma_start3A_82 : memref<40x128xf32, #tpu.memory_space<vmem_shared>>) target_semaphore(%run_scoped3A_75 : memref<!tpu.dma_semaphore, #tpu.memory_space<semaphore_mem>>)
        %dma_wait3A_86 = arith.constant 0 : i32
        %dma_wait3A_87 = arith.constant 0 : i32
        %dma_wait3A_88 = tpu.memref_slice %arg9[%dma_wait3A_86, %dma_wait3A_87] : memref<64x128xf32, #tpu.memory_space<vmem>> -> memref<40x128xf32, #tpu.memory_space<vmem>>
        %dma_wait3A_89 = arith.constant 0 : i32
        %dma_wait3A_90 = tpu.memref_slice %arg10[%add3A_66, %dma_wait3A_89] : memref<10008x128xf32, #tpu.memory_space<vmem_shared>> -> memref<40x128xf32, #tpu.memory_space<vmem_shared>>
        %dma_wait3A_91 = arith.constant 0 : i32
        %dma_wait3A_92 = tpu.memref_slice %arg10[%add3A_66, %dma_wait3A_91] : memref<10008x128xf32, #tpu.memory_space<vmem_shared>> -> memref<40x128xf32, #tpu.memory_space<vmem_shared>>
        %dma_wait3A_93 = arith.constant 0 : i32
        %dma_wait3A_94 = arith.constant 0 : i32
        %dma_wait3A_95 = tpu.memref_slice %arg9[%dma_wait3A_93, %dma_wait3A_94] : memref<64x128xf32, #tpu.memory_space<vmem>> -> memref<40x128xf32, #tpu.memory_space<vmem>>
        tpu.wait_dma2 semaphore(%run_scoped3A_75 : memref<!tpu.dma_semaphore, #tpu.memory_space<semaphore_mem>>) src(%dma_wait3A_95 : memref<40x128xf32, #tpu.memory_space<vmem>>) dst(%dma_wait3A_92 : memref<40x128xf32, #tpu.memory_space<vmem_shared>>)
        tpu.yield
      }) : () -> ()
      %add3A_67 = arith.constant 480 : i32
      %add3A_68 = arith.addi %mul3A_14, %add3A_67 : i32
      "tpu.region"() ({
        %run_scoped3A_75 = tpu.sem_alloc : memref<!tpu.dma_semaphore, #tpu.memory_space<semaphore_mem>>
        %dma_start3A_76 = arith.constant 0 : i32
        %dma_start3A_77 = arith.constant 0 : i32
        %dma_start3A_78 = tpu.memref_slice %arg9[%dma_start3A_76, %dma_start3A_77] : memref<64x128xf32, #tpu.memory_space<vmem>> -> memref<40x128xf32, #tpu.memory_space<vmem>>
        %dma_start3A_79 = arith.constant 0 : i32
        %dma_start3A_80 = tpu.memref_slice %arg10[%add3A_68, %dma_start3A_79] : memref<10008x128xf32, #tpu.memory_space<vmem_shared>> -> memref<40x128xf32, #tpu.memory_space<vmem_shared>>
        %dma_start3A_81 = arith.constant 0 : i32
        %dma_start3A_82 = tpu.memref_slice %arg10[%add3A_68, %dma_start3A_81] : memref<10008x128xf32, #tpu.memory_space<vmem_shared>> -> memref<40x128xf32, #tpu.memory_space<vmem_shared>>
        %dma_start3A_83 = arith.constant 0 : i32
        %dma_start3A_84 = arith.constant 0 : i32
        %dma_start3A_85 = tpu.memref_slice %arg9[%dma_start3A_83, %dma_start3A_84] : memref<64x128xf32, #tpu.memory_space<vmem>> -> memref<40x128xf32, #tpu.memory_space<vmem>>
        tpu.enqueue_dma source(%dma_start3A_85 : memref<40x128xf32, #tpu.memory_space<vmem>>) target(%dma_start3A_82 : memref<40x128xf32, #tpu.memory_space<vmem_shared>>) target_semaphore(%run_scoped3A_75 : memref<!tpu.dma_semaphore, #tpu.memory_space<semaphore_mem>>)
        %dma_wait3A_86 = arith.constant 0 : i32
        %dma_wait3A_87 = arith.constant 0 : i32
        %dma_wait3A_88 = tpu.memref_slice %arg9[%dma_wait3A_86, %dma_wait3A_87] : memref<64x128xf32, #tpu.memory_space<vmem>> -> memref<40x128xf32, #tpu.memory_space<vmem>>
        %dma_wait3A_89 = arith.constant 0 : i32
        %dma_wait3A_90 = tpu.memref_slice %arg10[%add3A_68, %dma_wait3A_89] : memref<10008x128xf32, #tpu.memory_space<vmem_shared>> -> memref<40x128xf32, #tpu.memory_space<vmem_shared>>
        %dma_wait3A_91 = arith.constant 0 : i32
        %dma_wait3A_92 = tpu.memref_slice %arg10[%add3A_68, %dma_wait3A_91] : memref<10008x128xf32, #tpu.memory_space<vmem_shared>> -> memref<40x128xf32, #tpu.memory_space<vmem_shared>>
        %dma_wait3A_93 = arith.constant 0 : i32
        %dma_wait3A_94 = arith.constant 0 : i32
        %dma_wait3A_95 = tpu.memref_slice %arg9[%dma_wait3A_93, %dma_wait3A_94] : memref<64x128xf32, #tpu.memory_space<vmem>> -> memref<40x128xf32, #tpu.memory_space<vmem>>
        tpu.wait_dma2 semaphore(%run_scoped3A_75 : memref<!tpu.dma_semaphore, #tpu.memory_space<semaphore_mem>>) src(%dma_wait3A_95 : memref<40x128xf32, #tpu.memory_space<vmem>>) dst(%dma_wait3A_92 : memref<40x128xf32, #tpu.memory_space<vmem_shared>>)
        tpu.yield
      }) : () -> ()
      %add3A_69 = arith.constant 520 : i32
      %add3A_70 = arith.addi %mul3A_14, %add3A_69 : i32
      "tpu.region"() ({
        %run_scoped3A_75 = tpu.sem_alloc : memref<!tpu.dma_semaphore, #tpu.memory_space<semaphore_mem>>
        %dma_start3A_76 = arith.constant 0 : i32
        %dma_start3A_77 = arith.constant 0 : i32
        %dma_start3A_78 = tpu.memref_slice %arg9[%dma_start3A_76, %dma_start3A_77] : memref<64x128xf32, #tpu.memory_space<vmem>> -> memref<40x128xf32, #tpu.memory_space<vmem>>
        %dma_start3A_79 = arith.constant 0 : i32
        %dma_start3A_80 = tpu.memref_slice %arg10[%add3A_70, %dma_start3A_79] : memref<10008x128xf32, #tpu.memory_space<vmem_shared>> -> memref<40x128xf32, #tpu.memory_space<vmem_shared>>
        %dma_start3A_81 = arith.constant 0 : i32
        %dma_start3A_82 = tpu.memref_slice %arg10[%add3A_70, %dma_start3A_81] : memref<10008x128xf32, #tpu.memory_space<vmem_shared>> -> memref<40x128xf32, #tpu.memory_space<vmem_shared>>
        %dma_start3A_83 = arith.constant 0 : i32
        %dma_start3A_84 = arith.constant 0 : i32
        %dma_start3A_85 = tpu.memref_slice %arg9[%dma_start3A_83, %dma_start3A_84] : memref<64x128xf32, #tpu.memory_space<vmem>> -> memref<40x128xf32, #tpu.memory_space<vmem>>
        tpu.enqueue_dma source(%dma_start3A_85 : memref<40x128xf32, #tpu.memory_space<vmem>>) target(%dma_start3A_82 : memref<40x128xf32, #tpu.memory_space<vmem_shared>>) target_semaphore(%run_scoped3A_75 : memref<!tpu.dma_semaphore, #tpu.memory_space<semaphore_mem>>)
        %dma_wait3A_86 = arith.constant 0 : i32
        %dma_wait3A_87 = arith.constant 0 : i32
        %dma_wait3A_88 = tpu.memref_slice %arg9[%dma_wait3A_86, %dma_wait3A_87] : memref<64x128xf32, #tpu.memory_space<vmem>> -> memref<40x128xf32, #tpu.memory_space<vmem>>
        %dma_wait3A_89 = arith.constant 0 : i32
        %dma_wait3A_90 = tpu.memref_slice %arg10[%add3A_70, %dma_wait3A_89] : memref<10008x128xf32, #tpu.memory_space<vmem_shared>> -> memref<40x128xf32, #tpu.memory_space<vmem_shared>>
        %dma_wait3A_91 = arith.constant 0 : i32
        %dma_wait3A_92 = tpu.memref_slice %arg10[%add3A_70, %dma_wait3A_91] : memref<10008x128xf32, #tpu.memory_space<vmem_shared>> -> memref<40x128xf32, #tpu.memory_space<vmem_shared>>
        %dma_wait3A_93 = arith.constant 0 : i32
        %dma_wait3A_94 = arith.constant 0 : i32
        %dma_wait3A_95 = tpu.memref_slice %arg9[%dma_wait3A_93, %dma_wait3A_94] : memref<64x128xf32, #tpu.memory_space<vmem>> -> memref<40x128xf32, #tpu.memory_space<vmem>>
        tpu.wait_dma2 semaphore(%run_scoped3A_75 : memref<!tpu.dma_semaphore, #tpu.memory_space<semaphore_mem>>) src(%dma_wait3A_95 : memref<40x128xf32, #tpu.memory_space<vmem>>) dst(%dma_wait3A_92 : memref<40x128xf32, #tpu.memory_space<vmem_shared>>)
        tpu.yield
      }) : () -> ()
      %add3A_71 = arith.constant 560 : i32
      %add3A_72 = arith.addi %mul3A_14, %add3A_71 : i32
      "tpu.region"() ({
        %run_scoped3A_75 = tpu.sem_alloc : memref<!tpu.dma_semaphore, #tpu.memory_space<semaphore_mem>>
        %dma_start3A_76 = arith.constant 0 : i32
        %dma_start3A_77 = arith.constant 0 : i32
        %dma_start3A_78 = tpu.memref_slice %arg9[%dma_start3A_76, %dma_start3A_77] : memref<64x128xf32, #tpu.memory_space<vmem>> -> memref<40x128xf32, #tpu.memory_space<vmem>>
        %dma_start3A_79 = arith.constant 0 : i32
        %dma_start3A_80 = tpu.memref_slice %arg10[%add3A_72, %dma_start3A_79] : memref<10008x128xf32, #tpu.memory_space<vmem_shared>> -> memref<40x128xf32, #tpu.memory_space<vmem_shared>>
        %dma_start3A_81 = arith.constant 0 : i32
        %dma_start3A_82 = tpu.memref_slice %arg10[%add3A_72, %dma_start3A_81] : memref<10008x128xf32, #tpu.memory_space<vmem_shared>> -> memref<40x128xf32, #tpu.memory_space<vmem_shared>>
        %dma_start3A_83 = arith.constant 0 : i32
        %dma_start3A_84 = arith.constant 0 : i32
        %dma_start3A_85 = tpu.memref_slice %arg9[%dma_start3A_83, %dma_start3A_84] : memref<64x128xf32, #tpu.memory_space<vmem>> -> memref<40x128xf32, #tpu.memory_space<vmem>>
        tpu.enqueue_dma source(%dma_start3A_85 : memref<40x128xf32, #tpu.memory_space<vmem>>) target(%dma_start3A_82 : memref<40x128xf32, #tpu.memory_space<vmem_shared>>) target_semaphore(%run_scoped3A_75 : memref<!tpu.dma_semaphore, #tpu.memory_space<semaphore_mem>>)
        %dma_wait3A_86 = arith.constant 0 : i32
        %dma_wait3A_87 = arith.constant 0 : i32
        %dma_wait3A_88 = tpu.memref_slice %arg9[%dma_wait3A_86, %dma_wait3A_87] : memref<64x128xf32, #tpu.memory_space<vmem>> -> memref<40x128xf32, #tpu.memory_space<vmem>>
        %dma_wait3A_89 = arith.constant 0 : i32
        %dma_wait3A_90 = tpu.memref_slice %arg10[%add3A_72, %dma_wait3A_89] : memref<10008x128xf32, #tpu.memory_space<vmem_shared>> -> memref<40x128xf32, #tpu.memory_space<vmem_shared>>
        %dma_wait3A_91 = arith.constant 0 : i32
        %dma_wait3A_92 = tpu.memref_slice %arg10[%add3A_72, %dma_wait3A_91] : memref<10008x128xf32, #tpu.memory_space<vmem_shared>> -> memref<40x128xf32, #tpu.memory_space<vmem_shared>>
        %dma_wait3A_93 = arith.constant 0 : i32
        %dma_wait3A_94 = arith.constant 0 : i32
        %dma_wait3A_95 = tpu.memref_slice %arg9[%dma_wait3A_93, %dma_wait3A_94] : memref<64x128xf32, #tpu.memory_space<vmem>> -> memref<40x128xf32, #tpu.memory_space<vmem>>
        tpu.wait_dma2 semaphore(%run_scoped3A_75 : memref<!tpu.dma_semaphore, #tpu.memory_space<semaphore_mem>>) src(%dma_wait3A_95 : memref<40x128xf32, #tpu.memory_space<vmem>>) dst(%dma_wait3A_92 : memref<40x128xf32, #tpu.memory_space<vmem_shared>>)
        tpu.yield
      }) : () -> ()
      %add3A_73 = arith.constant 600 : i32
      %add3A_74 = arith.addi %mul3A_14, %add3A_73 : i32
      "tpu.region"() ({
        %run_scoped3A_75 = tpu.sem_alloc : memref<!tpu.dma_semaphore, #tpu.memory_space<semaphore_mem>>
        %dma_start3A_76 = arith.constant 0 : i32
        %dma_start3A_77 = arith.constant 0 : i32
        %dma_start3A_78 = tpu.memref_slice %arg9[%dma_start3A_76, %dma_start3A_77] : memref<64x128xf32, #tpu.memory_space<vmem>> -> memref<40x128xf32, #tpu.memory_space<vmem>>
        %dma_start3A_79 = arith.constant 0 : i32
        %dma_start3A_80 = tpu.memref_slice %arg10[%add3A_74, %dma_start3A_79] : memref<10008x128xf32, #tpu.memory_space<vmem_shared>> -> memref<40x128xf32, #tpu.memory_space<vmem_shared>>
        %dma_start3A_81 = arith.constant 0 : i32
        %dma_start3A_82 = tpu.memref_slice %arg10[%add3A_74, %dma_start3A_81] : memref<10008x128xf32, #tpu.memory_space<vmem_shared>> -> memref<40x128xf32, #tpu.memory_space<vmem_shared>>
        %dma_start3A_83 = arith.constant 0 : i32
        %dma_start3A_84 = arith.constant 0 : i32
        %dma_start3A_85 = tpu.memref_slice %arg9[%dma_start3A_83, %dma_start3A_84] : memref<64x128xf32, #tpu.memory_space<vmem>> -> memref<40x128xf32, #tpu.memory_space<vmem>>
        tpu.enqueue_dma source(%dma_start3A_85 : memref<40x128xf32, #tpu.memory_space<vmem>>) target(%dma_start3A_82 : memref<40x128xf32, #tpu.memory_space<vmem_shared>>) target_semaphore(%run_scoped3A_75 : memref<!tpu.dma_semaphore, #tpu.memory_space<semaphore_mem>>)
        %dma_wait3A_86 = arith.constant 0 : i32
        %dma_wait3A_87 = arith.constant 0 : i32
        %dma_wait3A_88 = tpu.memref_slice %arg9[%dma_wait3A_86, %dma_wait3A_87] : memref<64x128xf32, #tpu.memory_space<vmem>> -> memref<40x128xf32, #tpu.memory_space<vmem>>
        %dma_wait3A_89 = arith.constant 0 : i32
        %dma_wait3A_90 = tpu.memref_slice %arg10[%add3A_74, %dma_wait3A_89] : memref<10008x128xf32, #tpu.memory_space<vmem_shared>> -> memref<40x128xf32, #tpu.memory_space<vmem_shared>>
        %dma_wait3A_91 = arith.constant 0 : i32
        %dma_wait3A_92 = tpu.memref_slice %arg10[%add3A_74, %dma_wait3A_91] : memref<10008x128xf32, #tpu.memory_space<vmem_shared>> -> memref<40x128xf32, #tpu.memory_space<vmem_shared>>
        %dma_wait3A_93 = arith.constant 0 : i32
        %dma_wait3A_94 = arith.constant 0 : i32
        %dma_wait3A_95 = tpu.memref_slice %arg9[%dma_wait3A_93, %dma_wait3A_94] : memref<64x128xf32, #tpu.memory_space<vmem>> -> memref<40x128xf32, #tpu.memory_space<vmem>>
        tpu.wait_dma2 semaphore(%run_scoped3A_75 : memref<!tpu.dma_semaphore, #tpu.memory_space<semaphore_mem>>) src(%dma_wait3A_95 : memref<40x128xf32, #tpu.memory_space<vmem>>) dst(%dma_wait3A_92 : memref<40x128xf32, #tpu.memory_space<vmem_shared>>)
        tpu.yield
      }) : () -> ()
    } else {
    }
    %eq3A = arith.constant 15 : i32
    %eq3A_17 = arith.cmpi eq, %arg1, %eq3A : i32
    %convert_element_type3A_18 = arith.extui %eq3A_17 : i1 to i32
    %cond3A_19 = arith.constant 0 : i32
    %cond3A_20 = arith.cmpi ne, %convert_element_type3A_18, %cond3A_19 : i32
    scf.if %cond3A_20 {
      %add3A_43 = arith.constant 0 : i32
      %add3A_44 = arith.addi %mul3A_14, %add3A_43 : i32
      "tpu.region"() ({
        %run_scoped3A_63 = tpu.sem_alloc : memref<!tpu.dma_semaphore, #tpu.memory_space<semaphore_mem>>
        %dma_start3A_64 = arith.constant 0 : i32
        %dma_start3A_65 = arith.constant 0 : i32
        %dma_start3A_66 = tpu.memref_slice %arg9[%dma_start3A_64, %dma_start3A_65] : memref<64x128xf32, #tpu.memory_space<vmem>> -> memref<40x128xf32, #tpu.memory_space<vmem>>
        %dma_start3A_67 = arith.constant 0 : i32
        %dma_start3A_68 = tpu.memref_slice %arg10[%add3A_44, %dma_start3A_67] : memref<10008x128xf32, #tpu.memory_space<vmem_shared>> -> memref<40x128xf32, #tpu.memory_space<vmem_shared>>
        %dma_start3A_69 = arith.constant 0 : i32
        %dma_start3A_70 = tpu.memref_slice %arg10[%add3A_44, %dma_start3A_69] : memref<10008x128xf32, #tpu.memory_space<vmem_shared>> -> memref<40x128xf32, #tpu.memory_space<vmem_shared>>
        %dma_start3A_71 = arith.constant 0 : i32
        %dma_start3A_72 = arith.constant 0 : i32
        %dma_start3A_73 = tpu.memref_slice %arg9[%dma_start3A_71, %dma_start3A_72] : memref<64x128xf32, #tpu.memory_space<vmem>> -> memref<40x128xf32, #tpu.memory_space<vmem>>
        tpu.enqueue_dma source(%dma_start3A_73 : memref<40x128xf32, #tpu.memory_space<vmem>>) target(%dma_start3A_70 : memref<40x128xf32, #tpu.memory_space<vmem_shared>>) target_semaphore(%run_scoped3A_63 : memref<!tpu.dma_semaphore, #tpu.memory_space<semaphore_mem>>)
        %dma_wait3A_74 = arith.constant 0 : i32
        %dma_wait3A_75 = arith.constant 0 : i32
        %dma_wait3A_76 = tpu.memref_slice %arg9[%dma_wait3A_74, %dma_wait3A_75] : memref<64x128xf32, #tpu.memory_space<vmem>> -> memref<40x128xf32, #tpu.memory_space<vmem>>
        %dma_wait3A_77 = arith.constant 0 : i32
        %dma_wait3A_78 = tpu.memref_slice %arg10[%add3A_44, %dma_wait3A_77] : memref<10008x128xf32, #tpu.memory_space<vmem_shared>> -> memref<40x128xf32, #tpu.memory_space<vmem_shared>>
        %dma_wait3A_79 = arith.constant 0 : i32
        %dma_wait3A_80 = tpu.memref_slice %arg10[%add3A_44, %dma_wait3A_79] : memref<10008x128xf32, #tpu.memory_space<vmem_shared>> -> memref<40x128xf32, #tpu.memory_space<vmem_shared>>
        %dma_wait3A_81 = arith.constant 0 : i32
        %dma_wait3A_82 = arith.constant 0 : i32
        %dma_wait3A_83 = tpu.memref_slice %arg9[%dma_wait3A_81, %dma_wait3A_82] : memref<64x128xf32, #tpu.memory_space<vmem>> -> memref<40x128xf32, #tpu.memory_space<vmem>>
        tpu.wait_dma2 semaphore(%run_scoped3A_63 : memref<!tpu.dma_semaphore, #tpu.memory_space<semaphore_mem>>) src(%dma_wait3A_83 : memref<40x128xf32, #tpu.memory_space<vmem>>) dst(%dma_wait3A_80 : memref<40x128xf32, #tpu.memory_space<vmem_shared>>)
        tpu.yield
      }) : () -> ()
      %add3A_45 = arith.constant 40 : i32
      %add3A_46 = arith.addi %mul3A_14, %add3A_45 : i32
      "tpu.region"() ({
        %run_scoped3A_63 = tpu.sem_alloc : memref<!tpu.dma_semaphore, #tpu.memory_space<semaphore_mem>>
        %dma_start3A_64 = arith.constant 0 : i32
        %dma_start3A_65 = arith.constant 0 : i32
        %dma_start3A_66 = tpu.memref_slice %arg9[%dma_start3A_64, %dma_start3A_65] : memref<64x128xf32, #tpu.memory_space<vmem>> -> memref<40x128xf32, #tpu.memory_space<vmem>>
        %dma_start3A_67 = arith.constant 0 : i32
        %dma_start3A_68 = tpu.memref_slice %arg10[%add3A_46, %dma_start3A_67] : memref<10008x128xf32, #tpu.memory_space<vmem_shared>> -> memref<40x128xf32, #tpu.memory_space<vmem_shared>>
        %dma_start3A_69 = arith.constant 0 : i32
        %dma_start3A_70 = tpu.memref_slice %arg10[%add3A_46, %dma_start3A_69] : memref<10008x128xf32, #tpu.memory_space<vmem_shared>> -> memref<40x128xf32, #tpu.memory_space<vmem_shared>>
        %dma_start3A_71 = arith.constant 0 : i32
        %dma_start3A_72 = arith.constant 0 : i32
        %dma_start3A_73 = tpu.memref_slice %arg9[%dma_start3A_71, %dma_start3A_72] : memref<64x128xf32, #tpu.memory_space<vmem>> -> memref<40x128xf32, #tpu.memory_space<vmem>>
        tpu.enqueue_dma source(%dma_start3A_73 : memref<40x128xf32, #tpu.memory_space<vmem>>) target(%dma_start3A_70 : memref<40x128xf32, #tpu.memory_space<vmem_shared>>) target_semaphore(%run_scoped3A_63 : memref<!tpu.dma_semaphore, #tpu.memory_space<semaphore_mem>>)
        %dma_wait3A_74 = arith.constant 0 : i32
        %dma_wait3A_75 = arith.constant 0 : i32
        %dma_wait3A_76 = tpu.memref_slice %arg9[%dma_wait3A_74, %dma_wait3A_75] : memref<64x128xf32, #tpu.memory_space<vmem>> -> memref<40x128xf32, #tpu.memory_space<vmem>>
        %dma_wait3A_77 = arith.constant 0 : i32
        %dma_wait3A_78 = tpu.memref_slice %arg10[%add3A_46, %dma_wait3A_77] : memref<10008x128xf32, #tpu.memory_space<vmem_shared>> -> memref<40x128xf32, #tpu.memory_space<vmem_shared>>
        %dma_wait3A_79 = arith.constant 0 : i32
        %dma_wait3A_80 = tpu.memref_slice %arg10[%add3A_46, %dma_wait3A_79] : memref<10008x128xf32, #tpu.memory_space<vmem_shared>> -> memref<40x128xf32, #tpu.memory_space<vmem_shared>>
        %dma_wait3A_81 = arith.constant 0 : i32
        %dma_wait3A_82 = arith.constant 0 : i32
        %dma_wait3A_83 = tpu.memref_slice %arg9[%dma_wait3A_81, %dma_wait3A_82] : memref<64x128xf32, #tpu.memory_space<vmem>> -> memref<40x128xf32, #tpu.memory_space<vmem>>
        tpu.wait_dma2 semaphore(%run_scoped3A_63 : memref<!tpu.dma_semaphore, #tpu.memory_space<semaphore_mem>>) src(%dma_wait3A_83 : memref<40x128xf32, #tpu.memory_space<vmem>>) dst(%dma_wait3A_80 : memref<40x128xf32, #tpu.memory_space<vmem_shared>>)
        tpu.yield
      }) : () -> ()
      %add3A_47 = arith.constant 80 : i32
      %add3A_48 = arith.addi %mul3A_14, %add3A_47 : i32
      "tpu.region"() ({
        %run_scoped3A_63 = tpu.sem_alloc : memref<!tpu.dma_semaphore, #tpu.memory_space<semaphore_mem>>
        %dma_start3A_64 = arith.constant 0 : i32
        %dma_start3A_65 = arith.constant 0 : i32
        %dma_start3A_66 = tpu.memref_slice %arg9[%dma_start3A_64, %dma_start3A_65] : memref<64x128xf32, #tpu.memory_space<vmem>> -> memref<40x128xf32, #tpu.memory_space<vmem>>
        %dma_start3A_67 = arith.constant 0 : i32
        %dma_start3A_68 = tpu.memref_slice %arg10[%add3A_48, %dma_start3A_67] : memref<10008x128xf32, #tpu.memory_space<vmem_shared>> -> memref<40x128xf32, #tpu.memory_space<vmem_shared>>
        %dma_start3A_69 = arith.constant 0 : i32
        %dma_start3A_70 = tpu.memref_slice %arg10[%add3A_48, %dma_start3A_69] : memref<10008x128xf32, #tpu.memory_space<vmem_shared>> -> memref<40x128xf32, #tpu.memory_space<vmem_shared>>
        %dma_start3A_71 = arith.constant 0 : i32
        %dma_start3A_72 = arith.constant 0 : i32
        %dma_start3A_73 = tpu.memref_slice %arg9[%dma_start3A_71, %dma_start3A_72] : memref<64x128xf32, #tpu.memory_space<vmem>> -> memref<40x128xf32, #tpu.memory_space<vmem>>
        tpu.enqueue_dma source(%dma_start3A_73 : memref<40x128xf32, #tpu.memory_space<vmem>>) target(%dma_start3A_70 : memref<40x128xf32, #tpu.memory_space<vmem_shared>>) target_semaphore(%run_scoped3A_63 : memref<!tpu.dma_semaphore, #tpu.memory_space<semaphore_mem>>)
        %dma_wait3A_74 = arith.constant 0 : i32
        %dma_wait3A_75 = arith.constant 0 : i32
        %dma_wait3A_76 = tpu.memref_slice %arg9[%dma_wait3A_74, %dma_wait3A_75] : memref<64x128xf32, #tpu.memory_space<vmem>> -> memref<40x128xf32, #tpu.memory_space<vmem>>
        %dma_wait3A_77 = arith.constant 0 : i32
        %dma_wait3A_78 = tpu.memref_slice %arg10[%add3A_48, %dma_wait3A_77] : memref<10008x128xf32, #tpu.memory_space<vmem_shared>> -> memref<40x128xf32, #tpu.memory_space<vmem_shared>>
        %dma_wait3A_79 = arith.constant 0 : i32
        %dma_wait3A_80 = tpu.memref_slice %arg10[%add3A_48, %dma_wait3A_79] : memref<10008x128xf32, #tpu.memory_space<vmem_shared>> -> memref<40x128xf32, #tpu.memory_space<vmem_shared>>
        %dma_wait3A_81 = arith.constant 0 : i32
        %dma_wait3A_82 = arith.constant 0 : i32
        %dma_wait3A_83 = tpu.memref_slice %arg9[%dma_wait3A_81, %dma_wait3A_82] : memref<64x128xf32, #tpu.memory_space<vmem>> -> memref<40x128xf32, #tpu.memory_space<vmem>>
        tpu.wait_dma2 semaphore(%run_scoped3A_63 : memref<!tpu.dma_semaphore, #tpu.memory_space<semaphore_mem>>) src(%dma_wait3A_83 : memref<40x128xf32, #tpu.memory_space<vmem>>) dst(%dma_wait3A_80 : memref<40x128xf32, #tpu.memory_space<vmem_shared>>)
        tpu.yield
      }) : () -> ()
      %add3A_49 = arith.constant 120 : i32
      %add3A_50 = arith.addi %mul3A_14, %add3A_49 : i32
      "tpu.region"() ({
        %run_scoped3A_63 = tpu.sem_alloc : memref<!tpu.dma_semaphore, #tpu.memory_space<semaphore_mem>>
        %dma_start3A_64 = arith.constant 0 : i32
        %dma_start3A_65 = arith.constant 0 : i32
        %dma_start3A_66 = tpu.memref_slice %arg9[%dma_start3A_64, %dma_start3A_65] : memref<64x128xf32, #tpu.memory_space<vmem>> -> memref<40x128xf32, #tpu.memory_space<vmem>>
        %dma_start3A_67 = arith.constant 0 : i32
        %dma_start3A_68 = tpu.memref_slice %arg10[%add3A_50, %dma_start3A_67] : memref<10008x128xf32, #tpu.memory_space<vmem_shared>> -> memref<40x128xf32, #tpu.memory_space<vmem_shared>>
        %dma_start3A_69 = arith.constant 0 : i32
        %dma_start3A_70 = tpu.memref_slice %arg10[%add3A_50, %dma_start3A_69] : memref<10008x128xf32, #tpu.memory_space<vmem_shared>> -> memref<40x128xf32, #tpu.memory_space<vmem_shared>>
        %dma_start3A_71 = arith.constant 0 : i32
        %dma_start3A_72 = arith.constant 0 : i32
        %dma_start3A_73 = tpu.memref_slice %arg9[%dma_start3A_71, %dma_start3A_72] : memref<64x128xf32, #tpu.memory_space<vmem>> -> memref<40x128xf32, #tpu.memory_space<vmem>>
        tpu.enqueue_dma source(%dma_start3A_73 : memref<40x128xf32, #tpu.memory_space<vmem>>) target(%dma_start3A_70 : memref<40x128xf32, #tpu.memory_space<vmem_shared>>) target_semaphore(%run_scoped3A_63 : memref<!tpu.dma_semaphore, #tpu.memory_space<semaphore_mem>>)
        %dma_wait3A_74 = arith.constant 0 : i32
        %dma_wait3A_75 = arith.constant 0 : i32
        %dma_wait3A_76 = tpu.memref_slice %arg9[%dma_wait3A_74, %dma_wait3A_75] : memref<64x128xf32, #tpu.memory_space<vmem>> -> memref<40x128xf32, #tpu.memory_space<vmem>>
        %dma_wait3A_77 = arith.constant 0 : i32
        %dma_wait3A_78 = tpu.memref_slice %arg10[%add3A_50, %dma_wait3A_77] : memref<10008x128xf32, #tpu.memory_space<vmem_shared>> -> memref<40x128xf32, #tpu.memory_space<vmem_shared>>
        %dma_wait3A_79 = arith.constant 0 : i32
        %dma_wait3A_80 = tpu.memref_slice %arg10[%add3A_50, %dma_wait3A_79] : memref<10008x128xf32, #tpu.memory_space<vmem_shared>> -> memref<40x128xf32, #tpu.memory_space<vmem_shared>>
        %dma_wait3A_81 = arith.constant 0 : i32
        %dma_wait3A_82 = arith.constant 0 : i32
        %dma_wait3A_83 = tpu.memref_slice %arg9[%dma_wait3A_81, %dma_wait3A_82] : memref<64x128xf32, #tpu.memory_space<vmem>> -> memref<40x128xf32, #tpu.memory_space<vmem>>
        tpu.wait_dma2 semaphore(%run_scoped3A_63 : memref<!tpu.dma_semaphore, #tpu.memory_space<semaphore_mem>>) src(%dma_wait3A_83 : memref<40x128xf32, #tpu.memory_space<vmem>>) dst(%dma_wait3A_80 : memref<40x128xf32, #tpu.memory_space<vmem_shared>>)
        tpu.yield
      }) : () -> ()
      %add3A_51 = arith.constant 160 : i32
      %add3A_52 = arith.addi %mul3A_14, %add3A_51 : i32
      "tpu.region"() ({
        %run_scoped3A_63 = tpu.sem_alloc : memref<!tpu.dma_semaphore, #tpu.memory_space<semaphore_mem>>
        %dma_start3A_64 = arith.constant 0 : i32
        %dma_start3A_65 = arith.constant 0 : i32
        %dma_start3A_66 = tpu.memref_slice %arg9[%dma_start3A_64, %dma_start3A_65] : memref<64x128xf32, #tpu.memory_space<vmem>> -> memref<40x128xf32, #tpu.memory_space<vmem>>
        %dma_start3A_67 = arith.constant 0 : i32
        %dma_start3A_68 = tpu.memref_slice %arg10[%add3A_52, %dma_start3A_67] : memref<10008x128xf32, #tpu.memory_space<vmem_shared>> -> memref<40x128xf32, #tpu.memory_space<vmem_shared>>
        %dma_start3A_69 = arith.constant 0 : i32
        %dma_start3A_70 = tpu.memref_slice %arg10[%add3A_52, %dma_start3A_69] : memref<10008x128xf32, #tpu.memory_space<vmem_shared>> -> memref<40x128xf32, #tpu.memory_space<vmem_shared>>
        %dma_start3A_71 = arith.constant 0 : i32
        %dma_start3A_72 = arith.constant 0 : i32
        %dma_start3A_73 = tpu.memref_slice %arg9[%dma_start3A_71, %dma_start3A_72] : memref<64x128xf32, #tpu.memory_space<vmem>> -> memref<40x128xf32, #tpu.memory_space<vmem>>
        tpu.enqueue_dma source(%dma_start3A_73 : memref<40x128xf32, #tpu.memory_space<vmem>>) target(%dma_start3A_70 : memref<40x128xf32, #tpu.memory_space<vmem_shared>>) target_semaphore(%run_scoped3A_63 : memref<!tpu.dma_semaphore, #tpu.memory_space<semaphore_mem>>)
        %dma_wait3A_74 = arith.constant 0 : i32
        %dma_wait3A_75 = arith.constant 0 : i32
        %dma_wait3A_76 = tpu.memref_slice %arg9[%dma_wait3A_74, %dma_wait3A_75] : memref<64x128xf32, #tpu.memory_space<vmem>> -> memref<40x128xf32, #tpu.memory_space<vmem>>
        %dma_wait3A_77 = arith.constant 0 : i32
        %dma_wait3A_78 = tpu.memref_slice %arg10[%add3A_52, %dma_wait3A_77] : memref<10008x128xf32, #tpu.memory_space<vmem_shared>> -> memref<40x128xf32, #tpu.memory_space<vmem_shared>>
        %dma_wait3A_79 = arith.constant 0 : i32
        %dma_wait3A_80 = tpu.memref_slice %arg10[%add3A_52, %dma_wait3A_79] : memref<10008x128xf32, #tpu.memory_space<vmem_shared>> -> memref<40x128xf32, #tpu.memory_space<vmem_shared>>
        %dma_wait3A_81 = arith.constant 0 : i32
        %dma_wait3A_82 = arith.constant 0 : i32
        %dma_wait3A_83 = tpu.memref_slice %arg9[%dma_wait3A_81, %dma_wait3A_82] : memref<64x128xf32, #tpu.memory_space<vmem>> -> memref<40x128xf32, #tpu.memory_space<vmem>>
        tpu.wait_dma2 semaphore(%run_scoped3A_63 : memref<!tpu.dma_semaphore, #tpu.memory_space<semaphore_mem>>) src(%dma_wait3A_83 : memref<40x128xf32, #tpu.memory_space<vmem>>) dst(%dma_wait3A_80 : memref<40x128xf32, #tpu.memory_space<vmem_shared>>)
        tpu.yield
      }) : () -> ()
      %add3A_53 = arith.constant 200 : i32
      %add3A_54 = arith.addi %mul3A_14, %add3A_53 : i32
      "tpu.region"() ({
        %run_scoped3A_63 = tpu.sem_alloc : memref<!tpu.dma_semaphore, #tpu.memory_space<semaphore_mem>>
        %dma_start3A_64 = arith.constant 0 : i32
        %dma_start3A_65 = arith.constant 0 : i32
        %dma_start3A_66 = tpu.memref_slice %arg9[%dma_start3A_64, %dma_start3A_65] : memref<64x128xf32, #tpu.memory_space<vmem>> -> memref<40x128xf32, #tpu.memory_space<vmem>>
        %dma_start3A_67 = arith.constant 0 : i32
        %dma_start3A_68 = tpu.memref_slice %arg10[%add3A_54, %dma_start3A_67] : memref<10008x128xf32, #tpu.memory_space<vmem_shared>> -> memref<40x128xf32, #tpu.memory_space<vmem_shared>>
        %dma_start3A_69 = arith.constant 0 : i32
        %dma_start3A_70 = tpu.memref_slice %arg10[%add3A_54, %dma_start3A_69] : memref<10008x128xf32, #tpu.memory_space<vmem_shared>> -> memref<40x128xf32, #tpu.memory_space<vmem_shared>>
        %dma_start3A_71 = arith.constant 0 : i32
        %dma_start3A_72 = arith.constant 0 : i32
        %dma_start3A_73 = tpu.memref_slice %arg9[%dma_start3A_71, %dma_start3A_72] : memref<64x128xf32, #tpu.memory_space<vmem>> -> memref<40x128xf32, #tpu.memory_space<vmem>>
        tpu.enqueue_dma source(%dma_start3A_73 : memref<40x128xf32, #tpu.memory_space<vmem>>) target(%dma_start3A_70 : memref<40x128xf32, #tpu.memory_space<vmem_shared>>) target_semaphore(%run_scoped3A_63 : memref<!tpu.dma_semaphore, #tpu.memory_space<semaphore_mem>>)
        %dma_wait3A_74 = arith.constant 0 : i32
        %dma_wait3A_75 = arith.constant 0 : i32
        %dma_wait3A_76 = tpu.memref_slice %arg9[%dma_wait3A_74, %dma_wait3A_75] : memref<64x128xf32, #tpu.memory_space<vmem>> -> memref<40x128xf32, #tpu.memory_space<vmem>>
        %dma_wait3A_77 = arith.constant 0 : i32
        %dma_wait3A_78 = tpu.memref_slice %arg10[%add3A_54, %dma_wait3A_77] : memref<10008x128xf32, #tpu.memory_space<vmem_shared>> -> memref<40x128xf32, #tpu.memory_space<vmem_shared>>
        %dma_wait3A_79 = arith.constant 0 : i32
        %dma_wait3A_80 = tpu.memref_slice %arg10[%add3A_54, %dma_wait3A_79] : memref<10008x128xf32, #tpu.memory_space<vmem_shared>> -> memref<40x128xf32, #tpu.memory_space<vmem_shared>>
        %dma_wait3A_81 = arith.constant 0 : i32
        %dma_wait3A_82 = arith.constant 0 : i32
        %dma_wait3A_83 = tpu.memref_slice %arg9[%dma_wait3A_81, %dma_wait3A_82] : memref<64x128xf32, #tpu.memory_space<vmem>> -> memref<40x128xf32, #tpu.memory_space<vmem>>
        tpu.wait_dma2 semaphore(%run_scoped3A_63 : memref<!tpu.dma_semaphore, #tpu.memory_space<semaphore_mem>>) src(%dma_wait3A_83 : memref<40x128xf32, #tpu.memory_space<vmem>>) dst(%dma_wait3A_80 : memref<40x128xf32, #tpu.memory_space<vmem_shared>>)
        tpu.yield
      }) : () -> ()
      %add3A_55 = arith.constant 240 : i32
      %add3A_56 = arith.addi %mul3A_14, %add3A_55 : i32
      "tpu.region"() ({
        %run_scoped3A_63 = tpu.sem_alloc : memref<!tpu.dma_semaphore, #tpu.memory_space<semaphore_mem>>
        %dma_start3A_64 = arith.constant 0 : i32
        %dma_start3A_65 = arith.constant 0 : i32
        %dma_start3A_66 = tpu.memref_slice %arg9[%dma_start3A_64, %dma_start3A_65] : memref<64x128xf32, #tpu.memory_space<vmem>> -> memref<40x128xf32, #tpu.memory_space<vmem>>
        %dma_start3A_67 = arith.constant 0 : i32
        %dma_start3A_68 = tpu.memref_slice %arg10[%add3A_56, %dma_start3A_67] : memref<10008x128xf32, #tpu.memory_space<vmem_shared>> -> memref<40x128xf32, #tpu.memory_space<vmem_shared>>
        %dma_start3A_69 = arith.constant 0 : i32
        %dma_start3A_70 = tpu.memref_slice %arg10[%add3A_56, %dma_start3A_69] : memref<10008x128xf32, #tpu.memory_space<vmem_shared>> -> memref<40x128xf32, #tpu.memory_space<vmem_shared>>
        %dma_start3A_71 = arith.constant 0 : i32
        %dma_start3A_72 = arith.constant 0 : i32
        %dma_start3A_73 = tpu.memref_slice %arg9[%dma_start3A_71, %dma_start3A_72] : memref<64x128xf32, #tpu.memory_space<vmem>> -> memref<40x128xf32, #tpu.memory_space<vmem>>
        tpu.enqueue_dma source(%dma_start3A_73 : memref<40x128xf32, #tpu.memory_space<vmem>>) target(%dma_start3A_70 : memref<40x128xf32, #tpu.memory_space<vmem_shared>>) target_semaphore(%run_scoped3A_63 : memref<!tpu.dma_semaphore, #tpu.memory_space<semaphore_mem>>)
        %dma_wait3A_74 = arith.constant 0 : i32
        %dma_wait3A_75 = arith.constant 0 : i32
        %dma_wait3A_76 = tpu.memref_slice %arg9[%dma_wait3A_74, %dma_wait3A_75] : memref<64x128xf32, #tpu.memory_space<vmem>> -> memref<40x128xf32, #tpu.memory_space<vmem>>
        %dma_wait3A_77 = arith.constant 0 : i32
        %dma_wait3A_78 = tpu.memref_slice %arg10[%add3A_56, %dma_wait3A_77] : memref<10008x128xf32, #tpu.memory_space<vmem_shared>> -> memref<40x128xf32, #tpu.memory_space<vmem_shared>>
        %dma_wait3A_79 = arith.constant 0 : i32
        %dma_wait3A_80 = tpu.memref_slice %arg10[%add3A_56, %dma_wait3A_79] : memref<10008x128xf32, #tpu.memory_space<vmem_shared>> -> memref<40x128xf32, #tpu.memory_space<vmem_shared>>
        %dma_wait3A_81 = arith.constant 0 : i32
        %dma_wait3A_82 = arith.constant 0 : i32
        %dma_wait3A_83 = tpu.memref_slice %arg9[%dma_wait3A_81, %dma_wait3A_82] : memref<64x128xf32, #tpu.memory_space<vmem>> -> memref<40x128xf32, #tpu.memory_space<vmem>>
        tpu.wait_dma2 semaphore(%run_scoped3A_63 : memref<!tpu.dma_semaphore, #tpu.memory_space<semaphore_mem>>) src(%dma_wait3A_83 : memref<40x128xf32, #tpu.memory_space<vmem>>) dst(%dma_wait3A_80 : memref<40x128xf32, #tpu.memory_space<vmem_shared>>)
        tpu.yield
      }) : () -> ()
      %add3A_57 = arith.constant 280 : i32
      %add3A_58 = arith.addi %mul3A_14, %add3A_57 : i32
      "tpu.region"() ({
        %run_scoped3A_63 = tpu.sem_alloc : memref<!tpu.dma_semaphore, #tpu.memory_space<semaphore_mem>>
        %dma_start3A_64 = arith.constant 0 : i32
        %dma_start3A_65 = arith.constant 0 : i32
        %dma_start3A_66 = tpu.memref_slice %arg9[%dma_start3A_64, %dma_start3A_65] : memref<64x128xf32, #tpu.memory_space<vmem>> -> memref<40x128xf32, #tpu.memory_space<vmem>>
        %dma_start3A_67 = arith.constant 0 : i32
        %dma_start3A_68 = tpu.memref_slice %arg10[%add3A_58, %dma_start3A_67] : memref<10008x128xf32, #tpu.memory_space<vmem_shared>> -> memref<40x128xf32, #tpu.memory_space<vmem_shared>>
        %dma_start3A_69 = arith.constant 0 : i32
        %dma_start3A_70 = tpu.memref_slice %arg10[%add3A_58, %dma_start3A_69] : memref<10008x128xf32, #tpu.memory_space<vmem_shared>> -> memref<40x128xf32, #tpu.memory_space<vmem_shared>>
        %dma_start3A_71 = arith.constant 0 : i32
        %dma_start3A_72 = arith.constant 0 : i32
        %dma_start3A_73 = tpu.memref_slice %arg9[%dma_start3A_71, %dma_start3A_72] : memref<64x128xf32, #tpu.memory_space<vmem>> -> memref<40x128xf32, #tpu.memory_space<vmem>>
        tpu.enqueue_dma source(%dma_start3A_73 : memref<40x128xf32, #tpu.memory_space<vmem>>) target(%dma_start3A_70 : memref<40x128xf32, #tpu.memory_space<vmem_shared>>) target_semaphore(%run_scoped3A_63 : memref<!tpu.dma_semaphore, #tpu.memory_space<semaphore_mem>>)
        %dma_wait3A_74 = arith.constant 0 : i32
        %dma_wait3A_75 = arith.constant 0 : i32
        %dma_wait3A_76 = tpu.memref_slice %arg9[%dma_wait3A_74, %dma_wait3A_75] : memref<64x128xf32, #tpu.memory_space<vmem>> -> memref<40x128xf32, #tpu.memory_space<vmem>>
        %dma_wait3A_77 = arith.constant 0 : i32
        %dma_wait3A_78 = tpu.memref_slice %arg10[%add3A_58, %dma_wait3A_77] : memref<10008x128xf32, #tpu.memory_space<vmem_shared>> -> memref<40x128xf32, #tpu.memory_space<vmem_shared>>
        %dma_wait3A_79 = arith.constant 0 : i32
        %dma_wait3A_80 = tpu.memref_slice %arg10[%add3A_58, %dma_wait3A_79] : memref<10008x128xf32, #tpu.memory_space<vmem_shared>> -> memref<40x128xf32, #tpu.memory_space<vmem_shared>>
        %dma_wait3A_81 = arith.constant 0 : i32
        %dma_wait3A_82 = arith.constant 0 : i32
        %dma_wait3A_83 = tpu.memref_slice %arg9[%dma_wait3A_81, %dma_wait3A_82] : memref<64x128xf32, #tpu.memory_space<vmem>> -> memref<40x128xf32, #tpu.memory_space<vmem>>
        tpu.wait_dma2 semaphore(%run_scoped3A_63 : memref<!tpu.dma_semaphore, #tpu.memory_space<semaphore_mem>>) src(%dma_wait3A_83 : memref<40x128xf32, #tpu.memory_space<vmem>>) dst(%dma_wait3A_80 : memref<40x128xf32, #tpu.memory_space<vmem_shared>>)
        tpu.yield
      }) : () -> ()
      %add3A_59 = arith.constant 320 : i32
      %add3A_60 = arith.addi %mul3A_14, %add3A_59 : i32
      "tpu.region"() ({
        %run_scoped3A_63 = tpu.sem_alloc : memref<!tpu.dma_semaphore, #tpu.memory_space<semaphore_mem>>
        %dma_start3A_64 = arith.constant 0 : i32
        %dma_start3A_65 = arith.constant 0 : i32
        %dma_start3A_66 = tpu.memref_slice %arg9[%dma_start3A_64, %dma_start3A_65] : memref<64x128xf32, #tpu.memory_space<vmem>> -> memref<40x128xf32, #tpu.memory_space<vmem>>
        %dma_start3A_67 = arith.constant 0 : i32
        %dma_start3A_68 = tpu.memref_slice %arg10[%add3A_60, %dma_start3A_67] : memref<10008x128xf32, #tpu.memory_space<vmem_shared>> -> memref<40x128xf32, #tpu.memory_space<vmem_shared>>
        %dma_start3A_69 = arith.constant 0 : i32
        %dma_start3A_70 = tpu.memref_slice %arg10[%add3A_60, %dma_start3A_69] : memref<10008x128xf32, #tpu.memory_space<vmem_shared>> -> memref<40x128xf32, #tpu.memory_space<vmem_shared>>
        %dma_start3A_71 = arith.constant 0 : i32
        %dma_start3A_72 = arith.constant 0 : i32
        %dma_start3A_73 = tpu.memref_slice %arg9[%dma_start3A_71, %dma_start3A_72] : memref<64x128xf32, #tpu.memory_space<vmem>> -> memref<40x128xf32, #tpu.memory_space<vmem>>
        tpu.enqueue_dma source(%dma_start3A_73 : memref<40x128xf32, #tpu.memory_space<vmem>>) target(%dma_start3A_70 : memref<40x128xf32, #tpu.memory_space<vmem_shared>>) target_semaphore(%run_scoped3A_63 : memref<!tpu.dma_semaphore, #tpu.memory_space<semaphore_mem>>)
        %dma_wait3A_74 = arith.constant 0 : i32
        %dma_wait3A_75 = arith.constant 0 : i32
        %dma_wait3A_76 = tpu.memref_slice %arg9[%dma_wait3A_74, %dma_wait3A_75] : memref<64x128xf32, #tpu.memory_space<vmem>> -> memref<40x128xf32, #tpu.memory_space<vmem>>
        %dma_wait3A_77 = arith.constant 0 : i32
        %dma_wait3A_78 = tpu.memref_slice %arg10[%add3A_60, %dma_wait3A_77] : memref<10008x128xf32, #tpu.memory_space<vmem_shared>> -> memref<40x128xf32, #tpu.memory_space<vmem_shared>>
        %dma_wait3A_79 = arith.constant 0 : i32
        %dma_wait3A_80 = tpu.memref_slice %arg10[%add3A_60, %dma_wait3A_79] : memref<10008x128xf32, #tpu.memory_space<vmem_shared>> -> memref<40x128xf32, #tpu.memory_space<vmem_shared>>
        %dma_wait3A_81 = arith.constant 0 : i32
        %dma_wait3A_82 = arith.constant 0 : i32
        %dma_wait3A_83 = tpu.memref_slice %arg9[%dma_wait3A_81, %dma_wait3A_82] : memref<64x128xf32, #tpu.memory_space<vmem>> -> memref<40x128xf32, #tpu.memory_space<vmem>>
        tpu.wait_dma2 semaphore(%run_scoped3A_63 : memref<!tpu.dma_semaphore, #tpu.memory_space<semaphore_mem>>) src(%dma_wait3A_83 : memref<40x128xf32, #tpu.memory_space<vmem>>) dst(%dma_wait3A_80 : memref<40x128xf32, #tpu.memory_space<vmem_shared>>)
        tpu.yield
      }) : () -> ()
      %add3A_61 = arith.constant 360 : i32
      %add3A_62 = arith.addi %mul3A_14, %add3A_61 : i32
      "tpu.region"() ({
        %run_scoped3A_63 = tpu.sem_alloc : memref<!tpu.dma_semaphore, #tpu.memory_space<semaphore_mem>>
        %dma_start3A_64 = arith.constant 0 : i32
        %dma_start3A_65 = arith.constant 0 : i32
        %dma_start3A_66 = tpu.memref_slice %arg9[%dma_start3A_64, %dma_start3A_65] : memref<64x128xf32, #tpu.memory_space<vmem>> -> memref<40x128xf32, #tpu.memory_space<vmem>>
        %dma_start3A_67 = arith.constant 0 : i32
        %dma_start3A_68 = tpu.memref_slice %arg10[%add3A_62, %dma_start3A_67] : memref<10008x128xf32, #tpu.memory_space<vmem_shared>> -> memref<40x128xf32, #tpu.memory_space<vmem_shared>>
        %dma_start3A_69 = arith.constant 0 : i32
        %dma_start3A_70 = tpu.memref_slice %arg10[%add3A_62, %dma_start3A_69] : memref<10008x128xf32, #tpu.memory_space<vmem_shared>> -> memref<40x128xf32, #tpu.memory_space<vmem_shared>>
        %dma_start3A_71 = arith.constant 0 : i32
        %dma_start3A_72 = arith.constant 0 : i32
        %dma_start3A_73 = tpu.memref_slice %arg9[%dma_start3A_71, %dma_start3A_72] : memref<64x128xf32, #tpu.memory_space<vmem>> -> memref<40x128xf32, #tpu.memory_space<vmem>>
        tpu.enqueue_dma source(%dma_start3A_73 : memref<40x128xf32, #tpu.memory_space<vmem>>) target(%dma_start3A_70 : memref<40x128xf32, #tpu.memory_space<vmem_shared>>) target_semaphore(%run_scoped3A_63 : memref<!tpu.dma_semaphore, #tpu.memory_space<semaphore_mem>>)
        %dma_wait3A_74 = arith.constant 0 : i32
        %dma_wait3A_75 = arith.constant 0 : i32
        %dma_wait3A_76 = tpu.memref_slice %arg9[%dma_wait3A_74, %dma_wait3A_75] : memref<64x128xf32, #tpu.memory_space<vmem>> -> memref<40x128xf32, #tpu.memory_space<vmem>>
        %dma_wait3A_77 = arith.constant 0 : i32
        %dma_wait3A_78 = tpu.memref_slice %arg10[%add3A_62, %dma_wait3A_77] : memref<10008x128xf32, #tpu.memory_space<vmem_shared>> -> memref<40x128xf32, #tpu.memory_space<vmem_shared>>
        %dma_wait3A_79 = arith.constant 0 : i32
        %dma_wait3A_80 = tpu.memref_slice %arg10[%add3A_62, %dma_wait3A_79] : memref<10008x128xf32, #tpu.memory_space<vmem_shared>> -> memref<40x128xf32, #tpu.memory_space<vmem_shared>>
        %dma_wait3A_81 = arith.constant 0 : i32
        %dma_wait3A_82 = arith.constant 0 : i32
        %dma_wait3A_83 = tpu.memref_slice %arg9[%dma_wait3A_81, %dma_wait3A_82] : memref<64x128xf32, #tpu.memory_space<vmem>> -> memref<40x128xf32, #tpu.memory_space<vmem>>
        tpu.wait_dma2 semaphore(%run_scoped3A_63 : memref<!tpu.dma_semaphore, #tpu.memory_space<semaphore_mem>>) src(%dma_wait3A_83 : memref<40x128xf32, #tpu.memory_space<vmem>>) dst(%dma_wait3A_80 : memref<40x128xf32, #tpu.memory_space<vmem_shared>>)
        tpu.yield
      }) : () -> ()
    } else {
    }
    %barrier3A = arith.constant 0 : index
    tpu.barrier barrier_id(%barrier3A)
    %scan3A_21 = arith.constant 0 : i32
    %scan3A_22 = arith.constant 0 : i32
    %scan3A_23 = arith.constant 78 : i32
    %scan3A_24 = arith.addi %scan3A_22, %scan3A_23 : i32
    %scan3A_25 = arith.constant 1 : i32
    %scan3A_26 = scf.for %scan3A_43 = %scan3A_22 to %scan3A_24 step %scan3A_25 iter_args(%scan3A_44 = %scan3A_21) -> (i32)  : i32 {
      %mul3A_45 = arith.constant 2 : i32
      %mul3A_46 = arith.muli %mul3A_45, %scan3A_43 : i32
      %add3A_47 = arith.constant 1 : i32
      %add3A_48 = arith.addi %mul3A_46, %add3A_47 : i32
      %mul3A_49 = arith.constant 64 : i32
      %mul3A_50 = arith.muli %add3A_48, %mul3A_49 : i32
      %dma_start3A_51 = tpu.memref_slice %arg6[%mul3A_50] : memref<10048xi32, #tpu.memory_space<vmem>> -> memref<64xi32, #tpu.memory_space<vmem>>
      %dma_start3A_52 = arith.constant 0 : i32
      %dma_start3A_53 = arith.constant 0 : i32
      %dma_start3A_54 = tpu.memref_slice %arg2[%dma_start3A_52, %dma_start3A_53] : memref<10000x128xf32, #tpu.memory_space<hbm>> -> memref<10000x128xf32, #tpu.memory_space<hbm>>
      tpu.enqueue_indirect_dma source(%dma_start3A_54 : memref<10000x128xf32, #tpu.memory_space<hbm>>) target(%arg9 : memref<64x128xf32, #tpu.memory_space<vmem>>) offsets(%dma_start3A_51 : memref<64xi32, #tpu.memory_space<vmem>>) semaphore(%arg12 : memref<!tpu.dma_semaphore, #tpu.memory_space<semaphore_mem>>)
      %mul3A_55 = arith.constant 64 : i32
      %mul3A_56 = arith.muli %mul3A_46, %mul3A_55 : i32
      %dma_wait3A_57 = tpu.memref_slice %arg6[%mul3A_56] : memref<10048xi32, #tpu.memory_space<vmem>> -> memref<64xi32, #tpu.memory_space<vmem>>
      %dma_wait3A_58 = arith.constant 0 : i32
      %dma_wait3A_59 = arith.constant 0 : i32
      %dma_wait3A_60 = tpu.memref_slice %arg2[%dma_wait3A_58, %dma_wait3A_59] : memref<10000x128xf32, #tpu.memory_space<hbm>> -> memref<10000x128xf32, #tpu.memory_space<hbm>>
      tpu.wait_indirect_dma semaphore(%arg11 : memref<!tpu.dma_semaphore, #tpu.memory_space<semaphore_mem>>) src(%dma_wait3A_60 : memref<10000x128xf32, #tpu.memory_space<hbm>>) dst(%arg8 : memref<64x128xf32, #tpu.memory_space<vmem>>)
      "tpu.region"() ({
        %run_scoped3A_80 = tpu.sem_alloc : memref<!tpu.dma_semaphore, #tpu.memory_space<semaphore_mem>>
        %dma_start3A_81 = arith.constant 0 : i32
        %dma_start3A_82 = tpu.memref_slice %arg7[%mul3A_46, %dma_start3A_81] : memref<157x64xi32, #tpu.memory_space<vmem>> -> memref<1x64xi32, #tpu.memory_space<vmem>>
        %dma_start3A_83 = tpu.memref_squeeze %dma_start3A_82 : memref<1x64xi32, #tpu.memory_space<vmem>> -> memref<64xi32, #tpu.memory_space<vmem>>
        %dma_start3A_84 = arith.constant 0 : i32
        %dma_start3A_85 = arith.constant 0 : i32
        %dma_start3A_86 = tpu.memref_slice %arg10[%dma_start3A_84, %dma_start3A_85] : memref<10008x128xf32, #tpu.memory_space<vmem_shared>> -> memref<10008x128xf32, #tpu.memory_space<vmem_shared>>
        tpu.enqueue_indirect_dma source(%arg8 : memref<64x128xf32, #tpu.memory_space<vmem>>) target(%dma_start3A_86 : memref<10008x128xf32, #tpu.memory_space<vmem_shared>>) offsets(%dma_start3A_83 : memref<64xi32, #tpu.memory_space<vmem>>) semaphore(%run_scoped3A_80 : memref<!tpu.dma_semaphore, #tpu.memory_space<semaphore_mem>>) {add = true}
        %dma_wait3A_87 = arith.constant 0 : i32
        %dma_wait3A_88 = tpu.memref_slice %arg7[%mul3A_46, %dma_wait3A_87] : memref<157x64xi32, #tpu.memory_space<vmem>> -> memref<1x64xi32, #tpu.memory_space<vmem>>
        %dma_wait3A_89 = tpu.memref_squeeze %dma_wait3A_88 : memref<1x64xi32, #tpu.memory_space<vmem>> -> memref<64xi32, #tpu.memory_space<vmem>>
        %dma_wait3A_90 = arith.constant 0 : i32
        %dma_wait3A_91 = arith.constant 0 : i32
        %dma_wait3A_92 = tpu.memref_slice %arg10[%dma_wait3A_90, %dma_wait3A_91] : memref<10008x128xf32, #tpu.memory_space<vmem_shared>> -> memref<10008x128xf32, #tpu.memory_space<vmem_shared>>
        tpu.wait_indirect_dma semaphore(%run_scoped3A_80 : memref<!tpu.dma_semaphore, #tpu.memory_space<semaphore_mem>>) src(%arg8 : memref<64x128xf32, #tpu.memory_space<vmem>>) dst(%dma_wait3A_92 : memref<10008x128xf32, #tpu.memory_space<vmem_shared>>)
        tpu.yield
      }) : () -> ()
      %add3A_61 = arith.constant 2 : i32
      %add3A_62 = arith.addi %mul3A_46, %add3A_61 : i32
      %mul3A_63 = arith.constant 64 : i32
      %mul3A_64 = arith.muli %add3A_62, %mul3A_63 : i32
      %dma_start3A_65 = tpu.memref_slice %arg6[%mul3A_64] : memref<10048xi32, #tpu.memory_space<vmem>> -> memref<64xi32, #tpu.memory_space<vmem>>
      %dma_start3A_66 = arith.constant 0 : i32
      %dma_start3A_67 = arith.constant 0 : i32
      %dma_start3A_68 = tpu.memref_slice %arg2[%dma_start3A_66, %dma_start3A_67] : memref<10000x128xf32, #tpu.memory_space<hbm>> -> memref<10000x128xf32, #tpu.memory_space<hbm>>
      tpu.enqueue_indirect_dma source(%dma_start3A_68 : memref<10000x128xf32, #tpu.memory_space<hbm>>) target(%arg8 : memref<64x128xf32, #tpu.memory_space<vmem>>) offsets(%dma_start3A_65 : memref<64xi32, #tpu.memory_space<vmem>>) semaphore(%arg11 : memref<!tpu.dma_semaphore, #tpu.memory_space<semaphore_mem>>)
      %add3A_69 = arith.constant 1 : i32
      %add3A_70 = arith.addi %mul3A_46, %add3A_69 : i32
      %mul3A_71 = arith.constant 64 : i32
      %mul3A_72 = arith.muli %add3A_70, %mul3A_71 : i32
      %dma_wait3A_73 = tpu.memref_slice %arg6[%mul3A_72] : memref<10048xi32, #tpu.memory_space<vmem>> -> memref<64xi32, #tpu.memory_space<vmem>>
      %dma_wait3A_74 = arith.constant 0 : i32
      %dma_wait3A_75 = arith.constant 0 : i32
      %dma_wait3A_76 = tpu.memref_slice %arg2[%dma_wait3A_74, %dma_wait3A_75] : memref<10000x128xf32, #tpu.memory_space<hbm>> -> memref<10000x128xf32, #tpu.memory_space<hbm>>
      tpu.wait_indirect_dma semaphore(%arg12 : memref<!tpu.dma_semaphore, #tpu.memory_space<semaphore_mem>>) src(%dma_wait3A_76 : memref<10000x128xf32, #tpu.memory_space<hbm>>) dst(%arg9 : memref<64x128xf32, #tpu.memory_space<vmem>>)
      %add3A_77 = arith.constant 1 : i32
      %add3A_78 = arith.addi %mul3A_46, %add3A_77 : i32
      "tpu.region"() ({
        %run_scoped3A_80 = tpu.sem_alloc : memref<!tpu.dma_semaphore, #tpu.memory_space<semaphore_mem>>
        %dma_start3A_81 = arith.constant 0 : i32
        %dma_start3A_82 = tpu.memref_slice %arg7[%add3A_78, %dma_start3A_81] : memref<157x64xi32, #tpu.memory_space<vmem>> -> memref<1x64xi32, #tpu.memory_space<vmem>>
        %dma_start3A_83 = tpu.memref_squeeze %dma_start3A_82 : memref<1x64xi32, #tpu.memory_space<vmem>> -> memref<64xi32, #tpu.memory_space<vmem>>
        %dma_start3A_84 = arith.constant 0 : i32
        %dma_start3A_85 = arith.constant 0 : i32
        %dma_start3A_86 = tpu.memref_slice %arg10[%dma_start3A_84, %dma_start3A_85] : memref<10008x128xf32, #tpu.memory_space<vmem_shared>> -> memref<10008x128xf32, #tpu.memory_space<vmem_shared>>
        tpu.enqueue_indirect_dma source(%arg9 : memref<64x128xf32, #tpu.memory_space<vmem>>) target(%dma_start3A_86 : memref<10008x128xf32, #tpu.memory_space<vmem_shared>>) offsets(%dma_start3A_83 : memref<64xi32, #tpu.memory_space<vmem>>) semaphore(%run_scoped3A_80 : memref<!tpu.dma_semaphore, #tpu.memory_space<semaphore_mem>>) {add = true}
        %dma_wait3A_87 = arith.constant 0 : i32
        %dma_wait3A_88 = tpu.memref_slice %arg7[%add3A_78, %dma_wait3A_87] : memref<157x64xi32, #tpu.memory_space<vmem>> -> memref<1x64xi32, #tpu.memory_space<vmem>>
        %dma_wait3A_89 = tpu.memref_squeeze %dma_wait3A_88 : memref<1x64xi32, #tpu.memory_space<vmem>> -> memref<64xi32, #tpu.memory_space<vmem>>
        %dma_wait3A_90 = arith.constant 0 : i32
        %dma_wait3A_91 = arith.constant 0 : i32
        %dma_wait3A_92 = tpu.memref_slice %arg10[%dma_wait3A_90, %dma_wait3A_91] : memref<10008x128xf32, #tpu.memory_space<vmem_shared>> -> memref<10008x128xf32, #tpu.memory_space<vmem_shared>>
        tpu.wait_indirect_dma semaphore(%run_scoped3A_80 : memref<!tpu.dma_semaphore, #tpu.memory_space<semaphore_mem>>) src(%arg9 : memref<64x128xf32, #tpu.memory_space<vmem>>) dst(%dma_wait3A_92 : memref<10008x128xf32, #tpu.memory_space<vmem_shared>>)
        tpu.yield
      }) : () -> ()
      %scan3A_79 = arith.constant 0 : i32
      scf.yield %scan3A_79 : i32
    }
    %scan3A_27 = arith.constant 78 : i32
    %dma_wait3A = arith.constant 9984 : i32
    %dma_wait3A_28 = tpu.memref_slice %arg6[%dma_wait3A] : memref<10048xi32, #tpu.memory_space<vmem>> -> memref<64xi32, #tpu.memory_space<vmem>>
    %dma_wait3A_29 = arith.constant 0 : i32
    %dma_wait3A_30 = arith.constant 0 : i32
    %dma_wait3A_31 = tpu.memref_slice %arg2[%dma_wait3A_29, %dma_wait3A_30] : memref<10000x128xf32, #tpu.memory_space<hbm>> -> memref<10000x128xf32, #tpu.memory_space<hbm>>
    tpu.wait_indirect_dma semaphore(%arg11 : memref<!tpu.dma_semaphore, #tpu.memory_space<semaphore_mem>>) src(%dma_wait3A_31 : memref<10000x128xf32, #tpu.memory_space<hbm>>) dst(%arg8 : memref<64x128xf32, #tpu.memory_space<vmem>>)
    %run_scoped3A = arith.constant 156 : i32
    "tpu.region"() ({
      %run_scoped3A_43 = tpu.sem_alloc : memref<!tpu.dma_semaphore, #tpu.memory_space<semaphore_mem>>
      %dma_start3A_44 = arith.constant 0 : i32
      %dma_start3A_45 = tpu.memref_slice %arg7[%run_scoped3A, %dma_start3A_44] : memref<157x64xi32, #tpu.memory_space<vmem>> -> memref<1x64xi32, #tpu.memory_space<vmem>>
      %dma_start3A_46 = tpu.memref_squeeze %dma_start3A_45 : memref<1x64xi32, #tpu.memory_space<vmem>> -> memref<64xi32, #tpu.memory_space<vmem>>
      %dma_start3A_47 = arith.constant 0 : i32
      %dma_start3A_48 = arith.constant 0 : i32
      %dma_start3A_49 = tpu.memref_slice %arg10[%dma_start3A_47, %dma_start3A_48] : memref<10008x128xf32, #tpu.memory_space<vmem_shared>> -> memref<10008x128xf32, #tpu.memory_space<vmem_shared>>
      tpu.enqueue_indirect_dma source(%arg8 : memref<64x128xf32, #tpu.memory_space<vmem>>) target(%dma_start3A_49 : memref<10008x128xf32, #tpu.memory_space<vmem_shared>>) offsets(%dma_start3A_46 : memref<64xi32, #tpu.memory_space<vmem>>) semaphore(%run_scoped3A_43 : memref<!tpu.dma_semaphore, #tpu.memory_space<semaphore_mem>>) {add = true}
      %dma_wait3A_50 = arith.constant 0 : i32
      %dma_wait3A_51 = tpu.memref_slice %arg7[%run_scoped3A, %dma_wait3A_50] : memref<157x64xi32, #tpu.memory_space<vmem>> -> memref<1x64xi32, #tpu.memory_space<vmem>>
      %dma_wait3A_52 = tpu.memref_squeeze %dma_wait3A_51 : memref<1x64xi32, #tpu.memory_space<vmem>> -> memref<64xi32, #tpu.memory_space<vmem>>
      %dma_wait3A_53 = arith.constant 0 : i32
      %dma_wait3A_54 = arith.constant 0 : i32
      %dma_wait3A_55 = tpu.memref_slice %arg10[%dma_wait3A_53, %dma_wait3A_54] : memref<10008x128xf32, #tpu.memory_space<vmem_shared>> -> memref<10008x128xf32, #tpu.memory_space<vmem_shared>>
      tpu.wait_indirect_dma semaphore(%run_scoped3A_43 : memref<!tpu.dma_semaphore, #tpu.memory_space<semaphore_mem>>) src(%arg8 : memref<64x128xf32, #tpu.memory_space<vmem>>) dst(%dma_wait3A_55 : memref<10008x128xf32, #tpu.memory_space<vmem_shared>>)
      tpu.yield
    }) : () -> ()
    %barrier3A_32 = arith.constant 0 : index
    tpu.barrier barrier_id(%barrier3A_32)
    %lt3A_33 = arith.constant 15 : i32
    %lt3A_34 = arith.cmpi slt, %arg1, %lt3A_33 : i32
    %convert_element_type3A_35 = arith.extui %lt3A_34 : i1 to i32
    %cond3A_36 = arith.constant 0 : i32
    %cond3A_37 = arith.cmpi ne, %convert_element_type3A_35, %cond3A_36 : i32
    scf.if %cond3A_37 {
      "tpu.region"() ({
        %run_scoped3A_43 = tpu.sem_alloc : memref<!tpu.dma_semaphore, #tpu.memory_space<semaphore_mem>>
        %dma_start3A_44 = arith.constant 0 : i32
        %dma_start3A_45 = tpu.memref_slice %arg5[%arg0, %mul3A_14, %dma_start3A_44] : memref<2x10000x128xf32, #tpu.memory_space<hbm>> -> memref<1x640x128xf32, #tpu.memory_space<hbm>>
        %dma_start3A_46 = tpu.memref_squeeze %dma_start3A_45 : memref<1x640x128xf32, #tpu.memory_space<hbm>> -> memref<640x128xf32, #tpu.memory_space<hbm>>
        %dma_start3A_47 = arith.constant 0 : i32
        %dma_start3A_48 = tpu.memref_slice %arg10[%mul3A_14, %dma_start3A_47] : memref<10008x128xf32, #tpu.memory_space<vmem_shared>> -> memref<640x128xf32, #tpu.memory_space<vmem_shared>>
        tpu.enqueue_dma source(%dma_start3A_48 : memref<640x128xf32, #tpu.memory_space<vmem_shared>>) target(%dma_start3A_46 : memref<640x128xf32, #tpu.memory_space<hbm>>) target_semaphore(%run_scoped3A_43 : memref<!tpu.dma_semaphore, #tpu.memory_space<semaphore_mem>>)
        %dma_wait3A_49 = arith.constant 0 : i32
        %dma_wait3A_50 = tpu.memref_slice %arg5[%arg0, %mul3A_14, %dma_wait3A_49] : memref<2x10000x128xf32, #tpu.memory_space<hbm>> -> memref<1x640x128xf32, #tpu.memory_space<hbm>>
        %dma_wait3A_51 = tpu.memref_squeeze %dma_wait3A_50 : memref<1x640x128xf32, #tpu.memory_space<hbm>> -> memref<640x128xf32, #tpu.memory_space<hbm>>
        %dma_wait3A_52 = arith.constant 0 : i32
        %dma_wait3A_53 = tpu.memref_slice %arg10[%mul3A_14, %dma_wait3A_52] : memref<10008x128xf32, #tpu.memory_space<vmem_shared>> -> memref<640x128xf32, #tpu.memory_space<vmem_shared>>
        tpu.wait_dma2 semaphore(%run_scoped3A_43 : memref<!tpu.dma_semaphore, #tpu.memory_space<semaphore_mem>>) src(%dma_wait3A_53 : memref<640x128xf32, #tpu.memory_space<vmem_shared>>) dst(%dma_wait3A_51 : memref<640x128xf32, #tpu.memory_space<hbm>>)
        tpu.yield
      }) : () -> ()
    } else {
    }
    %eq3A_38 = arith.constant 15 : i32
    %eq3A_39 = arith.cmpi eq, %arg1, %eq3A_38 : i32
    %convert_element_type3A_40 = arith.extui %eq3A_39 : i1 to i32
    %cond3A_41 = arith.constant 0 : i32
    %cond3A_42 = arith.cmpi ne, %convert_element_type3A_40, %cond3A_41 : i32
    scf.if %cond3A_42 {
      "tpu.region"() ({
        %run_scoped3A_43 = tpu.sem_alloc : memref<!tpu.dma_semaphore, #tpu.memory_space<semaphore_mem>>
        %dma_start3A_44 = arith.constant 0 : i32
        %dma_start3A_45 = tpu.memref_slice %arg5[%arg0, %mul3A_14, %dma_start3A_44] : memref<2x10000x128xf32, #tpu.memory_space<hbm>> -> memref<1x400x128xf32, #tpu.memory_space<hbm>>
        %dma_start3A_46 = tpu.memref_squeeze %dma_start3A_45 : memref<1x400x128xf32, #tpu.memory_space<hbm>> -> memref<400x128xf32, #tpu.memory_space<hbm>>
        %dma_start3A_47 = arith.constant 0 : i32
        %dma_start3A_48 = tpu.memref_slice %arg10[%mul3A_14, %dma_start3A_47] : memref<10008x128xf32, #tpu.memory_space<vmem_shared>> -> memref<400x128xf32, #tpu.memory_space<vmem_shared>>
        tpu.enqueue_dma source(%dma_start3A_48 : memref<400x128xf32, #tpu.memory_space<vmem_shared>>) target(%dma_start3A_46 : memref<400x128xf32, #tpu.memory_space<hbm>>) target_semaphore(%run_scoped3A_43 : memref<!tpu.dma_semaphore, #tpu.memory_space<semaphore_mem>>)
        %dma_wait3A_49 = arith.constant 0 : i32
        %dma_wait3A_50 = tpu.memref_slice %arg5[%arg0, %mul3A_14, %dma_wait3A_49] : memref<2x10000x128xf32, #tpu.memory_space<hbm>> -> memref<1x400x128xf32, #tpu.memory_space<hbm>>
        %dma_wait3A_51 = tpu.memref_squeeze %dma_wait3A_50 : memref<1x400x128xf32, #tpu.memory_space<hbm>> -> memref<400x128xf32, #tpu.memory_space<hbm>>
        %dma_wait3A_52 = arith.constant 0 : i32
        %dma_wait3A_53 = tpu.memref_slice %arg10[%mul3A_14, %dma_wait3A_52] : memref<10008x128xf32, #tpu.memory_space<vmem_shared>> -> memref<400x128xf32, #tpu.memory_space<vmem_shared>>
        tpu.wait_dma2 semaphore(%run_scoped3A_43 : memref<!tpu.dma_semaphore, #tpu.memory_space<semaphore_mem>>) src(%dma_wait3A_53 : memref<400x128xf32, #tpu.memory_space<vmem_shared>>) dst(%dma_wait3A_51 : memref<400x128xf32, #tpu.memory_space<hbm>>)
        tpu.yield
      }) : () -> ()
    } else {
    }
    return
  }
}

#map = affine_map<(d0, d1) -> (0, 0)>
#map1 = affine_map<(d0, d1) -> (0)>
#map2 = affine_map<(d0, d1) -> (0, 0, 0)>
module attributes {stable_mosaic.version = 14 : i64} {
  func.func @k(%arg0: i32, %arg1: i32, %arg2: memref<10000x128xf32, #tpu.memory_space<hbm>>, %arg3: memref<321536xi32, #tpu.memory_space<hbm>>, %arg4: memref<32x157x64xi32, #tpu.memory_space<hbm>>, %arg5: memref<2x10000x128xf32, #tpu.memory_space<hbm>>, %arg6: memref<10048xi32, #tpu.memory_space<vmem>>, %arg7: memref<157x64xi32, #tpu.memory_space<vmem>>, %arg8: memref<64x128xf32, #tpu.memory_space<vmem>>, %arg9: memref<64x128xf32, #tpu.memory_space<vmem>>, %arg10: memref<10008x128xf32, #tpu.memory_space<vmem_shared>>, %arg11: memref<!tpu.dma_semaphore, #tpu.memory_space<semaphore_mem>>, %arg12: memref<!tpu.dma_semaphore, #tpu.memory_space<semaphore_mem>>) attributes {dimension_semantics = [#tpu.dimension_semantics<core_parallel>, #tpu.dimension_semantics<subcore_parallel>], iteration_bounds = array<i64: 2, 16>, scalar_prefetch = 0 : i64, scratch_operands = 7 : i64, tpu.core_type = #tpu.core_type<sc_vector_subcore>, window_params = [{transform_indices = #map}, {transform_indices = #map1}, {transform_indices = #map2}, {transform_indices = #map2}]} {
    %mul3A = arith.constant 16 : i32
    %mul3A_0 = arith.muli %arg0, %mul3A : i32
    %add3A = arith.addi %mul3A_0, %arg1 : i32
    %mul3A_1 = arith.constant 10048 : i32
    %mul3A_2 = arith.muli %add3A, %mul3A_1 : i32
    "tpu.region"() ({
      %run_scoped3A_43 = tpu.sem_alloc : memref<!tpu.dma_semaphore, #tpu.memory_space<semaphore_mem>>
      %dma_start3A_44 = tpu.memref_slice %arg3[%mul3A_2] : memref<321536xi32, #tpu.memory_space<hbm>> -> memref<10048xi32, #tpu.memory_space<hbm>>
      %dma_start3A_45 = tpu.memref_slice %arg3[%mul3A_2] : memref<321536xi32, #tpu.memory_space<hbm>> -> memref<10048xi32, #tpu.memory_space<hbm>>
      tpu.enqueue_dma source(%dma_start3A_45 : memref<10048xi32, #tpu.memory_space<hbm>>) target(%arg6 : memref<10048xi32, #tpu.memory_space<vmem>>) target_semaphore(%run_scoped3A_43 : memref<!tpu.dma_semaphore, #tpu.memory_space<semaphore_mem>>)
      %dma_wait3A_46 = tpu.memref_slice %arg3[%mul3A_2] : memref<321536xi32, #tpu.memory_space<hbm>> -> memref<10048xi32, #tpu.memory_space<hbm>>
      %dma_wait3A_47 = tpu.memref_slice %arg3[%mul3A_2] : memref<321536xi32, #tpu.memory_space<hbm>> -> memref<10048xi32, #tpu.memory_space<hbm>>
      tpu.wait_dma2 semaphore(%run_scoped3A_43 : memref<!tpu.dma_semaphore, #tpu.memory_space<semaphore_mem>>) src(%dma_wait3A_47 : memref<10048xi32, #tpu.memory_space<hbm>>) dst(%arg6 : memref<10048xi32, #tpu.memory_space<vmem>>)
      tpu.yield
    }) : () -> ()
    "tpu.region"() ({
      %run_scoped3A_43 = tpu.sem_alloc : memref<!tpu.dma_semaphore, #tpu.memory_space<semaphore_mem>>
      %dma_start3A_44 = arith.constant 0 : i32
      %dma_start3A_45 = arith.constant 0 : i32
      %dma_start3A_46 = tpu.memref_slice %arg4[%add3A, %dma_start3A_44, %dma_start3A_45] : memref<32x157x64xi32, #tpu.memory_space<hbm>> -> memref<1x157x64xi32, #tpu.memory_space<hbm>>
      %dma_start3A_47 = tpu.memref_squeeze %dma_start3A_46 : memref<1x157x64xi32, #tpu.memory_space<hbm>> -> memref<157x64xi32, #tpu.memory_space<hbm>>
      %dma_start3A_48 = arith.constant 0 : i32
      %dma_start3A_49 = arith.constant 0 : i32
      %dma_start3A_50 = tpu.memref_slice %arg4[%add3A, %dma_start3A_48, %dma_start3A_49] : memref<32x157x64xi32, #tpu.memory_space<hbm>> -> memref<1x157x64xi32, #tpu.memory_space<hbm>>
      %dma_start3A_51 = tpu.memref_squeeze %dma_start3A_50 : memref<1x157x64xi32, #tpu.memory_space<hbm>> -> memref<157x64xi32, #tpu.memory_space<hbm>>
      tpu.enqueue_dma source(%dma_start3A_51 : memref<157x64xi32, #tpu.memory_space<hbm>>) target(%arg7 : memref<157x64xi32, #tpu.memory_space<vmem>>) target_semaphore(%run_scoped3A_43 : memref<!tpu.dma_semaphore, #tpu.memory_space<semaphore_mem>>)
      %dma_wait3A_52 = arith.constant 0 : i32
      %dma_wait3A_53 = arith.constant 0 : i32
      %dma_wait3A_54 = tpu.memref_slice %arg4[%add3A, %dma_wait3A_52, %dma_wait3A_53] : memref<32x157x64xi32, #tpu.memory_space<hbm>> -> memref<1x157x64xi32, #tpu.memory_space<hbm>>
      %dma_wait3A_55 = tpu.memref_squeeze %dma_wait3A_54 : memref<1x157x64xi32, #tpu.memory_space<hbm>> -> memref<157x64xi32, #tpu.memory_space<hbm>>
      %dma_wait3A_56 = arith.constant 0 : i32
      %dma_wait3A_57 = arith.constant 0 : i32
      %dma_wait3A_58 = tpu.memref_slice %arg4[%add3A, %dma_wait3A_56, %dma_wait3A_57] : memref<32x157x64xi32, #tpu.memory_space<hbm>> -> memref<1x157x64xi32, #tpu.memory_space<hbm>>
      %dma_wait3A_59 = tpu.memref_squeeze %dma_wait3A_58 : memref<1x157x64xi32, #tpu.memory_space<hbm>> -> memref<157x64xi32, #tpu.memory_space<hbm>>
      tpu.wait_dma2 semaphore(%run_scoped3A_43 : memref<!tpu.dma_semaphore, #tpu.memory_space<semaphore_mem>>) src(%dma_wait3A_59 : memref<157x64xi32, #tpu.memory_space<hbm>>) dst(%arg7 : memref<157x64xi32, #tpu.memory_space<vmem>>)
      tpu.yield
    }) : () -> ()
    %dma_start3A = arith.constant 0 : i32
    %dma_start3A_3 = tpu.memref_slice %arg6[%dma_start3A] : memref<10048xi32, #tpu.memory_space<vmem>> -> memref<64xi32, #tpu.memory_space<vmem>>
    %dma_start3A_4 = arith.constant 0 : i32
    %dma_start3A_5 = arith.constant 0 : i32
    %dma_start3A_6 = tpu.memref_slice %arg2[%dma_start3A_4, %dma_start3A_5] : memref<10000x128xf32, #tpu.memory_space<hbm>> -> memref<10000x128xf32, #tpu.memory_space<hbm>>
    tpu.enqueue_indirect_dma source(%dma_start3A_6 : memref<10000x128xf32, #tpu.memory_space<hbm>>) target(%arg8 : memref<64x128xf32, #tpu.memory_space<vmem>>) offsets(%dma_start3A_3 : memref<64xi32, #tpu.memory_space<vmem>>) semaphore(%arg11 : memref<!tpu.dma_semaphore, #tpu.memory_space<semaphore_mem>>)
    %scan3A = arith.constant 0 : i32
    %scan3A_7 = arith.constant 0 : i32
    %scan3A_8 = arith.constant 320 : i32
    %scan3A_9 = arith.addi %scan3A_7, %scan3A_8 : i32
    %scan3A_10 = arith.constant 1 : i32
    %scan3A_11 = scf.for %scan3A_43 = %scan3A_7 to %scan3A_9 step %scan3A_10 iter_args(%scan3A_44 = %scan3A) -> (i32)  : i32 {
      %broadcast_in_dim3A = arith.constant 0.000000e+00 : f32
      %broadcast_in_dim3A_45 = vector.broadcast %broadcast_in_dim3A : f32 to vector<16xf32>
      %jit3A = arith.constant 8 : i32
      %div3A = arith.divsi %scan3A_43, %jit3A : i32
      %sign3A = arith.constant 0 : i32
      %sign3A_46 = arith.cmpi sgt, %scan3A_43, %sign3A : i32
      %sign3A_47 = arith.extui %sign3A_46 : i1 to i32
      %sign3A_48 = arith.constant 0 : i32
      %sign3A_49 = arith.cmpi slt, %scan3A_43, %sign3A_48 : i32
      %sign3A_50 = arith.extui %sign3A_49 : i1 to i32
      %sign3A_51 = arith.subi %sign3A_47, %sign3A_50 : i32
      %sign3A_52 = arith.constant 0 : i32
      %sign3A_53 = arith.cmpi sgt, %jit3A, %sign3A_52 : i32
      %sign3A_54 = arith.extui %sign3A_53 : i1 to i32
      %sign3A_55 = arith.constant 0 : i32
      %sign3A_56 = arith.cmpi slt, %jit3A, %sign3A_55 : i32
      %sign3A_57 = arith.extui %sign3A_56 : i1 to i32
      %sign3A_58 = arith.subi %sign3A_54, %sign3A_57 : i32
      %ne3A = arith.cmpi ne, %sign3A_51, %sign3A_58 : i32
      %rem3A = arith.remsi %scan3A_43, %jit3A : i32
      %ne3A_59 = arith.constant 0 : i32
      %ne3A_60 = arith.cmpi ne, %rem3A, %ne3A_59 : i32
      %and3A = arith.andi %ne3A, %ne3A_60 : i1
      %sub3A = arith.constant 1 : i32
      %sub3A_61 = arith.subi %div3A, %sub3A : i32
      %select_n3A = arith.select %and3A, %sub3A_61, %div3A : i32
      %jit3A_62 = arith.constant 8 : i32
      %eq3A_63 = arith.constant 0 : i32
      %eq3A_64 = arith.cmpi eq, %jit3A_62, %eq3A_63 : i32
      %jit3A_65 = arith.constant 1 : i32
      %select_n3A_66 = arith.select %eq3A_64, %jit3A_65, %jit3A_62 : i32
      %rem3A_67 = arith.remsi %scan3A_43, %select_n3A_66 : i32
      %ne3A_68 = arith.constant 0 : i32
      %ne3A_69 = arith.cmpi ne, %rem3A_67, %ne3A_68 : i32
      %lt3A_70 = arith.constant 0 : i32
      %lt3A_71 = arith.cmpi slt, %rem3A_67, %lt3A_70 : i32
      %lt3A_72 = arith.constant 0 : i32
      %lt3A_73 = arith.cmpi slt, %select_n3A_66, %lt3A_72 : i32
      %ne3A_74 = arith.xori %lt3A_71, %lt3A_73 : i1
      %and3A_75 = arith.andi %ne3A_74, %ne3A_69 : i1
      %add3A_76 = arith.addi %rem3A_67, %select_n3A_66 : i32
      %select_n3A_77 = arith.select %and3A_75, %add3A_76, %rem3A_67 : i32
      %mul3A_78 = arith.constant 16 : i32
      %mul3A_79 = arith.muli %select_n3A_77, %mul3A_78 : i32
      %swap3A = arith.index_cast %select_n3A : i32 to index
      %swap3A_80 = arith.index_cast %mul3A_79 : i32 to index
      %swap3A_81 = tpu.vector_load %arg9[%swap3A, %swap3A_80] {strides = array<i32>} : memref<64x128xf32, #tpu.memory_space<vmem>>, vector<16xf32>,
      tpu.vector_store %arg9[%swap3A, %swap3A_80], %broadcast_in_dim3A_45 {strides = array<i32>} : memref<64x128xf32, #tpu.memory_space<vmem>>, vector<16xf32>,
      %scan3A_82 = arith.constant 0 : i32
      scf.yield %scan3A_82 : i32
    }
    %scan3A_12 = arith.constant 320 : i32
    %mul3A_13 = arith.constant 640 : i32
    %mul3A_14 = arith.muli %arg1, %mul3A_13 : i32
    %lt3A = arith.constant 15 : i32
    %lt3A_15 = arith.cmpi slt, %arg1, %lt3A : i32
    %convert_element_type3A = arith.extui %lt3A_15 : i1 to i32
    %cond3A = arith.constant 0 : i32
    %cond3A_16 = arith.cmpi ne, %convert_element_type3A, %cond3A : i32
    scf.if %cond3A_16 {
      %add3A_43 = arith.constant 0 : i32
      %add3A_44 = arith.addi %mul3A_14, %add3A_43 : i32
      "tpu.region"() ({
        %run_scoped3A_75 = tpu.sem_alloc : memref<!tpu.dma_semaphore, #tpu.memory_space<semaphore_mem>>
        %dma_start3A_76 = arith.constant 0 : i32
        %dma_start3A_77 = arith.constant 0 : i32
        %dma_start3A_78 = tpu.memref_slice %arg9[%dma_start3A_76, %dma_start3A_77] : memref<64x128xf32, #tpu.memory_space<vmem>> -> memref<40x128xf32, #tpu.memory_space<vmem>>
        %dma_start3A_79 = arith.constant 0 : i32
        %dma_start3A_80 = tpu.memref_slice %arg10[%add3A_44, %dma_start3A_79] : memref<10008x128xf32, #tpu.memory_space<vmem_shared>> -> memref<40x128xf32, #tpu.memory_space<vmem_shared>>
        %dma_start3A_81 = arith.constant 0 : i32
        %dma_start3A_82 = tpu.memref_slice %arg10[%add3A_44, %dma_start3A_81] : memref<10008x128xf32, #tpu.memory_space<vmem_shared>> -> memref<40x128xf32, #tpu.memory_space<vmem_shared>>
        %dma_start3A_83 = arith.constant 0 : i32
        %dma_start3A_84 = arith.constant 0 : i32
        %dma_start3A_85 = tpu.memref_slice %arg9[%dma_start3A_83, %dma_start3A_84] : memref<64x128xf32, #tpu.memory_space<vmem>> -> memref<40x128xf32, #tpu.memory_space<vmem>>
        tpu.enqueue_dma source(%dma_start3A_85 : memref<40x128xf32, #tpu.memory_space<vmem>>) target(%dma_start3A_82 : memref<40x128xf32, #tpu.memory_space<vmem_shared>>) target_semaphore(%run_scoped3A_75 : memref<!tpu.dma_semaphore, #tpu.memory_space<semaphore_mem>>)
        %dma_wait3A_86 = arith.constant 0 : i32
        %dma_wait3A_87 = arith.constant 0 : i32
        %dma_wait3A_88 = tpu.memref_slice %arg9[%dma_wait3A_86, %dma_wait3A_87] : memref<64x128xf32, #tpu.memory_space<vmem>> -> memref<40x128xf32, #tpu.memory_space<vmem>>
        %dma_wait3A_89 = arith.constant 0 : i32
        %dma_wait3A_90 = tpu.memref_slice %arg10[%add3A_44, %dma_wait3A_89] : memref<10008x128xf32, #tpu.memory_space<vmem_shared>> -> memref<40x128xf32, #tpu.memory_space<vmem_shared>>
        %dma_wait3A_91 = arith.constant 0 : i32
        %dma_wait3A_92 = tpu.memref_slice %arg10[%add3A_44, %dma_wait3A_91] : memref<10008x128xf32, #tpu.memory_space<vmem_shared>> -> memref<40x128xf32, #tpu.memory_space<vmem_shared>>
        %dma_wait3A_93 = arith.constant 0 : i32
        %dma_wait3A_94 = arith.constant 0 : i32
        %dma_wait3A_95 = tpu.memref_slice %arg9[%dma_wait3A_93, %dma_wait3A_94] : memref<64x128xf32, #tpu.memory_space<vmem>> -> memref<40x128xf32, #tpu.memory_space<vmem>>
        tpu.wait_dma2 semaphore(%run_scoped3A_75 : memref<!tpu.dma_semaphore, #tpu.memory_space<semaphore_mem>>) src(%dma_wait3A_95 : memref<40x128xf32, #tpu.memory_space<vmem>>) dst(%dma_wait3A_92 : memref<40x128xf32, #tpu.memory_space<vmem_shared>>)
        tpu.yield
      }) : () -> ()
      %add3A_45 = arith.constant 40 : i32
      %add3A_46 = arith.addi %mul3A_14, %add3A_45 : i32
      "tpu.region"() ({
        %run_scoped3A_75 = tpu.sem_alloc : memref<!tpu.dma_semaphore, #tpu.memory_space<semaphore_mem>>
        %dma_start3A_76 = arith.constant 0 : i32
        %dma_start3A_77 = arith.constant 0 : i32
        %dma_start3A_78 = tpu.memref_slice %arg9[%dma_start3A_76, %dma_start3A_77] : memref<64x128xf32, #tpu.memory_space<vmem>> -> memref<40x128xf32, #tpu.memory_space<vmem>>
        %dma_start3A_79 = arith.constant 0 : i32
        %dma_start3A_80 = tpu.memref_slice %arg10[%add3A_46, %dma_start3A_79] : memref<10008x128xf32, #tpu.memory_space<vmem_shared>> -> memref<40x128xf32, #tpu.memory_space<vmem_shared>>
        %dma_start3A_81 = arith.constant 0 : i32
        %dma_start3A_82 = tpu.memref_slice %arg10[%add3A_46, %dma_start3A_81] : memref<10008x128xf32, #tpu.memory_space<vmem_shared>> -> memref<40x128xf32, #tpu.memory_space<vmem_shared>>
        %dma_start3A_83 = arith.constant 0 : i32
        %dma_start3A_84 = arith.constant 0 : i32
        %dma_start3A_85 = tpu.memref_slice %arg9[%dma_start3A_83, %dma_start3A_84] : memref<64x128xf32, #tpu.memory_space<vmem>> -> memref<40x128xf32, #tpu.memory_space<vmem>>
        tpu.enqueue_dma source(%dma_start3A_85 : memref<40x128xf32, #tpu.memory_space<vmem>>) target(%dma_start3A_82 : memref<40x128xf32, #tpu.memory_space<vmem_shared>>) target_semaphore(%run_scoped3A_75 : memref<!tpu.dma_semaphore, #tpu.memory_space<semaphore_mem>>)
        %dma_wait3A_86 = arith.constant 0 : i32
        %dma_wait3A_87 = arith.constant 0 : i32
        %dma_wait3A_88 = tpu.memref_slice %arg9[%dma_wait3A_86, %dma_wait3A_87] : memref<64x128xf32, #tpu.memory_space<vmem>> -> memref<40x128xf32, #tpu.memory_space<vmem>>
        %dma_wait3A_89 = arith.constant 0 : i32
        %dma_wait3A_90 = tpu.memref_slice %arg10[%add3A_46, %dma_wait3A_89] : memref<10008x128xf32, #tpu.memory_space<vmem_shared>> -> memref<40x128xf32, #tpu.memory_space<vmem_shared>>
        %dma_wait3A_91 = arith.constant 0 : i32
        %dma_wait3A_92 = tpu.memref_slice %arg10[%add3A_46, %dma_wait3A_91] : memref<10008x128xf32, #tpu.memory_space<vmem_shared>> -> memref<40x128xf32, #tpu.memory_space<vmem_shared>>
        %dma_wait3A_93 = arith.constant 0 : i32
        %dma_wait3A_94 = arith.constant 0 : i32
        %dma_wait3A_95 = tpu.memref_slice %arg9[%dma_wait3A_93, %dma_wait3A_94] : memref<64x128xf32, #tpu.memory_space<vmem>> -> memref<40x128xf32, #tpu.memory_space<vmem>>
        tpu.wait_dma2 semaphore(%run_scoped3A_75 : memref<!tpu.dma_semaphore, #tpu.memory_space<semaphore_mem>>) src(%dma_wait3A_95 : memref<40x128xf32, #tpu.memory_space<vmem>>) dst(%dma_wait3A_92 : memref<40x128xf32, #tpu.memory_space<vmem_shared>>)
        tpu.yield
      }) : () -> ()
      %add3A_47 = arith.constant 80 : i32
      %add3A_48 = arith.addi %mul3A_14, %add3A_47 : i32
      "tpu.region"() ({
        %run_scoped3A_75 = tpu.sem_alloc : memref<!tpu.dma_semaphore, #tpu.memory_space<semaphore_mem>>
        %dma_start3A_76 = arith.constant 0 : i32
        %dma_start3A_77 = arith.constant 0 : i32
        %dma_start3A_78 = tpu.memref_slice %arg9[%dma_start3A_76, %dma_start3A_77] : memref<64x128xf32, #tpu.memory_space<vmem>> -> memref<40x128xf32, #tpu.memory_space<vmem>>
        %dma_start3A_79 = arith.constant 0 : i32
        %dma_start3A_80 = tpu.memref_slice %arg10[%add3A_48, %dma_start3A_79] : memref<10008x128xf32, #tpu.memory_space<vmem_shared>> -> memref<40x128xf32, #tpu.memory_space<vmem_shared>>
        %dma_start3A_81 = arith.constant 0 : i32
        %dma_start3A_82 = tpu.memref_slice %arg10[%add3A_48, %dma_start3A_81] : memref<10008x128xf32, #tpu.memory_space<vmem_shared>> -> memref<40x128xf32, #tpu.memory_space<vmem_shared>>
        %dma_start3A_83 = arith.constant 0 : i32
        %dma_start3A_84 = arith.constant 0 : i32
        %dma_start3A_85 = tpu.memref_slice %arg9[%dma_start3A_83, %dma_start3A_84] : memref<64x128xf32, #tpu.memory_space<vmem>> -> memref<40x128xf32, #tpu.memory_space<vmem>>
        tpu.enqueue_dma source(%dma_start3A_85 : memref<40x128xf32, #tpu.memory_space<vmem>>) target(%dma_start3A_82 : memref<40x128xf32, #tpu.memory_space<vmem_shared>>) target_semaphore(%run_scoped3A_75 : memref<!tpu.dma_semaphore, #tpu.memory_space<semaphore_mem>>)
        %dma_wait3A_86 = arith.constant 0 : i32
        %dma_wait3A_87 = arith.constant 0 : i32
        %dma_wait3A_88 = tpu.memref_slice %arg9[%dma_wait3A_86, %dma_wait3A_87] : memref<64x128xf32, #tpu.memory_space<vmem>> -> memref<40x128xf32, #tpu.memory_space<vmem>>
        %dma_wait3A_89 = arith.constant 0 : i32
        %dma_wait3A_90 = tpu.memref_slice %arg10[%add3A_48, %dma_wait3A_89] : memref<10008x128xf32, #tpu.memory_space<vmem_shared>> -> memref<40x128xf32, #tpu.memory_space<vmem_shared>>
        %dma_wait3A_91 = arith.constant 0 : i32
        %dma_wait3A_92 = tpu.memref_slice %arg10[%add3A_48, %dma_wait3A_91] : memref<10008x128xf32, #tpu.memory_space<vmem_shared>> -> memref<40x128xf32, #tpu.memory_space<vmem_shared>>
        %dma_wait3A_93 = arith.constant 0 : i32
        %dma_wait3A_94 = arith.constant 0 : i32
        %dma_wait3A_95 = tpu.memref_slice %arg9[%dma_wait3A_93, %dma_wait3A_94] : memref<64x128xf32, #tpu.memory_space<vmem>> -> memref<40x128xf32, #tpu.memory_space<vmem>>
        tpu.wait_dma2 semaphore(%run_scoped3A_75 : memref<!tpu.dma_semaphore, #tpu.memory_space<semaphore_mem>>) src(%dma_wait3A_95 : memref<40x128xf32, #tpu.memory_space<vmem>>) dst(%dma_wait3A_92 : memref<40x128xf32, #tpu.memory_space<vmem_shared>>)
        tpu.yield
      }) : () -> ()
      %add3A_49 = arith.constant 120 : i32
      %add3A_50 = arith.addi %mul3A_14, %add3A_49 : i32
      "tpu.region"() ({
        %run_scoped3A_75 = tpu.sem_alloc : memref<!tpu.dma_semaphore, #tpu.memory_space<semaphore_mem>>
        %dma_start3A_76 = arith.constant 0 : i32
        %dma_start3A_77 = arith.constant 0 : i32
        %dma_start3A_78 = tpu.memref_slice %arg9[%dma_start3A_76, %dma_start3A_77] : memref<64x128xf32, #tpu.memory_space<vmem>> -> memref<40x128xf32, #tpu.memory_space<vmem>>
        %dma_start3A_79 = arith.constant 0 : i32
        %dma_start3A_80 = tpu.memref_slice %arg10[%add3A_50, %dma_start3A_79] : memref<10008x128xf32, #tpu.memory_space<vmem_shared>> -> memref<40x128xf32, #tpu.memory_space<vmem_shared>>
        %dma_start3A_81 = arith.constant 0 : i32
        %dma_start3A_82 = tpu.memref_slice %arg10[%add3A_50, %dma_start3A_81] : memref<10008x128xf32, #tpu.memory_space<vmem_shared>> -> memref<40x128xf32, #tpu.memory_space<vmem_shared>>
        %dma_start3A_83 = arith.constant 0 : i32
        %dma_start3A_84 = arith.constant 0 : i32
        %dma_start3A_85 = tpu.memref_slice %arg9[%dma_start3A_83, %dma_start3A_84] : memref<64x128xf32, #tpu.memory_space<vmem>> -> memref<40x128xf32, #tpu.memory_space<vmem>>
        tpu.enqueue_dma source(%dma_start3A_85 : memref<40x128xf32, #tpu.memory_space<vmem>>) target(%dma_start3A_82 : memref<40x128xf32, #tpu.memory_space<vmem_shared>>) target_semaphore(%run_scoped3A_75 : memref<!tpu.dma_semaphore, #tpu.memory_space<semaphore_mem>>)
        %dma_wait3A_86 = arith.constant 0 : i32
        %dma_wait3A_87 = arith.constant 0 : i32
        %dma_wait3A_88 = tpu.memref_slice %arg9[%dma_wait3A_86, %dma_wait3A_87] : memref<64x128xf32, #tpu.memory_space<vmem>> -> memref<40x128xf32, #tpu.memory_space<vmem>>
        %dma_wait3A_89 = arith.constant 0 : i32
        %dma_wait3A_90 = tpu.memref_slice %arg10[%add3A_50, %dma_wait3A_89] : memref<10008x128xf32, #tpu.memory_space<vmem_shared>> -> memref<40x128xf32, #tpu.memory_space<vmem_shared>>
        %dma_wait3A_91 = arith.constant 0 : i32
        %dma_wait3A_92 = tpu.memref_slice %arg10[%add3A_50, %dma_wait3A_91] : memref<10008x128xf32, #tpu.memory_space<vmem_shared>> -> memref<40x128xf32, #tpu.memory_space<vmem_shared>>
        %dma_wait3A_93 = arith.constant 0 : i32
        %dma_wait3A_94 = arith.constant 0 : i32
        %dma_wait3A_95 = tpu.memref_slice %arg9[%dma_wait3A_93, %dma_wait3A_94] : memref<64x128xf32, #tpu.memory_space<vmem>> -> memref<40x128xf32, #tpu.memory_space<vmem>>
        tpu.wait_dma2 semaphore(%run_scoped3A_75 : memref<!tpu.dma_semaphore, #tpu.memory_space<semaphore_mem>>) src(%dma_wait3A_95 : memref<40x128xf32, #tpu.memory_space<vmem>>) dst(%dma_wait3A_92 : memref<40x128xf32, #tpu.memory_space<vmem_shared>>)
        tpu.yield
      }) : () -> ()
      %add3A_51 = arith.constant 160 : i32
      %add3A_52 = arith.addi %mul3A_14, %add3A_51 : i32
      "tpu.region"() ({
        %run_scoped3A_75 = tpu.sem_alloc : memref<!tpu.dma_semaphore, #tpu.memory_space<semaphore_mem>>
        %dma_start3A_76 = arith.constant 0 : i32
        %dma_start3A_77 = arith.constant 0 : i32
        %dma_start3A_78 = tpu.memref_slice %arg9[%dma_start3A_76, %dma_start3A_77] : memref<64x128xf32, #tpu.memory_space<vmem>> -> memref<40x128xf32, #tpu.memory_space<vmem>>
        %dma_start3A_79 = arith.constant 0 : i32
        %dma_start3A_80 = tpu.memref_slice %arg10[%add3A_52, %dma_start3A_79] : memref<10008x128xf32, #tpu.memory_space<vmem_shared>> -> memref<40x128xf32, #tpu.memory_space<vmem_shared>>
        %dma_start3A_81 = arith.constant 0 : i32
        %dma_start3A_82 = tpu.memref_slice %arg10[%add3A_52, %dma_start3A_81] : memref<10008x128xf32, #tpu.memory_space<vmem_shared>> -> memref<40x128xf32, #tpu.memory_space<vmem_shared>>
        %dma_start3A_83 = arith.constant 0 : i32
        %dma_start3A_84 = arith.constant 0 : i32
        %dma_start3A_85 = tpu.memref_slice %arg9[%dma_start3A_83, %dma_start3A_84] : memref<64x128xf32, #tpu.memory_space<vmem>> -> memref<40x128xf32, #tpu.memory_space<vmem>>
        tpu.enqueue_dma source(%dma_start3A_85 : memref<40x128xf32, #tpu.memory_space<vmem>>) target(%dma_start3A_82 : memref<40x128xf32, #tpu.memory_space<vmem_shared>>) target_semaphore(%run_scoped3A_75 : memref<!tpu.dma_semaphore, #tpu.memory_space<semaphore_mem>>)
        %dma_wait3A_86 = arith.constant 0 : i32
        %dma_wait3A_87 = arith.constant 0 : i32
        %dma_wait3A_88 = tpu.memref_slice %arg9[%dma_wait3A_86, %dma_wait3A_87] : memref<64x128xf32, #tpu.memory_space<vmem>> -> memref<40x128xf32, #tpu.memory_space<vmem>>
        %dma_wait3A_89 = arith.constant 0 : i32
        %dma_wait3A_90 = tpu.memref_slice %arg10[%add3A_52, %dma_wait3A_89] : memref<10008x128xf32, #tpu.memory_space<vmem_shared>> -> memref<40x128xf32, #tpu.memory_space<vmem_shared>>
        %dma_wait3A_91 = arith.constant 0 : i32
        %dma_wait3A_92 = tpu.memref_slice %arg10[%add3A_52, %dma_wait3A_91] : memref<10008x128xf32, #tpu.memory_space<vmem_shared>> -> memref<40x128xf32, #tpu.memory_space<vmem_shared>>
        %dma_wait3A_93 = arith.constant 0 : i32
        %dma_wait3A_94 = arith.constant 0 : i32
        %dma_wait3A_95 = tpu.memref_slice %arg9[%dma_wait3A_93, %dma_wait3A_94] : memref<64x128xf32, #tpu.memory_space<vmem>> -> memref<40x128xf32, #tpu.memory_space<vmem>>
        tpu.wait_dma2 semaphore(%run_scoped3A_75 : memref<!tpu.dma_semaphore, #tpu.memory_space<semaphore_mem>>) src(%dma_wait3A_95 : memref<40x128xf32, #tpu.memory_space<vmem>>) dst(%dma_wait3A_92 : memref<40x128xf32, #tpu.memory_space<vmem_shared>>)
        tpu.yield
      }) : () -> ()
      %add3A_53 = arith.constant 200 : i32
      %add3A_54 = arith.addi %mul3A_14, %add3A_53 : i32
      "tpu.region"() ({
        %run_scoped3A_75 = tpu.sem_alloc : memref<!tpu.dma_semaphore, #tpu.memory_space<semaphore_mem>>
        %dma_start3A_76 = arith.constant 0 : i32
        %dma_start3A_77 = arith.constant 0 : i32
        %dma_start3A_78 = tpu.memref_slice %arg9[%dma_start3A_76, %dma_start3A_77] : memref<64x128xf32, #tpu.memory_space<vmem>> -> memref<40x128xf32, #tpu.memory_space<vmem>>
        %dma_start3A_79 = arith.constant 0 : i32
        %dma_start3A_80 = tpu.memref_slice %arg10[%add3A_54, %dma_start3A_79] : memref<10008x128xf32, #tpu.memory_space<vmem_shared>> -> memref<40x128xf32, #tpu.memory_space<vmem_shared>>
        %dma_start3A_81 = arith.constant 0 : i32
        %dma_start3A_82 = tpu.memref_slice %arg10[%add3A_54, %dma_start3A_81] : memref<10008x128xf32, #tpu.memory_space<vmem_shared>> -> memref<40x128xf32, #tpu.memory_space<vmem_shared>>
        %dma_start3A_83 = arith.constant 0 : i32
        %dma_start3A_84 = arith.constant 0 : i32
        %dma_start3A_85 = tpu.memref_slice %arg9[%dma_start3A_83, %dma_start3A_84] : memref<64x128xf32, #tpu.memory_space<vmem>> -> memref<40x128xf32, #tpu.memory_space<vmem>>
        tpu.enqueue_dma source(%dma_start3A_85 : memref<40x128xf32, #tpu.memory_space<vmem>>) target(%dma_start3A_82 : memref<40x128xf32, #tpu.memory_space<vmem_shared>>) target_semaphore(%run_scoped3A_75 : memref<!tpu.dma_semaphore, #tpu.memory_space<semaphore_mem>>)
        %dma_wait3A_86 = arith.constant 0 : i32
        %dma_wait3A_87 = arith.constant 0 : i32
        %dma_wait3A_88 = tpu.memref_slice %arg9[%dma_wait3A_86, %dma_wait3A_87] : memref<64x128xf32, #tpu.memory_space<vmem>> -> memref<40x128xf32, #tpu.memory_space<vmem>>
        %dma_wait3A_89 = arith.constant 0 : i32
        %dma_wait3A_90 = tpu.memref_slice %arg10[%add3A_54, %dma_wait3A_89] : memref<10008x128xf32, #tpu.memory_space<vmem_shared>> -> memref<40x128xf32, #tpu.memory_space<vmem_shared>>
        %dma_wait3A_91 = arith.constant 0 : i32
        %dma_wait3A_92 = tpu.memref_slice %arg10[%add3A_54, %dma_wait3A_91] : memref<10008x128xf32, #tpu.memory_space<vmem_shared>> -> memref<40x128xf32, #tpu.memory_space<vmem_shared>>
        %dma_wait3A_93 = arith.constant 0 : i32
        %dma_wait3A_94 = arith.constant 0 : i32
        %dma_wait3A_95 = tpu.memref_slice %arg9[%dma_wait3A_93, %dma_wait3A_94] : memref<64x128xf32, #tpu.memory_space<vmem>> -> memref<40x128xf32, #tpu.memory_space<vmem>>
        tpu.wait_dma2 semaphore(%run_scoped3A_75 : memref<!tpu.dma_semaphore, #tpu.memory_space<semaphore_mem>>) src(%dma_wait3A_95 : memref<40x128xf32, #tpu.memory_space<vmem>>) dst(%dma_wait3A_92 : memref<40x128xf32, #tpu.memory_space<vmem_shared>>)
        tpu.yield
      }) : () -> ()
      %add3A_55 = arith.constant 240 : i32
      %add3A_56 = arith.addi %mul3A_14, %add3A_55 : i32
      "tpu.region"() ({
        %run_scoped3A_75 = tpu.sem_alloc : memref<!tpu.dma_semaphore, #tpu.memory_space<semaphore_mem>>
        %dma_start3A_76 = arith.constant 0 : i32
        %dma_start3A_77 = arith.constant 0 : i32
        %dma_start3A_78 = tpu.memref_slice %arg9[%dma_start3A_76, %dma_start3A_77] : memref<64x128xf32, #tpu.memory_space<vmem>> -> memref<40x128xf32, #tpu.memory_space<vmem>>
        %dma_start3A_79 = arith.constant 0 : i32
        %dma_start3A_80 = tpu.memref_slice %arg10[%add3A_56, %dma_start3A_79] : memref<10008x128xf32, #tpu.memory_space<vmem_shared>> -> memref<40x128xf32, #tpu.memory_space<vmem_shared>>
        %dma_start3A_81 = arith.constant 0 : i32
        %dma_start3A_82 = tpu.memref_slice %arg10[%add3A_56, %dma_start3A_81] : memref<10008x128xf32, #tpu.memory_space<vmem_shared>> -> memref<40x128xf32, #tpu.memory_space<vmem_shared>>
        %dma_start3A_83 = arith.constant 0 : i32
        %dma_start3A_84 = arith.constant 0 : i32
        %dma_start3A_85 = tpu.memref_slice %arg9[%dma_start3A_83, %dma_start3A_84] : memref<64x128xf32, #tpu.memory_space<vmem>> -> memref<40x128xf32, #tpu.memory_space<vmem>>
        tpu.enqueue_dma source(%dma_start3A_85 : memref<40x128xf32, #tpu.memory_space<vmem>>) target(%dma_start3A_82 : memref<40x128xf32, #tpu.memory_space<vmem_shared>>) target_semaphore(%run_scoped3A_75 : memref<!tpu.dma_semaphore, #tpu.memory_space<semaphore_mem>>)
        %dma_wait3A_86 = arith.constant 0 : i32
        %dma_wait3A_87 = arith.constant 0 : i32
        %dma_wait3A_88 = tpu.memref_slice %arg9[%dma_wait3A_86, %dma_wait3A_87] : memref<64x128xf32, #tpu.memory_space<vmem>> -> memref<40x128xf32, #tpu.memory_space<vmem>>
        %dma_wait3A_89 = arith.constant 0 : i32
        %dma_wait3A_90 = tpu.memref_slice %arg10[%add3A_56, %dma_wait3A_89] : memref<10008x128xf32, #tpu.memory_space<vmem_shared>> -> memref<40x128xf32, #tpu.memory_space<vmem_shared>>
        %dma_wait3A_91 = arith.constant 0 : i32
        %dma_wait3A_92 = tpu.memref_slice %arg10[%add3A_56, %dma_wait3A_91] : memref<10008x128xf32, #tpu.memory_space<vmem_shared>> -> memref<40x128xf32, #tpu.memory_space<vmem_shared>>
        %dma_wait3A_93 = arith.constant 0 : i32
        %dma_wait3A_94 = arith.constant 0 : i32
        %dma_wait3A_95 = tpu.memref_slice %arg9[%dma_wait3A_93, %dma_wait3A_94] : memref<64x128xf32, #tpu.memory_space<vmem>> -> memref<40x128xf32, #tpu.memory_space<vmem>>
        tpu.wait_dma2 semaphore(%run_scoped3A_75 : memref<!tpu.dma_semaphore, #tpu.memory_space<semaphore_mem>>) src(%dma_wait3A_95 : memref<40x128xf32, #tpu.memory_space<vmem>>) dst(%dma_wait3A_92 : memref<40x128xf32, #tpu.memory_space<vmem_shared>>)
        tpu.yield
      }) : () -> ()
      %add3A_57 = arith.constant 280 : i32
      %add3A_58 = arith.addi %mul3A_14, %add3A_57 : i32
      "tpu.region"() ({
        %run_scoped3A_75 = tpu.sem_alloc : memref<!tpu.dma_semaphore, #tpu.memory_space<semaphore_mem>>
        %dma_start3A_76 = arith.constant 0 : i32
        %dma_start3A_77 = arith.constant 0 : i32
        %dma_start3A_78 = tpu.memref_slice %arg9[%dma_start3A_76, %dma_start3A_77] : memref<64x128xf32, #tpu.memory_space<vmem>> -> memref<40x128xf32, #tpu.memory_space<vmem>>
        %dma_start3A_79 = arith.constant 0 : i32
        %dma_start3A_80 = tpu.memref_slice %arg10[%add3A_58, %dma_start3A_79] : memref<10008x128xf32, #tpu.memory_space<vmem_shared>> -> memref<40x128xf32, #tpu.memory_space<vmem_shared>>
        %dma_start3A_81 = arith.constant 0 : i32
        %dma_start3A_82 = tpu.memref_slice %arg10[%add3A_58, %dma_start3A_81] : memref<10008x128xf32, #tpu.memory_space<vmem_shared>> -> memref<40x128xf32, #tpu.memory_space<vmem_shared>>
        %dma_start3A_83 = arith.constant 0 : i32
        %dma_start3A_84 = arith.constant 0 : i32
        %dma_start3A_85 = tpu.memref_slice %arg9[%dma_start3A_83, %dma_start3A_84] : memref<64x128xf32, #tpu.memory_space<vmem>> -> memref<40x128xf32, #tpu.memory_space<vmem>>
        tpu.enqueue_dma source(%dma_start3A_85 : memref<40x128xf32, #tpu.memory_space<vmem>>) target(%dma_start3A_82 : memref<40x128xf32, #tpu.memory_space<vmem_shared>>) target_semaphore(%run_scoped3A_75 : memref<!tpu.dma_semaphore, #tpu.memory_space<semaphore_mem>>)
        %dma_wait3A_86 = arith.constant 0 : i32
        %dma_wait3A_87 = arith.constant 0 : i32
        %dma_wait3A_88 = tpu.memref_slice %arg9[%dma_wait3A_86, %dma_wait3A_87] : memref<64x128xf32, #tpu.memory_space<vmem>> -> memref<40x128xf32, #tpu.memory_space<vmem>>
        %dma_wait3A_89 = arith.constant 0 : i32
        %dma_wait3A_90 = tpu.memref_slice %arg10[%add3A_58, %dma_wait3A_89] : memref<10008x128xf32, #tpu.memory_space<vmem_shared>> -> memref<40x128xf32, #tpu.memory_space<vmem_shared>>
        %dma_wait3A_91 = arith.constant 0 : i32
        %dma_wait3A_92 = tpu.memref_slice %arg10[%add3A_58, %dma_wait3A_91] : memref<10008x128xf32, #tpu.memory_space<vmem_shared>> -> memref<40x128xf32, #tpu.memory_space<vmem_shared>>
        %dma_wait3A_93 = arith.constant 0 : i32
        %dma_wait3A_94 = arith.constant 0 : i32
        %dma_wait3A_95 = tpu.memref_slice %arg9[%dma_wait3A_93, %dma_wait3A_94] : memref<64x128xf32, #tpu.memory_space<vmem>> -> memref<40x128xf32, #tpu.memory_space<vmem>>
        tpu.wait_dma2 semaphore(%run_scoped3A_75 : memref<!tpu.dma_semaphore, #tpu.memory_space<semaphore_mem>>) src(%dma_wait3A_95 : memref<40x128xf32, #tpu.memory_space<vmem>>) dst(%dma_wait3A_92 : memref<40x128xf32, #tpu.memory_space<vmem_shared>>)
        tpu.yield
      }) : () -> ()
      %add3A_59 = arith.constant 320 : i32
      %add3A_60 = arith.addi %mul3A_14, %add3A_59 : i32
      "tpu.region"() ({
        %run_scoped3A_75 = tpu.sem_alloc : memref<!tpu.dma_semaphore, #tpu.memory_space<semaphore_mem>>
        %dma_start3A_76 = arith.constant 0 : i32
        %dma_start3A_77 = arith.constant 0 : i32
        %dma_start3A_78 = tpu.memref_slice %arg9[%dma_start3A_76, %dma_start3A_77] : memref<64x128xf32, #tpu.memory_space<vmem>> -> memref<40x128xf32, #tpu.memory_space<vmem>>
        %dma_start3A_79 = arith.constant 0 : i32
        %dma_start3A_80 = tpu.memref_slice %arg10[%add3A_60, %dma_start3A_79] : memref<10008x128xf32, #tpu.memory_space<vmem_shared>> -> memref<40x128xf32, #tpu.memory_space<vmem_shared>>
        %dma_start3A_81 = arith.constant 0 : i32
        %dma_start3A_82 = tpu.memref_slice %arg10[%add3A_60, %dma_start3A_81] : memref<10008x128xf32, #tpu.memory_space<vmem_shared>> -> memref<40x128xf32, #tpu.memory_space<vmem_shared>>
        %dma_start3A_83 = arith.constant 0 : i32
        %dma_start3A_84 = arith.constant 0 : i32
        %dma_start3A_85 = tpu.memref_slice %arg9[%dma_start3A_83, %dma_start3A_84] : memref<64x128xf32, #tpu.memory_space<vmem>> -> memref<40x128xf32, #tpu.memory_space<vmem>>
        tpu.enqueue_dma source(%dma_start3A_85 : memref<40x128xf32, #tpu.memory_space<vmem>>) target(%dma_start3A_82 : memref<40x128xf32, #tpu.memory_space<vmem_shared>>) target_semaphore(%run_scoped3A_75 : memref<!tpu.dma_semaphore, #tpu.memory_space<semaphore_mem>>)
        %dma_wait3A_86 = arith.constant 0 : i32
        %dma_wait3A_87 = arith.constant 0 : i32
        %dma_wait3A_88 = tpu.memref_slice %arg9[%dma_wait3A_86, %dma_wait3A_87] : memref<64x128xf32, #tpu.memory_space<vmem>> -> memref<40x128xf32, #tpu.memory_space<vmem>>
        %dma_wait3A_89 = arith.constant 0 : i32
        %dma_wait3A_90 = tpu.memref_slice %arg10[%add3A_60, %dma_wait3A_89] : memref<10008x128xf32, #tpu.memory_space<vmem_shared>> -> memref<40x128xf32, #tpu.memory_space<vmem_shared>>
        %dma_wait3A_91 = arith.constant 0 : i32
        %dma_wait3A_92 = tpu.memref_slice %arg10[%add3A_60, %dma_wait3A_91] : memref<10008x128xf32, #tpu.memory_space<vmem_shared>> -> memref<40x128xf32, #tpu.memory_space<vmem_shared>>
        %dma_wait3A_93 = arith.constant 0 : i32
        %dma_wait3A_94 = arith.constant 0 : i32
        %dma_wait3A_95 = tpu.memref_slice %arg9[%dma_wait3A_93, %dma_wait3A_94] : memref<64x128xf32, #tpu.memory_space<vmem>> -> memref<40x128xf32, #tpu.memory_space<vmem>>
        tpu.wait_dma2 semaphore(%run_scoped3A_75 : memref<!tpu.dma_semaphore, #tpu.memory_space<semaphore_mem>>) src(%dma_wait3A_95 : memref<40x128xf32, #tpu.memory_space<vmem>>) dst(%dma_wait3A_92 : memref<40x128xf32, #tpu.memory_space<vmem_shared>>)
        tpu.yield
      }) : () -> ()
      %add3A_61 = arith.constant 360 : i32
      %add3A_62 = arith.addi %mul3A_14, %add3A_61 : i32
      "tpu.region"() ({
        %run_scoped3A_75 = tpu.sem_alloc : memref<!tpu.dma_semaphore, #tpu.memory_space<semaphore_mem>>
        %dma_start3A_76 = arith.constant 0 : i32
        %dma_start3A_77 = arith.constant 0 : i32
        %dma_start3A_78 = tpu.memref_slice %arg9[%dma_start3A_76, %dma_start3A_77] : memref<64x128xf32, #tpu.memory_space<vmem>> -> memref<40x128xf32, #tpu.memory_space<vmem>>
        %dma_start3A_79 = arith.constant 0 : i32
        %dma_start3A_80 = tpu.memref_slice %arg10[%add3A_62, %dma_start3A_79] : memref<10008x128xf32, #tpu.memory_space<vmem_shared>> -> memref<40x128xf32, #tpu.memory_space<vmem_shared>>
        %dma_start3A_81 = arith.constant 0 : i32
        %dma_start3A_82 = tpu.memref_slice %arg10[%add3A_62, %dma_start3A_81] : memref<10008x128xf32, #tpu.memory_space<vmem_shared>> -> memref<40x128xf32, #tpu.memory_space<vmem_shared>>
        %dma_start3A_83 = arith.constant 0 : i32
        %dma_start3A_84 = arith.constant 0 : i32
        %dma_start3A_85 = tpu.memref_slice %arg9[%dma_start3A_83, %dma_start3A_84] : memref<64x128xf32, #tpu.memory_space<vmem>> -> memref<40x128xf32, #tpu.memory_space<vmem>>
        tpu.enqueue_dma source(%dma_start3A_85 : memref<40x128xf32, #tpu.memory_space<vmem>>) target(%dma_start3A_82 : memref<40x128xf32, #tpu.memory_space<vmem_shared>>) target_semaphore(%run_scoped3A_75 : memref<!tpu.dma_semaphore, #tpu.memory_space<semaphore_mem>>)
        %dma_wait3A_86 = arith.constant 0 : i32
        %dma_wait3A_87 = arith.constant 0 : i32
        %dma_wait3A_88 = tpu.memref_slice %arg9[%dma_wait3A_86, %dma_wait3A_87] : memref<64x128xf32, #tpu.memory_space<vmem>> -> memref<40x128xf32, #tpu.memory_space<vmem>>
        %dma_wait3A_89 = arith.constant 0 : i32
        %dma_wait3A_90 = tpu.memref_slice %arg10[%add3A_62, %dma_wait3A_89] : memref<10008x128xf32, #tpu.memory_space<vmem_shared>> -> memref<40x128xf32, #tpu.memory_space<vmem_shared>>
        %dma_wait3A_91 = arith.constant 0 : i32
        %dma_wait3A_92 = tpu.memref_slice %arg10[%add3A_62, %dma_wait3A_91] : memref<10008x128xf32, #tpu.memory_space<vmem_shared>> -> memref<40x128xf32, #tpu.memory_space<vmem_shared>>
        %dma_wait3A_93 = arith.constant 0 : i32
        %dma_wait3A_94 = arith.constant 0 : i32
        %dma_wait3A_95 = tpu.memref_slice %arg9[%dma_wait3A_93, %dma_wait3A_94] : memref<64x128xf32, #tpu.memory_space<vmem>> -> memref<40x128xf32, #tpu.memory_space<vmem>>
        tpu.wait_dma2 semaphore(%run_scoped3A_75 : memref<!tpu.dma_semaphore, #tpu.memory_space<semaphore_mem>>) src(%dma_wait3A_95 : memref<40x128xf32, #tpu.memory_space<vmem>>) dst(%dma_wait3A_92 : memref<40x128xf32, #tpu.memory_space<vmem_shared>>)
        tpu.yield
      }) : () -> ()
      %add3A_63 = arith.constant 400 : i32
      %add3A_64 = arith.addi %mul3A_14, %add3A_63 : i32
      "tpu.region"() ({
        %run_scoped3A_75 = tpu.sem_alloc : memref<!tpu.dma_semaphore, #tpu.memory_space<semaphore_mem>>
        %dma_start3A_76 = arith.constant 0 : i32
        %dma_start3A_77 = arith.constant 0 : i32
        %dma_start3A_78 = tpu.memref_slice %arg9[%dma_start3A_76, %dma_start3A_77] : memref<64x128xf32, #tpu.memory_space<vmem>> -> memref<40x128xf32, #tpu.memory_space<vmem>>
        %dma_start3A_79 = arith.constant 0 : i32
        %dma_start3A_80 = tpu.memref_slice %arg10[%add3A_64, %dma_start3A_79] : memref<10008x128xf32, #tpu.memory_space<vmem_shared>> -> memref<40x128xf32, #tpu.memory_space<vmem_shared>>
        %dma_start3A_81 = arith.constant 0 : i32
        %dma_start3A_82 = tpu.memref_slice %arg10[%add3A_64, %dma_start3A_81] : memref<10008x128xf32, #tpu.memory_space<vmem_shared>> -> memref<40x128xf32, #tpu.memory_space<vmem_shared>>
        %dma_start3A_83 = arith.constant 0 : i32
        %dma_start3A_84 = arith.constant 0 : i32
        %dma_start3A_85 = tpu.memref_slice %arg9[%dma_start3A_83, %dma_start3A_84] : memref<64x128xf32, #tpu.memory_space<vmem>> -> memref<40x128xf32, #tpu.memory_space<vmem>>
        tpu.enqueue_dma source(%dma_start3A_85 : memref<40x128xf32, #tpu.memory_space<vmem>>) target(%dma_start3A_82 : memref<40x128xf32, #tpu.memory_space<vmem_shared>>) target_semaphore(%run_scoped3A_75 : memref<!tpu.dma_semaphore, #tpu.memory_space<semaphore_mem>>)
        %dma_wait3A_86 = arith.constant 0 : i32
        %dma_wait3A_87 = arith.constant 0 : i32
        %dma_wait3A_88 = tpu.memref_slice %arg9[%dma_wait3A_86, %dma_wait3A_87] : memref<64x128xf32, #tpu.memory_space<vmem>> -> memref<40x128xf32, #tpu.memory_space<vmem>>
        %dma_wait3A_89 = arith.constant 0 : i32
        %dma_wait3A_90 = tpu.memref_slice %arg10[%add3A_64, %dma_wait3A_89] : memref<10008x128xf32, #tpu.memory_space<vmem_shared>> -> memref<40x128xf32, #tpu.memory_space<vmem_shared>>
        %dma_wait3A_91 = arith.constant 0 : i32
        %dma_wait3A_92 = tpu.memref_slice %arg10[%add3A_64, %dma_wait3A_91] : memref<10008x128xf32, #tpu.memory_space<vmem_shared>> -> memref<40x128xf32, #tpu.memory_space<vmem_shared>>
        %dma_wait3A_93 = arith.constant 0 : i32
        %dma_wait3A_94 = arith.constant 0 : i32
        %dma_wait3A_95 = tpu.memref_slice %arg9[%dma_wait3A_93, %dma_wait3A_94] : memref<64x128xf32, #tpu.memory_space<vmem>> -> memref<40x128xf32, #tpu.memory_space<vmem>>
        tpu.wait_dma2 semaphore(%run_scoped3A_75 : memref<!tpu.dma_semaphore, #tpu.memory_space<semaphore_mem>>) src(%dma_wait3A_95 : memref<40x128xf32, #tpu.memory_space<vmem>>) dst(%dma_wait3A_92 : memref<40x128xf32, #tpu.memory_space<vmem_shared>>)
        tpu.yield
      }) : () -> ()
      %add3A_65 = arith.constant 440 : i32
      %add3A_66 = arith.addi %mul3A_14, %add3A_65 : i32
      "tpu.region"() ({
        %run_scoped3A_75 = tpu.sem_alloc : memref<!tpu.dma_semaphore, #tpu.memory_space<semaphore_mem>>
        %dma_start3A_76 = arith.constant 0 : i32
        %dma_start3A_77 = arith.constant 0 : i32
        %dma_start3A_78 = tpu.memref_slice %arg9[%dma_start3A_76, %dma_start3A_77] : memref<64x128xf32, #tpu.memory_space<vmem>> -> memref<40x128xf32, #tpu.memory_space<vmem>>
        %dma_start3A_79 = arith.constant 0 : i32
        %dma_start3A_80 = tpu.memref_slice %arg10[%add3A_66, %dma_start3A_79] : memref<10008x128xf32, #tpu.memory_space<vmem_shared>> -> memref<40x128xf32, #tpu.memory_space<vmem_shared>>
        %dma_start3A_81 = arith.constant 0 : i32
        %dma_start3A_82 = tpu.memref_slice %arg10[%add3A_66, %dma_start3A_81] : memref<10008x128xf32, #tpu.memory_space<vmem_shared>> -> memref<40x128xf32, #tpu.memory_space<vmem_shared>>
        %dma_start3A_83 = arith.constant 0 : i32
        %dma_start3A_84 = arith.constant 0 : i32
        %dma_start3A_85 = tpu.memref_slice %arg9[%dma_start3A_83, %dma_start3A_84] : memref<64x128xf32, #tpu.memory_space<vmem>> -> memref<40x128xf32, #tpu.memory_space<vmem>>
        tpu.enqueue_dma source(%dma_start3A_85 : memref<40x128xf32, #tpu.memory_space<vmem>>) target(%dma_start3A_82 : memref<40x128xf32, #tpu.memory_space<vmem_shared>>) target_semaphore(%run_scoped3A_75 : memref<!tpu.dma_semaphore, #tpu.memory_space<semaphore_mem>>)
        %dma_wait3A_86 = arith.constant 0 : i32
        %dma_wait3A_87 = arith.constant 0 : i32
        %dma_wait3A_88 = tpu.memref_slice %arg9[%dma_wait3A_86, %dma_wait3A_87] : memref<64x128xf32, #tpu.memory_space<vmem>> -> memref<40x128xf32, #tpu.memory_space<vmem>>
        %dma_wait3A_89 = arith.constant 0 : i32
        %dma_wait3A_90 = tpu.memref_slice %arg10[%add3A_66, %dma_wait3A_89] : memref<10008x128xf32, #tpu.memory_space<vmem_shared>> -> memref<40x128xf32, #tpu.memory_space<vmem_shared>>
        %dma_wait3A_91 = arith.constant 0 : i32
        %dma_wait3A_92 = tpu.memref_slice %arg10[%add3A_66, %dma_wait3A_91] : memref<10008x128xf32, #tpu.memory_space<vmem_shared>> -> memref<40x128xf32, #tpu.memory_space<vmem_shared>>
        %dma_wait3A_93 = arith.constant 0 : i32
        %dma_wait3A_94 = arith.constant 0 : i32
        %dma_wait3A_95 = tpu.memref_slice %arg9[%dma_wait3A_93, %dma_wait3A_94] : memref<64x128xf32, #tpu.memory_space<vmem>> -> memref<40x128xf32, #tpu.memory_space<vmem>>
        tpu.wait_dma2 semaphore(%run_scoped3A_75 : memref<!tpu.dma_semaphore, #tpu.memory_space<semaphore_mem>>) src(%dma_wait3A_95 : memref<40x128xf32, #tpu.memory_space<vmem>>) dst(%dma_wait3A_92 : memref<40x128xf32, #tpu.memory_space<vmem_shared>>)
        tpu.yield
      }) : () -> ()
      %add3A_67 = arith.constant 480 : i32
      %add3A_68 = arith.addi %mul3A_14, %add3A_67 : i32
      "tpu.region"() ({
        %run_scoped3A_75 = tpu.sem_alloc : memref<!tpu.dma_semaphore, #tpu.memory_space<semaphore_mem>>
        %dma_start3A_76 = arith.constant 0 : i32
        %dma_start3A_77 = arith.constant 0 : i32
        %dma_start3A_78 = tpu.memref_slice %arg9[%dma_start3A_76, %dma_start3A_77] : memref<64x128xf32, #tpu.memory_space<vmem>> -> memref<40x128xf32, #tpu.memory_space<vmem>>
        %dma_start3A_79 = arith.constant 0 : i32
        %dma_start3A_80 = tpu.memref_slice %arg10[%add3A_68, %dma_start3A_79] : memref<10008x128xf32, #tpu.memory_space<vmem_shared>> -> memref<40x128xf32, #tpu.memory_space<vmem_shared>>
        %dma_start3A_81 = arith.constant 0 : i32
        %dma_start3A_82 = tpu.memref_slice %arg10[%add3A_68, %dma_start3A_81] : memref<10008x128xf32, #tpu.memory_space<vmem_shared>> -> memref<40x128xf32, #tpu.memory_space<vmem_shared>>
        %dma_start3A_83 = arith.constant 0 : i32
        %dma_start3A_84 = arith.constant 0 : i32
        %dma_start3A_85 = tpu.memref_slice %arg9[%dma_start3A_83, %dma_start3A_84] : memref<64x128xf32, #tpu.memory_space<vmem>> -> memref<40x128xf32, #tpu.memory_space<vmem>>
        tpu.enqueue_dma source(%dma_start3A_85 : memref<40x128xf32, #tpu.memory_space<vmem>>) target(%dma_start3A_82 : memref<40x128xf32, #tpu.memory_space<vmem_shared>>) target_semaphore(%run_scoped3A_75 : memref<!tpu.dma_semaphore, #tpu.memory_space<semaphore_mem>>)
        %dma_wait3A_86 = arith.constant 0 : i32
        %dma_wait3A_87 = arith.constant 0 : i32
        %dma_wait3A_88 = tpu.memref_slice %arg9[%dma_wait3A_86, %dma_wait3A_87] : memref<64x128xf32, #tpu.memory_space<vmem>> -> memref<40x128xf32, #tpu.memory_space<vmem>>
        %dma_wait3A_89 = arith.constant 0 : i32
        %dma_wait3A_90 = tpu.memref_slice %arg10[%add3A_68, %dma_wait3A_89] : memref<10008x128xf32, #tpu.memory_space<vmem_shared>> -> memref<40x128xf32, #tpu.memory_space<vmem_shared>>
        %dma_wait3A_91 = arith.constant 0 : i32
        %dma_wait3A_92 = tpu.memref_slice %arg10[%add3A_68, %dma_wait3A_91] : memref<10008x128xf32, #tpu.memory_space<vmem_shared>> -> memref<40x128xf32, #tpu.memory_space<vmem_shared>>
        %dma_wait3A_93 = arith.constant 0 : i32
        %dma_wait3A_94 = arith.constant 0 : i32
        %dma_wait3A_95 = tpu.memref_slice %arg9[%dma_wait3A_93, %dma_wait3A_94] : memref<64x128xf32, #tpu.memory_space<vmem>> -> memref<40x128xf32, #tpu.memory_space<vmem>>
        tpu.wait_dma2 semaphore(%run_scoped3A_75 : memref<!tpu.dma_semaphore, #tpu.memory_space<semaphore_mem>>) src(%dma_wait3A_95 : memref<40x128xf32, #tpu.memory_space<vmem>>) dst(%dma_wait3A_92 : memref<40x128xf32, #tpu.memory_space<vmem_shared>>)
        tpu.yield
      }) : () -> ()
      %add3A_69 = arith.constant 520 : i32
      %add3A_70 = arith.addi %mul3A_14, %add3A_69 : i32
      "tpu.region"() ({
        %run_scoped3A_75 = tpu.sem_alloc : memref<!tpu.dma_semaphore, #tpu.memory_space<semaphore_mem>>
        %dma_start3A_76 = arith.constant 0 : i32
        %dma_start3A_77 = arith.constant 0 : i32
        %dma_start3A_78 = tpu.memref_slice %arg9[%dma_start3A_76, %dma_start3A_77] : memref<64x128xf32, #tpu.memory_space<vmem>> -> memref<40x128xf32, #tpu.memory_space<vmem>>
        %dma_start3A_79 = arith.constant 0 : i32
        %dma_start3A_80 = tpu.memref_slice %arg10[%add3A_70, %dma_start3A_79] : memref<10008x128xf32, #tpu.memory_space<vmem_shared>> -> memref<40x128xf32, #tpu.memory_space<vmem_shared>>
        %dma_start3A_81 = arith.constant 0 : i32
        %dma_start3A_82 = tpu.memref_slice %arg10[%add3A_70, %dma_start3A_81] : memref<10008x128xf32, #tpu.memory_space<vmem_shared>> -> memref<40x128xf32, #tpu.memory_space<vmem_shared>>
        %dma_start3A_83 = arith.constant 0 : i32
        %dma_start3A_84 = arith.constant 0 : i32
        %dma_start3A_85 = tpu.memref_slice %arg9[%dma_start3A_83, %dma_start3A_84] : memref<64x128xf32, #tpu.memory_space<vmem>> -> memref<40x128xf32, #tpu.memory_space<vmem>>
        tpu.enqueue_dma source(%dma_start3A_85 : memref<40x128xf32, #tpu.memory_space<vmem>>) target(%dma_start3A_82 : memref<40x128xf32, #tpu.memory_space<vmem_shared>>) target_semaphore(%run_scoped3A_75 : memref<!tpu.dma_semaphore, #tpu.memory_space<semaphore_mem>>)
        %dma_wait3A_86 = arith.constant 0 : i32
        %dma_wait3A_87 = arith.constant 0 : i32
        %dma_wait3A_88 = tpu.memref_slice %arg9[%dma_wait3A_86, %dma_wait3A_87] : memref<64x128xf32, #tpu.memory_space<vmem>> -> memref<40x128xf32, #tpu.memory_space<vmem>>
        %dma_wait3A_89 = arith.constant 0 : i32
        %dma_wait3A_90 = tpu.memref_slice %arg10[%add3A_70, %dma_wait3A_89] : memref<10008x128xf32, #tpu.memory_space<vmem_shared>> -> memref<40x128xf32, #tpu.memory_space<vmem_shared>>
        %dma_wait3A_91 = arith.constant 0 : i32
        %dma_wait3A_92 = tpu.memref_slice %arg10[%add3A_70, %dma_wait3A_91] : memref<10008x128xf32, #tpu.memory_space<vmem_shared>> -> memref<40x128xf32, #tpu.memory_space<vmem_shared>>
        %dma_wait3A_93 = arith.constant 0 : i32
        %dma_wait3A_94 = arith.constant 0 : i32
        %dma_wait3A_95 = tpu.memref_slice %arg9[%dma_wait3A_93, %dma_wait3A_94] : memref<64x128xf32, #tpu.memory_space<vmem>> -> memref<40x128xf32, #tpu.memory_space<vmem>>
        tpu.wait_dma2 semaphore(%run_scoped3A_75 : memref<!tpu.dma_semaphore, #tpu.memory_space<semaphore_mem>>) src(%dma_wait3A_95 : memref<40x128xf32, #tpu.memory_space<vmem>>) dst(%dma_wait3A_92 : memref<40x128xf32, #tpu.memory_space<vmem_shared>>)
        tpu.yield
      }) : () -> ()
      %add3A_71 = arith.constant 560 : i32
      %add3A_72 = arith.addi %mul3A_14, %add3A_71 : i32
      "tpu.region"() ({
        %run_scoped3A_75 = tpu.sem_alloc : memref<!tpu.dma_semaphore, #tpu.memory_space<semaphore_mem>>
        %dma_start3A_76 = arith.constant 0 : i32
        %dma_start3A_77 = arith.constant 0 : i32
        %dma_start3A_78 = tpu.memref_slice %arg9[%dma_start3A_76, %dma_start3A_77] : memref<64x128xf32, #tpu.memory_space<vmem>> -> memref<40x128xf32, #tpu.memory_space<vmem>>
        %dma_start3A_79 = arith.constant 0 : i32
        %dma_start3A_80 = tpu.memref_slice %arg10[%add3A_72, %dma_start3A_79] : memref<10008x128xf32, #tpu.memory_space<vmem_shared>> -> memref<40x128xf32, #tpu.memory_space<vmem_shared>>
        %dma_start3A_81 = arith.constant 0 : i32
        %dma_start3A_82 = tpu.memref_slice %arg10[%add3A_72, %dma_start3A_81] : memref<10008x128xf32, #tpu.memory_space<vmem_shared>> -> memref<40x128xf32, #tpu.memory_space<vmem_shared>>
        %dma_start3A_83 = arith.constant 0 : i32
        %dma_start3A_84 = arith.constant 0 : i32
        %dma_start3A_85 = tpu.memref_slice %arg9[%dma_start3A_83, %dma_start3A_84] : memref<64x128xf32, #tpu.memory_space<vmem>> -> memref<40x128xf32, #tpu.memory_space<vmem>>
        tpu.enqueue_dma source(%dma_start3A_85 : memref<40x128xf32, #tpu.memory_space<vmem>>) target(%dma_start3A_82 : memref<40x128xf32, #tpu.memory_space<vmem_shared>>) target_semaphore(%run_scoped3A_75 : memref<!tpu.dma_semaphore, #tpu.memory_space<semaphore_mem>>)
        %dma_wait3A_86 = arith.constant 0 : i32
        %dma_wait3A_87 = arith.constant 0 : i32
        %dma_wait3A_88 = tpu.memref_slice %arg9[%dma_wait3A_86, %dma_wait3A_87] : memref<64x128xf32, #tpu.memory_space<vmem>> -> memref<40x128xf32, #tpu.memory_space<vmem>>
        %dma_wait3A_89 = arith.constant 0 : i32
        %dma_wait3A_90 = tpu.memref_slice %arg10[%add3A_72, %dma_wait3A_89] : memref<10008x128xf32, #tpu.memory_space<vmem_shared>> -> memref<40x128xf32, #tpu.memory_space<vmem_shared>>
        %dma_wait3A_91 = arith.constant 0 : i32
        %dma_wait3A_92 = tpu.memref_slice %arg10[%add3A_72, %dma_wait3A_91] : memref<10008x128xf32, #tpu.memory_space<vmem_shared>> -> memref<40x128xf32, #tpu.memory_space<vmem_shared>>
        %dma_wait3A_93 = arith.constant 0 : i32
        %dma_wait3A_94 = arith.constant 0 : i32
        %dma_wait3A_95 = tpu.memref_slice %arg9[%dma_wait3A_93, %dma_wait3A_94] : memref<64x128xf32, #tpu.memory_space<vmem>> -> memref<40x128xf32, #tpu.memory_space<vmem>>
        tpu.wait_dma2 semaphore(%run_scoped3A_75 : memref<!tpu.dma_semaphore, #tpu.memory_space<semaphore_mem>>) src(%dma_wait3A_95 : memref<40x128xf32, #tpu.memory_space<vmem>>) dst(%dma_wait3A_92 : memref<40x128xf32, #tpu.memory_space<vmem_shared>>)
        tpu.yield
      }) : () -> ()
      %add3A_73 = arith.constant 600 : i32
      %add3A_74 = arith.addi %mul3A_14, %add3A_73 : i32
      "tpu.region"() ({
        %run_scoped3A_75 = tpu.sem_alloc : memref<!tpu.dma_semaphore, #tpu.memory_space<semaphore_mem>>
        %dma_start3A_76 = arith.constant 0 : i32
        %dma_start3A_77 = arith.constant 0 : i32
        %dma_start3A_78 = tpu.memref_slice %arg9[%dma_start3A_76, %dma_start3A_77] : memref<64x128xf32, #tpu.memory_space<vmem>> -> memref<40x128xf32, #tpu.memory_space<vmem>>
        %dma_start3A_79 = arith.constant 0 : i32
        %dma_start3A_80 = tpu.memref_slice %arg10[%add3A_74, %dma_start3A_79] : memref<10008x128xf32, #tpu.memory_space<vmem_shared>> -> memref<40x128xf32, #tpu.memory_space<vmem_shared>>
        %dma_start3A_81 = arith.constant 0 : i32
        %dma_start3A_82 = tpu.memref_slice %arg10[%add3A_74, %dma_start3A_81] : memref<10008x128xf32, #tpu.memory_space<vmem_shared>> -> memref<40x128xf32, #tpu.memory_space<vmem_shared>>
        %dma_start3A_83 = arith.constant 0 : i32
        %dma_start3A_84 = arith.constant 0 : i32
        %dma_start3A_85 = tpu.memref_slice %arg9[%dma_start3A_83, %dma_start3A_84] : memref<64x128xf32, #tpu.memory_space<vmem>> -> memref<40x128xf32, #tpu.memory_space<vmem>>
        tpu.enqueue_dma source(%dma_start3A_85 : memref<40x128xf32, #tpu.memory_space<vmem>>) target(%dma_start3A_82 : memref<40x128xf32, #tpu.memory_space<vmem_shared>>) target_semaphore(%run_scoped3A_75 : memref<!tpu.dma_semaphore, #tpu.memory_space<semaphore_mem>>)
        %dma_wait3A_86 = arith.constant 0 : i32
        %dma_wait3A_87 = arith.constant 0 : i32
        %dma_wait3A_88 = tpu.memref_slice %arg9[%dma_wait3A_86, %dma_wait3A_87] : memref<64x128xf32, #tpu.memory_space<vmem>> -> memref<40x128xf32, #tpu.memory_space<vmem>>
        %dma_wait3A_89 = arith.constant 0 : i32
        %dma_wait3A_90 = tpu.memref_slice %arg10[%add3A_74, %dma_wait3A_89] : memref<10008x128xf32, #tpu.memory_space<vmem_shared>> -> memref<40x128xf32, #tpu.memory_space<vmem_shared>>
        %dma_wait3A_91 = arith.constant 0 : i32
        %dma_wait3A_92 = tpu.memref_slice %arg10[%add3A_74, %dma_wait3A_91] : memref<10008x128xf32, #tpu.memory_space<vmem_shared>> -> memref<40x128xf32, #tpu.memory_space<vmem_shared>>
        %dma_wait3A_93 = arith.constant 0 : i32
        %dma_wait3A_94 = arith.constant 0 : i32
        %dma_wait3A_95 = tpu.memref_slice %arg9[%dma_wait3A_93, %dma_wait3A_94] : memref<64x128xf32, #tpu.memory_space<vmem>> -> memref<40x128xf32, #tpu.memory_space<vmem>>
        tpu.wait_dma2 semaphore(%run_scoped3A_75 : memref<!tpu.dma_semaphore, #tpu.memory_space<semaphore_mem>>) src(%dma_wait3A_95 : memref<40x128xf32, #tpu.memory_space<vmem>>) dst(%dma_wait3A_92 : memref<40x128xf32, #tpu.memory_space<vmem_shared>>)
        tpu.yield
      }) : () -> ()
    } else {
    }
    %eq3A = arith.constant 15 : i32
    %eq3A_17 = arith.cmpi eq, %arg1, %eq3A : i32
    %convert_element_type3A_18 = arith.extui %eq3A_17 : i1 to i32
    %cond3A_19 = arith.constant 0 : i32
    %cond3A_20 = arith.cmpi ne, %convert_element_type3A_18, %cond3A_19 : i32
    scf.if %cond3A_20 {
      %add3A_43 = arith.constant 0 : i32
      %add3A_44 = arith.addi %mul3A_14, %add3A_43 : i32
      "tpu.region"() ({
        %run_scoped3A_63 = tpu.sem_alloc : memref<!tpu.dma_semaphore, #tpu.memory_space<semaphore_mem>>
        %dma_start3A_64 = arith.constant 0 : i32
        %dma_start3A_65 = arith.constant 0 : i32
        %dma_start3A_66 = tpu.memref_slice %arg9[%dma_start3A_64, %dma_start3A_65] : memref<64x128xf32, #tpu.memory_space<vmem>> -> memref<40x128xf32, #tpu.memory_space<vmem>>
        %dma_start3A_67 = arith.constant 0 : i32
        %dma_start3A_68 = tpu.memref_slice %arg10[%add3A_44, %dma_start3A_67] : memref<10008x128xf32, #tpu.memory_space<vmem_shared>> -> memref<40x128xf32, #tpu.memory_space<vmem_shared>>
        %dma_start3A_69 = arith.constant 0 : i32
        %dma_start3A_70 = tpu.memref_slice %arg10[%add3A_44, %dma_start3A_69] : memref<10008x128xf32, #tpu.memory_space<vmem_shared>> -> memref<40x128xf32, #tpu.memory_space<vmem_shared>>
        %dma_start3A_71 = arith.constant 0 : i32
        %dma_start3A_72 = arith.constant 0 : i32
        %dma_start3A_73 = tpu.memref_slice %arg9[%dma_start3A_71, %dma_start3A_72] : memref<64x128xf32, #tpu.memory_space<vmem>> -> memref<40x128xf32, #tpu.memory_space<vmem>>
        tpu.enqueue_dma source(%dma_start3A_73 : memref<40x128xf32, #tpu.memory_space<vmem>>) target(%dma_start3A_70 : memref<40x128xf32, #tpu.memory_space<vmem_shared>>) target_semaphore(%run_scoped3A_63 : memref<!tpu.dma_semaphore, #tpu.memory_space<semaphore_mem>>)
        %dma_wait3A_74 = arith.constant 0 : i32
        %dma_wait3A_75 = arith.constant 0 : i32
        %dma_wait3A_76 = tpu.memref_slice %arg9[%dma_wait3A_74, %dma_wait3A_75] : memref<64x128xf32, #tpu.memory_space<vmem>> -> memref<40x128xf32, #tpu.memory_space<vmem>>
        %dma_wait3A_77 = arith.constant 0 : i32
        %dma_wait3A_78 = tpu.memref_slice %arg10[%add3A_44, %dma_wait3A_77] : memref<10008x128xf32, #tpu.memory_space<vmem_shared>> -> memref<40x128xf32, #tpu.memory_space<vmem_shared>>
        %dma_wait3A_79 = arith.constant 0 : i32
        %dma_wait3A_80 = tpu.memref_slice %arg10[%add3A_44, %dma_wait3A_79] : memref<10008x128xf32, #tpu.memory_space<vmem_shared>> -> memref<40x128xf32, #tpu.memory_space<vmem_shared>>
        %dma_wait3A_81 = arith.constant 0 : i32
        %dma_wait3A_82 = arith.constant 0 : i32
        %dma_wait3A_83 = tpu.memref_slice %arg9[%dma_wait3A_81, %dma_wait3A_82] : memref<64x128xf32, #tpu.memory_space<vmem>> -> memref<40x128xf32, #tpu.memory_space<vmem>>
        tpu.wait_dma2 semaphore(%run_scoped3A_63 : memref<!tpu.dma_semaphore, #tpu.memory_space<semaphore_mem>>) src(%dma_wait3A_83 : memref<40x128xf32, #tpu.memory_space<vmem>>) dst(%dma_wait3A_80 : memref<40x128xf32, #tpu.memory_space<vmem_shared>>)
        tpu.yield
      }) : () -> ()
      %add3A_45 = arith.constant 40 : i32
      %add3A_46 = arith.addi %mul3A_14, %add3A_45 : i32
      "tpu.region"() ({
        %run_scoped3A_63 = tpu.sem_alloc : memref<!tpu.dma_semaphore, #tpu.memory_space<semaphore_mem>>
        %dma_start3A_64 = arith.constant 0 : i32
        %dma_start3A_65 = arith.constant 0 : i32
        %dma_start3A_66 = tpu.memref_slice %arg9[%dma_start3A_64, %dma_start3A_65] : memref<64x128xf32, #tpu.memory_space<vmem>> -> memref<40x128xf32, #tpu.memory_space<vmem>>
        %dma_start3A_67 = arith.constant 0 : i32
        %dma_start3A_68 = tpu.memref_slice %arg10[%add3A_46, %dma_start3A_67] : memref<10008x128xf32, #tpu.memory_space<vmem_shared>> -> memref<40x128xf32, #tpu.memory_space<vmem_shared>>
        %dma_start3A_69 = arith.constant 0 : i32
        %dma_start3A_70 = tpu.memref_slice %arg10[%add3A_46, %dma_start3A_69] : memref<10008x128xf32, #tpu.memory_space<vmem_shared>> -> memref<40x128xf32, #tpu.memory_space<vmem_shared>>
        %dma_start3A_71 = arith.constant 0 : i32
        %dma_start3A_72 = arith.constant 0 : i32
        %dma_start3A_73 = tpu.memref_slice %arg9[%dma_start3A_71, %dma_start3A_72] : memref<64x128xf32, #tpu.memory_space<vmem>> -> memref<40x128xf32, #tpu.memory_space<vmem>>
        tpu.enqueue_dma source(%dma_start3A_73 : memref<40x128xf32, #tpu.memory_space<vmem>>) target(%dma_start3A_70 : memref<40x128xf32, #tpu.memory_space<vmem_shared>>) target_semaphore(%run_scoped3A_63 : memref<!tpu.dma_semaphore, #tpu.memory_space<semaphore_mem>>)
        %dma_wait3A_74 = arith.constant 0 : i32
        %dma_wait3A_75 = arith.constant 0 : i32
        %dma_wait3A_76 = tpu.memref_slice %arg9[%dma_wait3A_74, %dma_wait3A_75] : memref<64x128xf32, #tpu.memory_space<vmem>> -> memref<40x128xf32, #tpu.memory_space<vmem>>
        %dma_wait3A_77 = arith.constant 0 : i32
        %dma_wait3A_78 = tpu.memref_slice %arg10[%add3A_46, %dma_wait3A_77] : memref<10008x128xf32, #tpu.memory_space<vmem_shared>> -> memref<40x128xf32, #tpu.memory_space<vmem_shared>>
        %dma_wait3A_79 = arith.constant 0 : i32
        %dma_wait3A_80 = tpu.memref_slice %arg10[%add3A_46, %dma_wait3A_79] : memref<10008x128xf32, #tpu.memory_space<vmem_shared>> -> memref<40x128xf32, #tpu.memory_space<vmem_shared>>
        %dma_wait3A_81 = arith.constant 0 : i32
        %dma_wait3A_82 = arith.constant 0 : i32
        %dma_wait3A_83 = tpu.memref_slice %arg9[%dma_wait3A_81, %dma_wait3A_82] : memref<64x128xf32, #tpu.memory_space<vmem>> -> memref<40x128xf32, #tpu.memory_space<vmem>>
        tpu.wait_dma2 semaphore(%run_scoped3A_63 : memref<!tpu.dma_semaphore, #tpu.memory_space<semaphore_mem>>) src(%dma_wait3A_83 : memref<40x128xf32, #tpu.memory_space<vmem>>) dst(%dma_wait3A_80 : memref<40x128xf32, #tpu.memory_space<vmem_shared>>)
        tpu.yield
      }) : () -> ()
      %add3A_47 = arith.constant 80 : i32
      %add3A_48 = arith.addi %mul3A_14, %add3A_47 : i32
      "tpu.region"() ({
        %run_scoped3A_63 = tpu.sem_alloc : memref<!tpu.dma_semaphore, #tpu.memory_space<semaphore_mem>>
        %dma_start3A_64 = arith.constant 0 : i32
        %dma_start3A_65 = arith.constant 0 : i32
        %dma_start3A_66 = tpu.memref_slice %arg9[%dma_start3A_64, %dma_start3A_65] : memref<64x128xf32, #tpu.memory_space<vmem>> -> memref<40x128xf32, #tpu.memory_space<vmem>>
        %dma_start3A_67 = arith.constant 0 : i32
        %dma_start3A_68 = tpu.memref_slice %arg10[%add3A_48, %dma_start3A_67] : memref<10008x128xf32, #tpu.memory_space<vmem_shared>> -> memref<40x128xf32, #tpu.memory_space<vmem_shared>>
        %dma_start3A_69 = arith.constant 0 : i32
        %dma_start3A_70 = tpu.memref_slice %arg10[%add3A_48, %dma_start3A_69] : memref<10008x128xf32, #tpu.memory_space<vmem_shared>> -> memref<40x128xf32, #tpu.memory_space<vmem_shared>>
        %dma_start3A_71 = arith.constant 0 : i32
        %dma_start3A_72 = arith.constant 0 : i32
        %dma_start3A_73 = tpu.memref_slice %arg9[%dma_start3A_71, %dma_start3A_72] : memref<64x128xf32, #tpu.memory_space<vmem>> -> memref<40x128xf32, #tpu.memory_space<vmem>>
        tpu.enqueue_dma source(%dma_start3A_73 : memref<40x128xf32, #tpu.memory_space<vmem>>) target(%dma_start3A_70 : memref<40x128xf32, #tpu.memory_space<vmem_shared>>) target_semaphore(%run_scoped3A_63 : memref<!tpu.dma_semaphore, #tpu.memory_space<semaphore_mem>>)
        %dma_wait3A_74 = arith.constant 0 : i32
        %dma_wait3A_75 = arith.constant 0 : i32
        %dma_wait3A_76 = tpu.memref_slice %arg9[%dma_wait3A_74, %dma_wait3A_75] : memref<64x128xf32, #tpu.memory_space<vmem>> -> memref<40x128xf32, #tpu.memory_space<vmem>>
        %dma_wait3A_77 = arith.constant 0 : i32
        %dma_wait3A_78 = tpu.memref_slice %arg10[%add3A_48, %dma_wait3A_77] : memref<10008x128xf32, #tpu.memory_space<vmem_shared>> -> memref<40x128xf32, #tpu.memory_space<vmem_shared>>
        %dma_wait3A_79 = arith.constant 0 : i32
        %dma_wait3A_80 = tpu.memref_slice %arg10[%add3A_48, %dma_wait3A_79] : memref<10008x128xf32, #tpu.memory_space<vmem_shared>> -> memref<40x128xf32, #tpu.memory_space<vmem_shared>>
        %dma_wait3A_81 = arith.constant 0 : i32
        %dma_wait3A_82 = arith.constant 0 : i32
        %dma_wait3A_83 = tpu.memref_slice %arg9[%dma_wait3A_81, %dma_wait3A_82] : memref<64x128xf32, #tpu.memory_space<vmem>> -> memref<40x128xf32, #tpu.memory_space<vmem>>
        tpu.wait_dma2 semaphore(%run_scoped3A_63 : memref<!tpu.dma_semaphore, #tpu.memory_space<semaphore_mem>>) src(%dma_wait3A_83 : memref<40x128xf32, #tpu.memory_space<vmem>>) dst(%dma_wait3A_80 : memref<40x128xf32, #tpu.memory_space<vmem_shared>>)
        tpu.yield
      }) : () -> ()
      %add3A_49 = arith.constant 120 : i32
      %add3A_50 = arith.addi %mul3A_14, %add3A_49 : i32
      "tpu.region"() ({
        %run_scoped3A_63 = tpu.sem_alloc : memref<!tpu.dma_semaphore, #tpu.memory_space<semaphore_mem>>
        %dma_start3A_64 = arith.constant 0 : i32
        %dma_start3A_65 = arith.constant 0 : i32
        %dma_start3A_66 = tpu.memref_slice %arg9[%dma_start3A_64, %dma_start3A_65] : memref<64x128xf32, #tpu.memory_space<vmem>> -> memref<40x128xf32, #tpu.memory_space<vmem>>
        %dma_start3A_67 = arith.constant 0 : i32
        %dma_start3A_68 = tpu.memref_slice %arg10[%add3A_50, %dma_start3A_67] : memref<10008x128xf32, #tpu.memory_space<vmem_shared>> -> memref<40x128xf32, #tpu.memory_space<vmem_shared>>
        %dma_start3A_69 = arith.constant 0 : i32
        %dma_start3A_70 = tpu.memref_slice %arg10[%add3A_50, %dma_start3A_69] : memref<10008x128xf32, #tpu.memory_space<vmem_shared>> -> memref<40x128xf32, #tpu.memory_space<vmem_shared>>
        %dma_start3A_71 = arith.constant 0 : i32
        %dma_start3A_72 = arith.constant 0 : i32
        %dma_start3A_73 = tpu.memref_slice %arg9[%dma_start3A_71, %dma_start3A_72] : memref<64x128xf32, #tpu.memory_space<vmem>> -> memref<40x128xf32, #tpu.memory_space<vmem>>
        tpu.enqueue_dma source(%dma_start3A_73 : memref<40x128xf32, #tpu.memory_space<vmem>>) target(%dma_start3A_70 : memref<40x128xf32, #tpu.memory_space<vmem_shared>>) target_semaphore(%run_scoped3A_63 : memref<!tpu.dma_semaphore, #tpu.memory_space<semaphore_mem>>)
        %dma_wait3A_74 = arith.constant 0 : i32
        %dma_wait3A_75 = arith.constant 0 : i32
        %dma_wait3A_76 = tpu.memref_slice %arg9[%dma_wait3A_74, %dma_wait3A_75] : memref<64x128xf32, #tpu.memory_space<vmem>> -> memref<40x128xf32, #tpu.memory_space<vmem>>
        %dma_wait3A_77 = arith.constant 0 : i32
        %dma_wait3A_78 = tpu.memref_slice %arg10[%add3A_50, %dma_wait3A_77] : memref<10008x128xf32, #tpu.memory_space<vmem_shared>> -> memref<40x128xf32, #tpu.memory_space<vmem_shared>>
        %dma_wait3A_79 = arith.constant 0 : i32
        %dma_wait3A_80 = tpu.memref_slice %arg10[%add3A_50, %dma_wait3A_79] : memref<10008x128xf32, #tpu.memory_space<vmem_shared>> -> memref<40x128xf32, #tpu.memory_space<vmem_shared>>
        %dma_wait3A_81 = arith.constant 0 : i32
        %dma_wait3A_82 = arith.constant 0 : i32
        %dma_wait3A_83 = tpu.memref_slice %arg9[%dma_wait3A_81, %dma_wait3A_82] : memref<64x128xf32, #tpu.memory_space<vmem>> -> memref<40x128xf32, #tpu.memory_space<vmem>>
        tpu.wait_dma2 semaphore(%run_scoped3A_63 : memref<!tpu.dma_semaphore, #tpu.memory_space<semaphore_mem>>) src(%dma_wait3A_83 : memref<40x128xf32, #tpu.memory_space<vmem>>) dst(%dma_wait3A_80 : memref<40x128xf32, #tpu.memory_space<vmem_shared>>)
        tpu.yield
      }) : () -> ()
      %add3A_51 = arith.constant 160 : i32
      %add3A_52 = arith.addi %mul3A_14, %add3A_51 : i32
      "tpu.region"() ({
        %run_scoped3A_63 = tpu.sem_alloc : memref<!tpu.dma_semaphore, #tpu.memory_space<semaphore_mem>>
        %dma_start3A_64 = arith.constant 0 : i32
        %dma_start3A_65 = arith.constant 0 : i32
        %dma_start3A_66 = tpu.memref_slice %arg9[%dma_start3A_64, %dma_start3A_65] : memref<64x128xf32, #tpu.memory_space<vmem>> -> memref<40x128xf32, #tpu.memory_space<vmem>>
        %dma_start3A_67 = arith.constant 0 : i32
        %dma_start3A_68 = tpu.memref_slice %arg10[%add3A_52, %dma_start3A_67] : memref<10008x128xf32, #tpu.memory_space<vmem_shared>> -> memref<40x128xf32, #tpu.memory_space<vmem_shared>>
        %dma_start3A_69 = arith.constant 0 : i32
        %dma_start3A_70 = tpu.memref_slice %arg10[%add3A_52, %dma_start3A_69] : memref<10008x128xf32, #tpu.memory_space<vmem_shared>> -> memref<40x128xf32, #tpu.memory_space<vmem_shared>>
        %dma_start3A_71 = arith.constant 0 : i32
        %dma_start3A_72 = arith.constant 0 : i32
        %dma_start3A_73 = tpu.memref_slice %arg9[%dma_start3A_71, %dma_start3A_72] : memref<64x128xf32, #tpu.memory_space<vmem>> -> memref<40x128xf32, #tpu.memory_space<vmem>>
        tpu.enqueue_dma source(%dma_start3A_73 : memref<40x128xf32, #tpu.memory_space<vmem>>) target(%dma_start3A_70 : memref<40x128xf32, #tpu.memory_space<vmem_shared>>) target_semaphore(%run_scoped3A_63 : memref<!tpu.dma_semaphore, #tpu.memory_space<semaphore_mem>>)
        %dma_wait3A_74 = arith.constant 0 : i32
        %dma_wait3A_75 = arith.constant 0 : i32
        %dma_wait3A_76 = tpu.memref_slice %arg9[%dma_wait3A_74, %dma_wait3A_75] : memref<64x128xf32, #tpu.memory_space<vmem>> -> memref<40x128xf32, #tpu.memory_space<vmem>>
        %dma_wait3A_77 = arith.constant 0 : i32
        %dma_wait3A_78 = tpu.memref_slice %arg10[%add3A_52, %dma_wait3A_77] : memref<10008x128xf32, #tpu.memory_space<vmem_shared>> -> memref<40x128xf32, #tpu.memory_space<vmem_shared>>
        %dma_wait3A_79 = arith.constant 0 : i32
        %dma_wait3A_80 = tpu.memref_slice %arg10[%add3A_52, %dma_wait3A_79] : memref<10008x128xf32, #tpu.memory_space<vmem_shared>> -> memref<40x128xf32, #tpu.memory_space<vmem_shared>>
        %dma_wait3A_81 = arith.constant 0 : i32
        %dma_wait3A_82 = arith.constant 0 : i32
        %dma_wait3A_83 = tpu.memref_slice %arg9[%dma_wait3A_81, %dma_wait3A_82] : memref<64x128xf32, #tpu.memory_space<vmem>> -> memref<40x128xf32, #tpu.memory_space<vmem>>
        tpu.wait_dma2 semaphore(%run_scoped3A_63 : memref<!tpu.dma_semaphore, #tpu.memory_space<semaphore_mem>>) src(%dma_wait3A_83 : memref<40x128xf32, #tpu.memory_space<vmem>>) dst(%dma_wait3A_80 : memref<40x128xf32, #tpu.memory_space<vmem_shared>>)
        tpu.yield
      }) : () -> ()
      %add3A_53 = arith.constant 200 : i32
      %add3A_54 = arith.addi %mul3A_14, %add3A_53 : i32
      "tpu.region"() ({
        %run_scoped3A_63 = tpu.sem_alloc : memref<!tpu.dma_semaphore, #tpu.memory_space<semaphore_mem>>
        %dma_start3A_64 = arith.constant 0 : i32
        %dma_start3A_65 = arith.constant 0 : i32
        %dma_start3A_66 = tpu.memref_slice %arg9[%dma_start3A_64, %dma_start3A_65] : memref<64x128xf32, #tpu.memory_space<vmem>> -> memref<40x128xf32, #tpu.memory_space<vmem>>
        %dma_start3A_67 = arith.constant 0 : i32
        %dma_start3A_68 = tpu.memref_slice %arg10[%add3A_54, %dma_start3A_67] : memref<10008x128xf32, #tpu.memory_space<vmem_shared>> -> memref<40x128xf32, #tpu.memory_space<vmem_shared>>
        %dma_start3A_69 = arith.constant 0 : i32
        %dma_start3A_70 = tpu.memref_slice %arg10[%add3A_54, %dma_start3A_69] : memref<10008x128xf32, #tpu.memory_space<vmem_shared>> -> memref<40x128xf32, #tpu.memory_space<vmem_shared>>
        %dma_start3A_71 = arith.constant 0 : i32
        %dma_start3A_72 = arith.constant 0 : i32
        %dma_start3A_73 = tpu.memref_slice %arg9[%dma_start3A_71, %dma_start3A_72] : memref<64x128xf32, #tpu.memory_space<vmem>> -> memref<40x128xf32, #tpu.memory_space<vmem>>
        tpu.enqueue_dma source(%dma_start3A_73 : memref<40x128xf32, #tpu.memory_space<vmem>>) target(%dma_start3A_70 : memref<40x128xf32, #tpu.memory_space<vmem_shared>>) target_semaphore(%run_scoped3A_63 : memref<!tpu.dma_semaphore, #tpu.memory_space<semaphore_mem>>)
        %dma_wait3A_74 = arith.constant 0 : i32
        %dma_wait3A_75 = arith.constant 0 : i32
        %dma_wait3A_76 = tpu.memref_slice %arg9[%dma_wait3A_74, %dma_wait3A_75] : memref<64x128xf32, #tpu.memory_space<vmem>> -> memref<40x128xf32, #tpu.memory_space<vmem>>
        %dma_wait3A_77 = arith.constant 0 : i32
        %dma_wait3A_78 = tpu.memref_slice %arg10[%add3A_54, %dma_wait3A_77] : memref<10008x128xf32, #tpu.memory_space<vmem_shared>> -> memref<40x128xf32, #tpu.memory_space<vmem_shared>>
        %dma_wait3A_79 = arith.constant 0 : i32
        %dma_wait3A_80 = tpu.memref_slice %arg10[%add3A_54, %dma_wait3A_79] : memref<10008x128xf32, #tpu.memory_space<vmem_shared>> -> memref<40x128xf32, #tpu.memory_space<vmem_shared>>
        %dma_wait3A_81 = arith.constant 0 : i32
        %dma_wait3A_82 = arith.constant 0 : i32
        %dma_wait3A_83 = tpu.memref_slice %arg9[%dma_wait3A_81, %dma_wait3A_82] : memref<64x128xf32, #tpu.memory_space<vmem>> -> memref<40x128xf32, #tpu.memory_space<vmem>>
        tpu.wait_dma2 semaphore(%run_scoped3A_63 : memref<!tpu.dma_semaphore, #tpu.memory_space<semaphore_mem>>) src(%dma_wait3A_83 : memref<40x128xf32, #tpu.memory_space<vmem>>) dst(%dma_wait3A_80 : memref<40x128xf32, #tpu.memory_space<vmem_shared>>)
        tpu.yield
      }) : () -> ()
      %add3A_55 = arith.constant 240 : i32
      %add3A_56 = arith.addi %mul3A_14, %add3A_55 : i32
      "tpu.region"() ({
        %run_scoped3A_63 = tpu.sem_alloc : memref<!tpu.dma_semaphore, #tpu.memory_space<semaphore_mem>>
        %dma_start3A_64 = arith.constant 0 : i32
        %dma_start3A_65 = arith.constant 0 : i32
        %dma_start3A_66 = tpu.memref_slice %arg9[%dma_start3A_64, %dma_start3A_65] : memref<64x128xf32, #tpu.memory_space<vmem>> -> memref<40x128xf32, #tpu.memory_space<vmem>>
        %dma_start3A_67 = arith.constant 0 : i32
        %dma_start3A_68 = tpu.memref_slice %arg10[%add3A_56, %dma_start3A_67] : memref<10008x128xf32, #tpu.memory_space<vmem_shared>> -> memref<40x128xf32, #tpu.memory_space<vmem_shared>>
        %dma_start3A_69 = arith.constant 0 : i32
        %dma_start3A_70 = tpu.memref_slice %arg10[%add3A_56, %dma_start3A_69] : memref<10008x128xf32, #tpu.memory_space<vmem_shared>> -> memref<40x128xf32, #tpu.memory_space<vmem_shared>>
        %dma_start3A_71 = arith.constant 0 : i32
        %dma_start3A_72 = arith.constant 0 : i32
        %dma_start3A_73 = tpu.memref_slice %arg9[%dma_start3A_71, %dma_start3A_72] : memref<64x128xf32, #tpu.memory_space<vmem>> -> memref<40x128xf32, #tpu.memory_space<vmem>>
        tpu.enqueue_dma source(%dma_start3A_73 : memref<40x128xf32, #tpu.memory_space<vmem>>) target(%dma_start3A_70 : memref<40x128xf32, #tpu.memory_space<vmem_shared>>) target_semaphore(%run_scoped3A_63 : memref<!tpu.dma_semaphore, #tpu.memory_space<semaphore_mem>>)
        %dma_wait3A_74 = arith.constant 0 : i32
        %dma_wait3A_75 = arith.constant 0 : i32
        %dma_wait3A_76 = tpu.memref_slice %arg9[%dma_wait3A_74, %dma_wait3A_75] : memref<64x128xf32, #tpu.memory_space<vmem>> -> memref<40x128xf32, #tpu.memory_space<vmem>>
        %dma_wait3A_77 = arith.constant 0 : i32
        %dma_wait3A_78 = tpu.memref_slice %arg10[%add3A_56, %dma_wait3A_77] : memref<10008x128xf32, #tpu.memory_space<vmem_shared>> -> memref<40x128xf32, #tpu.memory_space<vmem_shared>>
        %dma_wait3A_79 = arith.constant 0 : i32
        %dma_wait3A_80 = tpu.memref_slice %arg10[%add3A_56, %dma_wait3A_79] : memref<10008x128xf32, #tpu.memory_space<vmem_shared>> -> memref<40x128xf32, #tpu.memory_space<vmem_shared>>
        %dma_wait3A_81 = arith.constant 0 : i32
        %dma_wait3A_82 = arith.constant 0 : i32
        %dma_wait3A_83 = tpu.memref_slice %arg9[%dma_wait3A_81, %dma_wait3A_82] : memref<64x128xf32, #tpu.memory_space<vmem>> -> memref<40x128xf32, #tpu.memory_space<vmem>>
        tpu.wait_dma2 semaphore(%run_scoped3A_63 : memref<!tpu.dma_semaphore, #tpu.memory_space<semaphore_mem>>) src(%dma_wait3A_83 : memref<40x128xf32, #tpu.memory_space<vmem>>) dst(%dma_wait3A_80 : memref<40x128xf32, #tpu.memory_space<vmem_shared>>)
        tpu.yield
      }) : () -> ()
      %add3A_57 = arith.constant 280 : i32
      %add3A_58 = arith.addi %mul3A_14, %add3A_57 : i32
      "tpu.region"() ({
        %run_scoped3A_63 = tpu.sem_alloc : memref<!tpu.dma_semaphore, #tpu.memory_space<semaphore_mem>>
        %dma_start3A_64 = arith.constant 0 : i32
        %dma_start3A_65 = arith.constant 0 : i32
        %dma_start3A_66 = tpu.memref_slice %arg9[%dma_start3A_64, %dma_start3A_65] : memref<64x128xf32, #tpu.memory_space<vmem>> -> memref<40x128xf32, #tpu.memory_space<vmem>>
        %dma_start3A_67 = arith.constant 0 : i32
        %dma_start3A_68 = tpu.memref_slice %arg10[%add3A_58, %dma_start3A_67] : memref<10008x128xf32, #tpu.memory_space<vmem_shared>> -> memref<40x128xf32, #tpu.memory_space<vmem_shared>>
        %dma_start3A_69 = arith.constant 0 : i32
        %dma_start3A_70 = tpu.memref_slice %arg10[%add3A_58, %dma_start3A_69] : memref<10008x128xf32, #tpu.memory_space<vmem_shared>> -> memref<40x128xf32, #tpu.memory_space<vmem_shared>>
        %dma_start3A_71 = arith.constant 0 : i32
        %dma_start3A_72 = arith.constant 0 : i32
        %dma_start3A_73 = tpu.memref_slice %arg9[%dma_start3A_71, %dma_start3A_72] : memref<64x128xf32, #tpu.memory_space<vmem>> -> memref<40x128xf32, #tpu.memory_space<vmem>>
        tpu.enqueue_dma source(%dma_start3A_73 : memref<40x128xf32, #tpu.memory_space<vmem>>) target(%dma_start3A_70 : memref<40x128xf32, #tpu.memory_space<vmem_shared>>) target_semaphore(%run_scoped3A_63 : memref<!tpu.dma_semaphore, #tpu.memory_space<semaphore_mem>>)
        %dma_wait3A_74 = arith.constant 0 : i32
        %dma_wait3A_75 = arith.constant 0 : i32
        %dma_wait3A_76 = tpu.memref_slice %arg9[%dma_wait3A_74, %dma_wait3A_75] : memref<64x128xf32, #tpu.memory_space<vmem>> -> memref<40x128xf32, #tpu.memory_space<vmem>>
        %dma_wait3A_77 = arith.constant 0 : i32
        %dma_wait3A_78 = tpu.memref_slice %arg10[%add3A_58, %dma_wait3A_77] : memref<10008x128xf32, #tpu.memory_space<vmem_shared>> -> memref<40x128xf32, #tpu.memory_space<vmem_shared>>
        %dma_wait3A_79 = arith.constant 0 : i32
        %dma_wait3A_80 = tpu.memref_slice %arg10[%add3A_58, %dma_wait3A_79] : memref<10008x128xf32, #tpu.memory_space<vmem_shared>> -> memref<40x128xf32, #tpu.memory_space<vmem_shared>>
        %dma_wait3A_81 = arith.constant 0 : i32
        %dma_wait3A_82 = arith.constant 0 : i32
        %dma_wait3A_83 = tpu.memref_slice %arg9[%dma_wait3A_81, %dma_wait3A_82] : memref<64x128xf32, #tpu.memory_space<vmem>> -> memref<40x128xf32, #tpu.memory_space<vmem>>
        tpu.wait_dma2 semaphore(%run_scoped3A_63 : memref<!tpu.dma_semaphore, #tpu.memory_space<semaphore_mem>>) src(%dma_wait3A_83 : memref<40x128xf32, #tpu.memory_space<vmem>>) dst(%dma_wait3A_80 : memref<40x128xf32, #tpu.memory_space<vmem_shared>>)
        tpu.yield
      }) : () -> ()
      %add3A_59 = arith.constant 320 : i32
      %add3A_60 = arith.addi %mul3A_14, %add3A_59 : i32
      "tpu.region"() ({
        %run_scoped3A_63 = tpu.sem_alloc : memref<!tpu.dma_semaphore, #tpu.memory_space<semaphore_mem>>
        %dma_start3A_64 = arith.constant 0 : i32
        %dma_start3A_65 = arith.constant 0 : i32
        %dma_start3A_66 = tpu.memref_slice %arg9[%dma_start3A_64, %dma_start3A_65] : memref<64x128xf32, #tpu.memory_space<vmem>> -> memref<40x128xf32, #tpu.memory_space<vmem>>
        %dma_start3A_67 = arith.constant 0 : i32
        %dma_start3A_68 = tpu.memref_slice %arg10[%add3A_60, %dma_start3A_67] : memref<10008x128xf32, #tpu.memory_space<vmem_shared>> -> memref<40x128xf32, #tpu.memory_space<vmem_shared>>
        %dma_start3A_69 = arith.constant 0 : i32
        %dma_start3A_70 = tpu.memref_slice %arg10[%add3A_60, %dma_start3A_69] : memref<10008x128xf32, #tpu.memory_space<vmem_shared>> -> memref<40x128xf32, #tpu.memory_space<vmem_shared>>
        %dma_start3A_71 = arith.constant 0 : i32
        %dma_start3A_72 = arith.constant 0 : i32
        %dma_start3A_73 = tpu.memref_slice %arg9[%dma_start3A_71, %dma_start3A_72] : memref<64x128xf32, #tpu.memory_space<vmem>> -> memref<40x128xf32, #tpu.memory_space<vmem>>
        tpu.enqueue_dma source(%dma_start3A_73 : memref<40x128xf32, #tpu.memory_space<vmem>>) target(%dma_start3A_70 : memref<40x128xf32, #tpu.memory_space<vmem_shared>>) target_semaphore(%run_scoped3A_63 : memref<!tpu.dma_semaphore, #tpu.memory_space<semaphore_mem>>)
        %dma_wait3A_74 = arith.constant 0 : i32
        %dma_wait3A_75 = arith.constant 0 : i32
        %dma_wait3A_76 = tpu.memref_slice %arg9[%dma_wait3A_74, %dma_wait3A_75] : memref<64x128xf32, #tpu.memory_space<vmem>> -> memref<40x128xf32, #tpu.memory_space<vmem>>
        %dma_wait3A_77 = arith.constant 0 : i32
        %dma_wait3A_78 = tpu.memref_slice %arg10[%add3A_60, %dma_wait3A_77] : memref<10008x128xf32, #tpu.memory_space<vmem_shared>> -> memref<40x128xf32, #tpu.memory_space<vmem_shared>>
        %dma_wait3A_79 = arith.constant 0 : i32
        %dma_wait3A_80 = tpu.memref_slice %arg10[%add3A_60, %dma_wait3A_79] : memref<10008x128xf32, #tpu.memory_space<vmem_shared>> -> memref<40x128xf32, #tpu.memory_space<vmem_shared>>
        %dma_wait3A_81 = arith.constant 0 : i32
        %dma_wait3A_82 = arith.constant 0 : i32
        %dma_wait3A_83 = tpu.memref_slice %arg9[%dma_wait3A_81, %dma_wait3A_82] : memref<64x128xf32, #tpu.memory_space<vmem>> -> memref<40x128xf32, #tpu.memory_space<vmem>>
        tpu.wait_dma2 semaphore(%run_scoped3A_63 : memref<!tpu.dma_semaphore, #tpu.memory_space<semaphore_mem>>) src(%dma_wait3A_83 : memref<40x128xf32, #tpu.memory_space<vmem>>) dst(%dma_wait3A_80 : memref<40x128xf32, #tpu.memory_space<vmem_shared>>)
        tpu.yield
      }) : () -> ()
      %add3A_61 = arith.constant 360 : i32
      %add3A_62 = arith.addi %mul3A_14, %add3A_61 : i32
      "tpu.region"() ({
        %run_scoped3A_63 = tpu.sem_alloc : memref<!tpu.dma_semaphore, #tpu.memory_space<semaphore_mem>>
        %dma_start3A_64 = arith.constant 0 : i32
        %dma_start3A_65 = arith.constant 0 : i32
        %dma_start3A_66 = tpu.memref_slice %arg9[%dma_start3A_64, %dma_start3A_65] : memref<64x128xf32, #tpu.memory_space<vmem>> -> memref<40x128xf32, #tpu.memory_space<vmem>>
        %dma_start3A_67 = arith.constant 0 : i32
        %dma_start3A_68 = tpu.memref_slice %arg10[%add3A_62, %dma_start3A_67] : memref<10008x128xf32, #tpu.memory_space<vmem_shared>> -> memref<40x128xf32, #tpu.memory_space<vmem_shared>>
        %dma_start3A_69 = arith.constant 0 : i32
        %dma_start3A_70 = tpu.memref_slice %arg10[%add3A_62, %dma_start3A_69] : memref<10008x128xf32, #tpu.memory_space<vmem_shared>> -> memref<40x128xf32, #tpu.memory_space<vmem_shared>>
        %dma_start3A_71 = arith.constant 0 : i32
        %dma_start3A_72 = arith.constant 0 : i32
        %dma_start3A_73 = tpu.memref_slice %arg9[%dma_start3A_71, %dma_start3A_72] : memref<64x128xf32, #tpu.memory_space<vmem>> -> memref<40x128xf32, #tpu.memory_space<vmem>>
        tpu.enqueue_dma source(%dma_start3A_73 : memref<40x128xf32, #tpu.memory_space<vmem>>) target(%dma_start3A_70 : memref<40x128xf32, #tpu.memory_space<vmem_shared>>) target_semaphore(%run_scoped3A_63 : memref<!tpu.dma_semaphore, #tpu.memory_space<semaphore_mem>>)
        %dma_wait3A_74 = arith.constant 0 : i32
        %dma_wait3A_75 = arith.constant 0 : i32
        %dma_wait3A_76 = tpu.memref_slice %arg9[%dma_wait3A_74, %dma_wait3A_75] : memref<64x128xf32, #tpu.memory_space<vmem>> -> memref<40x128xf32, #tpu.memory_space<vmem>>
        %dma_wait3A_77 = arith.constant 0 : i32
        %dma_wait3A_78 = tpu.memref_slice %arg10[%add3A_62, %dma_wait3A_77] : memref<10008x128xf32, #tpu.memory_space<vmem_shared>> -> memref<40x128xf32, #tpu.memory_space<vmem_shared>>
        %dma_wait3A_79 = arith.constant 0 : i32
        %dma_wait3A_80 = tpu.memref_slice %arg10[%add3A_62, %dma_wait3A_79] : memref<10008x128xf32, #tpu.memory_space<vmem_shared>> -> memref<40x128xf32, #tpu.memory_space<vmem_shared>>
        %dma_wait3A_81 = arith.constant 0 : i32
        %dma_wait3A_82 = arith.constant 0 : i32
        %dma_wait3A_83 = tpu.memref_slice %arg9[%dma_wait3A_81, %dma_wait3A_82] : memref<64x128xf32, #tpu.memory_space<vmem>> -> memref<40x128xf32, #tpu.memory_space<vmem>>
        tpu.wait_dma2 semaphore(%run_scoped3A_63 : memref<!tpu.dma_semaphore, #tpu.memory_space<semaphore_mem>>) src(%dma_wait3A_83 : memref<40x128xf32, #tpu.memory_space<vmem>>) dst(%dma_wait3A_80 : memref<40x128xf32, #tpu.memory_space<vmem_shared>>)
        tpu.yield
      }) : () -> ()
    } else {
    }
    %barrier3A = arith.constant 0 : index
    tpu.barrier barrier_id(%barrier3A)
    %scan3A_21 = arith.constant 0 : i32
    %scan3A_22 = arith.constant 0 : i32
    %scan3A_23 = arith.constant 78 : i32
    %scan3A_24 = arith.addi %scan3A_22, %scan3A_23 : i32
    %scan3A_25 = arith.constant 1 : i32
    %scan3A_26 = scf.for %scan3A_43 = %scan3A_22 to %scan3A_24 step %scan3A_25 iter_args(%scan3A_44 = %scan3A_21) -> (i32)  : i32 {
      %mul3A_45 = arith.constant 2 : i32
      %mul3A_46 = arith.muli %mul3A_45, %scan3A_43 : i32
      %add3A_47 = arith.constant 1 : i32
      %add3A_48 = arith.addi %mul3A_46, %add3A_47 : i32
      %mul3A_49 = arith.constant 64 : i32
      %mul3A_50 = arith.muli %add3A_48, %mul3A_49 : i32
      %dma_start3A_51 = tpu.memref_slice %arg6[%mul3A_50] : memref<10048xi32, #tpu.memory_space<vmem>> -> memref<64xi32, #tpu.memory_space<vmem>>
      %dma_start3A_52 = arith.constant 0 : i32
      %dma_start3A_53 = arith.constant 0 : i32
      %dma_start3A_54 = tpu.memref_slice %arg2[%dma_start3A_52, %dma_start3A_53] : memref<10000x128xf32, #tpu.memory_space<hbm>> -> memref<10000x128xf32, #tpu.memory_space<hbm>>
      tpu.enqueue_indirect_dma source(%dma_start3A_54 : memref<10000x128xf32, #tpu.memory_space<hbm>>) target(%arg9 : memref<64x128xf32, #tpu.memory_space<vmem>>) offsets(%dma_start3A_51 : memref<64xi32, #tpu.memory_space<vmem>>) semaphore(%arg12 : memref<!tpu.dma_semaphore, #tpu.memory_space<semaphore_mem>>)
      %mul3A_55 = arith.constant 64 : i32
      %mul3A_56 = arith.muli %mul3A_46, %mul3A_55 : i32
      %dma_wait3A_57 = tpu.memref_slice %arg6[%mul3A_56] : memref<10048xi32, #tpu.memory_space<vmem>> -> memref<64xi32, #tpu.memory_space<vmem>>
      %dma_wait3A_58 = arith.constant 0 : i32
      %dma_wait3A_59 = arith.constant 0 : i32
      %dma_wait3A_60 = tpu.memref_slice %arg2[%dma_wait3A_58, %dma_wait3A_59] : memref<10000x128xf32, #tpu.memory_space<hbm>> -> memref<10000x128xf32, #tpu.memory_space<hbm>>
      tpu.wait_indirect_dma semaphore(%arg11 : memref<!tpu.dma_semaphore, #tpu.memory_space<semaphore_mem>>) src(%dma_wait3A_60 : memref<10000x128xf32, #tpu.memory_space<hbm>>) dst(%arg8 : memref<64x128xf32, #tpu.memory_space<vmem>>)
      "tpu.region"() ({
        %run_scoped3A_80 = tpu.sem_alloc : memref<!tpu.dma_semaphore, #tpu.memory_space<semaphore_mem>>
        %dma_start3A_81 = arith.constant 0 : i32
        %dma_start3A_82 = tpu.memref_slice %arg7[%mul3A_46, %dma_start3A_81] : memref<157x64xi32, #tpu.memory_space<vmem>> -> memref<1x64xi32, #tpu.memory_space<vmem>>
        %dma_start3A_83 = tpu.memref_squeeze %dma_start3A_82 : memref<1x64xi32, #tpu.memory_space<vmem>> -> memref<64xi32, #tpu.memory_space<vmem>>
        %dma_start3A_84 = arith.constant 0 : i32
        %dma_start3A_85 = arith.constant 0 : i32
        %dma_start3A_86 = tpu.memref_slice %arg10[%dma_start3A_84, %dma_start3A_85] : memref<10008x128xf32, #tpu.memory_space<vmem_shared>> -> memref<10008x128xf32, #tpu.memory_space<vmem_shared>>
        tpu.enqueue_indirect_dma source(%arg8 : memref<64x128xf32, #tpu.memory_space<vmem>>) target(%dma_start3A_86 : memref<10008x128xf32, #tpu.memory_space<vmem_shared>>) offsets(%dma_start3A_83 : memref<64xi32, #tpu.memory_space<vmem>>) semaphore(%run_scoped3A_80 : memref<!tpu.dma_semaphore, #tpu.memory_space<semaphore_mem>>) {add = true}
        %dma_wait3A_87 = arith.constant 0 : i32
        %dma_wait3A_88 = tpu.memref_slice %arg7[%mul3A_46, %dma_wait3A_87] : memref<157x64xi32, #tpu.memory_space<vmem>> -> memref<1x64xi32, #tpu.memory_space<vmem>>
        %dma_wait3A_89 = tpu.memref_squeeze %dma_wait3A_88 : memref<1x64xi32, #tpu.memory_space<vmem>> -> memref<64xi32, #tpu.memory_space<vmem>>
        %dma_wait3A_90 = arith.constant 0 : i32
        %dma_wait3A_91 = arith.constant 0 : i32
        %dma_wait3A_92 = tpu.memref_slice %arg10[%dma_wait3A_90, %dma_wait3A_91] : memref<10008x128xf32, #tpu.memory_space<vmem_shared>> -> memref<10008x128xf32, #tpu.memory_space<vmem_shared>>
        tpu.wait_indirect_dma semaphore(%run_scoped3A_80 : memref<!tpu.dma_semaphore, #tpu.memory_space<semaphore_mem>>) src(%arg8 : memref<64x128xf32, #tpu.memory_space<vmem>>) dst(%dma_wait3A_92 : memref<10008x128xf32, #tpu.memory_space<vmem_shared>>)
        tpu.yield
      }) : () -> ()
      %add3A_61 = arith.constant 2 : i32
      %add3A_62 = arith.addi %mul3A_46, %add3A_61 : i32
      %mul3A_63 = arith.constant 64 : i32
      %mul3A_64 = arith.muli %add3A_62, %mul3A_63 : i32
      %dma_start3A_65 = tpu.memref_slice %arg6[%mul3A_64] : memref<10048xi32, #tpu.memory_space<vmem>> -> memref<64xi32, #tpu.memory_space<vmem>>
      %dma_start3A_66 = arith.constant 0 : i32
      %dma_start3A_67 = arith.constant 0 : i32
      %dma_start3A_68 = tpu.memref_slice %arg2[%dma_start3A_66, %dma_start3A_67] : memref<10000x128xf32, #tpu.memory_space<hbm>> -> memref<10000x128xf32, #tpu.memory_space<hbm>>
      tpu.enqueue_indirect_dma source(%dma_start3A_68 : memref<10000x128xf32, #tpu.memory_space<hbm>>) target(%arg8 : memref<64x128xf32, #tpu.memory_space<vmem>>) offsets(%dma_start3A_65 : memref<64xi32, #tpu.memory_space<vmem>>) semaphore(%arg11 : memref<!tpu.dma_semaphore, #tpu.memory_space<semaphore_mem>>)
      %add3A_69 = arith.constant 1 : i32
      %add3A_70 = arith.addi %mul3A_46, %add3A_69 : i32
      %mul3A_71 = arith.constant 64 : i32
      %mul3A_72 = arith.muli %add3A_70, %mul3A_71 : i32
      %dma_wait3A_73 = tpu.memref_slice %arg6[%mul3A_72] : memref<10048xi32, #tpu.memory_space<vmem>> -> memref<64xi32, #tpu.memory_space<vmem>>
      %dma_wait3A_74 = arith.constant 0 : i32
      %dma_wait3A_75 = arith.constant 0 : i32
      %dma_wait3A_76 = tpu.memref_slice %arg2[%dma_wait3A_74, %dma_wait3A_75] : memref<10000x128xf32, #tpu.memory_space<hbm>> -> memref<10000x128xf32, #tpu.memory_space<hbm>>
      tpu.wait_indirect_dma semaphore(%arg12 : memref<!tpu.dma_semaphore, #tpu.memory_space<semaphore_mem>>) src(%dma_wait3A_76 : memref<10000x128xf32, #tpu.memory_space<hbm>>) dst(%arg9 : memref<64x128xf32, #tpu.memory_space<vmem>>)
      %add3A_77 = arith.constant 1 : i32
      %add3A_78 = arith.addi %mul3A_46, %add3A_77 : i32
      "tpu.region"() ({
        %run_scoped3A_80 = tpu.sem_alloc : memref<!tpu.dma_semaphore, #tpu.memory_space<semaphore_mem>>
        %dma_start3A_81 = arith.constant 0 : i32
        %dma_start3A_82 = tpu.memref_slice %arg7[%add3A_78, %dma_start3A_81] : memref<157x64xi32, #tpu.memory_space<vmem>> -> memref<1x64xi32, #tpu.memory_space<vmem>>
        %dma_start3A_83 = tpu.memref_squeeze %dma_start3A_82 : memref<1x64xi32, #tpu.memory_space<vmem>> -> memref<64xi32, #tpu.memory_space<vmem>>
        %dma_start3A_84 = arith.constant 0 : i32
        %dma_start3A_85 = arith.constant 0 : i32
        %dma_start3A_86 = tpu.memref_slice %arg10[%dma_start3A_84, %dma_start3A_85] : memref<10008x128xf32, #tpu.memory_space<vmem_shared>> -> memref<10008x128xf32, #tpu.memory_space<vmem_shared>>
        tpu.enqueue_indirect_dma source(%arg9 : memref<64x128xf32, #tpu.memory_space<vmem>>) target(%dma_start3A_86 : memref<10008x128xf32, #tpu.memory_space<vmem_shared>>) offsets(%dma_start3A_83 : memref<64xi32, #tpu.memory_space<vmem>>) semaphore(%run_scoped3A_80 : memref<!tpu.dma_semaphore, #tpu.memory_space<semaphore_mem>>) {add = true}
        %dma_wait3A_87 = arith.constant 0 : i32
        %dma_wait3A_88 = tpu.memref_slice %arg7[%add3A_78, %dma_wait3A_87] : memref<157x64xi32, #tpu.memory_space<vmem>> -> memref<1x64xi32, #tpu.memory_space<vmem>>
        %dma_wait3A_89 = tpu.memref_squeeze %dma_wait3A_88 : memref<1x64xi32, #tpu.memory_space<vmem>> -> memref<64xi32, #tpu.memory_space<vmem>>
        %dma_wait3A_90 = arith.constant 0 : i32
        %dma_wait3A_91 = arith.constant 0 : i32
        %dma_wait3A_92 = tpu.memref_slice %arg10[%dma_wait3A_90, %dma_wait3A_91] : memref<10008x128xf32, #tpu.memory_space<vmem_shared>> -> memref<10008x128xf32, #tpu.memory_space<vmem_shared>>
        tpu.wait_indirect_dma semaphore(%run_scoped3A_80 : memref<!tpu.dma_semaphore, #tpu.memory_space<semaphore_mem>>) src(%arg9 : memref<64x128xf32, #tpu.memory_space<vmem>>) dst(%dma_wait3A_92 : memref<10008x128xf32, #tpu.memory_space<vmem_shared>>)
        tpu.yield
      }) : () -> ()
      %scan3A_79 = arith.constant 0 : i32
      scf.yield %scan3A_79 : i32
    }
    %scan3A_27 = arith.constant 78 : i32
    %dma_wait3A = arith.constant 9984 : i32
    %dma_wait3A_28 = tpu.memref_slice %arg6[%dma_wait3A] : memref<10048xi32, #tpu.memory_space<vmem>> -> memref<64xi32, #tpu.memory_space<vmem>>
    %dma_wait3A_29 = arith.constant 0 : i32
    %dma_wait3A_30 = arith.constant 0 : i32
    %dma_wait3A_31 = tpu.memref_slice %arg2[%dma_wait3A_29, %dma_wait3A_30] : memref<10000x128xf32, #tpu.memory_space<hbm>> -> memref<10000x128xf32, #tpu.memory_space<hbm>>
    tpu.wait_indirect_dma semaphore(%arg11 : memref<!tpu.dma_semaphore, #tpu.memory_space<semaphore_mem>>) src(%dma_wait3A_31 : memref<10000x128xf32, #tpu.memory_space<hbm>>) dst(%arg8 : memref<64x128xf32, #tpu.memory_space<vmem>>)
    %run_scoped3A = arith.constant 156 : i32
    "tpu.region"() ({
      %run_scoped3A_43 = tpu.sem_alloc : memref<!tpu.dma_semaphore, #tpu.memory_space<semaphore_mem>>
      %dma_start3A_44 = arith.constant 0 : i32
      %dma_start3A_45 = tpu.memref_slice %arg7[%run_scoped3A, %dma_start3A_44] : memref<157x64xi32, #tpu.memory_space<vmem>> -> memref<1x64xi32, #tpu.memory_space<vmem>>
      %dma_start3A_46 = tpu.memref_squeeze %dma_start3A_45 : memref<1x64xi32, #tpu.memory_space<vmem>> -> memref<64xi32, #tpu.memory_space<vmem>>
      %dma_start3A_47 = arith.constant 0 : i32
      %dma_start3A_48 = arith.constant 0 : i32
      %dma_start3A_49 = tpu.memref_slice %arg10[%dma_start3A_47, %dma_start3A_48] : memref<10008x128xf32, #tpu.memory_space<vmem_shared>> -> memref<10008x128xf32, #tpu.memory_space<vmem_shared>>
      tpu.enqueue_indirect_dma source(%arg8 : memref<64x128xf32, #tpu.memory_space<vmem>>) target(%dma_start3A_49 : memref<10008x128xf32, #tpu.memory_space<vmem_shared>>) offsets(%dma_start3A_46 : memref<64xi32, #tpu.memory_space<vmem>>) semaphore(%run_scoped3A_43 : memref<!tpu.dma_semaphore, #tpu.memory_space<semaphore_mem>>) {add = true}
      %dma_wait3A_50 = arith.constant 0 : i32
      %dma_wait3A_51 = tpu.memref_slice %arg7[%run_scoped3A, %dma_wait3A_50] : memref<157x64xi32, #tpu.memory_space<vmem>> -> memref<1x64xi32, #tpu.memory_space<vmem>>
      %dma_wait3A_52 = tpu.memref_squeeze %dma_wait3A_51 : memref<1x64xi32, #tpu.memory_space<vmem>> -> memref<64xi32, #tpu.memory_space<vmem>>
      %dma_wait3A_53 = arith.constant 0 : i32
      %dma_wait3A_54 = arith.constant 0 : i32
      %dma_wait3A_55 = tpu.memref_slice %arg10[%dma_wait3A_53, %dma_wait3A_54] : memref<10008x128xf32, #tpu.memory_space<vmem_shared>> -> memref<10008x128xf32, #tpu.memory_space<vmem_shared>>
      tpu.wait_indirect_dma semaphore(%run_scoped3A_43 : memref<!tpu.dma_semaphore, #tpu.memory_space<semaphore_mem>>) src(%arg8 : memref<64x128xf32, #tpu.memory_space<vmem>>) dst(%dma_wait3A_55 : memref<10008x128xf32, #tpu.memory_space<vmem_shared>>)
      tpu.yield
    }) : () -> ()
    %barrier3A_32 = arith.constant 0 : index
    tpu.barrier barrier_id(%barrier3A_32)
    %lt3A_33 = arith.constant 15 : i32
    %lt3A_34 = arith.cmpi slt, %arg1, %lt3A_33 : i32
    %convert_element_type3A_35 = arith.extui %lt3A_34 : i1 to i32
    %cond3A_36 = arith.constant 0 : i32
    %cond3A_37 = arith.cmpi ne, %convert_element_type3A_35, %cond3A_36 : i32
    scf.if %cond3A_37 {
      "tpu.region"() ({
        %run_scoped3A_43 = tpu.sem_alloc : memref<!tpu.dma_semaphore, #tpu.memory_space<semaphore_mem>>
        %dma_start3A_44 = arith.constant 0 : i32
        %dma_start3A_45 = tpu.memref_slice %arg5[%arg0, %mul3A_14, %dma_start3A_44] : memref<2x10000x128xf32, #tpu.memory_space<hbm>> -> memref<1x640x128xf32, #tpu.memory_space<hbm>>
        %dma_start3A_46 = tpu.memref_squeeze %dma_start3A_45 : memref<1x640x128xf32, #tpu.memory_space<hbm>> -> memref<640x128xf32, #tpu.memory_space<hbm>>
        %dma_start3A_47 = arith.constant 0 : i32
        %dma_start3A_48 = tpu.memref_slice %arg10[%mul3A_14, %dma_start3A_47] : memref<10008x128xf32, #tpu.memory_space<vmem_shared>> -> memref<640x128xf32, #tpu.memory_space<vmem_shared>>
        tpu.enqueue_dma source(%dma_start3A_48 : memref<640x128xf32, #tpu.memory_space<vmem_shared>>) target(%dma_start3A_46 : memref<640x128xf32, #tpu.memory_space<hbm>>) target_semaphore(%run_scoped3A_43 : memref<!tpu.dma_semaphore, #tpu.memory_space<semaphore_mem>>)
        %dma_wait3A_49 = arith.constant 0 : i32
        %dma_wait3A_50 = tpu.memref_slice %arg5[%arg0, %mul3A_14, %dma_wait3A_49] : memref<2x10000x128xf32, #tpu.memory_space<hbm>> -> memref<1x640x128xf32, #tpu.memory_space<hbm>>
        %dma_wait3A_51 = tpu.memref_squeeze %dma_wait3A_50 : memref<1x640x128xf32, #tpu.memory_space<hbm>> -> memref<640x128xf32, #tpu.memory_space<hbm>>
        %dma_wait3A_52 = arith.constant 0 : i32
        %dma_wait3A_53 = tpu.memref_slice %arg10[%mul3A_14, %dma_wait3A_52] : memref<10008x128xf32, #tpu.memory_space<vmem_shared>> -> memref<640x128xf32, #tpu.memory_space<vmem_shared>>
        tpu.wait_dma2 semaphore(%run_scoped3A_43 : memref<!tpu.dma_semaphore, #tpu.memory_space<semaphore_mem>>) src(%dma_wait3A_53 : memref<640x128xf32, #tpu.memory_space<vmem_shared>>) dst(%dma_wait3A_51 : memref<640x128xf32, #tpu.memory_space<hbm>>)
        tpu.yield
      }) : () -> ()
    } else {
    }
    %eq3A_38 = arith.constant 15 : i32
    %eq3A_39 = arith.cmpi eq, %arg1, %eq3A_38 : i32
    %convert_element_type3A_40 = arith.extui %eq3A_39 : i1 to i32
    %cond3A_41 = arith.constant 0 : i32
    %cond3A_42 = arith.cmpi ne, %convert_element_type3A_40, %cond3A_41 : i32
    scf.if %cond3A_42 {
      "tpu.region"() ({
        %run_scoped3A_43 = tpu.sem_alloc : memref<!tpu.dma_semaphore, #tpu.memory_space<semaphore_mem>>
        %dma_start3A_44 = arith.constant 0 : i32
        %dma_start3A_45 = tpu.memref_slice %arg5[%arg0, %mul3A_14, %dma_start3A_44] : memref<2x10000x128xf32, #tpu.memory_space<hbm>> -> memref<1x400x128xf32, #tpu.memory_space<hbm>>
        %dma_start3A_46 = tpu.memref_squeeze %dma_start3A_45 : memref<1x400x128xf32, #tpu.memory_space<hbm>> -> memref<400x128xf32, #tpu.memory_space<hbm>>
        %dma_start3A_47 = arith.constant 0 : i32
        %dma_start3A_48 = tpu.memref_slice %arg10[%mul3A_14, %dma_start3A_47] : memref<10008x128xf32, #tpu.memory_space<vmem_shared>> -> memref<400x128xf32, #tpu.memory_space<vmem_shared>>
        tpu.enqueue_dma source(%dma_start3A_48 : memref<400x128xf32, #tpu.memory_space<vmem_shared>>) target(%dma_start3A_46 : memref<400x128xf32, #tpu.memory_space<hbm>>) target_semaphore(%run_scoped3A_43 : memref<!tpu.dma_semaphore, #tpu.memory_space<semaphore_mem>>)
        %dma_wait3A_49 = arith.constant 0 : i32
        %dma_wait3A_50 = tpu.memref_slice %arg5[%arg0, %mul3A_14, %dma_wait3A_49] : memref<2x10000x128xf32, #tpu.memory_space<hbm>> -> memref<1x400x128xf32, #tpu.memory_space<hbm>>
        %dma_wait3A_51 = tpu.memref_squeeze %dma_wait3A_50 : memref<1x400x128xf32, #tpu.memory_space<hbm>> -> memref<400x128xf32, #tpu.memory_space<hbm>>
        %dma_wait3A_52 = arith.constant 0 : i32
        %dma_wait3A_53 = tpu.memref_slice %arg10[%mul3A_14, %dma_wait3A_52] : memref<10008x128xf32, #tpu.memory_space<vmem_shared>> -> memref<400x128xf32, #tpu.memory_space<vmem_shared>>
        tpu.wait_dma2 semaphore(%run_scoped3A_43 : memref<!tpu.dma_semaphore, #tpu.memory_space<semaphore_mem>>) src(%dma_wait3A_53 : memref<400x128xf32, #tpu.memory_space<vmem_shared>>) dst(%dma_wait3A_51 : memref<400x128xf32, #tpu.memory_space<hbm>>)
        tpu.yield
      }) : () -> ()
    } else {
    }
    return
  }
}

module attributes {stable_mosaic.version = 14 : i64} {
  func.func @body(%arg0: i32, %arg1: memref<1000x128xf32, #tpu.memory_space<vmem>>, %arg2: memref<1000x1xf32, #tpu.memory_space<vmem>>, %arg3: memref<1000x128xf32, #tpu.memory_space<vmem>>) attributes {dimension_semantics = [#tpu.dimension_semantics<arbitrary>], iteration_bounds = array<i64: 10>, scalar_prefetch = 0 : i64, scratch_operands = 0 : i64, tpu.core_type = #tpu.core_type<tc>, window_params = [{transform_indices = @transform_0, window_bounds = array<i64: 1000, 128>}, {transform_indices = @transform_1, window_bounds = array<i64: 1000, 1>}, {transform_indices = @transform_2, window_bounds = array<i64: 1000, 128>}]} {
    %get3A = arith.constant 0 : index
    %get3A_0 = arith.constant 0 : index
    %get3A_1 = vector.load %arg1[%get3A, %get3A_0] : memref<1000x128xf32, #tpu.memory_space<vmem>>, vector<1000x128xf32>
    %get3A_2 = arith.constant 0 : index
    %get3A_3 = arith.constant 0 : index
    %get3A_4 = vector.load %arg2[%get3A_2, %get3A_3] : memref<1000x1xf32, #tpu.memory_space<vmem>>, vector<1000x1xf32>
    %mul3A = vector.broadcast %get3A_4 : vector<1000x1xf32> to vector<1000x128xf32>
    %mul3A_5 = arith.mulf %get3A_1, %mul3A : vector<1000x128xf32>
    %swap3A = arith.constant 0 : index
    %swap3A_6 = arith.constant 0 : index
    %swap3A_7 = vector.load %arg3[%swap3A, %swap3A_6] : memref<1000x128xf32, #tpu.memory_space<vmem>>, vector<1000x128xf32>
    tpu.vector_store %arg3[%swap3A, %swap3A_6], %mul3A_5 {strides = array<i32>} : memref<1000x128xf32, #tpu.memory_space<vmem>>, vector<1000x128xf32>,
    return
  }
  func.func @transform_0(%arg0: i32) -> (i32, i32) {
    %c0_i32 = arith.constant 0 : i32
    %c0_i32_0 = arith.constant 0 : i32
    return %arg0, %c0_i32 : i32, i32
  }
  func.func @transform_1(%arg0: i32) -> (i32, i32) {
    %c0_i32 = arith.constant 0 : i32
    %c0_i32_0 = arith.constant 0 : i32
    return %arg0, %c0_i32 : i32, i32
  }
  func.func @transform_2(%arg0: i32) -> (i32, i32) {
    %c0_i32 = arith.constant 0 : i32
    %c0_i32_0 = arith.constant 0 : i32
    return %arg0, %c0_i32 : i32, i32
  }
}

module attributes {stable_mosaic.version = 14 : i64} {
  func.func @body(%arg0: i32, %arg1: memref<2x1000x128xf32, #tpu.memory_space<vmem>>, %arg2: memref<1000x1xf32, #tpu.memory_space<vmem>>, %arg3: memref<128x128xf32, #tpu.memory_space<vmem>>, %arg4: memref<1x128xf32, #tpu.memory_space<vmem>>, %arg5: memref<128x128xf32, #tpu.memory_space<vmem>>, %arg6: memref<1x128xf32, #tpu.memory_space<vmem>>, %arg7: memref<1x128xf32, #tpu.memory_space<vmem>>, %arg8: memref<1x128xf32, #tpu.memory_space<vmem>>) attributes {dimension_semantics = [#tpu.dimension_semantics<arbitrary>], iteration_bounds = array<i64: 10>, scalar_prefetch = 0 : i64, scratch_operands = 1 : i64, tpu.core_type = #tpu.core_type<tc>, window_params = [{transform_indices = @transform_0, window_bounds = array<i64: 2, 1000, 128>}, {transform_indices = @transform_1, window_bounds = array<i64: 1000, 1>}, {pipeline_mode = #tpu.pipeline_mode<synchronous>, transform_indices = @transform_2, window_bounds = array<i64: 128, 128>}, {pipeline_mode = #tpu.pipeline_mode<synchronous>, transform_indices = @transform_3, window_bounds = array<i64: 1, 128>}, {pipeline_mode = #tpu.pipeline_mode<synchronous>, transform_indices = @transform_4, window_bounds = array<i64: 128, 128>}, {pipeline_mode = #tpu.pipeline_mode<synchronous>, transform_indices = @transform_5, window_bounds = array<i64: 1, 128>}, {pipeline_mode = #tpu.pipeline_mode<synchronous>, transform_indices = @transform_6, window_bounds = array<i64: 1, 128>}]} {
    %get3A = arith.constant 0 : index
    %get3A_0 = arith.constant 0 : index
    %get3A_1 = arith.constant 0 : index
    %get3A_2 = vector.load %arg1[%get3A, %get3A_0, %get3A_1] : memref<2x1000x128xf32, #tpu.memory_space<vmem>>, vector<1x1000x128xf32>
    %get3A_3 = vector.shape_cast %get3A_2 : vector<1x1000x128xf32> to vector<1000x128xf32>
    %get3A_4 = arith.constant 1 : index
    %get3A_5 = arith.constant 0 : index
    %get3A_6 = arith.constant 0 : index
    %get3A_7 = vector.load %arg1[%get3A_4, %get3A_5, %get3A_6] : memref<2x1000x128xf32, #tpu.memory_space<vmem>>, vector<1x1000x128xf32>
    %get3A_8 = vector.shape_cast %get3A_7 : vector<1x1000x128xf32> to vector<1000x128xf32>
    %add3A = arith.addf %get3A_3, %get3A_8 : vector<1000x128xf32>
    %get3A_9 = arith.constant 0 : index
    %get3A_10 = arith.constant 0 : index
    %get3A_11 = vector.load %arg2[%get3A_9, %get3A_10] : memref<1000x1xf32, #tpu.memory_space<vmem>>, vector<1000x1xf32>
    %mul3A = vector.broadcast %get3A_11 : vector<1000x1xf32> to vector<1000x128xf32>
    %mul3A_12 = arith.mulf %add3A, %mul3A : vector<1000x128xf32>
    %get3A_13 = arith.constant 0 : index
    %get3A_14 = arith.constant 0 : index
    %get3A_15 = vector.load %arg3[%get3A_13, %get3A_14] : memref<128x128xf32, #tpu.memory_space<vmem>>, vector<128x128xf32>
    %dot_general3A = arith.constant dense<0.000000e+00> : vector<1000x128xf32>
    %dot_general3A_16 = tpu.matmul %mul3A_12, %get3A_15, %dot_general3A {dimension_numbers = #tpu.dot_dimension_numbers<[1], [0], [0], [1], [0, 0, 1, 1], [], []>, transpose_lhs_hint = false} : vector<1000x128xf32>, vector<128x128xf32>, vector<1000x128xf32> -> vector<1000x128xf32>
    %get3A_17 = arith.constant 0 : index
    %get3A_18 = arith.constant 0 : index
    %get3A_19 = vector.load %arg4[%get3A_17, %get3A_18] : memref<1x128xf32, #tpu.memory_space<vmem>>, vector<1x128xf32>
    %add3A_20 = vector.broadcast %get3A_19 : vector<1x128xf32> to vector<1000x128xf32>
    %add3A_21 = arith.addf %dot_general3A_16, %add3A_20 : vector<1000x128xf32>
    %max3A = arith.constant 0.000000e+00 : f32
    %max3A_22 = vector.broadcast %max3A : f32 to vector<1000x128xf32>
    %max3A_23 = arith.maximumf %add3A_21, %max3A_22 : vector<1000x128xf32>
    %reduce_sum3A = arith.constant dense<0.000000e+00> : vector<128xf32>
    %reduce_sum3A_24 = vector.multi_reduction <add>, %max3A_23, %reduce_sum3A [0] : vector<1000x128xf32> to vector<128xf32>
    %broadcast_in_dim3A = vector.shape_cast %reduce_sum3A_24 : vector<128xf32> to vector<1x128xf32>
    %eq3A = arith.constant 0 : i32
    %eq3A_25 = arith.cmpi eq, %arg0, %eq3A : i32
    %convert_element_type3A = arith.extui %eq3A_25 : i1 to i32
    %cond3A = arith.constant 0 : i32
    %cond3A_26 = arith.cmpi ne, %convert_element_type3A, %cond3A : i32
    scf.if %cond3A_26 {
      %swap3A = arith.constant 0 : index
      %swap3A_36 = arith.constant 0 : index
      %swap3A_37 = vector.load %arg8[%swap3A, %swap3A_36] : memref<1x128xf32, #tpu.memory_space<vmem>>, vector<1x128xf32>
      tpu.vector_store %arg8[%swap3A, %swap3A_36], %broadcast_in_dim3A {strides = array<i32>} : memref<1x128xf32, #tpu.memory_space<vmem>>, vector<1x128xf32>,
    } else {
    }
    %gt3A = arith.constant 0 : i32
    %gt3A_27 = arith.cmpi sgt, %arg0, %gt3A : i32
    %convert_element_type3A_28 = arith.extui %gt3A_27 : i1 to i32
    %cond3A_29 = arith.constant 0 : i32
    %cond3A_30 = arith.cmpi ne, %convert_element_type3A_28, %cond3A_29 : i32
    scf.if %cond3A_30 {
      %get3A_36 = arith.constant 0 : index
      %get3A_37 = arith.constant 0 : index
      %get3A_38 = vector.load %arg8[%get3A_36, %get3A_37] : memref<1x128xf32, #tpu.memory_space<vmem>>, vector<1x128xf32>
      %add3A_39 = arith.addf %get3A_38, %broadcast_in_dim3A : vector<1x128xf32>
      %swap3A = arith.constant 0 : index
      %swap3A_40 = arith.constant 0 : index
      %swap3A_41 = vector.load %arg8[%swap3A, %swap3A_40] : memref<1x128xf32, #tpu.memory_space<vmem>>, vector<1x128xf32>
      tpu.vector_store %arg8[%swap3A, %swap3A_40], %add3A_39 {strides = array<i32>} : memref<1x128xf32, #tpu.memory_space<vmem>>, vector<1x128xf32>,
    } else {
    }
    %eq3A_31 = arith.constant 9 : i32
    %eq3A_32 = arith.cmpi eq, %arg0, %eq3A_31 : i32
    %convert_element_type3A_33 = arith.extui %eq3A_32 : i1 to i32
    %cond3A_34 = arith.constant 0 : i32
    %cond3A_35 = arith.cmpi ne, %convert_element_type3A_33, %cond3A_34 : i32
    scf.if %cond3A_35 {
      %get3A_36 = arith.constant 0 : index
      %get3A_37 = arith.constant 0 : index
      %get3A_38 = vector.load %arg8[%get3A_36, %get3A_37] : memref<1x128xf32, #tpu.memory_space<vmem>>, vector<1x128xf32>
      %mul3A_39 = arith.constant 9.99999974E-5 : f32
      %mul3A_40 = vector.broadcast %mul3A_39 : f32 to vector<1x128xf32>
      %mul3A_41 = arith.mulf %get3A_38, %mul3A_40 : vector<1x128xf32>
      %get3A_42 = arith.constant 0 : index
      %get3A_43 = arith.constant 0 : index
      %get3A_44 = vector.load %arg5[%get3A_42, %get3A_43] : memref<128x128xf32, #tpu.memory_space<vmem>>, vector<128x128xf32>
      %dot_general3A_45 = arith.constant dense<0.000000e+00> : vector<1x128xf32>
      %dot_general3A_46 = tpu.matmul %mul3A_41, %get3A_44, %dot_general3A_45 {dimension_numbers = #tpu.dot_dimension_numbers<[1], [0], [0], [1], [0, 0, 1, 1], [], []>, transpose_lhs_hint = false} : vector<1x128xf32>, vector<128x128xf32>, vector<1x128xf32> -> vector<1x128xf32>
      %get3A_47 = arith.constant 0 : index
      %get3A_48 = arith.constant 0 : index
      %get3A_49 = vector.load %arg6[%get3A_47, %get3A_48] : memref<1x128xf32, #tpu.memory_space<vmem>>, vector<1x128xf32>
      %add3A_50 = arith.addf %dot_general3A_46, %get3A_49 : vector<1x128xf32>
      %max3A_51 = arith.constant 0.000000e+00 : f32
      %max3A_52 = vector.broadcast %max3A_51 : f32 to vector<1x128xf32>
      %max3A_53 = arith.maximumf %add3A_50, %max3A_52 : vector<1x128xf32>
      %swap3A = arith.constant 0 : index
      %swap3A_54 = arith.constant 0 : index
      %swap3A_55 = vector.load %arg7[%swap3A, %swap3A_54] : memref<1x128xf32, #tpu.memory_space<vmem>>, vector<1x128xf32>
      tpu.vector_store %arg7[%swap3A, %swap3A_54], %max3A_53 {strides = array<i32>} : memref<1x128xf32, #tpu.memory_space<vmem>>, vector<1x128xf32>,
    } else {
    }
    return
  }
  func.func @transform_0(%arg0: i32) -> (i32, i32, i32) {
    %c0_i32 = arith.constant 0 : i32
    %c0_i32_0 = arith.constant 0 : i32
    %c0_i32_1 = arith.constant 0 : i32
    return %c0_i32, %arg0, %c0_i32_0 : i32, i32, i32
  }
  func.func @transform_1(%arg0: i32) -> (i32, i32) {
    %c0_i32 = arith.constant 0 : i32
    %c0_i32_0 = arith.constant 0 : i32
    return %arg0, %c0_i32 : i32, i32
  }
  func.func @transform_2(%arg0: i32) -> (i32, i32) {
    %c0_i32 = arith.constant 0 : i32
    %c0_i32_0 = arith.constant 0 : i32
    %c0_i32_1 = arith.constant 0 : i32
    return %c0_i32, %c0_i32_0 : i32, i32
  }
  func.func @transform_3(%arg0: i32) -> (i32, i32) {
    %c0_i32 = arith.constant 0 : i32
    %c0_i32_0 = arith.constant 0 : i32
    %c0_i32_1 = arith.constant 0 : i32
    return %c0_i32, %c0_i32_0 : i32, i32
  }
  func.func @transform_4(%arg0: i32) -> (i32, i32) {
    %c0_i32 = arith.constant 0 : i32
    %c0_i32_0 = arith.constant 0 : i32
    %c0_i32_1 = arith.constant 0 : i32
    return %c0_i32, %c0_i32_0 : i32, i32
  }
  func.func @transform_5(%arg0: i32) -> (i32, i32) {
    %c0_i32 = arith.constant 0 : i32
    %c0_i32_0 = arith.constant 0 : i32
    %c0_i32_1 = arith.constant 0 : i32
    return %c0_i32, %c0_i32_0 : i32, i32
  }
  func.func @transform_6(%arg0: i32) -> (i32, i32) {
    %c0_i32 = arith.constant 0 : i32
    %c0_i32_0 = arith.constant 0 : i32
    %c0_i32_1 = arith.constant 0 : i32
    return %c0_i32, %c0_i32_0 : i32, i32
  }
}

module attributes {stable_mosaic.version = 14 : i64} {
  func.func @body(%arg0: i32, %arg1: memref<2x1000x128xf32, #tpu.memory_space<vmem>>, %arg2: memref<1000x1xf32, #tpu.memory_space<vmem>>, %arg3: memref<1000x1xf32, #tpu.memory_space<vmem>>, %arg4: memref<128x128xf32, #tpu.memory_space<vmem>>, %arg5: memref<1x128xf32, #tpu.memory_space<vmem>>, %arg6: memref<1000x128xf32, #tpu.memory_space<vmem>>) attributes {dimension_semantics = [#tpu.dimension_semantics<arbitrary>], iteration_bounds = array<i64: 10>, scalar_prefetch = 0 : i64, scratch_operands = 0 : i64, tpu.core_type = #tpu.core_type<tc>, window_params = [{transform_indices = @transform_0, window_bounds = array<i64: 2, 1000, 128>}, {transform_indices = @transform_1, window_bounds = array<i64: 1000, 1>}, {transform_indices = @transform_2, window_bounds = array<i64: 1000, 1>}, {pipeline_mode = #tpu.pipeline_mode<synchronous>, transform_indices = @transform_3, window_bounds = array<i64: 128, 128>}, {pipeline_mode = #tpu.pipeline_mode<synchronous>, transform_indices = @transform_4, window_bounds = array<i64: 1, 128>}, {transform_indices = @transform_5, window_bounds = array<i64: 1000, 128>}]} {
    %get3A = arith.constant 0 : index
    %get3A_0 = arith.constant 0 : index
    %get3A_1 = arith.constant 0 : index
    %get3A_2 = vector.load %arg1[%get3A, %get3A_0, %get3A_1] : memref<2x1000x128xf32, #tpu.memory_space<vmem>>, vector<1x1000x128xf32>
    %get3A_3 = vector.shape_cast %get3A_2 : vector<1x1000x128xf32> to vector<1000x128xf32>
    %get3A_4 = arith.constant 1 : index
    %get3A_5 = arith.constant 0 : index
    %get3A_6 = arith.constant 0 : index
    %get3A_7 = vector.load %arg1[%get3A_4, %get3A_5, %get3A_6] : memref<2x1000x128xf32, #tpu.memory_space<vmem>>, vector<1x1000x128xf32>
    %get3A_8 = vector.shape_cast %get3A_7 : vector<1x1000x128xf32> to vector<1000x128xf32>
    %add3A = arith.addf %get3A_3, %get3A_8 : vector<1000x128xf32>
    %get3A_9 = arith.constant 0 : index
    %get3A_10 = arith.constant 0 : index
    %get3A_11 = vector.load %arg2[%get3A_9, %get3A_10] : memref<1000x1xf32, #tpu.memory_space<vmem>>, vector<1000x1xf32>
    %mul3A = vector.broadcast %get3A_11 : vector<1000x1xf32> to vector<1000x128xf32>
    %mul3A_12 = arith.mulf %add3A, %mul3A : vector<1000x128xf32>
    %get3A_13 = arith.constant 0 : index
    %get3A_14 = arith.constant 0 : index
    %get3A_15 = vector.load %arg4[%get3A_13, %get3A_14] : memref<128x128xf32, #tpu.memory_space<vmem>>, vector<128x128xf32>
    %dot_general3A = arith.constant dense<0.000000e+00> : vector<1000x128xf32>
    %dot_general3A_16 = tpu.matmul %mul3A_12, %get3A_15, %dot_general3A {dimension_numbers = #tpu.dot_dimension_numbers<[1], [0], [0], [1], [0, 0, 1, 1], [], []>, transpose_lhs_hint = false} : vector<1000x128xf32>, vector<128x128xf32>, vector<1000x128xf32> -> vector<1000x128xf32>
    %get3A_17 = arith.constant 0 : index
    %get3A_18 = arith.constant 0 : index
    %get3A_19 = vector.load %arg5[%get3A_17, %get3A_18] : memref<1x128xf32, #tpu.memory_space<vmem>>, vector<1x128xf32>
    %add3A_20 = vector.broadcast %get3A_19 : vector<1x128xf32> to vector<1000x128xf32>
    %add3A_21 = arith.addf %dot_general3A_16, %add3A_20 : vector<1000x128xf32>
    %max3A = arith.constant 0.000000e+00 : f32
    %max3A_22 = vector.broadcast %max3A : f32 to vector<1000x128xf32>
    %max3A_23 = arith.maximumf %add3A_21, %max3A_22 : vector<1000x128xf32>
    %get3A_24 = arith.constant 0 : index
    %get3A_25 = arith.constant 0 : index
    %get3A_26 = vector.load %arg3[%get3A_24, %get3A_25] : memref<1000x1xf32, #tpu.memory_space<vmem>>, vector<1000x1xf32>
    %mul3A_27 = vector.broadcast %get3A_26 : vector<1000x1xf32> to vector<1000x128xf32>
    %mul3A_28 = arith.mulf %max3A_23, %mul3A_27 : vector<1000x128xf32>
    %swap3A = arith.constant 0 : index
    %swap3A_29 = arith.constant 0 : index
    %swap3A_30 = vector.load %arg6[%swap3A, %swap3A_29] : memref<1000x128xf32, #tpu.memory_space<vmem>>, vector<1000x128xf32>
    tpu.vector_store %arg6[%swap3A, %swap3A_29], %mul3A_28 {strides = array<i32>} : memref<1000x128xf32, #tpu.memory_space<vmem>>, vector<1000x128xf32>,
    return
  }
  func.func @transform_0(%arg0: i32) -> (i32, i32, i32) {
    %c0_i32 = arith.constant 0 : i32
    %c0_i32_0 = arith.constant 0 : i32
    %c0_i32_1 = arith.constant 0 : i32
    return %c0_i32, %arg0, %c0_i32_0 : i32, i32, i32
  }
  func.func @transform_1(%arg0: i32) -> (i32, i32) {
    %c0_i32 = arith.constant 0 : i32
    %c0_i32_0 = arith.constant 0 : i32
    return %arg0, %c0_i32 : i32, i32
  }
  func.func @transform_2(%arg0: i32) -> (i32, i32) {
    %c0_i32 = arith.constant 0 : i32
    %c0_i32_0 = arith.constant 0 : i32
    return %arg0, %c0_i32 : i32, i32
  }
  func.func @transform_3(%arg0: i32) -> (i32, i32) {
    %c0_i32 = arith.constant 0 : i32
    %c0_i32_0 = arith.constant 0 : i32
    %c0_i32_1 = arith.constant 0 : i32
    return %c0_i32, %c0_i32_0 : i32, i32
  }
  func.func @transform_4(%arg0: i32) -> (i32, i32) {
    %c0_i32 = arith.constant 0 : i32
    %c0_i32_0 = arith.constant 0 : i32
    %c0_i32_1 = arith.constant 0 : i32
    return %c0_i32, %c0_i32_0 : i32, i32
  }
  func.func @transform_5(%arg0: i32) -> (i32, i32) {
    %c0_i32 = arith.constant 0 : i32
    %c0_i32_0 = arith.constant 0 : i32
    return %arg0, %c0_i32 : i32, i32
  }
}

</mosaic_0001>

<sc_bundles>
// kernel: kernel.10.cloned.1.call-start
scs
__scs_entry_jumppad:
0x0: {  	(pc) =	sbr.rel $0x88, $3  }
0x1: {  	(tag) =	ssettag $0x0;
	lr =	simm.s32 $0x1  }
0x2: {  	[smem:$0x3F97] =	sst lr;
	_ =	strace $0xD0000000  }
0x3: {  	_ = 	snop  }
0x4: {  	_ = 	snop  }
0x5: {  	_ = 	snop  }
0x6: {  	_ = 	snop  }
0x7: {  	_ = 	snop  }
__scs_overlays_trampoline_lowered:
0x8: {  	[smem:$0x3FA6] =	sst s0  }
0x9: {  	[smem:$0x3FA7] =	sst s1  }
0xa: {  	[smem:$0x3FA8] =	sst s2  }
0xb: {  	[smem:$0x3FA9] =	sst s3  }
0xc: {  	[smem:$0x3FAA] =	sst s4  }
0xd: {  	[smem:$0x3FAB] =	sst s5  }
0xe: {  	[smem:$0x3FAC] =	sst s6  }
0xf: {  	[smem:$0x3FAD] =	sst s7  }
0x10: {  	[smem:$0x3FAE] =	sst s8  }
0x11: {  	[smem:$0x3FAF] =	sst s9;
	s0 =	simm.s32 @!p0 $0x0  }
0x12: {  	s1 =	sld [smem:$0x3F95];
	s0 =	simm.s32 @p0 $0x1  }
0x13: {  	[smem:$0x3FB0] =	sst s0;
	s0 =	simm.s32 @!p1 $0x0  }
0x14: {  	s2 =	sld [smem:$0x3F94];
	s0 =	simm.s32 @p1 $0x1  }
0x15: {  	[smem:$0x3FB1] =	sst s0;
	s0 =	simm.s32 @!p2 $0x0  }
0x16: {  	s3 =	sld [smem:$0x3FDB];
	s0 =	simm.s32 @p2 $0x1  }
0x17: {  	s4 =	simm.s32 $0x1BF5;
	[smem:$0x3FB3] =	sst s0  }
0x18: {  	s0 =	sld [smem:$0x3F96];
	_ =	swait.ge [sflag:s4], $0x0  }
0x19: {  	s7 =	sld [smem:$0x3F97]  }
0x1a: {  	s8 =	sadd.s32 $0xFFFFE003, lr  }
0x1b: {  	s9 =	sadd.s32 $0xFFFFFEF7, lr;
	s5 =	simm.s32 $0xFFFFFFFF;
	p2 =	slt.u32 s8, $0xFFFFF086  }
0x1c: {  	p1 =	slt.u32 s9, $0xF7A;
	s5 =	simm.s32 @!p2 $0x0  }
0x1d: {  	s5 =	simm.s32 @p1 $0x1;
	p0 =	seq.s32 s7, s2  }
0x1e: {  	s7 =	smul.u32 @!p0 $0xF7A, s2;
	p2 =	seq.s32 @!p0 s5, $0x0  }
0x1f: {  	s9 =	smul.u32 $0xF7A, s1;
	s8 =	simm.s32 @!p0 $0x1BF5;
	p2 =	por !p2, p0  }
0x20: {  	[sflag:s8] =	ssyncset.s32 @!p0 $0xFFFFF086;
	s6 =	sadd.s32 @!p0 s3, s7;
	s7 =	simm.s32 @!p0 $0x108  }
0x21: {  	s3 =	sadd.s32 s3, s9;
	s6 =	sadd.s32 @!p0 $0x88, s6;
	s7 =	simm.s32 @p2 $0x1082  }
0x22: {  	[simem:s7], [sflag:s8] =	dma.local @!p0 [hbm:s6], $0xF7A  }
0x23: {  	s9 =	sor.u32 $0xD0000000, s2;
	s6 =	simm.s32 $0x108;
	_ =	swait.ge @!p0 [sflag:s8], $0x0  }
0x24: {  	s3 =	sadd.s32 $0x88, s3;
	s6 =	simm.s32 @!p1 $0x1082;
	[sflag:s4] =	ssyncset.s32 $0xFFFFF086  }
0x25: {  	[simem:s6], [sflag:s4] =	dma.local [hbm:s3], $0xF7A  }
0x26: {  	[smem:$0x3F97] =	sst s1;
	(tag) =	ssettag s2;
	_ =	strace s9  }
0x27: {  	s1 =	sld [smem:$0x3FA7]  }
0x28: {  	s2 =	sld [smem:$0x3FA8]  }
0x29: {  	s4 =	sld [smem:$0x3FAA]  }
0x2a: {  	p0 =	seq.s32 s5, $0x0;
	s5 =	sld [smem:$0x3FAB]  }
0x2b: {  	s6 =	sld [smem:$0x3FAC]  }
0x2c: {  	s7 =	sld [smem:$0x3FAD]  }
0x2d: {  	s3 =	simm.s32 $0x108;
	s8 =	sld [smem:$0x3FAE]  }
0x2e: {  	s3 =	simm.s32 @!p0 $0x1082;
	s9 =	sld [smem:$0x3FAF]  }
0x2f: {  	lr =	sadd.s32 s0, s3;
	s0 =	sld [smem:$0x3FA6]  }
0x30: {  	s3 =	sld [smem:$0x3FA9]  }
0x31: {  	[smem:$0x3FB2] =	sst s10  }
0x32: {  	s10 =	sld [smem:$0x3FB0];
	_ =	sdelay $0x3  }
0x33: {  	p0 =	seq.s32 s10, $0x1;
	s10 =	sld [smem:$0x3FB2];
	_ =	sdelay $0x3  }
0x34: {  	[smem:$0x3FB2] =	sst s10  }
0x35: {  	s10 =	sld [smem:$0x3FB1];
	_ =	sdelay $0x3  }
0x36: {  	p1 =	seq.s32 s10, $0x1;
	s10 =	sld [smem:$0x3FB2];
	_ =	sdelay $0x3  }
0x37: {  	[smem:$0x3FB2] =	sst s10  }
0x38: {  	s10 =	sld [smem:$0x3FB3]  }
0x39: {  	_ = 	snop;
	(pc) =	sbr.ind lr, $3  }
0x3a: {  	_ = 	snop  }
0x3b: {  	_ = 	snop  }
0x3c: {  	p2 =	seq.s32 s10, $0x1;
	s10 =	sld [smem:$0x3FB2]  }
0x3d: {  	_ =	shalt  }
0x3e: {  	_ =	shalt  }
0x3f: {  	_ =	shalt  }
0x40: {  	_ =	shalt  }
0x41: {  	_ =	shalt  }
0x42: {  	_ =	shalt  }
0x43: {  	_ =	shalt  }
0x44: {  	_ =	shalt  }
0x45: {  	_ =	shalt  }
0x46: {  	_ =	shalt  }
0x47: {  	_ =	shalt  }
0x48: {  	_ =	shalt  }
0x49: {  	_ =	shalt  }
0x4a: {  	_ =	shalt  }
0x4b: {  	_ =	shalt  }
0x4c: {  	_ =	shalt  }
0x4d: {  	_ =	shalt  }
0x4e: {  	_ =	shalt  }
0x4f: {  	_ =	shalt  }
0x50: {  	_ =	shalt  }
0x51: {  	_ =	shalt  }
0x52: {  	_ =	shalt  }
0x53: {  	_ =	shalt  }
0x54: {  	_ =	shalt  }
0x55: {  	_ =	shalt  }
0x56: {  	_ =	shalt  }
0x57: {  	_ =	shalt  }
0x58: {  	_ =	shalt  }
0x59: {  	_ =	shalt  }
0x5a: {  	_ =	shalt  }
0x5b: {  	_ =	shalt  }
0x5c: {  	_ =	shalt  }
0x5d: {  	_ =	shalt  }
0x5e: {  	_ =	shalt  }
0x5f: {  	_ =	shalt  }
0x60: {  	_ =	shalt  }
0x61: {  	_ =	shalt  }
0x62: {  	_ =	shalt  }
0x63: {  	_ =	shalt  }
0x64: {  	_ =	shalt  }
0x65: {  	_ =	shalt  }
0x66: {  	_ =	shalt  }
0x67: {  	_ =	shalt  }
0x68: {  	_ =	shalt  }
0x69: {  	_ =	shalt  }
0x6a: {  	_ =	shalt  }
0x6b: {  	_ =	shalt  }
0x6c: {  	_ =	shalt  }
0x6d: {  	_ =	shalt  }
0x6e: {  	_ =	shalt  }
0x6f: {  	_ =	shalt  }
0x70: {  	_ =	shalt  }
0x71: {  	_ =	shalt  }
0x72: {  	_ =	shalt  }
0x73: {  	_ =	shalt  }
0x74: {  	_ =	shalt  }
0x75: {  	_ =	shalt  }
0x76: {  	_ =	shalt  }
0x77: {  	_ =	shalt  }
0x78: {  	_ =	shalt  }
0x79: {  	_ =	shalt  }
0x7a: {  	_ =	shalt  }
0x7b: {  	_ =	shalt  }
0x7c: {  	_ =	shalt  }
0x7d: {  	_ =	shalt  }
0x7e: {  	_ =	shalt  }
0x7f: {  	_ =	shalt  }
0x80: {  	_ =	shalt  }
0x81: {  	_ =	shalt  }
0x82: {  	_ =	shalt  }
0x83: {  	_ =	shalt  }
0x84: {  	_ =	shalt  }
0x85: {  	_ =	shalt  }
0x86: {  	_ =	shalt  }
0x87: {  	_ =	shalt  }
.Lfunc_end0:
.L_simem_size_0:
called_computation_lowered:
.L_overlay_start_0:
0x88: {  	s2 =	sld [smem:$0x3FD9]  }
0x89: {  	s3 =	sld [smem:$0x3FFE];
	_ =	sdelay $0x1  }
0x8a: {  	s1 =	srdreg.scid  }
0x8b: {  	s0 =	sand.u32 $0x1, s1  }
0x8c: {  	s16 =	sshll.u32 s0, $0xA;
	s2 =	sadd.s32 s3, s2  }
0x8d: {  	s2 =	sadd.s32 s2, s16  }
0x8e: {  	[smem:$0x3FBE] =	sst s2  }
0x8f: {  	_ = 	snop  }
0x90: {  	(tm) =	ssettm $0x1  }
0x91: {  	s17 =	sld [smem:$0x3FFB];
	_ =	sdelay $0x3  }
0x92: {  	_ =	strace s17  }
0x93: {  	s2 =	sld [smem:$0x3FFC];
	_ =	sdelay $0x3  }
0x94: {  	_ =	strace s2  }
0x95: {  	s2 =	sld [smem:$0x3FFD];
	_ =	sdelay $0x3  }
0x96: {  	_ =	strace s2  }
0x97: {  	_ =	strace $0x8FFFFFFF  }
0x98: {  	s18 =	sld [smem:$0x3FDB];
	_ =	sdelay $0x1  }
0x99: {  	s19 =	simm.s32 $_scs_section_size  }
0x9a: {  	s4 =	simm.s32 $_size__tile_overlayer_lowered;
	s5 =	simm.s32 $_tile_overlayer_lowered  }
0x9b: {  	s22 =	simm.s32 $0x1BFF;
	s21 =	sshll.u32 s5, $0x1;
	s2 =	sadd.s32 s19, s18  }
0x9c: {  	s6 =	simm.s32 $0x0;
	s20 =	sshll.u32 s4, $0x1;
	s4 =	sadd.s32 s21, s2  }
0x9d: {  	[timem:s6], [sflag:s22] =	dma.local [hbm:s4], s20  }
0x9e: {  	_ =	swait.ge [sflag:s22], s20  }
0x9f: {  	s3 =	ssub.s32 $0x0, s20;
	[sflag:s22] =	ssyncset.done $0x0  }
0xa0: {  	[sflag:s22] =	ssyncadd.s32 s3;
	_ =	sdelay $0x1  }
0xa1: {  	s23 =	simm.s32 $0x1B8B  }
0xa2: {  	_ =	swait.ge [sflag:s23], $0x1  }
0xa3: {  	[sflag:s23] =	ssyncset.done $0x0  }
0xa4: {  	s25 =	simm.s32 $0x1B8E;
	s24 =	sld [smem:$0x3FFE];
	[sflag:s23] =	ssyncadd.s32 $0xFFFFFFFF  }
0xa5: {  	s26 =	simm.s32 $execute0_lowered;
	[smem:$0x3FD2] =	sst s25  }
0xa6: {  	s4 =	sshll.u32 s26, $0x1;
	_ =	strace $0x80000046;
	[dreg:$0x1] =	wrdreg $0xFFFFFFFF  }
0xa7: {  	s28 =	simm.s32 $_size_execute0_lowered;
	s2 =	sadd.s32 s2, s4;
	[dreg:$0x0] =	wrdreg $0x0  }
0xa8: {  	s4 =	sshll.u32 s28, $0x1;
	[dreg:$0x2] =	wrdreg s2  }
0xa9: {  	[dreg:$0x3] =	wrdreg s4  }
0xaa: {  	[dreg:$0x4] =	wrdreg $0xC0  }
0xab: {  	_ =	task [dreg:s6], $0x5FFFF  }
0xac: {  	[dreg:$0x1] =	wrdreg $0xFFFFFFFF  }
0xad: {  	[dreg:$0x0] =	wrdreg $0x60  }
0xae: {  	[dreg:$0x2] =	wrdreg s24  }
0xaf: {  	[dreg:$0x3] =	wrdreg $0xA1000  }
0xb0: {  	[dreg:$0x4] =	wrdreg $0x9  }
0xb1: {  	_ =	task.clear_ibuf [dreg:s6], $0x5FFFF;
	_ =	strace $0x90000046  }
0xb2: {  	s29 =	simm.s32 $0x9;
	_ =	strace $0x80000048  }
0xb3: {  	_ =	swait.ge [sflag:s29], $0x1  }
0xb4: {  	[sflag:s29] =	ssyncadd.s32 $0xFFFFFFFF  }
0xb5: {  	_ =	strace $0x90000048  }
0xb6: {  	_ =	sfence  }
0xb7: {  	s30 =	sld [smem:$0x0];
	_ =	sdelay $0x2  }
0xb8: {  	s31 =	sshll.u32 s1, $0xD;
	s1 =	sshrl.u32 s1, $0x2  }
0xb9: {  	s3 =	sand.u32 $0x4000, s31;
	s1 =	sadd.s32 s1, s30  }
0xba: {  	s0 =	sor.u32 s3, s0;
	s1 =	sshll.u32 s1, $0x11  }
0xbb: {  	s0 =	sor.u32 s1, s0  }
0xbc: {  	s0 =	sadd.s32 $0x8F2B, s0  }
0xbd: {  	[sflag:s0] =	ssyncadd.remote.s32 $0x1  }
0xbe: {  	_ =	sfence.sel $0xFFFF  }
0xbf: {  	[dreg:$0x0] =	wrdreg $0xFFFFFFFF;
	(pc) =	sbr.abs _section_cstart, $3  }
0xc0: {  	[dreg:$0x1] =	wrdreg $0xFFFFFFFF  }
0xc1: {  	_ =	task.clear_ibuf [dreg:s6], $0x2FFFF;
	_ =	strace $0x9FFFFFFF  }
0xc2: {  	(tm) =	ssettm $0x7FFFFFFF  }
0xc3: {  	_ =	shalt  }
tec
execute0_lowered:
.L_overlay_start_1:
0x0: {  	(tag) =	ssettag $0x1  }
0x1: {  	s4 =	rddreg [dreg:$0x0]  }
0x2: {  	s7 =	rddreg [dreg:$0x1]  }
0x3: {  	s0 =	rddreg [dreg:$0x2];
	s2 =	simm.s32 $0x0;
	s1 =	stileid.u32  }
0x4: {  	s5 =	srdreg.scid;
	s13 =	simm.s32 $0x80;
	s14 =	simm.s32 $0x400  }
0x5: {  	s15 =	simm.s32 $0x1400;
	s16 =	simm.s32 $0x14000;
	s17 =	simm.s32 $0x7680  }
0x6: {  	s18 =	simm.s32 $0x9E80;
	s19 =	simm.s32 $0x0;
	[smem:$0x7FF] =	sst s2  }
0x7: {  	s3 =	smul.u32 $0x9C4, s1;
	s5 =	sand.u32 $0x1, s5;
	s8 =	sshrl.u32 s1, $0x3  }
0x8: {  	s30 =	smul.u32 $0x5000, s1;
	s31 =	sshll.u32 s1, $0x7;
	_ =	strace $0x80000047  }
0x9: {  	s6 =	ssub.s32 $0x2, s5;
	s8 =	smul.u32 $0x50000, s8;
	p0 =	seq.s32 s5, $0x1  }
0xa: {  	s11 =	sand.u32 $0x380, s31;
	s9 =	sadd.s32 s3, s4;
	s3 =	sadd.s32 $0x16E00, s4  }
.Ltmp0:
0xb: {  	s10 =	sshrl.u32 s6, $0x1;
	s4 =	sadd.s32 $0x17400, s4;
	(pc) =	sbr.rel .LBB2_1-.Ltmp0, $4  }
0xc: {  	s12 =	sshrl.u32 s30, $0x2;
	s10 =	ssub.s32 s6, s10;
	s8 =	sshrl.u32 s8, $0x2  }
0xd: {  	s5 =	sadd.s32 $0xD000, s9;
	s9 =	sadd.s32 $0x3200, s9;
	s8 =	sadd.s32 s8, s7  }
0xe: {  	s7 =	sadd.s32 s12, s7;
	s10 =	smax.u32 s10, $0x1;
	s12 =	simm.s32 $0x4E80  }
0xf: {  	v0 =	vimm.f32 $0.0e+00;
	v1 =	vimm.f32 $1.000000000e+00;
	s6 =	sadd.s32 s11, s8;
	s8 =	smul.u32 $0x50, s1;
	s11 =	simm.s32 $0x1  }
.LBB2_15:
0x10: {  	v2 =	vld [tilespmem:s23+$0x7700]  }
0x11: {  	v3 =	vld [tilespmem:s23+$0x7680];
	_ =	sdelay $0x1  }
0x12: {  	v4 =	vld [tilespmem:s23+$0x7780];
	_ =	sdelay $0x1  }
0x13: {  	v5 =	vld [tilespmem:s23+$0x7800]  }
0x14: {  	v2 =	vadd.f32 v2, v3  }
0x15: {  	v3 =	vld [tilespmem:s23+$0x7880]  }
0x16: {  	v2 =	vadd.f32 v4, v2  }
0x17: {  	v55 =	vld [tilespmem:s23+$0x7900]  }
0x18: {  	v2 =	vadd.f32 v5, v2  }
0x19: {  	v56 =	vld [tilespmem:s23+$0x7980]  }
0x1a: {  	v2 =	vadd.f32 v3, v2  }
0x1b: {  	v3 =	vld [tilespmem:s23+$0x7A00]  }
0x1c: {  	v2 =	vadd.f32 v55, v2  }
0x1d: {  	v57 =	vld [tilespmem:s23+$0x8A80]  }
0x1e: {  	v2 =	vadd.f32 v56, v2  }
0x1f: {  	v58 =	vld [tilespmem:s23+$0x8B00]  }
0x20: {  	v2 =	vadd.f32 v3, v2  }
0x21: {  	v3 =	vld [tilespmem:s23+$0x8B80]  }
0x22: {  	v2 =	vadd.f32 v57, v2  }
0x23: {  	v59 =	vld [tilespmem:s23+$0x8C00]  }
0x24: {  	v2 =	vadd.f32 v58, v2  }
0x25: {  	v60 =	vld [tilespmem:s23+$0x8C80]  }
0x26: {  	v2 =	vadd.f32 v3, v2  }
0x27: {  	v3 =	vld [tilespmem:s23+$0x8D00]  }
0x28: {  	v2 =	vadd.f32 v59, v2  }
0x29: {  	v61 =	vld [tilespmem:s23+$0x8D80]  }
0x2a: {  	v2 =	vadd.f32 v60, v2  }
0x2b: {  	v62 =	vld [tilespmem:s23+$0x8E00]  }
0x2c: {  	v2 =	vadd.f32 v3, v2;
	_ =	sdelay $0x1  }
0x2d: {  	v2 =	vadd.f32 v61, v2;
	_ =	sdelay $0x1  }
0x2e: {  	v2 =	vadd.f32 v62, v2;
	_ =	sdelay $0x1  }
0x2f: {  	v2 =	vmax.f32 v2, $1.000000000e+00  }
0x30: {  	v3 =	vshra.s32 v2, $0x1;
	v2 =	vmul.f32 $5.000000000e-01, v2  }
0x31: {  	v3 =	vsub.s32 $0x5F3759DF, v3  }
0x32: {  	v63 =	vmul.f32 v3, v2;
	_ =	sdelay $0x1  }
0x33: {  	v4 =	vmul.f32 v3, v63;
	_ =	sdelay $0x1  }
0x34: {  	v4 =	vsub.f32 $1.500000000e+00, v4;
	_ =	sdelay $0x1  }
0x35: {  	v3 =	vmul.f32 v3, v4;
	_ =	sdelay $0x1  }
0x36: {  	v4 =	vmul.f32 v3, v2;
	_ =	sdelay $0x1  }
0x37: {  	v4 =	vmul.f32 v4, v3;
	_ =	sdelay $0x1  }
0x38: {  	v4 =	vsub.f32 $1.500000000e+00, v4;
	_ =	sdelay $0x1  }
0x39: {  	v3 =	vmul.f32 v4, v3;
	_ =	sdelay $0x1  }
0x3a: {  	v2 =	vmul.f32 v3, v2;
	_ =	sdelay $0x1  }
0x3b: {  	v2 =	vmul.f32 v2, v3;
	_ =	sdelay $0x1  }
0x3c: {  	v2 =	vsub.f32 $1.500000000e+00, v2;
	_ =	sdelay $0x1  }
0x3d: {  	v2 =	vmul.f32 v2, v3  }
0x3e: {  	s20 =	sadd.s32 $0x10, s20  }
0x3f: {  	[tilespmem:s20+$0x0] =	vst v2;
	s20 =	smov.u32 s4  }
.LBB2_16:
0x40: {  	s19 =	sadd.s32 $0x1, s19  }
0x41: {  	p1 =	sne.s32 s19, s10  }
.Ltmp1:
0x42: {  	s20 =	sadd.s32 s20, s8;
	(pc) =	sbr.rel @!p1 .LBB2_17-.Ltmp1, $4  }
0x43: {  	[hbm4b:s20+s2] =	stream.linear.scatter [tilespmem:s18], [sflag:$0x1], $0x280, $0x38;
	[tilespmem:$0xC900] =	vst v63  }
0x44: {  	_ =	swait.ge [sflag:s11], $0x280  }
0x45: {  	[sflag:s11] =	ssyncset.done $0x0  }
0x46: {  	[sflag:s11] =	ssyncadd.s32 $0xFFFFFD80  }
.LBB2_1:
.Ltmp2:
0x47: {  	(pc) =	sbr.rel @!p0 .LBB2_2-.Ltmp2, $2  }
0x48: {  	_ =	sdelay $0x2  }
0x49: {  	s20 =	simm.s32 $0x0  }
0x4a: {  	[tilespmem:s20], [sflag:$0x1] =	stream.linear.gather [hbm4b:s9+s20], $0x4E20, $0x38;
	[tilespmem:$0xC900] =	vst v63  }
0x4b: {  	_ =	swait.ge [sflag:s11], $0x4E20  }
0x4c: {  	[sflag:s11] =	ssyncset.done $0x0  }
0x4d: {  	s20 =	simm.s32 $0x40;
	s21 =	simm.s32 $0x0;
	[sflag:s11] =	ssyncadd.s32 $0xFFFFB1E0  }
.LBB2_10:
0x4e: {  	p1 =	sne.s32 s20, $0x9FC0;
	[tilespmem:s21+$0x4E80] =	vst v0;
	s21 =	smov.u32 s20;
	s20 =	sadd.s32 $0x40, s20  }
.Ltmp3:
0x4f: {  	(pc) =	sbr.rel @p1 .LBB2_10-.Ltmp3, $2  }
0x50: {  	_ =	sdelay $0x2  }
0x51: {  	s21 =	sshra.s32 s21, $0x2  }
0x52: {  	[tilespmem:s21+$0x4E80] =	vst v0;
	s21 =	simm.s32 $0x0;
	s20 =	simm.s32 $0x40  }
.LBB2_12:
0x53: {  	p1 =	sne.s32 s20, $0x13840;
	v2 =	vld [tilespmem:s21+$0x0];
	_ =	sdelay $0x3  }
.Ltmp4:
0x54: {  	(pc) =	sbr.rel @p1 .LBB2_12-.Ltmp4, $2  }
0x55: {  	_ =	sdelay $0x2  }
0x56: {  	s21 =	sshra.s32 s20, $0x2;
	s20 =	sadd.s32 $0x40, s20;
	[tilespmem:v2+s12+$0x0] =	vst.idx.add.f32.msk $0xffff, v1  }
0x57: {  	v2 =	vld [tilespmem:s21+$0x0];
	_ =	sdelay $0x7  }
0x58: {  	[tilespmem:v2+s12+$0x0] =	vst.idx.add.f32.msk $0xffff, v1  }
0x59: {  	[spmem:s6] =	stream.strided.scatter [tilespmem:s12], [sflag:$0x1], $0x2800, s14, s13, $0x38;
	[tilespmem:$0xC900] =	vst v63  }
0x5a: {  	_ =	swait.ge [sflag:s11], $0x2800  }
0x5b: {  	[sflag:s11] =	ssyncset.done $0x0  }
0x5c: {  	[sflag:s11] =	ssyncadd.s32 $0xFFFFD800  }
0x5d: {  	[bflag:$0x0] =	sbarrier.arrive $0xFFFF  }
0x5e: {  	[tilespmem:s17], [sflag:$0x1] =	stream.strided.gather [spmem:s7], $0x2800, s16, s15, $0x38;
	[tilespmem:$0xC900] =	vst v63  }
0x5f: {  	s20 =	simm.s32 $0x0;
	_ =	swait.ge [sflag:s11], $0x2800  }
0x60: {  	s31 =	sand.u32 $0x70, s20;
	s20 =	sand.u32 $0x1C00, s20;
	[sflag:s11] =	ssyncset.done $0x0  }
0x61: {  	s20 =	sor.u32 s31, s20;
	[sflag:s11] =	ssyncadd.s32 $0xFFFFD800  }
0x62: {  	v2 =	vld [tilespmem:s20+$0x7700]  }
0x63: {  	v3 =	vld [tilespmem:s20+$0x7680];
	_ =	sdelay $0x1  }
0x64: {  	v4 =	vld [tilespmem:s20+$0x7780];
	_ =	sdelay $0x1  }
0x65: {  	v5 =	vld [tilespmem:s20+$0x7800]  }
0x66: {  	v2 =	vadd.f32 v2, v3  }
0x67: {  	v3 =	vld [tilespmem:s20+$0x7880]  }
0x68: {  	v2 =	vadd.f32 v4, v2  }
0x69: {  	v55 =	vld [tilespmem:s20+$0x7900]  }
0x6a: {  	v2 =	vadd.f32 v5, v2  }
0x6b: {  	v56 =	vld [tilespmem:s20+$0x7980]  }
0x6c: {  	v2 =	vadd.f32 v3, v2  }
0x6d: {  	v3 =	vld [tilespmem:s20+$0x7A00]  }
0x6e: {  	v2 =	vadd.f32 v55, v2  }
0x6f: {  	v57 =	vld [tilespmem:s20+$0x8A80]  }
0x70: {  	v2 =	vadd.f32 v56, v2  }
0x71: {  	v58 =	vld [tilespmem:s20+$0x8B00]  }
0x72: {  	v2 =	vadd.f32 v3, v2  }
0x73: {  	v3 =	vld [tilespmem:s20+$0x8B80]  }
0x74: {  	v2 =	vadd.f32 v57, v2  }
0x75: {  	v59 =	vld [tilespmem:s20+$0x8C00]  }
0x76: {  	v2 =	vadd.f32 v58, v2  }
0x77: {  	v60 =	vld [tilespmem:s20+$0x8C80]  }
0x78: {  	v2 =	vadd.f32 v3, v2  }
0x79: {  	v3 =	vld [tilespmem:s20+$0x8D00]  }
0x7a: {  	v2 =	vadd.f32 v59, v2  }
0x7b: {  	v61 =	vld [tilespmem:s20+$0x8D80]  }
0x7c: {  	v2 =	vadd.f32 v60, v2  }
0x7d: {  	v62 =	vld [tilespmem:s20+$0x8E00]  }
0x7e: {  	v2 =	vadd.f32 v3, v2;
	_ =	sdelay $0x1  }
0x7f: {  	v2 =	vadd.f32 v61, v2;
	_ =	sdelay $0x1  }
0x80: {  	v2 =	vadd.f32 v62, v2;
	_ =	sdelay $0x1  }
0x81: {  	v2 =	vmax.f32 v2, $1.000000000e+00  }
0x82: {  	v3 =	vshra.s32 v2, $0x1;
	v2 =	vmul.f32 $5.000000000e-01, v2  }
0x83: {  	v3 =	vsub.s32 $0x5F3759DF, v3  }
0x84: {  	v63 =	vmul.f32 v3, v2;
	_ =	sdelay $0x1  }
0x85: {  	v4 =	vmul.f32 v3, v63;
	_ =	sdelay $0x1  }
0x86: {  	v4 =	vsub.f32 $1.500000000e+00, v4;
	_ =	sdelay $0x1  }
0x87: {  	v3 =	vmul.f32 v3, v4;
	_ =	sdelay $0x1  }
0x88: {  	v4 =	vmul.f32 v3, v2;
	_ =	sdelay $0x1  }
0x89: {  	v4 =	vmul.f32 v4, v3;
	_ =	sdelay $0x1  }
0x8a: {  	v4 =	vsub.f32 $1.500000000e+00, v4;
	_ =	sdelay $0x1  }
0x8b: {  	v3 =	vmul.f32 v4, v3;
	_ =	sdelay $0x1  }
0x8c: {  	v2 =	vmul.f32 v3, v2;
	_ =	sdelay $0x1  }
0x8d: {  	v2 =	vmul.f32 v2, v3;
	_ =	sdelay $0x1  }
0x8e: {  	v2 =	vsub.f32 $1.500000000e+00, v2;
	_ =	sdelay $0x1  }
0x8f: {  	s22 =	simm.s32 $0x10;
	s21 =	simm.s32 $0x80;
	v2 =	vmul.f32 v2, v3  }
0x90: {  	s22 =	sand.u32 $0x70, s22;
	s23 =	sand.u32 $0x1C00, s21;
	s20 =	simm.s32 $0x9E80  }
0x91: {  	s23 =	sor.u32 s22, s23;
	s22 =	simm.s32 $0x20;
	[tilespmem:s20+$0x0] =	vst v2  }
.LBB2_14:
0x92: {  	p1 =	sne.s32 s22, $0x270;
	v2 =	vld [tilespmem:s23+$0x7700]  }
0x93: {  	v3 =	vld [tilespmem:s23+$0x7680];
	_ =	sdelay $0x1  }
0x94: {  	v4 =	vld [tilespmem:s23+$0x7780];
	_ =	sdelay $0x1  }
0x95: {  	v5 =	vld [tilespmem:s23+$0x7800]  }
0x96: {  	v2 =	vadd.f32 v2, v3  }
0x97: {  	v3 =	vld [tilespmem:s23+$0x7880]  }
0x98: {  	v2 =	vadd.f32 v4, v2  }
0x99: {  	v4 =	vld [tilespmem:s23+$0x7900]  }
0x9a: {  	v2 =	vadd.f32 v5, v2  }
0x9b: {  	v5 =	vld [tilespmem:s23+$0x7980]  }
0x9c: {  	v2 =	vadd.f32 v3, v2  }
0x9d: {  	v3 =	vld [tilespmem:s23+$0x7A00]  }
0x9e: {  	v2 =	vadd.f32 v4, v2  }
0x9f: {  	v4 =	vld [tilespmem:s23+$0x8A80]  }
0xa0: {  	v2 =	vadd.f32 v5, v2  }
0xa1: {  	v5 =	vld [tilespmem:s23+$0x8B00]  }
0xa2: {  	v2 =	vadd.f32 v3, v2  }
0xa3: {  	v3 =	vld [tilespmem:s23+$0x8B80]  }
0xa4: {  	v2 =	vadd.f32 v4, v2  }
0xa5: {  	v4 =	vld [tilespmem:s23+$0x8C00]  }
0xa6: {  	v2 =	vadd.f32 v5, v2  }
0xa7: {  	v5 =	vld [tilespmem:s23+$0x8C80]  }
0xa8: {  	v2 =	vadd.f32 v3, v2  }
0xa9: {  	v3 =	vld [tilespmem:s23+$0x8D00]  }
0xaa: {  	v2 =	vadd.f32 v4, v2  }
0xab: {  	v4 =	vld [tilespmem:s23+$0x8D80]  }
0xac: {  	v2 =	vadd.f32 v5, v2  }
0xad: {  	v5 =	vld [tilespmem:s23+$0x8E00]  }
0xae: {  	v2 =	vadd.f32 v3, v2;
	_ =	sdelay $0x1  }
0xaf: {  	v2 =	vadd.f32 v4, v2;
	_ =	sdelay $0x1  }
0xb0: {  	v2 =	vadd.f32 v5, v2;
	_ =	sdelay $0x1  }
0xb1: {  	v2 =	vmax.f32 v2, $1.000000000e+00  }
0xb2: {  	v3 =	vshra.s32 v2, $0x1;
	v2 =	vmul.f32 $5.000000000e-01, v2  }
0xb3: {  	v3 =	vsub.s32 $0x5F3759DF, v3  }
0xb4: {  	v4 =	vmul.f32 v3, v2;
	_ =	sdelay $0x1  }
0xb5: {  	v4 =	vmul.f32 v3, v4;
	_ =	sdelay $0x1  }
0xb6: {  	v4 =	vsub.f32 $1.500000000e+00, v4;
	_ =	sdelay $0x1  }
0xb7: {  	v3 =	vmul.f32 v3, v4;
	_ =	sdelay $0x1  }
0xb8: {  	v4 =	vmul.f32 v3, v2;
	_ =	sdelay $0x1  }
0xb9: {  	v4 =	vmul.f32 v4, v3;
	_ =	sdelay $0x1  }
0xba: {  	v4 =	vsub.f32 $1.500000000e+00, v4;
	_ =	sdelay $0x1  }
0xbb: {  	v3 =	vmul.f32 v4, v3;
	_ =	sdelay $0x1  }
0xbc: {  	v2 =	vmul.f32 v3, v2;
	_ =	sdelay $0x1  }
0xbd: {  	v2 =	vmul.f32 v2, v3;
	_ =	sdelay $0x1  }
.Ltmp5:
0xbe: {  	v2 =	vsub.f32 $1.500000000e+00, v2;
	(pc) =	sbr.rel @p1 .LBB2_14-.Ltmp5, $4  }
0xbf: {  	_ = 	snop  }
0xc0: {  	s21 =	sadd.s32 $0x80, s21;
	v2 =	vmul.f32 v2, v3  }
0xc1: {  	s20 =	sadd.s32 $0x10, s20;
	s24 =	sand.u32 $0x1C00, s21;
	s23 =	sand.u32 $0x70, s22  }
0xc2: {  	s22 =	sadd.s32 $0x10, s22;
	s23 =	sor.u32 s23, s24;
	[tilespmem:s20+$0x0] =	vst v2  }
.Ltmp6:
0xc3: {  	_ = 	snop;
	(pc) =	sbr.rel .LBB2_15-.Ltmp6, $1  }
0xc4: {  	_ =	sdelay $0x3  }
.LBB2_2:
0xc5: {  	[tilespmem:s20], [sflag:$0x1] =	stream.linear.gather [hbm4b:s5+s20], $0x4E20, $0x38;
	[tilespmem:$0xC900] =	vst v63  }
0xc6: {  	_ =	swait.ge [sflag:s11], $0x4E20  }
0xc7: {  	[sflag:s11] =	ssyncset.done $0x0  }
0xc8: {  	s20 =	simm.s32 $0x40;
	s21 =	simm.s32 $0x0;
	[sflag:s11] =	ssyncadd.s32 $0xFFFFB1E0  }
.LBB2_3:
0xc9: {  	p1 =	sne.s32 s20, $0x9FC0;
	[tilespmem:s21+$0x4E80] =	vst v0;
	s21 =	smov.u32 s20;
	s20 =	sadd.s32 $0x40, s20  }
.Ltmp7:
0xca: {  	(pc) =	sbr.rel @p1 .LBB2_3-.Ltmp7, $2  }
0xcb: {  	_ =	sdelay $0x2  }
0xcc: {  	s21 =	sshra.s32 s21, $0x2  }
0xcd: {  	[tilespmem:s21+$0x4E80] =	vst v0;
	s21 =	simm.s32 $0x0;
	s20 =	simm.s32 $0x40  }
.LBB2_5:
0xce: {  	p1 =	sne.s32 s20, $0x13840;
	v2 =	vld [tilespmem:s21+$0x0];
	_ =	sdelay $0x3  }
.Ltmp8:
0xcf: {  	(pc) =	sbr.rel @p1 .LBB2_5-.Ltmp8, $2  }
0xd0: {  	_ =	sdelay $0x2  }
0xd1: {  	s21 =	sshra.s32 s20, $0x2;
	s20 =	sadd.s32 $0x40, s20;
	[tilespmem:v2+s12+$0x0] =	vst.idx.add.f32.msk $0xffff, v1  }
0xd2: {  	v2 =	vld [tilespmem:s21+$0x0];
	_ =	sdelay $0x7  }
0xd3: {  	[tilespmem:v2+s12+$0x0] =	vst.idx.add.f32.msk $0xffff, v1  }
0xd4: {  	[spmem:s6] =	stream.strided.scatter [tilespmem:s12], [sflag:$0x1], $0x2800, s14, s13, $0x38;
	[tilespmem:$0xC900] =	vst v63  }
0xd5: {  	_ =	swait.ge [sflag:s11], $0x2800  }
0xd6: {  	[sflag:s11] =	ssyncset.done $0x0  }
0xd7: {  	[sflag:s11] =	ssyncadd.s32 $0xFFFFD800  }
0xd8: {  	[bflag:$0x0] =	sbarrier.arrive $0xFFFF  }
0xd9: {  	[tilespmem:s17], [sflag:$0x1] =	stream.strided.gather [spmem:s7], $0x2800, s16, s15, $0x38;
	[tilespmem:$0xC900] =	vst v63  }
0xda: {  	s20 =	simm.s32 $0x0;
	_ =	swait.ge [sflag:s11], $0x2800  }
0xdb: {  	s31 =	sand.u32 $0x70, s20;
	s20 =	sand.u32 $0x1C00, s20;
	[sflag:s11] =	ssyncset.done $0x0  }
0xdc: {  	s20 =	sor.u32 s31, s20;
	[sflag:s11] =	ssyncadd.s32 $0xFFFFD800  }
0xdd: {  	v2 =	vld [tilespmem:s20+$0x7700]  }
0xde: {  	v3 =	vld [tilespmem:s20+$0x7680];
	_ =	sdelay $0x1  }
0xdf: {  	v4 =	vld [tilespmem:s20+$0x7780];
	_ =	sdelay $0x1  }
0xe0: {  	v5 =	vld [tilespmem:s20+$0x7800]  }
0xe1: {  	v2 =	vadd.f32 v2, v3  }
0xe2: {  	v3 =	vld [tilespmem:s20+$0x7880]  }
0xe3: {  	v2 =	vadd.f32 v4, v2  }
0xe4: {  	v55 =	vld [tilespmem:s20+$0x7900]  }
0xe5: {  	v2 =	vadd.f32 v5, v2  }
0xe6: {  	v56 =	vld [tilespmem:s20+$0x7980]  }
0xe7: {  	v2 =	vadd.f32 v3, v2  }
0xe8: {  	v3 =	vld [tilespmem:s20+$0x7A00]  }
0xe9: {  	v2 =	vadd.f32 v55, v2  }
0xea: {  	v57 =	vld [tilespmem:s20+$0x8A80]  }
0xeb: {  	v2 =	vadd.f32 v56, v2  }
0xec: {  	v58 =	vld [tilespmem:s20+$0x8B00]  }
0xed: {  	v2 =	vadd.f32 v3, v2  }
0xee: {  	v3 =	vld [tilespmem:s20+$0x8B80]  }
0xef: {  	v2 =	vadd.f32 v57, v2  }
0xf0: {  	v59 =	vld [tilespmem:s20+$0x8C00]  }
0xf1: {  	v2 =	vadd.f32 v58, v2  }
0xf2: {  	v60 =	vld [tilespmem:s20+$0x8C80]  }
0xf3: {  	v2 =	vadd.f32 v3, v2  }
0xf4: {  	v3 =	vld [tilespmem:s20+$0x8D00]  }
0xf5: {  	v2 =	vadd.f32 v59, v2  }
0xf6: {  	v61 =	vld [tilespmem:s20+$0x8D80]  }
0xf7: {  	v2 =	vadd.f32 v60, v2  }
0xf8: {  	v62 =	vld [tilespmem:s20+$0x8E00]  }
0xf9: {  	v2 =	vadd.f32 v3, v2;
	_ =	sdelay $0x1  }
0xfa: {  	v2 =	vadd.f32 v61, v2;
	_ =	sdelay $0x1  }
0xfb: {  	v2 =	vadd.f32 v62, v2;
	_ =	sdelay $0x1  }
0xfc: {  	v2 =	vmax.f32 v2, $1.000000000e+00  }
0xfd: {  	v3 =	vshra.s32 v2, $0x1;
	v2 =	vmul.f32 $5.000000000e-01, v2  }
0xfe: {  	v3 =	vsub.s32 $0x5F3759DF, v3  }
0xff: {  	v63 =	vmul.f32 v3, v2;
	_ =	sdelay $0x1  }
0x100: {  	v4 =	vmul.f32 v3, v63;
	_ =	sdelay $0x1  }
0x101: {  	v4 =	vsub.f32 $1.500000000e+00, v4;
	_ =	sdelay $0x1  }
0x102: {  	v3 =	vmul.f32 v3, v4;
	_ =	sdelay $0x1  }
0x103: {  	v4 =	vmul.f32 v3, v2;
	_ =	sdelay $0x1  }
0x104: {  	v4 =	vmul.f32 v4, v3;
	_ =	sdelay $0x1  }
0x105: {  	v4 =	vsub.f32 $1.500000000e+00, v4;
	_ =	sdelay $0x1  }
0x106: {  	v3 =	vmul.f32 v4, v3;
	_ =	sdelay $0x1  }
0x107: {  	v2 =	vmul.f32 v3, v2;
	_ =	sdelay $0x1  }
0x108: {  	v2 =	vmul.f32 v2, v3;
	_ =	sdelay $0x1  }
0x109: {  	v2 =	vsub.f32 $1.500000000e+00, v2;
	_ =	sdelay $0x1  }
0x10a: {  	s22 =	simm.s32 $0x10;
	s21 =	simm.s32 $0x80;
	v2 =	vmul.f32 v2, v3  }
0x10b: {  	s22 =	sand.u32 $0x70, s22;
	s23 =	sand.u32 $0x1C00, s21;
	s20 =	simm.s32 $0x9E80  }
0x10c: {  	s23 =	sor.u32 s22, s23;
	s22 =	simm.s32 $0x20;
	[tilespmem:s20+$0x0] =	vst v2  }
.LBB2_7:
0x10d: {  	p1 =	seq.s32 s22, $0x270;
	v2 =	vld [tilespmem:s23+$0x7700]  }
0x10e: {  	v3 =	vld [tilespmem:s23+$0x7680];
	_ =	sdelay $0x1  }
0x10f: {  	v4 =	vld [tilespmem:s23+$0x7780];
	_ =	sdelay $0x1  }
0x110: {  	v5 =	vld [tilespmem:s23+$0x7800]  }
0x111: {  	v2 =	vadd.f32 v2, v3  }
0x112: {  	v3 =	vld [tilespmem:s23+$0x7880]  }
0x113: {  	v2 =	vadd.f32 v4, v2  }
0x114: {  	v4 =	vld [tilespmem:s23+$0x7900]  }
0x115: {  	v2 =	vadd.f32 v5, v2  }
0x116: {  	v5 =	vld [tilespmem:s23+$0x7980]  }
0x117: {  	v2 =	vadd.f32 v3, v2  }
0x118: {  	v3 =	vld [tilespmem:s23+$0x7A00]  }
0x119: {  	v2 =	vadd.f32 v4, v2  }
0x11a: {  	v4 =	vld [tilespmem:s23+$0x8A80]  }
0x11b: {  	v2 =	vadd.f32 v5, v2  }
0x11c: {  	v5 =	vld [tilespmem:s23+$0x8B00]  }
0x11d: {  	v2 =	vadd.f32 v3, v2  }
0x11e: {  	v3 =	vld [tilespmem:s23+$0x8B80]  }
0x11f: {  	v2 =	vadd.f32 v4, v2  }
0x120: {  	v4 =	vld [tilespmem:s23+$0x8C00]  }
0x121: {  	v2 =	vadd.f32 v5, v2  }
0x122: {  	v5 =	vld [tilespmem:s23+$0x8C80]  }
0x123: {  	v2 =	vadd.f32 v3, v2  }
0x124: {  	v3 =	vld [tilespmem:s23+$0x8D00]  }
0x125: {  	v2 =	vadd.f32 v4, v2  }
0x126: {  	v4 =	vld [tilespmem:s23+$0x8D80]  }
0x127: {  	v2 =	vadd.f32 v5, v2  }
0x128: {  	v5 =	vld [tilespmem:s23+$0x8E00]  }
0x129: {  	v2 =	vadd.f32 v3, v2;
	_ =	sdelay $0x1  }
0x12a: {  	v2 =	vadd.f32 v4, v2;
	_ =	sdelay $0x1  }
0x12b: {  	v2 =	vadd.f32 v5, v2;
	_ =	sdelay $0x1  }
0x12c: {  	v2 =	vmax.f32 v2, $1.000000000e+00  }
0x12d: {  	v3 =	vshra.s32 v2, $0x1;
	v2 =	vmul.f32 $5.000000000e-01, v2  }
0x12e: {  	v3 =	vsub.s32 $0x5F3759DF, v3  }
0x12f: {  	v4 =	vmul.f32 v3, v2;
	_ =	sdelay $0x1  }
0x130: {  	v4 =	vmul.f32 v3, v4;
	_ =	sdelay $0x1  }
0x131: {  	v4 =	vsub.f32 $1.500000000e+00, v4;
	_ =	sdelay $0x1  }
0x132: {  	v3 =	vmul.f32 v3, v4;
	_ =	sdelay $0x1  }
0x133: {  	v4 =	vmul.f32 v3, v2;
	_ =	sdelay $0x1  }
0x134: {  	v4 =	vmul.f32 v4, v3;
	_ =	sdelay $0x1  }
0x135: {  	v4 =	vsub.f32 $1.500000000e+00, v4;
	_ =	sdelay $0x1  }
0x136: {  	v3 =	vmul.f32 v4, v3;
	_ =	sdelay $0x1  }
0x137: {  	v2 =	vmul.f32 v3, v2;
	_ =	sdelay $0x1  }
0x138: {  	v2 =	vmul.f32 v2, v3;
	_ =	sdelay $0x1  }
.Ltmp9:
0x139: {  	v2 =	vsub.f32 $1.500000000e+00, v2;
	(pc) =	sbr.rel @!p1 .LBB2_7-.Ltmp9, $4  }
0x13a: {  	_ = 	snop  }
0x13b: {  	s21 =	sadd.s32 $0x80, s21;
	v2 =	vmul.f32 v2, v3  }
0x13c: {  	s20 =	sadd.s32 $0x10, s20;
	s24 =	sand.u32 $0x1C00, s21;
	s23 =	sand.u32 $0x70, s22  }
0x13d: {  	s22 =	sadd.s32 $0x10, s22;
	s23 =	sor.u32 s23, s24;
	[tilespmem:s20+$0x0] =	vst v2  }
0x13e: {  	v2 =	vld [tilespmem:s23+$0x7700]  }
0x13f: {  	v3 =	vld [tilespmem:s23+$0x7680];
	_ =	sdelay $0x1  }
0x140: {  	v4 =	vld [tilespmem:s23+$0x7780];
	_ =	sdelay $0x1  }
0x141: {  	v5 =	vld [tilespmem:s23+$0x7800]  }
0x142: {  	v2 =	vadd.f32 v2, v3  }
0x143: {  	v3 =	vld [tilespmem:s23+$0x7880]  }
0x144: {  	v2 =	vadd.f32 v4, v2  }
0x145: {  	v55 =	vld [tilespmem:s23+$0x7900]  }
0x146: {  	v2 =	vadd.f32 v5, v2  }
0x147: {  	v56 =	vld [tilespmem:s23+$0x7980]  }
0x148: {  	v2 =	vadd.f32 v3, v2  }
0x149: {  	v3 =	vld [tilespmem:s23+$0x7A00]  }
0x14a: {  	v2 =	vadd.f32 v55, v2  }
0x14b: {  	v57 =	vld [tilespmem:s23+$0x8A80]  }
0x14c: {  	v2 =	vadd.f32 v56, v2  }
0x14d: {  	v58 =	vld [tilespmem:s23+$0x8B00]  }
0x14e: {  	v2 =	vadd.f32 v3, v2  }
0x14f: {  	v3 =	vld [tilespmem:s23+$0x8B80]  }
0x150: {  	v2 =	vadd.f32 v57, v2  }
0x151: {  	v59 =	vld [tilespmem:s23+$0x8C00]  }
0x152: {  	v2 =	vadd.f32 v58, v2  }
0x153: {  	v60 =	vld [tilespmem:s23+$0x8C80]  }
0x154: {  	v2 =	vadd.f32 v3, v2  }
0x155: {  	v3 =	vld [tilespmem:s23+$0x8D00]  }
0x156: {  	v2 =	vadd.f32 v59, v2  }
0x157: {  	v61 =	vld [tilespmem:s23+$0x8D80]  }
0x158: {  	v2 =	vadd.f32 v60, v2  }
0x159: {  	v62 =	vld [tilespmem:s23+$0x8E00]  }
0x15a: {  	v2 =	vadd.f32 v3, v2;
	_ =	sdelay $0x1  }
0x15b: {  	v2 =	vadd.f32 v61, v2;
	_ =	sdelay $0x1  }
0x15c: {  	v2 =	vadd.f32 v62, v2;
	_ =	sdelay $0x1  }
0x15d: {  	v2 =	vmax.f32 v2, $1.000000000e+00  }
0x15e: {  	v3 =	vshra.s32 v2, $0x1;
	v2 =	vmul.f32 $5.000000000e-01, v2  }
0x15f: {  	v3 =	vsub.s32 $0x5F3759DF, v3  }
0x160: {  	v63 =	vmul.f32 v3, v2;
	_ =	sdelay $0x1  }
0x161: {  	v4 =	vmul.f32 v3, v63;
	_ =	sdelay $0x1  }
0x162: {  	v4 =	vsub.f32 $1.500000000e+00, v4;
	_ =	sdelay $0x1  }
0x163: {  	v3 =	vmul.f32 v3, v4;
	_ =	sdelay $0x1  }
0x164: {  	v4 =	vmul.f32 v3, v2;
	_ =	sdelay $0x1  }
0x165: {  	v4 =	vmul.f32 v4, v3;
	_ =	sdelay $0x1  }
0x166: {  	v4 =	vsub.f32 $1.500000000e+00, v4;
	_ =	sdelay $0x1  }
0x167: {  	v3 =	vmul.f32 v4, v3;
	_ =	sdelay $0x1  }
0x168: {  	v2 =	vmul.f32 v3, v2;
	_ =	sdelay $0x1  }
0x169: {  	v2 =	vmul.f32 v2, v3;
	_ =	sdelay $0x1  }
.Ltmp10:
0x16a: {  	v2 =	vsub.f32 $1.500000000e+00, v2;
	(pc) =	sbr.rel .LBB2_16-.Ltmp10, $4  }
0x16b: {  	_ = 	snop  }
0x16c: {  	v2 =	vmul.f32 v2, v3  }
0x16d: {  	s20 =	sadd.s32 $0x10, s20  }
0x16e: {  	[tilespmem:s20+$0x0] =	vst v2;
	s20 =	smov.u32 s3  }
.LBB2_17:
0x16f: {  	_ =	sfence.sel $0x180000  }
0x170: {  	[bflag:$0x0] =	sbarrier.arrive $0xFFFF  }
0x171: {  	p0 =	sne.s32 s1, $0x0;
	_ =	strace $0x90000047  }
0x172: {  	s0 =	sadd.s32 @!p0 $0x100000, s0;
	[bflag:$0x2] =	sbarrier.arrive $0xFFFF  }
0x173: {  	[sflag:s0] =	ssyncadd.tile.s32 @!p0 $0x1;
	_ =	shalt  }
.Lfunc_end2:
_tile_overlayer_lowered:
.L_overlay_start_2:
0x174: {  	(tag) =	ssettag $0x2  }
0x175: {  	s0 =	rddreg [dreg:$0x0];
	s2 =	stileid.u32  }
0x176: {  	s1 =	rddreg [dreg:$0x1];
	p0 =	sne.s32 s2, $0x0  }
0x177: {  	s3 =	rddreg [dreg:$0x2];
	[bflag:$0x3] =	sbarrier.arrive $0xFFFF;
	s2 =	simm.s32 @!p0 $0x1C01  }
0x178: {  	[timem:s3], [sflag:s2] =	dma.local @!p0 [hbm:s0], s1  }
0x179: {  	s0 =	simm.s32 @!p0 $0x1  }
0x17a: {  	_ =	swait.ge @!p0 [sflag:s0], s1  }
0x17b: {  	s1 =	ssub.s32 @!p0 $0x0, s1;
	[sflag:s0] =	ssyncset.done @!p0 $0x0  }
0x17c: {  	[sflag:s0] =	ssyncadd.s32 @!p0 s1  }
0x17d: {  	[bflag:$0x3] =	sbarrier.arrive $0xFFFF  }
0x17e: {  	_ =	shalt  }

// kernel: kernel.13.cloned.1.call-start
scs
__scs_entry_jumppad:
0x0: {  	(pc) =	sbr.rel $0x88, $3  }
0x1: {  	(tag) =	ssettag $0x0;
	lr =	simm.s32 $0x1  }
0x2: {  	[smem:$0x3F97] =	sst lr;
	_ =	strace $0xD0000000  }
0x3: {  	_ = 	snop  }
0x4: {  	_ = 	snop  }
0x5: {  	_ = 	snop  }
0x6: {  	_ = 	snop  }
0x7: {  	_ = 	snop  }
__scs_overlays_trampoline_lowered:
0x8: {  	[smem:$0x3FA6] =	sst s0  }
0x9: {  	[smem:$0x3FA7] =	sst s1  }
0xa: {  	[smem:$0x3FA8] =	sst s2  }
0xb: {  	[smem:$0x3FA9] =	sst s3  }
0xc: {  	[smem:$0x3FAA] =	sst s4  }
0xd: {  	[smem:$0x3FAB] =	sst s5  }
0xe: {  	[smem:$0x3FAC] =	sst s6  }
0xf: {  	[smem:$0x3FAD] =	sst s7  }
0x10: {  	[smem:$0x3FAE] =	sst s8  }
0x11: {  	[smem:$0x3FAF] =	sst s9;
	s0 =	simm.s32 @!p0 $0x0  }
0x12: {  	s1 =	sld [smem:$0x3F95];
	s0 =	simm.s32 @p0 $0x1  }
0x13: {  	[smem:$0x3FB0] =	sst s0;
	s0 =	simm.s32 @!p1 $0x0  }
0x14: {  	s2 =	sld [smem:$0x3F94];
	s0 =	simm.s32 @p1 $0x1  }
0x15: {  	[smem:$0x3FB1] =	sst s0;
	s0 =	simm.s32 @!p2 $0x0  }
0x16: {  	s3 =	sld [smem:$0x3FDB];
	s0 =	simm.s32 @p2 $0x1  }
0x17: {  	s4 =	simm.s32 $0x1BF5;
	[smem:$0x3FB3] =	sst s0  }
0x18: {  	s0 =	sld [smem:$0x3F96];
	_ =	swait.ge [sflag:s4], $0x0  }
0x19: {  	s7 =	sld [smem:$0x3F97]  }
0x1a: {  	s8 =	sadd.s32 $0xFFFFE003, lr  }
0x1b: {  	s9 =	sadd.s32 $0xFFFFFEF7, lr;
	s5 =	simm.s32 $0xFFFFFFFF;
	p2 =	slt.u32 s8, $0xFFFFF086  }
0x1c: {  	p1 =	slt.u32 s9, $0xF7A;
	s5 =	simm.s32 @!p2 $0x0  }
0x1d: {  	s5 =	simm.s32 @p1 $0x1;
	p0 =	seq.s32 s7, s2  }
0x1e: {  	s7 =	smul.u32 @!p0 $0xF7A, s2;
	p2 =	seq.s32 @!p0 s5, $0x0  }
0x1f: {  	s9 =	smul.u32 $0xF7A, s1;
	s8 =	simm.s32 @!p0 $0x1BF5;
	p2 =	por !p2, p0  }
0x20: {  	[sflag:s8] =	ssyncset.s32 @!p0 $0xFFFFF086;
	s6 =	sadd.s32 @!p0 s3, s7;
	s7 =	simm.s32 @!p0 $0x108  }
0x21: {  	s3 =	sadd.s32 s3, s9;
	s6 =	sadd.s32 @!p0 $0x88, s6;
	s7 =	simm.s32 @p2 $0x1082  }
0x22: {  	[simem:s7], [sflag:s8] =	dma.local @!p0 [hbm:s6], $0xF7A  }
0x23: {  	s9 =	sor.u32 $0xD0000000, s2;
	s6 =	simm.s32 $0x108;
	_ =	swait.ge @!p0 [sflag:s8], $0x0  }
0x24: {  	s3 =	sadd.s32 $0x88, s3;
	s6 =	simm.s32 @!p1 $0x1082;
	[sflag:s4] =	ssyncset.s32 $0xFFFFF086  }
0x25: {  	[simem:s6], [sflag:s4] =	dma.local [hbm:s3], $0xF7A  }
0x26: {  	[smem:$0x3F97] =	sst s1;
	(tag) =	ssettag s2;
	_ =	strace s9  }
0x27: {  	s1 =	sld [smem:$0x3FA7]  }
0x28: {  	s2 =	sld [smem:$0x3FA8]  }
0x29: {  	s4 =	sld [smem:$0x3FAA]  }
0x2a: {  	p0 =	seq.s32 s5, $0x0;
	s5 =	sld [smem:$0x3FAB]  }
0x2b: {  	s6 =	sld [smem:$0x3FAC]  }
0x2c: {  	s7 =	sld [smem:$0x3FAD]  }
0x2d: {  	s3 =	simm.s32 $0x108;
	s8 =	sld [smem:$0x3FAE]  }
0x2e: {  	s3 =	simm.s32 @!p0 $0x1082;
	s9 =	sld [smem:$0x3FAF]  }
0x2f: {  	lr =	sadd.s32 s0, s3;
	s0 =	sld [smem:$0x3FA6]  }
0x30: {  	s3 =	sld [smem:$0x3FA9]  }
0x31: {  	[smem:$0x3FB2] =	sst s10  }
0x32: {  	s10 =	sld [smem:$0x3FB0];
	_ =	sdelay $0x3  }
0x33: {  	p0 =	seq.s32 s10, $0x1;
	s10 =	sld [smem:$0x3FB2];
	_ =	sdelay $0x3  }
0x34: {  	[smem:$0x3FB2] =	sst s10  }
0x35: {  	s10 =	sld [smem:$0x3FB1];
	_ =	sdelay $0x3  }
0x36: {  	p1 =	seq.s32 s10, $0x1;
	s10 =	sld [smem:$0x3FB2];
	_ =	sdelay $0x3  }
0x37: {  	[smem:$0x3FB2] =	sst s10  }
0x38: {  	s10 =	sld [smem:$0x3FB3]  }
0x39: {  	_ = 	snop;
	(pc) =	sbr.ind lr, $3  }
0x3a: {  	_ = 	snop  }
0x3b: {  	_ = 	snop  }
0x3c: {  	p2 =	seq.s32 s10, $0x1;
	s10 =	sld [smem:$0x3FB2]  }
0x3d: {  	_ =	shalt  }
0x3e: {  	_ =	shalt  }
0x3f: {  	_ =	shalt  }
0x40: {  	_ =	shalt  }
0x41: {  	_ =	shalt  }
0x42: {  	_ =	shalt  }
0x43: {  	_ =	shalt  }
0x44: {  	_ =	shalt  }
0x45: {  	_ =	shalt  }
0x46: {  	_ =	shalt  }
0x47: {  	_ =	shalt  }
0x48: {  	_ =	shalt  }
0x49: {  	_ =	shalt  }
0x4a: {  	_ =	shalt  }
0x4b: {  	_ =	shalt  }
0x4c: {  	_ =	shalt  }
0x4d: {  	_ =	shalt  }
0x4e: {  	_ =	shalt  }
0x4f: {  	_ =	shalt  }
0x50: {  	_ =	shalt  }
0x51: {  	_ =	shalt  }
0x52: {  	_ =	shalt  }
0x53: {  	_ =	shalt  }
0x54: {  	_ =	shalt  }
0x55: {  	_ =	shalt  }
0x56: {  	_ =	shalt  }
0x57: {  	_ =	shalt  }
0x58: {  	_ =	shalt  }
0x59: {  	_ =	shalt  }
0x5a: {  	_ =	shalt  }
0x5b: {  	_ =	shalt  }
0x5c: {  	_ =	shalt  }
0x5d: {  	_ =	shalt  }
0x5e: {  	_ =	shalt  }
0x5f: {  	_ =	shalt  }
0x60: {  	_ =	shalt  }
0x61: {  	_ =	shalt  }
0x62: {  	_ =	shalt  }
0x63: {  	_ =	shalt  }
0x64: {  	_ =	shalt  }
0x65: {  	_ =	shalt  }
0x66: {  	_ =	shalt  }
0x67: {  	_ =	shalt  }
0x68: {  	_ =	shalt  }
0x69: {  	_ =	shalt  }
0x6a: {  	_ =	shalt  }
0x6b: {  	_ =	shalt  }
0x6c: {  	_ =	shalt  }
0x6d: {  	_ =	shalt  }
0x6e: {  	_ =	shalt  }
0x6f: {  	_ =	shalt  }
0x70: {  	_ =	shalt  }
0x71: {  	_ =	shalt  }
0x72: {  	_ =	shalt  }
0x73: {  	_ =	shalt  }
0x74: {  	_ =	shalt  }
0x75: {  	_ =	shalt  }
0x76: {  	_ =	shalt  }
0x77: {  	_ =	shalt  }
0x78: {  	_ =	shalt  }
0x79: {  	_ =	shalt  }
0x7a: {  	_ =	shalt  }
0x7b: {  	_ =	shalt  }
0x7c: {  	_ =	shalt  }
0x7d: {  	_ =	shalt  }
0x7e: {  	_ =	shalt  }
0x7f: {  	_ =	shalt  }
0x80: {  	_ =	shalt  }
0x81: {  	_ =	shalt  }
0x82: {  	_ =	shalt  }
0x83: {  	_ =	shalt  }
0x84: {  	_ =	shalt  }
0x85: {  	_ =	shalt  }
0x86: {  	_ =	shalt  }
0x87: {  	_ =	shalt  }
.Lfunc_end0:
.L_simem_size_0:
called_computation.1_lowered:
.L_overlay_start_0:
0x88: {  	s2 =	sld [smem:$0x3FD9]  }
0x89: {  	s3 =	sld [smem:$0x3FFE];
	_ =	sdelay $0x1  }
0x8a: {  	s1 =	srdreg.scid  }
0x8b: {  	s0 =	sand.u32 $0x1, s1  }
0x8c: {  	s16 =	sshll.u32 s0, $0xA;
	s2 =	sadd.s32 s3, s2  }
0x8d: {  	s2 =	sadd.s32 s2, s16  }
0x8e: {  	[smem:$0x3FBE] =	sst s2  }
0x8f: {  	_ = 	snop  }
0x90: {  	(tm) =	ssettm $0x1  }
0x91: {  	s17 =	sld [smem:$0x3FFB];
	_ =	sdelay $0x3  }
0x92: {  	_ =	strace s17  }
0x93: {  	s2 =	sld [smem:$0x3FFC];
	_ =	sdelay $0x3  }
0x94: {  	_ =	strace s2  }
0x95: {  	s2 =	sld [smem:$0x3FFD];
	_ =	sdelay $0x3  }
0x96: {  	_ =	strace s2  }
0x97: {  	_ =	strace $0x8FFFFFFF  }
0x98: {  	s18 =	sld [smem:$0x3FDB];
	_ =	sdelay $0x1  }
0x99: {  	s19 =	simm.s32 $_scs_section_size  }
0x9a: {  	s4 =	simm.s32 $_size__tile_overlayer_lowered;
	s5 =	simm.s32 $_tile_overlayer_lowered  }
0x9b: {  	s22 =	simm.s32 $0x1BFF;
	s21 =	sshll.u32 s5, $0x1;
	s2 =	sadd.s32 s19, s18  }
0x9c: {  	s6 =	simm.s32 $0x0;
	s20 =	sshll.u32 s4, $0x1;
	s4 =	sadd.s32 s21, s2  }
0x9d: {  	[timem:s6], [sflag:s22] =	dma.local [hbm:s4], s20  }
0x9e: {  	_ =	swait.ge [sflag:s22], s20  }
0x9f: {  	s3 =	ssub.s32 $0x0, s20;
	[sflag:s22] =	ssyncset.done $0x0  }
0xa0: {  	[sflag:s22] =	ssyncadd.s32 s3;
	_ =	sdelay $0x1  }
0xa1: {  	s23 =	simm.s32 $0x1B8B  }
0xa2: {  	_ =	swait.ge [sflag:s23], $0x1  }
0xa3: {  	[sflag:s23] =	ssyncset.done $0x0  }
0xa4: {  	s25 =	simm.s32 $0x1B8E;
	s24 =	sld [smem:$0x3FFE];
	[sflag:s23] =	ssyncadd.s32 $0xFFFFFFFF  }
0xa5: {  	s26 =	simm.s32 $execute0_lowered;
	[smem:$0x3FD2] =	sst s25  }
0xa6: {  	s4 =	sshll.u32 s26, $0x1;
	_ =	strace $0x80000049;
	[dreg:$0x1] =	wrdreg $0xFFFFFFFF  }
0xa7: {  	s28 =	simm.s32 $_size_execute0_lowered;
	s2 =	sadd.s32 s2, s4;
	[dreg:$0x0] =	wrdreg $0x0  }
0xa8: {  	s4 =	sshll.u32 s28, $0x1;
	[dreg:$0x2] =	wrdreg s2  }
0xa9: {  	[dreg:$0x3] =	wrdreg s4  }
0xaa: {  	[dreg:$0x4] =	wrdreg $0xC0  }
0xab: {  	_ =	task [dreg:s6], $0x5FFFF  }
0xac: {  	[dreg:$0x1] =	wrdreg $0xFFFFFFFF  }
0xad: {  	[dreg:$0x0] =	wrdreg $0x60  }
0xae: {  	[dreg:$0x2] =	wrdreg s24  }
0xaf: {  	[dreg:$0x3] =	wrdreg $0xB7800  }
0xb0: {  	[dreg:$0x4] =	wrdreg $0x9  }
0xb1: {  	_ =	task.clear_ibuf [dreg:s6], $0x5FFFF;
	_ =	strace $0x90000049  }
0xb2: {  	s29 =	simm.s32 $0x9;
	_ =	strace $0x8000004B  }
0xb3: {  	_ =	swait.ge [sflag:s29], $0x1  }
0xb4: {  	[sflag:s29] =	ssyncadd.s32 $0xFFFFFFFF  }
0xb5: {  	_ =	strace $0x9000004B  }
0xb6: {  	_ =	sfence  }
0xb7: {  	s30 =	sld [smem:$0x0];
	_ =	sdelay $0x2  }
0xb8: {  	s31 =	sshll.u32 s1, $0xD;
	s1 =	sshrl.u32 s1, $0x2  }
0xb9: {  	s3 =	sand.u32 $0x4000, s31;
	s1 =	sadd.s32 s1, s30  }
0xba: {  	s0 =	sor.u32 s3, s0;
	s1 =	sshll.u32 s1, $0x11  }
0xbb: {  	s0 =	sor.u32 s1, s0  }
0xbc: {  	s0 =	sadd.s32 $0x8F2B, s0  }
0xbd: {  	[sflag:s0] =	ssyncadd.remote.s32 $0x1  }
0xbe: {  	_ =	sfence.sel $0xFFFF  }
0xbf: {  	[dreg:$0x0] =	wrdreg $0xFFFFFFFF;
	(pc) =	sbr.abs _section_cstart, $3  }
0xc0: {  	[dreg:$0x1] =	wrdreg $0xFFFFFFFF  }
0xc1: {  	_ =	task.clear_ibuf [dreg:s6], $0x2FFFF;
	_ =	strace $0x9FFFFFFF  }
0xc2: {  	(tm) =	ssettm $0x7FFFFFFF  }
0xc3: {  	_ =	shalt  }
tec
execute0_lowered:
.L_overlay_start_1:
0x0: {  	(tag) =	ssettag $0x1  }
0x1: {  	s0 =	srdreg.scid;
	s1 =	rddreg [dreg:$0x0]  }
0x2: {  	s2 =	rddreg [dreg:$0x1];
	s10 =	stileid.u32  }
0x3: {  	s3 =	simm.s32 $0x0;
	s28 =	simm.s32 $0x3;
	s30 =	simm.s32 $0x40  }
0x4: {  	s31 =	simm.s32 $0x7780;
	s29 =	simm.s32 $0x2;
	s8 =	smul.u32 $0x50000, s10  }
0x5: {  	s0 =	sand.u32 $0x1, s0;
	[smem:$0x7FF] =	sst s3;
	s26 =	smul.u32 $0x14000, s10  }
0x6: {  	p0 =	seq.s32 s10, $0xF;
	s4 =	sshll.u32 s0, $0x4;
	_ =	strace $0x8000004A  }
0x7: {  	s7 =	ssub.s32 $0x2, s0;
	s0 =	smul.u32 $0x138800, s0;
	s4 =	sor.u32 s10, s4  }
0x8: {  	s9 =	sshrl.u32 s7, $0x1;
	s20 =	sshrl.u32 s8, $0x2;
	s5 =	smul.u32 $0x4E8, s4  }
0x9: {  	s6 =	smul.u32 $0xA00, s4;
	s9 =	ssub.s32 s7, s9;
	s7 =	sadd.s32 s20, s2  }
0xa: {  	s4 =	sadd.s32 $0x35800, s1;
	s22 =	sadd.s32 $0x1400, s7;
	s23 =	sadd.s32 $0x2800, s7  }
0xb: {  	s24 =	sadd.s32 $0x3C00, s7;
	s25 =	sadd.s32 $0x5000, s7;
	s12 =	sadd.s32 $0x7800, s7  }
0xc: {  	s13 =	sadd.s32 $0x8C00, s7;
	s14 =	sadd.s32 $0xA000, s7;
	s15 =	sadd.s32 $0xB400, s7  }
0xd: {  	s16 =	sadd.s32 $0xC800, s7;
	s17 =	sadd.s32 $0xDC00, s7;
	[dreg:$0x5] =	wrdreg s22  }
0xe: {  	s18 =	sadd.s32 $0xF000, s7;
	s19 =	sadd.s32 $0x10400, s7;
	[dreg:$0x6] =	wrdreg s23  }
0xf: {  	s20 =	sadd.s32 $0x11800, s7;
	s5 =	sadd.s32 s5, s1;
	[dreg:$0x7] =	wrdreg s24  }
0x10: {  	s6 =	sadd.s32 s6, s1;
	s1 =	sadd.s32 $0x5CA00, s1;
	[dreg:$0x8] =	wrdreg s25  }
0x11: {  	s22 =	sadd.s32 $0x12C00, s7;
	s23 =	sadd.s32 $0x12C000, s2;
	s5 =	sadd.s32 $0x17A00, s5  }
0x12: {  	s25 =	smax.u32 s9, $0x1;
	s21 =	sadd.s32 $0x21800, s6;
	[dreg:$0x3] =	wrdreg s5  }
0x13: {  	s6 =	sadd.s32 $0x12D400, s2;
	s12 =	smov.u32 @p0 s23;
	[dreg:$0x4] =	wrdreg s21  }
0x14: {  	s5 =	sadd.s32 s26, s0;
	s0 =	sshrl.u32 s0, $0x3;
	s13 =	smov.u32 @p0 s6  }
0x15: {  	s26 =	sadd.s32 $0x6400, s7;
	s5 =	sshrl.u32 s5, $0x3;
	s0 =	sadd.s32 s1, s0  }
0x16: {  	s21 =	sadd.s32 s1, s5;
	s1 =	sadd.s32 $0x12E800, s2;
	s5 =	sadd.s32 $0x12FC00, s2  }
0x17: {  	s24 =	sadd.s32 $0x25800, s0;
	s0 =	simm.s32 $0x9780;
	s14 =	smov.u32 @p0 s1  }
0x18: {  	s1 =	sadd.s32 $0x131000, s2;
	s15 =	smov.u32 @p0 s5;
	s5 =	sadd.s32 $0x132400, s2  }
0x19: {  	s16 =	smov.u32 @p0 s1;
	s1 =	sadd.s32 $0x133800, s2;
	s17 =	smov.u32 @p0 s5  }
0x1a: {  	s5 =	sadd.s32 $0x134C00, s2;
	s18 =	smov.u32 @p0 s1;
	s1 =	sadd.s32 $0x136000, s2  }
0x1b: {  	s19 =	smov.u32 @p0 s5;
	s20 =	smov.u32 @p0 s1;
	s1 =	sadd.s32 $0x137400, s2  }
0x1c: {  	v0 =	vimm.f32 $0.0e+00;
	s5 =	simm.s32 $0x0;
	s22 =	smov.u32 @p0 s1;
	s1 =	simm.s32 $0x1  }
.LBB2_1:
0x1d: {  	s6 =	rddreg [dreg:$0x3]  }
0x1e: {  	[tilespmem:s3], [sflag:$0x3] =	stream.linear.gather [hbm4b:s6+s3], $0x2740, $0x38;
	[tilespmem:$0x1F040] =	vst v63  }
0x1f: {  	_ =	swait.ge [sflag:s28], $0x2740  }
0x20: {  	[sflag:s28] =	ssyncset.done $0x0  }
0x21: {  	s8 =	simm.s32 $0x2780;
	s9 =	rddreg [dreg:$0x4];
	[sflag:s28] =	ssyncadd.s32 $0xFFFFD8C0  }
0x22: {  	[tilespmem:s8], [sflag:$0x3] =	stream.linear.gather [hbm4b:s9+s3], $0x4E80, $0x38;
	[tilespmem:$0x1F040] =	vst v63  }
0x23: {  	s10 =	sand.u32 $0x7E00, s3;
	s11 =	sand.u32 $0x70, s3;
	_ =	swait.ge [sflag:s28], $0x4E80  }
0x24: {  	s6 =	simm.s32 $0x40;
	s9 =	sshrl.u32 s10, $0x2;
	[sflag:s28] =	ssyncset.done $0x0  }
0x25: {  	s8 =	simm.s32 $0x0;
	s9 =	sor.u32 s11, s9;
	[sflag:s28] =	ssyncadd.s32 $0xFFFFB180  }
0x26: {  	[tilespmem:s31], [sflag:$0x1] =	stream.indirect.gather [hbm4b:s4+s30], $0x80, s3, s30, $0xb8;
	[tilespmem:$0x1F040] =	vst v63  }
.LBB2_2:
0x27: {  	p1 =	sne.s32 s6, $0x4FC0  }
0x28: {  	[tilespmem:s9+$0x9780] =	vst v0;
	s8 =	sadd.s32 $0x10, s8;
	s9 =	smov.u32 s6;
	s6 =	sadd.s32 $0x40, s6  }
.Ltmp0:
0x29: {  	(pc) =	sbr.rel @p1 .LBB2_2-.Ltmp0, $4  }
0x2a: {  	_ = 	snop  }
0x2b: {  	s9 =	sand.u32 $0x7E00, s9  }
0x2c: {  	s10 =	sand.u32 $0x70, s8;
	s9 =	sshrl.u32 s9, $0x2  }
0x2d: {  	s9 =	sor.u32 s10, s9  }
0x2e: {  	[tilespmem:s9+$0x9780] =	vst v0;
	s6 =	simm.s32 @!p0 $0x9780;
	s8 =	simm.s32 @!p0 $0x3  }
0x2f: {  	[spmem:s7] =	stream.linear.scatter @!p0 [tilespmem:s6], [sflag:$0x3], $0x1400, $0x38;
	[tilespmem:$0x1F040] =	vst v63  }
0x30: {  	_ =	swait.ge @!p0 [sflag:s8], $0x1400  }
0x31: {  	[sflag:s8] =	ssyncset.done @!p0 $0x0  }
0x32: {  	s9 =	rddreg [dreg:$0x5];
	[sflag:s8] =	ssyncadd.s32 @!p0 $0xFFFFEC00  }
0x33: {  	[spmem:s9] =	stream.linear.scatter @!p0 [tilespmem:s6], [sflag:$0x3], $0x1400, $0x38;
	[tilespmem:$0x1F040] =	vst v63  }
0x34: {  	_ =	swait.ge @!p0 [sflag:s8], $0x1400  }
0x35: {  	[sflag:s8] =	ssyncset.done @!p0 $0x0  }
0x36: {  	s9 =	rddreg [dreg:$0x6];
	[sflag:s8] =	ssyncadd.s32 @!p0 $0xFFFFEC00  }
0x37: {  	[spmem:s9] =	stream.linear.scatter @!p0 [tilespmem:s6], [sflag:$0x3], $0x1400, $0x38;
	[tilespmem:$0x1F040] =	vst v63  }
0x38: {  	_ =	swait.ge @!p0 [sflag:s8], $0x1400  }
0x39: {  	[sflag:s8] =	ssyncset.done @!p0 $0x0  }
0x3a: {  	s9 =	rddreg [dreg:$0x7];
	[sflag:s8] =	ssyncadd.s32 @!p0 $0xFFFFEC00  }
0x3b: {  	[spmem:s9] =	stream.linear.scatter @!p0 [tilespmem:s6], [sflag:$0x3], $0x1400, $0x38;
	[tilespmem:$0x1F040] =	vst v63  }
0x3c: {  	_ =	swait.ge @!p0 [sflag:s8], $0x1400  }
0x3d: {  	[sflag:s8] =	ssyncset.done @!p0 $0x0  }
0x3e: {  	s9 =	rddreg [dreg:$0x8];
	[sflag:s8] =	ssyncadd.s32 @!p0 $0xFFFFEC00  }
0x3f: {  	[spmem:s9] =	stream.linear.scatter @!p0 [tilespmem:s6], [sflag:$0x3], $0x1400, $0x38;
	[tilespmem:$0x1F040] =	vst v63  }
0x40: {  	_ =	swait.ge @!p0 [sflag:s8], $0x1400  }
0x41: {  	[sflag:s8] =	ssyncset.done @!p0 $0x0  }
0x42: {  	[sflag:s8] =	ssyncadd.s32 @!p0 $0xFFFFEC00  }
0x43: {  	[spmem:s26] =	stream.linear.scatter @!p0 [tilespmem:s6], [sflag:$0x3], $0x1400, $0x38;
	[tilespmem:$0x1F040] =	vst v63  }
0x44: {  	_ =	swait.ge @!p0 [sflag:s8], $0x1400  }
0x45: {  	[sflag:s8] =	ssyncset.done @!p0 $0x0  }
0x46: {  	[sflag:s8] =	ssyncadd.s32 @!p0 $0xFFFFEC00  }
0x47: {  	[spmem:s12] =	stream.linear.scatter [tilespmem:s0], [sflag:$0x3], $0x1400, $0x38;
	[tilespmem:$0x1F040] =	vst v63  }
0x48: {  	_ =	swait.ge [sflag:s28], $0x1400  }
0x49: {  	[sflag:s28] =	ssyncset.done $0x0  }
0x4a: {  	[sflag:s28] =	ssyncadd.s32 $0xFFFFEC00  }
0x4b: {  	[spmem:s13] =	stream.linear.scatter [tilespmem:s0], [sflag:$0x3], $0x1400, $0x38;
	[tilespmem:$0x1F040] =	vst v63  }
0x4c: {  	_ =	swait.ge [sflag:s28], $0x1400  }
0x4d: {  	[sflag:s28] =	ssyncset.done $0x0  }
0x4e: {  	[sflag:s28] =	ssyncadd.s32 $0xFFFFEC00  }
0x4f: {  	[spmem:s14] =	stream.linear.scatter [tilespmem:s0], [sflag:$0x3], $0x1400, $0x38;
	[tilespmem:$0x1F040] =	vst v63  }
0x50: {  	_ =	swait.ge [sflag:s28], $0x1400  }
0x51: {  	[sflag:s28] =	ssyncset.done $0x0  }
0x52: {  	[sflag:s28] =	ssyncadd.s32 $0xFFFFEC00  }
0x53: {  	[spmem:s15] =	stream.linear.scatter [tilespmem:s0], [sflag:$0x3], $0x1400, $0x38;
	[tilespmem:$0x1F040] =	vst v63  }
0x54: {  	_ =	swait.ge [sflag:s28], $0x1400  }
0x55: {  	[sflag:s28] =	ssyncset.done $0x0  }
0x56: {  	[sflag:s28] =	ssyncadd.s32 $0xFFFFEC00  }
0x57: {  	[spmem:s16] =	stream.linear.scatter [tilespmem:s0], [sflag:$0x3], $0x1400, $0x38;
	[tilespmem:$0x1F040] =	vst v63  }
0x58: {  	_ =	swait.ge [sflag:s28], $0x1400  }
0x59: {  	[sflag:s28] =	ssyncset.done $0x0  }
0x5a: {  	[sflag:s28] =	ssyncadd.s32 $0xFFFFEC00  }
0x5b: {  	[spmem:s17] =	stream.linear.scatter [tilespmem:s0], [sflag:$0x3], $0x1400, $0x38;
	[tilespmem:$0x1F040] =	vst v63  }
0x5c: {  	_ =	swait.ge [sflag:s28], $0x1400  }
0x5d: {  	[sflag:s28] =	ssyncset.done $0x0  }
0x5e: {  	[sflag:s28] =	ssyncadd.s32 $0xFFFFEC00  }
0x5f: {  	[spmem:s18] =	stream.linear.scatter [tilespmem:s0], [sflag:$0x3], $0x1400, $0x38;
	[tilespmem:$0x1F040] =	vst v63  }
0x60: {  	_ =	swait.ge [sflag:s28], $0x1400  }
0x61: {  	[sflag:s28] =	ssyncset.done $0x0  }
0x62: {  	[sflag:s28] =	ssyncadd.s32 $0xFFFFEC00  }
0x63: {  	[spmem:s19] =	stream.linear.scatter [tilespmem:s0], [sflag:$0x3], $0x1400, $0x38;
	[tilespmem:$0x1F040] =	vst v63  }
0x64: {  	_ =	swait.ge [sflag:s28], $0x1400  }
0x65: {  	[sflag:s28] =	ssyncset.done $0x0  }
0x66: {  	[sflag:s28] =	ssyncadd.s32 $0xFFFFEC00  }
0x67: {  	[spmem:s20] =	stream.linear.scatter [tilespmem:s0], [sflag:$0x3], $0x1400, $0x38;
	[tilespmem:$0x1F040] =	vst v63  }
0x68: {  	_ =	swait.ge [sflag:s28], $0x1400  }
0x69: {  	[sflag:s28] =	ssyncset.done $0x0  }
0x6a: {  	[sflag:s28] =	ssyncadd.s32 $0xFFFFEC00  }
0x6b: {  	[spmem:s22] =	stream.linear.scatter [tilespmem:s0], [sflag:$0x3], $0x1400, $0x38;
	[tilespmem:$0x1F040] =	vst v63  }
0x6c: {  	_ =	swait.ge [sflag:s28], $0x1400  }
0x6d: {  	[sflag:s28] =	ssyncset.done $0x0  }
0x6e: {  	[sflag:s28] =	ssyncadd.s32 $0xFFFFEC00  }
0x6f: {  	s8 =	simm.s32 $0x40;
	[bflag:$0x0] =	sbarrier.arrive $0xFFFF  }
0x70: {  	[tilespmem:s0], [sflag:$0x2] =	stream.indirect.gather [hbm4b:s4+s30], $0x80, s8, s30, $0xb8;
	[tilespmem:$0x1F040] =	vst v63  }
0x71: {  	_ =	swait.ge [sflag:s1], $0x2000  }
0x72: {  	[sflag:s1] =	ssyncset.done $0x0  }
0x73: {  	s9 =	simm.s32 $0x2780;
	[sflag:s1] =	ssyncadd.s32 $0xFFFFE000  }
0x74: {  	[spmem:s2] =	stream.indirect.scatter.add.f32 [tilespmem:s31], [sflag:$0x3], $0x80, s9, s30, $0xb8;
	[tilespmem:$0x1F040] =	vst v63  }
0x75: {  	_ =	swait.ge [sflag:s28], $0x2000  }
0x76: {  	[sflag:s28] =	ssyncset.done $0x0  }
0x77: {  	s10 =	simm.s32 $0x80;
	[sflag:s28] =	ssyncadd.s32 $0xFFFFE000  }
0x78: {  	[tilespmem:s31], [sflag:$0x1] =	stream.indirect.gather [hbm4b:s4+s30], $0x80, s10, s30, $0xb8;
	[tilespmem:$0x1F040] =	vst v63  }
0x79: {  	_ =	swait.ge [sflag:s29], $0x2000  }
0x7a: {  	[sflag:s29] =	ssyncset.done $0x0  }
0x7b: {  	s11 =	simm.s32 $0x2800;
	[sflag:s29] =	ssyncadd.s32 $0xFFFFE000  }
0x7c: {  	[spmem:s2] =	stream.indirect.scatter.add.f32 [tilespmem:s0], [sflag:$0x3], $0x80, s11, s30, $0xb8;
	[tilespmem:$0x1F040] =	vst v63  }
0x7d: {  	s6 =	simm.s32 $0x100;
	_ =	swait.ge [sflag:s28], $0x2000  }
0x7e: {  	s8 =	simm.s32 $0x400;
	s9 =	simm.s32 $0x800;
	[sflag:s28] =	ssyncset.done $0x0  }
.LBB2_4:
0x7f: {  	p1 =	sne.s32 s9, $0x13400;
	s10 =	sadd.s32 $0xFFFFFFC0, s6;
	[sflag:s28] =	ssyncadd.s32 $0xFFFFE000  }
0x80: {  	[tilespmem:s0], [sflag:$0x2] =	stream.indirect.gather [hbm4b:s4+s30], $0x80, s10, s30, $0xb8;
	[tilespmem:$0x1F040] =	vst v63  }
0x81: {  	s10 =	smov.u32 s9;
	s9 =	sadd.s32 $0x400, s9;
	_ =	swait.ge [sflag:s1], $0x2000  }
0x82: {  	s11 =	sshra.s32 s8, $0x2;
	s8 =	smov.u32 s10;
	[sflag:s1] =	ssyncset.done $0x0  }
0x83: {  	s10 =	sadd.s32 $0x2780, s11;
	[sflag:s1] =	ssyncadd.s32 $0xFFFFE000  }
0x84: {  	[spmem:s2] =	stream.indirect.scatter.add.f32 [tilespmem:s31], [sflag:$0x3], $0x80, s10, s30, $0xb8;
	[tilespmem:$0x1F040] =	vst v63  }
0x85: {  	_ =	swait.ge [sflag:s28], $0x2000  }
0x86: {  	[sflag:s28] =	ssyncset.done $0x0  }
0x87: {  	[sflag:s28] =	ssyncadd.s32 $0xFFFFE000  }
0x88: {  	[tilespmem:s31], [sflag:$0x1] =	stream.indirect.gather [hbm4b:s4+s30], $0x80, s6, s30, $0xb8;
	[tilespmem:$0x1F040] =	vst v63  }
0x89: {  	_ =	swait.ge [sflag:s29], $0x2000  }
.Ltmp1:
0x8a: {  	[sflag:s29] =	ssyncset.done $0x0;
	(pc) =	sbr.rel @p1 .LBB2_4-.Ltmp1, $4  }
0x8b: {  	s10 =	sadd.s32 $0x2800, s11;
	[sflag:s29] =	ssyncadd.s32 $0xFFFFE000  }
0x8c: {  	[spmem:s2] =	stream.indirect.scatter.add.f32 [tilespmem:s0], [sflag:$0x3], $0x80, s10, s30, $0xb8;
	[tilespmem:$0x1F040] =	vst v63  }
0x8d: {  	_ =	swait.ge [sflag:s28], $0x2000  }
0x8e: {  	s6 =	sadd.s32 $0x80, s6;
	[sflag:s28] =	ssyncset.done $0x0  }
0x8f: {  	s9 =	sadd.s32 $0xFFFFFFC0, s6;
	[sflag:s28] =	ssyncadd.s32 $0xFFFFE000  }
0x90: {  	[tilespmem:s0], [sflag:$0x2] =	stream.indirect.gather [hbm4b:s4+s30], $0x80, s9, s30, $0xb8;
	[tilespmem:$0x1F040] =	vst v63  }
0x91: {  	_ =	swait.ge [sflag:s1], $0x2000  }
0x92: {  	s8 =	sshra.s32 s8, $0x2;
	[sflag:s1] =	ssyncset.done $0x0  }
0x93: {  	s11 =	sadd.s32 $0x2780, s8;
	[sflag:s1] =	ssyncadd.s32 $0xFFFFE000  }
0x94: {  	[spmem:s2] =	stream.indirect.scatter.add.f32 [tilespmem:s31], [sflag:$0x3], $0x80, s11, s30, $0xb8;
	[tilespmem:$0x1F040] =	vst v63  }
0x95: {  	_ =	swait.ge [sflag:s28], $0x2000  }
0x96: {  	[sflag:s28] =	ssyncset.done $0x0  }
0x97: {  	[sflag:s28] =	ssyncadd.s32 $0xFFFFE000  }
0x98: {  	[tilespmem:s31], [sflag:$0x1] =	stream.indirect.gather [hbm4b:s4+s30], $0x80, s6, s30, $0xb8;
	[tilespmem:$0x1F040] =	vst v63  }
0x99: {  	_ =	swait.ge [sflag:s29], $0x2000  }
0x9a: {  	[sflag:s29] =	ssyncset.done $0x0  }
0x9b: {  	s10 =	sadd.s32 $0x2800, s8;
	[sflag:s29] =	ssyncadd.s32 $0xFFFFE000  }
0x9c: {  	[spmem:s2] =	stream.indirect.scatter.add.f32 [tilespmem:s0], [sflag:$0x3], $0x80, s10, s30, $0xb8;
	[tilespmem:$0x1F040] =	vst v63  }
0x9d: {  	_ =	swait.ge [sflag:s28], $0x2000  }
0x9e: {  	[sflag:s28] =	ssyncset.done $0x0  }
0x9f: {  	[sflag:s28] =	ssyncadd.s32 $0xFFFFE000  }
0xa0: {  	_ =	swait.ge [sflag:s1], $0x2000  }
0xa1: {  	[sflag:s1] =	ssyncset.done $0x0  }
0xa2: {  	s11 =	simm.s32 $0x7580;
	[sflag:s1] =	ssyncadd.s32 $0xFFFFE000  }
0xa3: {  	[spmem:s2] =	stream.indirect.scatter.add.f32 [tilespmem:s31], [sflag:$0x3], $0x80, s11, s30, $0xb8;
	[tilespmem:$0x1F040] =	vst v63  }
0xa4: {  	_ =	swait.ge [sflag:s28], $0x2000  }
0xa5: {  	[sflag:s28] =	ssyncset.done $0x0  }
0xa6: {  	[sflag:s28] =	ssyncadd.s32 $0xFFFFE000  }
0xa7: {  	s8 =	simm.s32 @p0 $0x1FC3;
	s6 =	sshrl.u32 @p0 s23, $0x3;
	[bflag:$0x0] =	sbarrier.arrive $0xFFFF  }
0xa8: {  	[hbm:s24], [sflag:s8] =	dma.local @p0 [spmem:s6], $0x1900  }
0xa9: {  	s6 =	simm.s32 @p0 $0x3  }
0xaa: {  	s5 =	sadd.s32 $0x1, s5;
	s8 =	stileid.u32;
	_ =	swait.ge @p0 [sflag:s6], $0x1900  }
0xab: {  	p1 =	sne.s32 s5, s25;
	s8 =	sshll.u32 @!p0 s8, $0x6;
	[sflag:s6] =	ssyncset.done @p0 $0x0  }
0xac: {  	[sflag:s6] =	ssyncadd.s32 @p0 $0xFFFFE700;
	s6 =	sor.u32 @!p0 $0x1C03, s8;
	s8 =	sshrl.u32 @!p0 s7, $0x3  }
0xad: {  	[hbm:s21], [sflag:s6] =	dma.local @!p0 [spmem:s8], $0x2800  }
.Ltmp2:
0xae: {  	_ = 	snop;
	(pc) =	sbr.rel @p1 .LBB2_1-.Ltmp2, $4  }
0xaf: {  	s6 =	simm.s32 @!p0 $0x3  }
0xb0: {  	_ =	swait.ge @!p0 [sflag:s6], $0x2800  }
0xb1: {  	[sflag:s6] =	ssyncset.done @!p0 $0x0  }
0xb2: {  	[sflag:s6] =	ssyncadd.s32 @!p0 $0xFFFFD800  }
0xb3: {  	_ =	sfence.sel $0x180000  }
0xb4: {  	[bflag:$0x0] =	sbarrier.arrive $0xFFFF  }
0xb5: {  	_ =	strace $0x9000004A  }
0xb6: {  	s0 =	stileid.u32;
	[bflag:$0x2] =	sbarrier.arrive $0xFFFF  }
0xb7: {  	p0 =	sne.s32 s0, $0x0;
	s0 =	rddreg [dreg:$0x2]  }
0xb8: {  	s0 =	sadd.s32 @!p0 $0x100000, s0  }
0xb9: {  	[sflag:s0] =	ssyncadd.tile.s32 @!p0 $0x1;
	_ =	shalt  }
.Lfunc_end2:
_tile_overlayer_lowered:
.L_overlay_start_2:
0xba: {  	(tag) =	ssettag $0x2  }
0xbb: {  	s0 =	rddreg [dreg:$0x0];
	s2 =	stileid.u32  }
0xbc: {  	s1 =	rddreg [dreg:$0x1];
	p0 =	sne.s32 s2, $0x0  }
0xbd: {  	s3 =	rddreg [dreg:$0x2];
	[bflag:$0x3] =	sbarrier.arrive $0xFFFF;
	s2 =	simm.s32 @!p0 $0x1C03  }
0xbe: {  	[timem:s3], [sflag:s2] =	dma.local @!p0 [hbm:s0], s1  }
0xbf: {  	s0 =	simm.s32 @!p0 $0x3  }
0xc0: {  	_ =	swait.ge @!p0 [sflag:s0], s1  }
0xc1: {  	s1 =	ssub.s32 @!p0 $0x0, s1;
	[sflag:s0] =	ssyncset.done @!p0 $0x0  }
0xc2: {  	[sflag:s0] =	ssyncadd.s32 @!p0 s1  }
0xc3: {  	[bflag:$0x3] =	sbarrier.arrive $0xFFFF  }
0xc4: {  	_ =	shalt  }

// kernel: kernel.16.cloned.1.call-start
scs
__scs_entry_jumppad:
0x0: {  	(pc) =	sbr.rel $0x88, $3  }
0x1: {  	(tag) =	ssettag $0x0;
	lr =	simm.s32 $0x1  }
0x2: {  	[smem:$0x3F97] =	sst lr;
	_ =	strace $0xD0000000  }
0x3: {  	_ = 	snop  }
0x4: {  	_ = 	snop  }
0x5: {  	_ = 	snop  }
0x6: {  	_ = 	snop  }
0x7: {  	_ = 	snop  }
__scs_overlays_trampoline_lowered:
0x8: {  	[smem:$0x3FA6] =	sst s0  }
0x9: {  	[smem:$0x3FA7] =	sst s1  }
0xa: {  	[smem:$0x3FA8] =	sst s2  }
0xb: {  	[smem:$0x3FA9] =	sst s3  }
0xc: {  	[smem:$0x3FAA] =	sst s4  }
0xd: {  	[smem:$0x3FAB] =	sst s5  }
0xe: {  	[smem:$0x3FAC] =	sst s6  }
0xf: {  	[smem:$0x3FAD] =	sst s7  }
0x10: {  	[smem:$0x3FAE] =	sst s8  }
0x11: {  	[smem:$0x3FAF] =	sst s9;
	s0 =	simm.s32 @!p0 $0x0  }
0x12: {  	s1 =	sld [smem:$0x3F95];
	s0 =	simm.s32 @p0 $0x1  }
0x13: {  	[smem:$0x3FB0] =	sst s0;
	s0 =	simm.s32 @!p1 $0x0  }
0x14: {  	s2 =	sld [smem:$0x3F94];
	s0 =	simm.s32 @p1 $0x1  }
0x15: {  	[smem:$0x3FB1] =	sst s0;
	s0 =	simm.s32 @!p2 $0x0  }
0x16: {  	s3 =	sld [smem:$0x3FDB];
	s0 =	simm.s32 @p2 $0x1  }
0x17: {  	s4 =	simm.s32 $0x1BF5;
	[smem:$0x3FB3] =	sst s0  }
0x18: {  	s0 =	sld [smem:$0x3F96];
	_ =	swait.ge [sflag:s4], $0x0  }
0x19: {  	s7 =	sld [smem:$0x3F97]  }
0x1a: {  	s8 =	sadd.s32 $0xFFFFE003, lr  }
0x1b: {  	s9 =	sadd.s32 $0xFFFFFEF7, lr;
	s5 =	simm.s32 $0xFFFFFFFF;
	p2 =	slt.u32 s8, $0xFFFFF086  }
0x1c: {  	p1 =	slt.u32 s9, $0xF7A;
	s5 =	simm.s32 @!p2 $0x0  }
0x1d: {  	s5 =	simm.s32 @p1 $0x1;
	p0 =	seq.s32 s7, s2  }
0x1e: {  	s7 =	smul.u32 @!p0 $0xF7A, s2;
	p2 =	seq.s32 @!p0 s5, $0x0  }
0x1f: {  	s9 =	smul.u32 $0xF7A, s1;
	s8 =	simm.s32 @!p0 $0x1BF5;
	p2 =	por !p2, p0  }
0x20: {  	[sflag:s8] =	ssyncset.s32 @!p0 $0xFFFFF086;
	s6 =	sadd.s32 @!p0 s3, s7;
	s7 =	simm.s32 @!p0 $0x108  }
0x21: {  	s3 =	sadd.s32 s3, s9;
	s6 =	sadd.s32 @!p0 $0x88, s6;
	s7 =	simm.s32 @p2 $0x1082  }
0x22: {  	[simem:s7], [sflag:s8] =	dma.local @!p0 [hbm:s6], $0xF7A  }
0x23: {  	s9 =	sor.u32 $0xD0000000, s2;
	s6 =	simm.s32 $0x108;
	_ =	swait.ge @!p0 [sflag:s8], $0x0  }
0x24: {  	s3 =	sadd.s32 $0x88, s3;
	s6 =	simm.s32 @!p1 $0x1082;
	[sflag:s4] =	ssyncset.s32 $0xFFFFF086  }
0x25: {  	[simem:s6], [sflag:s4] =	dma.local [hbm:s3], $0xF7A  }
0x26: {  	[smem:$0x3F97] =	sst s1;
	(tag) =	ssettag s2;
	_ =	strace s9  }
0x27: {  	s1 =	sld [smem:$0x3FA7]  }
0x28: {  	s2 =	sld [smem:$0x3FA8]  }
0x29: {  	s4 =	sld [smem:$0x3FAA]  }
0x2a: {  	p0 =	seq.s32 s5, $0x0;
	s5 =	sld [smem:$0x3FAB]  }
0x2b: {  	s6 =	sld [smem:$0x3FAC]  }
0x2c: {  	s7 =	sld [smem:$0x3FAD]  }
0x2d: {  	s3 =	simm.s32 $0x108;
	s8 =	sld [smem:$0x3FAE]  }
0x2e: {  	s3 =	simm.s32 @!p0 $0x1082;
	s9 =	sld [smem:$0x3FAF]  }
0x2f: {  	lr =	sadd.s32 s0, s3;
	s0 =	sld [smem:$0x3FA6]  }
0x30: {  	s3 =	sld [smem:$0x3FA9]  }
0x31: {  	[smem:$0x3FB2] =	sst s10  }
0x32: {  	s10 =	sld [smem:$0x3FB0];
	_ =	sdelay $0x3  }
0x33: {  	p0 =	seq.s32 s10, $0x1;
	s10 =	sld [smem:$0x3FB2];
	_ =	sdelay $0x3  }
0x34: {  	[smem:$0x3FB2] =	sst s10  }
0x35: {  	s10 =	sld [smem:$0x3FB1];
	_ =	sdelay $0x3  }
0x36: {  	p1 =	seq.s32 s10, $0x1;
	s10 =	sld [smem:$0x3FB2];
	_ =	sdelay $0x3  }
0x37: {  	[smem:$0x3FB2] =	sst s10  }
0x38: {  	s10 =	sld [smem:$0x3FB3]  }
0x39: {  	_ = 	snop;
	(pc) =	sbr.ind lr, $3  }
0x3a: {  	_ = 	snop  }
0x3b: {  	_ = 	snop  }
0x3c: {  	p2 =	seq.s32 s10, $0x1;
	s10 =	sld [smem:$0x3FB2]  }
0x3d: {  	_ =	shalt  }
0x3e: {  	_ =	shalt  }
0x3f: {  	_ =	shalt  }
0x40: {  	_ =	shalt  }
0x41: {  	_ =	shalt  }
0x42: {  	_ =	shalt  }
0x43: {  	_ =	shalt  }
0x44: {  	_ =	shalt  }
0x45: {  	_ =	shalt  }
0x46: {  	_ =	shalt  }
0x47: {  	_ =	shalt  }
0x48: {  	_ =	shalt  }
0x49: {  	_ =	shalt  }
0x4a: {  	_ =	shalt  }
0x4b: {  	_ =	shalt  }
0x4c: {  	_ =	shalt  }
0x4d: {  	_ =	shalt  }
0x4e: {  	_ =	shalt  }
0x4f: {  	_ =	shalt  }
0x50: {  	_ =	shalt  }
0x51: {  	_ =	shalt  }
0x52: {  	_ =	shalt  }
0x53: {  	_ =	shalt  }
0x54: {  	_ =	shalt  }
0x55: {  	_ =	shalt  }
0x56: {  	_ =	shalt  }
0x57: {  	_ =	shalt  }
0x58: {  	_ =	shalt  }
0x59: {  	_ =	shalt  }
0x5a: {  	_ =	shalt  }
0x5b: {  	_ =	shalt  }
0x5c: {  	_ =	shalt  }
0x5d: {  	_ =	shalt  }
0x5e: {  	_ =	shalt  }
0x5f: {  	_ =	shalt  }
0x60: {  	_ =	shalt  }
0x61: {  	_ =	shalt  }
0x62: {  	_ =	shalt  }
0x63: {  	_ =	shalt  }
0x64: {  	_ =	shalt  }
0x65: {  	_ =	shalt  }
0x66: {  	_ =	shalt  }
0x67: {  	_ =	shalt  }
0x68: {  	_ =	shalt  }
0x69: {  	_ =	shalt  }
0x6a: {  	_ =	shalt  }
0x6b: {  	_ =	shalt  }
0x6c: {  	_ =	shalt  }
0x6d: {  	_ =	shalt  }
0x6e: {  	_ =	shalt  }
0x6f: {  	_ =	shalt  }
0x70: {  	_ =	shalt  }
0x71: {  	_ =	shalt  }
0x72: {  	_ =	shalt  }
0x73: {  	_ =	shalt  }
0x74: {  	_ =	shalt  }
0x75: {  	_ =	shalt  }
0x76: {  	_ =	shalt  }
0x77: {  	_ =	shalt  }
0x78: {  	_ =	shalt  }
0x79: {  	_ =	shalt  }
0x7a: {  	_ =	shalt  }
0x7b: {  	_ =	shalt  }
0x7c: {  	_ =	shalt  }
0x7d: {  	_ =	shalt  }
0x7e: {  	_ =	shalt  }
0x7f: {  	_ =	shalt  }
0x80: {  	_ =	shalt  }
0x81: {  	_ =	shalt  }
0x82: {  	_ =	shalt  }
0x83: {  	_ =	shalt  }
0x84: {  	_ =	shalt  }
0x85: {  	_ =	shalt  }
0x86: {  	_ =	shalt  }
0x87: {  	_ =	shalt  }
.Lfunc_end0:
.L_simem_size_0:
called_computation.2_lowered:
.L_overlay_start_0:
0x88: {  	s2 =	sld [smem:$0x3FD9]  }
0x89: {  	s3 =	sld [smem:$0x3FFE];
	_ =	sdelay $0x1  }
0x8a: {  	s1 =	srdreg.scid  }
0x8b: {  	s0 =	sand.u32 $0x1, s1  }
0x8c: {  	s16 =	sshll.u32 s0, $0xA;
	s2 =	sadd.s32 s3, s2  }
0x8d: {  	s2 =	sadd.s32 s2, s16  }
0x8e: {  	[smem:$0x3FBE] =	sst s2  }
0x8f: {  	_ = 	snop  }
0x90: {  	(tm) =	ssettm $0x1  }
0x91: {  	s17 =	sld [smem:$0x3FFB];
	_ =	sdelay $0x3  }
0x92: {  	_ =	strace s17  }
0x93: {  	s2 =	sld [smem:$0x3FFC];
	_ =	sdelay $0x3  }
0x94: {  	_ =	strace s2  }
0x95: {  	s2 =	sld [smem:$0x3FFD];
	_ =	sdelay $0x3  }
0x96: {  	_ =	strace s2  }
0x97: {  	_ =	strace $0x8FFFFFFF  }
0x98: {  	s18 =	sld [smem:$0x3FDB];
	_ =	sdelay $0x1  }
0x99: {  	s19 =	simm.s32 $_scs_section_size  }
0x9a: {  	s4 =	simm.s32 $_size__tile_overlayer_lowered;
	s5 =	simm.s32 $_tile_overlayer_lowered  }
0x9b: {  	s22 =	simm.s32 $0x1BFF;
	s21 =	sshll.u32 s5, $0x1;
	s2 =	sadd.s32 s19, s18  }
0x9c: {  	s6 =	simm.s32 $0x0;
	s20 =	sshll.u32 s4, $0x1;
	s4 =	sadd.s32 s21, s2  }
0x9d: {  	[timem:s6], [sflag:s22] =	dma.local [hbm:s4], s20  }
0x9e: {  	_ =	swait.ge [sflag:s22], s20  }
0x9f: {  	s3 =	ssub.s32 $0x0, s20;
	[sflag:s22] =	ssyncset.done $0x0  }
0xa0: {  	[sflag:s22] =	ssyncadd.s32 s3;
	_ =	sdelay $0x1  }
0xa1: {  	s23 =	simm.s32 $0x1B8B  }
0xa2: {  	_ =	swait.ge [sflag:s23], $0x1  }
0xa3: {  	[sflag:s23] =	ssyncset.done $0x0  }
0xa4: {  	s25 =	simm.s32 $0x1B8E;
	s24 =	sld [smem:$0x3FFE];
	[sflag:s23] =	ssyncadd.s32 $0xFFFFFFFF  }
0xa5: {  	s26 =	simm.s32 $execute0_lowered;
	[smem:$0x3FD2] =	sst s25  }
0xa6: {  	s4 =	sshll.u32 s26, $0x1;
	_ =	strace $0x8000004C;
	[dreg:$0x1] =	wrdreg $0xFFFFFFFF  }
0xa7: {  	s28 =	simm.s32 $_size_execute0_lowered;
	s2 =	sadd.s32 s2, s4;
	[dreg:$0x0] =	wrdreg $0x0  }
0xa8: {  	s4 =	sshll.u32 s28, $0x1;
	[dreg:$0x2] =	wrdreg s2  }
0xa9: {  	[dreg:$0x3] =	wrdreg s4  }
0xaa: {  	[dreg:$0x4] =	wrdreg $0xC0  }
0xab: {  	_ =	task [dreg:s6], $0x5FFFF  }
0xac: {  	[dreg:$0x1] =	wrdreg $0xFFFFFFFF  }
0xad: {  	[dreg:$0x0] =	wrdreg $0x60  }
0xae: {  	[dreg:$0x2] =	wrdreg s24  }
0xaf: {  	[dreg:$0x3] =	wrdreg $0xB7800  }
0xb0: {  	[dreg:$0x4] =	wrdreg $0x9  }
0xb1: {  	_ =	task.clear_ibuf [dreg:s6], $0x5FFFF;
	_ =	strace $0x9000004C  }
0xb2: {  	s29 =	simm.s32 $0x9;
	_ =	strace $0x8000004E  }
0xb3: {  	_ =	swait.ge [sflag:s29], $0x1  }
0xb4: {  	[sflag:s29] =	ssyncadd.s32 $0xFFFFFFFF  }
0xb5: {  	_ =	strace $0x9000004E  }
0xb6: {  	_ =	sfence  }
0xb7: {  	s30 =	sld [smem:$0x0];
	_ =	sdelay $0x2  }
0xb8: {  	s31 =	sshll.u32 s1, $0xD;
	s1 =	sshrl.u32 s1, $0x2  }
0xb9: {  	s3 =	sand.u32 $0x4000, s31;
	s1 =	sadd.s32 s1, s30  }
0xba: {  	s0 =	sor.u32 s3, s0;
	s1 =	sshll.u32 s1, $0x11  }
0xbb: {  	s0 =	sor.u32 s1, s0  }
0xbc: {  	s0 =	sadd.s32 $0x8F2B, s0  }
0xbd: {  	[sflag:s0] =	ssyncadd.remote.s32 $0x1  }
0xbe: {  	_ =	sfence.sel $0xFFFF  }
0xbf: {  	[dreg:$0x0] =	wrdreg $0xFFFFFFFF;
	(pc) =	sbr.abs _section_cstart, $3  }
0xc0: {  	[dreg:$0x1] =	wrdreg $0xFFFFFFFF  }
0xc1: {  	_ =	task.clear_ibuf [dreg:s6], $0x2FFFF;
	_ =	strace $0x9FFFFFFF  }
0xc2: {  	(tm) =	ssettm $0x7FFFFFFF  }
0xc3: {  	_ =	shalt  }
tec
execute0_lowered:
.L_overlay_start_1:
0x0: {  	(tag) =	ssettag $0x1  }
0x1: {  	s0 =	srdreg.scid;
	s1 =	rddreg [dreg:$0x0]  }
0x2: {  	s2 =	rddreg [dreg:$0x1];
	s10 =	stileid.u32  }
0x3: {  	s3 =	simm.s32 $0x0;
	s28 =	simm.s32 $0x3;
	s30 =	simm.s32 $0x40  }
0x4: {  	s31 =	simm.s32 $0x7780;
	s29 =	simm.s32 $0x2;
	s8 =	smul.u32 $0x50000, s10  }
0x5: {  	s0 =	sand.u32 $0x1, s0;
	[smem:$0x7FF] =	sst s3;
	s26 =	smul.u32 $0x14000, s10  }
0x6: {  	p0 =	seq.s32 s10, $0xF;
	s4 =	sshll.u32 s0, $0x4;
	_ =	strace $0x8000004D  }
0x7: {  	s7 =	ssub.s32 $0x2, s0;
	s0 =	smul.u32 $0x138800, s0;
	s4 =	sor.u32 s10, s4  }
0x8: {  	s9 =	sshrl.u32 s7, $0x1;
	s20 =	sshrl.u32 s8, $0x2;
	s5 =	smul.u32 $0x4E8, s4  }
0x9: {  	s6 =	smul.u32 $0xA00, s4;
	s9 =	ssub.s32 s7, s9;
	s7 =	sadd.s32 s20, s2  }
0xa: {  	s4 =	sadd.s32 $0x35800, s1;
	s22 =	sadd.s32 $0x1400, s7;
	s23 =	sadd.s32 $0x2800, s7  }
0xb: {  	s24 =	sadd.s32 $0x3C00, s7;
	s25 =	sadd.s32 $0x5000, s7;
	s12 =	sadd.s32 $0x7800, s7  }
0xc: {  	s13 =	sadd.s32 $0x8C00, s7;
	s14 =	sadd.s32 $0xA000, s7;
	s15 =	sadd.s32 $0xB400, s7  }
0xd: {  	s16 =	sadd.s32 $0xC800, s7;
	s17 =	sadd.s32 $0xDC00, s7;
	[dreg:$0x5] =	wrdreg s22  }
0xe: {  	s18 =	sadd.s32 $0xF000, s7;
	s19 =	sadd.s32 $0x10400, s7;
	[dreg:$0x6] =	wrdreg s23  }
0xf: {  	s20 =	sadd.s32 $0x11800, s7;
	s5 =	sadd.s32 s5, s1;
	[dreg:$0x7] =	wrdreg s24  }
0x10: {  	s6 =	sadd.s32 s6, s1;
	s1 =	sadd.s32 $0x5CA00, s1;
	[dreg:$0x8] =	wrdreg s25  }
0x11: {  	s22 =	sadd.s32 $0x12C00, s7;
	s23 =	sadd.s32 $0x12C000, s2;
	s5 =	sadd.s32 $0x17A00, s5  }
0x12: {  	s25 =	smax.u32 s9, $0x1;
	s21 =	sadd.s32 $0x21800, s6;
	[dreg:$0x3] =	wrdreg s5  }
0x13: {  	s6 =	sadd.s32 $0x12D400, s2;
	s12 =	smov.u32 @p0 s23;
	[dreg:$0x4] =	wrdreg s21  }
0x14: {  	s5 =	sadd.s32 s26, s0;
	s0 =	sshrl.u32 s0, $0x3;
	s13 =	smov.u32 @p0 s6  }
0x15: {  	s26 =	sadd.s32 $0x6400, s7;
	s5 =	sshrl.u32 s5, $0x3;
	s0 =	sadd.s32 s1, s0  }
0x16: {  	s21 =	sadd.s32 s1, s5;
	s1 =	sadd.s32 $0x12E800, s2;
	s5 =	sadd.s32 $0x12FC00, s2  }
0x17: {  	s24 =	sadd.s32 $0x25800, s0;
	s0 =	simm.s32 $0x9780;
	s14 =	smov.u32 @p0 s1  }
0x18: {  	s1 =	sadd.s32 $0x131000, s2;
	s15 =	smov.u32 @p0 s5;
	s5 =	sadd.s32 $0x132400, s2  }
0x19: {  	s16 =	smov.u32 @p0 s1;
	s1 =	sadd.s32 $0x133800, s2;
	s17 =	smov.u32 @p0 s5  }
0x1a: {  	s5 =	sadd.s32 $0x134C00, s2;
	s18 =	smov.u32 @p0 s1;
	s1 =	sadd.s32 $0x136000, s2  }
0x1b: {  	s19 =	smov.u32 @p0 s5;
	s20 =	smov.u32 @p0 s1;
	s1 =	sadd.s32 $0x137400, s2  }
0x1c: {  	v0 =	vimm.f32 $0.0e+00;
	s5 =	simm.s32 $0x0;
	s22 =	smov.u32 @p0 s1;
	s1 =	simm.s32 $0x1  }
.LBB2_1:
0x1d: {  	s6 =	rddreg [dreg:$0x3]  }
0x1e: {  	[tilespmem:s3], [sflag:$0x3] =	stream.linear.gather [hbm4b:s6+s3], $0x2740, $0x38;
	[tilespmem:$0x1F040] =	vst v63  }
0x1f: {  	_ =	swait.ge [sflag:s28], $0x2740  }
0x20: {  	[sflag:s28] =	ssyncset.done $0x0  }
0x21: {  	s8 =	simm.s32 $0x2780;
	s9 =	rddreg [dreg:$0x4];
	[sflag:s28] =	ssyncadd.s32 $0xFFFFD8C0  }
0x22: {  	[tilespmem:s8], [sflag:$0x3] =	stream.linear.gather [hbm4b:s9+s3], $0x4E80, $0x38;
	[tilespmem:$0x1F040] =	vst v63  }
0x23: {  	s10 =	sand.u32 $0x7E00, s3;
	s11 =	sand.u32 $0x70, s3;
	_ =	swait.ge [sflag:s28], $0x4E80  }
0x24: {  	s6 =	simm.s32 $0x40;
	s9 =	sshrl.u32 s10, $0x2;
	[sflag:s28] =	ssyncset.done $0x0  }
0x25: {  	s8 =	simm.s32 $0x0;
	s9 =	sor.u32 s11, s9;
	[sflag:s28] =	ssyncadd.s32 $0xFFFFB180  }
0x26: {  	[tilespmem:s31], [sflag:$0x1] =	stream.indirect.gather [hbm4b:s4+s30], $0x80, s3, s30, $0xb8;
	[tilespmem:$0x1F040] =	vst v63  }
.LBB2_2:
0x27: {  	p1 =	sne.s32 s6, $0x4FC0  }
0x28: {  	[tilespmem:s9+$0x9780] =	vst v0;
	s8 =	sadd.s32 $0x10, s8;
	s9 =	smov.u32 s6;
	s6 =	sadd.s32 $0x40, s6  }
.Ltmp0:
0x29: {  	(pc) =	sbr.rel @p1 .LBB2_2-.Ltmp0, $4  }
0x2a: {  	_ = 	snop  }
0x2b: {  	s9 =	sand.u32 $0x7E00, s9  }
0x2c: {  	s10 =	sand.u32 $0x70, s8;
	s9 =	sshrl.u32 s9, $0x2  }
0x2d: {  	s9 =	sor.u32 s10, s9  }
0x2e: {  	[tilespmem:s9+$0x9780] =	vst v0;
	s6 =	simm.s32 @!p0 $0x9780;
	s8 =	simm.s32 @!p0 $0x3  }
0x2f: {  	[spmem:s7] =	stream.linear.scatter @!p0 [tilespmem:s6], [sflag:$0x3], $0x1400, $0x38;
	[tilespmem:$0x1F040] =	vst v63  }
0x30: {  	_ =	swait.ge @!p0 [sflag:s8], $0x1400  }
0x31: {  	[sflag:s8] =	ssyncset.done @!p0 $0x0  }
0x32: {  	s9 =	rddreg [dreg:$0x5];
	[sflag:s8] =	ssyncadd.s32 @!p0 $0xFFFFEC00  }
0x33: {  	[spmem:s9] =	stream.linear.scatter @!p0 [tilespmem:s6], [sflag:$0x3], $0x1400, $0x38;
	[tilespmem:$0x1F040] =	vst v63  }
0x34: {  	_ =	swait.ge @!p0 [sflag:s8], $0x1400  }
0x35: {  	[sflag:s8] =	ssyncset.done @!p0 $0x0  }
0x36: {  	s9 =	rddreg [dreg:$0x6];
	[sflag:s8] =	ssyncadd.s32 @!p0 $0xFFFFEC00  }
0x37: {  	[spmem:s9] =	stream.linear.scatter @!p0 [tilespmem:s6], [sflag:$0x3], $0x1400, $0x38;
	[tilespmem:$0x1F040] =	vst v63  }
0x38: {  	_ =	swait.ge @!p0 [sflag:s8], $0x1400  }
0x39: {  	[sflag:s8] =	ssyncset.done @!p0 $0x0  }
0x3a: {  	s9 =	rddreg [dreg:$0x7];
	[sflag:s8] =	ssyncadd.s32 @!p0 $0xFFFFEC00  }
0x3b: {  	[spmem:s9] =	stream.linear.scatter @!p0 [tilespmem:s6], [sflag:$0x3], $0x1400, $0x38;
	[tilespmem:$0x1F040] =	vst v63  }
0x3c: {  	_ =	swait.ge @!p0 [sflag:s8], $0x1400  }
0x3d: {  	[sflag:s8] =	ssyncset.done @!p0 $0x0  }
0x3e: {  	s9 =	rddreg [dreg:$0x8];
	[sflag:s8] =	ssyncadd.s32 @!p0 $0xFFFFEC00  }
0x3f: {  	[spmem:s9] =	stream.linear.scatter @!p0 [tilespmem:s6], [sflag:$0x3], $0x1400, $0x38;
	[tilespmem:$0x1F040] =	vst v63  }
0x40: {  	_ =	swait.ge @!p0 [sflag:s8], $0x1400  }
0x41: {  	[sflag:s8] =	ssyncset.done @!p0 $0x0  }
0x42: {  	[sflag:s8] =	ssyncadd.s32 @!p0 $0xFFFFEC00  }
0x43: {  	[spmem:s26] =	stream.linear.scatter @!p0 [tilespmem:s6], [sflag:$0x3], $0x1400, $0x38;
	[tilespmem:$0x1F040] =	vst v63  }
0x44: {  	_ =	swait.ge @!p0 [sflag:s8], $0x1400  }
0x45: {  	[sflag:s8] =	ssyncset.done @!p0 $0x0  }
0x46: {  	[sflag:s8] =	ssyncadd.s32 @!p0 $0xFFFFEC00  }
0x47: {  	[spmem:s12] =	stream.linear.scatter [tilespmem:s0], [sflag:$0x3], $0x1400, $0x38;
	[tilespmem:$0x1F040] =	vst v63  }
0x48: {  	_ =	swait.ge [sflag:s28], $0x1400  }
0x49: {  	[sflag:s28] =	ssyncset.done $0x0  }
0x4a: {  	[sflag:s28] =	ssyncadd.s32 $0xFFFFEC00  }
0x4b: {  	[spmem:s13] =	stream.linear.scatter [tilespmem:s0], [sflag:$0x3], $0x1400, $0x38;
	[tilespmem:$0x1F040] =	vst v63  }
0x4c: {  	_ =	swait.ge [sflag:s28], $0x1400  }
0x4d: {  	[sflag:s28] =	ssyncset.done $0x0  }
0x4e: {  	[sflag:s28] =	ssyncadd.s32 $0xFFFFEC00  }
0x4f: {  	[spmem:s14] =	stream.linear.scatter [tilespmem:s0], [sflag:$0x3], $0x1400, $0x38;
	[tilespmem:$0x1F040] =	vst v63  }
0x50: {  	_ =	swait.ge [sflag:s28], $0x1400  }
0x51: {  	[sflag:s28] =	ssyncset.done $0x0  }
0x52: {  	[sflag:s28] =	ssyncadd.s32 $0xFFFFEC00  }
0x53: {  	[spmem:s15] =	stream.linear.scatter [tilespmem:s0], [sflag:$0x3], $0x1400, $0x38;
	[tilespmem:$0x1F040] =	vst v63  }
0x54: {  	_ =	swait.ge [sflag:s28], $0x1400  }
0x55: {  	[sflag:s28] =	ssyncset.done $0x0  }
0x56: {  	[sflag:s28] =	ssyncadd.s32 $0xFFFFEC00  }
0x57: {  	[spmem:s16] =	stream.linear.scatter [tilespmem:s0], [sflag:$0x3], $0x1400, $0x38;
	[tilespmem:$0x1F040] =	vst v63  }
0x58: {  	_ =	swait.ge [sflag:s28], $0x1400  }
0x59: {  	[sflag:s28] =	ssyncset.done $0x0  }
0x5a: {  	[sflag:s28] =	ssyncadd.s32 $0xFFFFEC00  }
0x5b: {  	[spmem:s17] =	stream.linear.scatter [tilespmem:s0], [sflag:$0x3], $0x1400, $0x38;
	[tilespmem:$0x1F040] =	vst v63  }
0x5c: {  	_ =	swait.ge [sflag:s28], $0x1400  }
0x5d: {  	[sflag:s28] =	ssyncset.done $0x0  }
0x5e: {  	[sflag:s28] =	ssyncadd.s32 $0xFFFFEC00  }
0x5f: {  	[spmem:s18] =	stream.linear.scatter [tilespmem:s0], [sflag:$0x3], $0x1400, $0x38;
	[tilespmem:$0x1F040] =	vst v63  }
0x60: {  	_ =	swait.ge [sflag:s28], $0x1400  }
0x61: {  	[sflag:s28] =	ssyncset.done $0x0  }
0x62: {  	[sflag:s28] =	ssyncadd.s32 $0xFFFFEC00  }
0x63: {  	[spmem:s19] =	stream.linear.scatter [tilespmem:s0], [sflag:$0x3], $0x1400, $0x38;
	[tilespmem:$0x1F040] =	vst v63  }
0x64: {  	_ =	swait.ge [sflag:s28], $0x1400  }
0x65: {  	[sflag:s28] =	ssyncset.done $0x0  }
0x66: {  	[sflag:s28] =	ssyncadd.s32 $0xFFFFEC00  }
0x67: {  	[spmem:s20] =	stream.linear.scatter [tilespmem:s0], [sflag:$0x3], $0x1400, $0x38;
	[tilespmem:$0x1F040] =	vst v63  }
0x68: {  	_ =	swait.ge [sflag:s28], $0x1400  }
0x69: {  	[sflag:s28] =	ssyncset.done $0x0  }
0x6a: {  	[sflag:s28] =	ssyncadd.s32 $0xFFFFEC00  }
0x6b: {  	[spmem:s22] =	stream.linear.scatter [tilespmem:s0], [sflag:$0x3], $0x1400, $0x38;
	[tilespmem:$0x1F040] =	vst v63  }
0x6c: {  	_ =	swait.ge [sflag:s28], $0x1400  }
0x6d: {  	[sflag:s28] =	ssyncset.done $0x0  }
0x6e: {  	[sflag:s28] =	ssyncadd.s32 $0xFFFFEC00  }
0x6f: {  	s8 =	simm.s32 $0x40;
	[bflag:$0x0] =	sbarrier.arrive $0xFFFF  }
0x70: {  	[tilespmem:s0], [sflag:$0x2] =	stream.indirect.gather [hbm4b:s4+s30], $0x80, s8, s30, $0xb8;
	[tilespmem:$0x1F040] =	vst v63  }
0x71: {  	_ =	swait.ge [sflag:s1], $0x2000  }
0x72: {  	[sflag:s1] =	ssyncset.done $0x0  }
0x73: {  	s9 =	simm.s32 $0x2780;
	[sflag:s1] =	ssyncadd.s32 $0xFFFFE000  }
0x74: {  	[spmem:s2] =	stream.indirect.scatter.add.f32 [tilespmem:s31], [sflag:$0x3], $0x80, s9, s30, $0xb8;
	[tilespmem:$0x1F040] =	vst v63  }
0x75: {  	_ =	swait.ge [sflag:s28], $0x2000  }
0x76: {  	[sflag:s28] =	ssyncset.done $0x0  }
0x77: {  	s10 =	simm.s32 $0x80;
	[sflag:s28] =	ssyncadd.s32 $0xFFFFE000  }
0x78: {  	[tilespmem:s31], [sflag:$0x1] =	stream.indirect.gather [hbm4b:s4+s30], $0x80, s10, s30, $0xb8;
	[tilespmem:$0x1F040] =	vst v63  }
0x79: {  	_ =	swait.ge [sflag:s29], $0x2000  }
0x7a: {  	[sflag:s29] =	ssyncset.done $0x0  }
0x7b: {  	s11 =	simm.s32 $0x2800;
	[sflag:s29] =	ssyncadd.s32 $0xFFFFE000  }
0x7c: {  	[spmem:s2] =	stream.indirect.scatter.add.f32 [tilespmem:s0], [sflag:$0x3], $0x80, s11, s30, $0xb8;
	[tilespmem:$0x1F040] =	vst v63  }
0x7d: {  	s6 =	simm.s32 $0x100;
	_ =	swait.ge [sflag:s28], $0x2000  }
0x7e: {  	s8 =	simm.s32 $0x400;
	s9 =	simm.s32 $0x800;
	[sflag:s28] =	ssyncset.done $0x0  }
.LBB2_4:
0x7f: {  	p1 =	sne.s32 s9, $0x13400;
	s10 =	sadd.s32 $0xFFFFFFC0, s6;
	[sflag:s28] =	ssyncadd.s32 $0xFFFFE000  }
0x80: {  	[tilespmem:s0], [sflag:$0x2] =	stream.indirect.gather [hbm4b:s4+s30], $0x80, s10, s30, $0xb8;
	[tilespmem:$0x1F040] =	vst v63  }
0x81: {  	s10 =	smov.u32 s9;
	s9 =	sadd.s32 $0x400, s9;
	_ =	swait.ge [sflag:s1], $0x2000  }
0x82: {  	s11 =	sshra.s32 s8, $0x2;
	s8 =	smov.u32 s10;
	[sflag:s1] =	ssyncset.done $0x0  }
0x83: {  	s10 =	sadd.s32 $0x2780, s11;
	[sflag:s1] =	ssyncadd.s32 $0xFFFFE000  }
0x84: {  	[spmem:s2] =	stream.indirect.scatter.add.f32 [tilespmem:s31], [sflag:$0x3], $0x80, s10, s30, $0xb8;
	[tilespmem:$0x1F040] =	vst v63  }
0x85: {  	_ =	swait.ge [sflag:s28], $0x2000  }
0x86: {  	[sflag:s28] =	ssyncset.done $0x0  }
0x87: {  	[sflag:s28] =	ssyncadd.s32 $0xFFFFE000  }
0x88: {  	[tilespmem:s31], [sflag:$0x1] =	stream.indirect.gather [hbm4b:s4+s30], $0x80, s6, s30, $0xb8;
	[tilespmem:$0x1F040] =	vst v63  }
0x89: {  	_ =	swait.ge [sflag:s29], $0x2000  }
.Ltmp1:
0x8a: {  	[sflag:s29] =	ssyncset.done $0x0;
	(pc) =	sbr.rel @p1 .LBB2_4-.Ltmp1, $4  }
0x8b: {  	s10 =	sadd.s32 $0x2800, s11;
	[sflag:s29] =	ssyncadd.s32 $0xFFFFE000  }
0x8c: {  	[spmem:s2] =	stream.indirect.scatter.add.f32 [tilespmem:s0], [sflag:$0x3], $0x80, s10, s30, $0xb8;
	[tilespmem:$0x1F040] =	vst v63  }
0x8d: {  	_ =	swait.ge [sflag:s28], $0x2000  }
0x8e: {  	s6 =	sadd.s32 $0x80, s6;
	[sflag:s28] =	ssyncset.done $0x0  }
0x8f: {  	s9 =	sadd.s32 $0xFFFFFFC0, s6;
	[sflag:s28] =	ssyncadd.s32 $0xFFFFE000  }
0x90: {  	[tilespmem:s0], [sflag:$0x2] =	stream.indirect.gather [hbm4b:s4+s30], $0x80, s9, s30, $0xb8;
	[tilespmem:$0x1F040] =	vst v63  }
0x91: {  	_ =	swait.ge [sflag:s1], $0x2000  }
0x92: {  	s8 =	sshra.s32 s8, $0x2;
	[sflag:s1] =	ssyncset.done $0x0  }
0x93: {  	s11 =	sadd.s32 $0x2780, s8;
	[sflag:s1] =	ssyncadd.s32 $0xFFFFE000  }
0x94: {  	[spmem:s2] =	stream.indirect.scatter.add.f32 [tilespmem:s31], [sflag:$0x3], $0x80, s11, s30, $0xb8;
	[tilespmem:$0x1F040] =	vst v63  }
0x95: {  	_ =	swait.ge [sflag:s28], $0x2000  }
0x96: {  	[sflag:s28] =	ssyncset.done $0x0  }
0x97: {  	[sflag:s28] =	ssyncadd.s32 $0xFFFFE000  }
0x98: {  	[tilespmem:s31], [sflag:$0x1] =	stream.indirect.gather [hbm4b:s4+s30], $0x80, s6, s30, $0xb8;
	[tilespmem:$0x1F040] =	vst v63  }
0x99: {  	_ =	swait.ge [sflag:s29], $0x2000  }
0x9a: {  	[sflag:s29] =	ssyncset.done $0x0  }
0x9b: {  	s10 =	sadd.s32 $0x2800, s8;
	[sflag:s29] =	ssyncadd.s32 $0xFFFFE000  }
0x9c: {  	[spmem:s2] =	stream.indirect.scatter.add.f32 [tilespmem:s0], [sflag:$0x3], $0x80, s10, s30, $0xb8;
	[tilespmem:$0x1F040] =	vst v63  }
0x9d: {  	_ =	swait.ge [sflag:s28], $0x2000  }
0x9e: {  	[sflag:s28] =	ssyncset.done $0x0  }
0x9f: {  	[sflag:s28] =	ssyncadd.s32 $0xFFFFE000  }
0xa0: {  	_ =	swait.ge [sflag:s1], $0x2000  }
0xa1: {  	[sflag:s1] =	ssyncset.done $0x0  }
0xa2: {  	s11 =	simm.s32 $0x7580;
	[sflag:s1] =	ssyncadd.s32 $0xFFFFE000  }
0xa3: {  	[spmem:s2] =	stream.indirect.scatter.add.f32 [tilespmem:s31], [sflag:$0x3], $0x80, s11, s30, $0xb8;
	[tilespmem:$0x1F040] =	vst v63  }
0xa4: {  	_ =	swait.ge [sflag:s28], $0x2000  }
0xa5: {  	[sflag:s28] =	ssyncset.done $0x0  }
0xa6: {  	[sflag:s28] =	ssyncadd.s32 $0xFFFFE000  }
0xa7: {  	s8 =	simm.s32 @p0 $0x1FC3;
	s6 =	sshrl.u32 @p0 s23, $0x3;
	[bflag:$0x0] =	sbarrier.arrive $0xFFFF  }
0xa8: {  	[hbm:s24], [sflag:s8] =	dma.local @p0 [spmem:s6], $0x1900  }
0xa9: {  	s6 =	simm.s32 @p0 $0x3  }
0xaa: {  	s5 =	sadd.s32 $0x1, s5;
	s8 =	stileid.u32;
	_ =	swait.ge @p0 [sflag:s6], $0x1900  }
0xab: {  	p1 =	sne.s32 s5, s25;
	s8 =	sshll.u32 @!p0 s8, $0x6;
	[sflag:s6] =	ssyncset.done @p0 $0x0  }
0xac: {  	[sflag:s6] =	ssyncadd.s32 @p0 $0xFFFFE700;
	s6 =	sor.u32 @!p0 $0x1C03, s8;
	s8 =	sshrl.u32 @!p0 s7, $0x3  }
0xad: {  	[hbm:s21], [sflag:s6] =	dma.local @!p0 [spmem:s8], $0x2800  }
.Ltmp2:
0xae: {  	_ = 	snop;
	(pc) =	sbr.rel @p1 .LBB2_1-.Ltmp2, $4  }
0xaf: {  	s6 =	simm.s32 @!p0 $0x3  }
0xb0: {  	_ =	swait.ge @!p0 [sflag:s6], $0x2800  }
0xb1: {  	[sflag:s6] =	ssyncset.done @!p0 $0x0  }
0xb2: {  	[sflag:s6] =	ssyncadd.s32 @!p0 $0xFFFFD800  }
0xb3: {  	_ =	sfence.sel $0x180000  }
0xb4: {  	[bflag:$0x0] =	sbarrier.arrive $0xFFFF  }
0xb5: {  	_ =	strace $0x9000004D  }
0xb6: {  	s0 =	stileid.u32;
	[bflag:$0x2] =	sbarrier.arrive $0xFFFF  }
0xb7: {  	p0 =	sne.s32 s0, $0x0;
	s0 =	rddreg [dreg:$0x2]  }
0xb8: {  	s0 =	sadd.s32 @!p0 $0x100000, s0  }
0xb9: {  	[sflag:s0] =	ssyncadd.tile.s32 @!p0 $0x1;
	_ =	shalt  }
.Lfunc_end2:
_tile_overlayer_lowered:
.L_overlay_start_2:
0xba: {  	(tag) =	ssettag $0x2  }
0xbb: {  	s0 =	rddreg [dreg:$0x0];
	s2 =	stileid.u32  }
0xbc: {  	s1 =	rddreg [dreg:$0x1];
	p0 =	sne.s32 s2, $0x0  }
0xbd: {  	s3 =	rddreg [dreg:$0x2];
	[bflag:$0x3] =	sbarrier.arrive $0xFFFF;
	s2 =	simm.s32 @!p0 $0x1C03  }
0xbe: {  	[timem:s3], [sflag:s2] =	dma.local @!p0 [hbm:s0], s1  }
0xbf: {  	s0 =	simm.s32 @!p0 $0x3  }
0xc0: {  	_ =	swait.ge @!p0 [sflag:s0], s1  }
0xc1: {  	s1 =	ssub.s32 @!p0 $0x0, s1;
	[sflag:s0] =	ssyncset.done @!p0 $0x0  }
0xc2: {  	[sflag:s0] =	ssyncadd.s32 @!p0 s1  }
0xc3: {  	[bflag:$0x3] =	sbarrier.arrive $0xFFFF  }
0xc4: {  	_ =	shalt  }

// kernel: kernel.19.cloned.1.call-start
scs
__scs_entry_jumppad:
0x0: {  	(pc) =	sbr.rel $0x88, $3  }
0x1: {  	(tag) =	ssettag $0x0;
	lr =	simm.s32 $0x1  }
0x2: {  	[smem:$0x3F97] =	sst lr;
	_ =	strace $0xD0000000  }
0x3: {  	_ = 	snop  }
0x4: {  	_ = 	snop  }
0x5: {  	_ = 	snop  }
0x6: {  	_ = 	snop  }
0x7: {  	_ = 	snop  }
__scs_overlays_trampoline_lowered:
0x8: {  	[smem:$0x3FA6] =	sst s0  }
0x9: {  	[smem:$0x3FA7] =	sst s1  }
0xa: {  	[smem:$0x3FA8] =	sst s2  }
0xb: {  	[smem:$0x3FA9] =	sst s3  }
0xc: {  	[smem:$0x3FAA] =	sst s4  }
0xd: {  	[smem:$0x3FAB] =	sst s5  }
0xe: {  	[smem:$0x3FAC] =	sst s6  }
0xf: {  	[smem:$0x3FAD] =	sst s7  }
0x10: {  	[smem:$0x3FAE] =	sst s8  }
0x11: {  	[smem:$0x3FAF] =	sst s9;
	s0 =	simm.s32 @!p0 $0x0  }
0x12: {  	s1 =	sld [smem:$0x3F95];
	s0 =	simm.s32 @p0 $0x1  }
0x13: {  	[smem:$0x3FB0] =	sst s0;
	s0 =	simm.s32 @!p1 $0x0  }
0x14: {  	s2 =	sld [smem:$0x3F94];
	s0 =	simm.s32 @p1 $0x1  }
0x15: {  	[smem:$0x3FB1] =	sst s0;
	s0 =	simm.s32 @!p2 $0x0  }
0x16: {  	s3 =	sld [smem:$0x3FDB];
	s0 =	simm.s32 @p2 $0x1  }
0x17: {  	s4 =	simm.s32 $0x1BF5;
	[smem:$0x3FB3] =	sst s0  }
0x18: {  	s0 =	sld [smem:$0x3F96];
	_ =	swait.ge [sflag:s4], $0x0  }
0x19: {  	s7 =	sld [smem:$0x3F97]  }
0x1a: {  	s8 =	sadd.s32 $0xFFFFE003, lr  }
0x1b: {  	s9 =	sadd.s32 $0xFFFFFEF7, lr;
	s5 =	simm.s32 $0xFFFFFFFF;
	p2 =	slt.u32 s8, $0xFFFFF086  }
0x1c: {  	p1 =	slt.u32 s9, $0xF7A;
	s5 =	simm.s32 @!p2 $0x0  }
0x1d: {  	s5 =	simm.s32 @p1 $0x1;
	p0 =	seq.s32 s7, s2  }
0x1e: {  	s7 =	smul.u32 @!p0 $0xF7A, s2;
	p2 =	seq.s32 @!p0 s5, $0x0  }
0x1f: {  	s9 =	smul.u32 $0xF7A, s1;
	s8 =	simm.s32 @!p0 $0x1BF5;
	p2 =	por !p2, p0  }
0x20: {  	[sflag:s8] =	ssyncset.s32 @!p0 $0xFFFFF086;
	s6 =	sadd.s32 @!p0 s3, s7;
	s7 =	simm.s32 @!p0 $0x108  }
0x21: {  	s3 =	sadd.s32 s3, s9;
	s6 =	sadd.s32 @!p0 $0x88, s6;
	s7 =	simm.s32 @p2 $0x1082  }
0x22: {  	[simem:s7], [sflag:s8] =	dma.local @!p0 [hbm:s6], $0xF7A  }
0x23: {  	s9 =	sor.u32 $0xD0000000, s2;
	s6 =	simm.s32 $0x108;
	_ =	swait.ge @!p0 [sflag:s8], $0x0  }
0x24: {  	s3 =	sadd.s32 $0x88, s3;
	s6 =	simm.s32 @!p1 $0x1082;
	[sflag:s4] =	ssyncset.s32 $0xFFFFF086  }
0x25: {  	[simem:s6], [sflag:s4] =	dma.local [hbm:s3], $0xF7A  }
0x26: {  	[smem:$0x3F97] =	sst s1;
	(tag) =	ssettag s2;
	_ =	strace s9  }
0x27: {  	s1 =	sld [smem:$0x3FA7]  }
0x28: {  	s2 =	sld [smem:$0x3FA8]  }
0x29: {  	s4 =	sld [smem:$0x3FAA]  }
0x2a: {  	p0 =	seq.s32 s5, $0x0;
	s5 =	sld [smem:$0x3FAB]  }
0x2b: {  	s6 =	sld [smem:$0x3FAC]  }
0x2c: {  	s7 =	sld [smem:$0x3FAD]  }
0x2d: {  	s3 =	simm.s32 $0x108;
	s8 =	sld [smem:$0x3FAE]  }
0x2e: {  	s3 =	simm.s32 @!p0 $0x1082;
	s9 =	sld [smem:$0x3FAF]  }
0x2f: {  	lr =	sadd.s32 s0, s3;
	s0 =	sld [smem:$0x3FA6]  }
0x30: {  	s3 =	sld [smem:$0x3FA9]  }
0x31: {  	[smem:$0x3FB2] =	sst s10  }
0x32: {  	s10 =	sld [smem:$0x3FB0];
	_ =	sdelay $0x3  }
0x33: {  	p0 =	seq.s32 s10, $0x1;
	s10 =	sld [smem:$0x3FB2];
	_ =	sdelay $0x3  }
0x34: {  	[smem:$0x3FB2] =	sst s10  }
0x35: {  	s10 =	sld [smem:$0x3FB1];
	_ =	sdelay $0x3  }
0x36: {  	p1 =	seq.s32 s10, $0x1;
	s10 =	sld [smem:$0x3FB2];
	_ =	sdelay $0x3  }
0x37: {  	[smem:$0x3FB2] =	sst s10  }
0x38: {  	s10 =	sld [smem:$0x3FB3]  }
0x39: {  	_ = 	snop;
	(pc) =	sbr.ind lr, $3  }
0x3a: {  	_ = 	snop  }
0x3b: {  	_ = 	snop  }
0x3c: {  	p2 =	seq.s32 s10, $0x1;
	s10 =	sld [smem:$0x3FB2]  }
0x3d: {  	_ =	shalt  }
0x3e: {  	_ =	shalt  }
0x3f: {  	_ =	shalt  }
0x40: {  	_ =	shalt  }
0x41: {  	_ =	shalt  }
0x42: {  	_ =	shalt  }
0x43: {  	_ =	shalt  }
0x44: {  	_ =	shalt  }
0x45: {  	_ =	shalt  }
0x46: {  	_ =	shalt  }
0x47: {  	_ =	shalt  }
0x48: {  	_ =	shalt  }
0x49: {  	_ =	shalt  }
0x4a: {  	_ =	shalt  }
0x4b: {  	_ =	shalt  }
0x4c: {  	_ =	shalt  }
0x4d: {  	_ =	shalt  }
0x4e: {  	_ =	shalt  }
0x4f: {  	_ =	shalt  }
0x50: {  	_ =	shalt  }
0x51: {  	_ =	shalt  }
0x52: {  	_ =	shalt  }
0x53: {  	_ =	shalt  }
0x54: {  	_ =	shalt  }
0x55: {  	_ =	shalt  }
0x56: {  	_ =	shalt  }
0x57: {  	_ =	shalt  }
0x58: {  	_ =	shalt  }
0x59: {  	_ =	shalt  }
0x5a: {  	_ =	shalt  }
0x5b: {  	_ =	shalt  }
0x5c: {  	_ =	shalt  }
0x5d: {  	_ =	shalt  }
0x5e: {  	_ =	shalt  }
0x5f: {  	_ =	shalt  }
0x60: {  	_ =	shalt  }
0x61: {  	_ =	shalt  }
0x62: {  	_ =	shalt  }
0x63: {  	_ =	shalt  }
0x64: {  	_ =	shalt  }
0x65: {  	_ =	shalt  }
0x66: {  	_ =	shalt  }
0x67: {  	_ =	shalt  }
0x68: {  	_ =	shalt  }
0x69: {  	_ =	shalt  }
0x6a: {  	_ =	shalt  }
0x6b: {  	_ =	shalt  }
0x6c: {  	_ =	shalt  }
0x6d: {  	_ =	shalt  }
0x6e: {  	_ =	shalt  }
0x6f: {  	_ =	shalt  }
0x70: {  	_ =	shalt  }
0x71: {  	_ =	shalt  }
0x72: {  	_ =	shalt  }
0x73: {  	_ =	shalt  }
0x74: {  	_ =	shalt  }
0x75: {  	_ =	shalt  }
0x76: {  	_ =	shalt  }
0x77: {  	_ =	shalt  }
0x78: {  	_ =	shalt  }
0x79: {  	_ =	shalt  }
0x7a: {  	_ =	shalt  }
0x7b: {  	_ =	shalt  }
0x7c: {  	_ =	shalt  }
0x7d: {  	_ =	shalt  }
0x7e: {  	_ =	shalt  }
0x7f: {  	_ =	shalt  }
0x80: {  	_ =	shalt  }
0x81: {  	_ =	shalt  }
0x82: {  	_ =	shalt  }
0x83: {  	_ =	shalt  }
0x84: {  	_ =	shalt  }
0x85: {  	_ =	shalt  }
0x86: {  	_ =	shalt  }
0x87: {  	_ =	shalt  }
.Lfunc_end0:
.L_simem_size_0:
called_computation.3_lowered:
.L_overlay_start_0:
0x88: {  	s2 =	sld [smem:$0x3FD9]  }
0x89: {  	s3 =	sld [smem:$0x3FFE];
	_ =	sdelay $0x1  }
0x8a: {  	s1 =	srdreg.scid  }
0x8b: {  	s0 =	sand.u32 $0x1, s1  }
0x8c: {  	s16 =	sshll.u32 s0, $0xA;
	s2 =	sadd.s32 s3, s2  }
0x8d: {  	s2 =	sadd.s32 s2, s16  }
0x8e: {  	[smem:$0x3FBE] =	sst s2  }
0x8f: {  	_ = 	snop  }
0x90: {  	(tm) =	ssettm $0x1  }
0x91: {  	s17 =	sld [smem:$0x3FFB];
	_ =	sdelay $0x3  }
0x92: {  	_ =	strace s17  }
0x93: {  	s2 =	sld [smem:$0x3FFC];
	_ =	sdelay $0x3  }
0x94: {  	_ =	strace s2  }
0x95: {  	s2 =	sld [smem:$0x3FFD];
	_ =	sdelay $0x3  }
0x96: {  	_ =	strace s2  }
0x97: {  	_ =	strace $0x8FFFFFFF  }
0x98: {  	s18 =	sld [smem:$0x3FDB];
	_ =	sdelay $0x1  }
0x99: {  	s19 =	simm.s32 $_scs_section_size  }
0x9a: {  	s4 =	simm.s32 $_size__tile_overlayer_lowered;
	s5 =	simm.s32 $_tile_overlayer_lowered  }
0x9b: {  	s22 =	simm.s32 $0x1BFF;
	s21 =	sshll.u32 s5, $0x1;
	s2 =	sadd.s32 s19, s18  }
0x9c: {  	s6 =	simm.s32 $0x0;
	s20 =	sshll.u32 s4, $0x1;
	s4 =	sadd.s32 s21, s2  }
0x9d: {  	[timem:s6], [sflag:s22] =	dma.local [hbm:s4], s20  }
0x9e: {  	_ =	swait.ge [sflag:s22], s20  }
0x9f: {  	s3 =	ssub.s32 $0x0, s20;
	[sflag:s22] =	ssyncset.done $0x0  }
0xa0: {  	[sflag:s22] =	ssyncadd.s32 s3;
	_ =	sdelay $0x1  }
0xa1: {  	s23 =	simm.s32 $0x1B8B  }
0xa2: {  	_ =	swait.ge [sflag:s23], $0x1  }
0xa3: {  	[sflag:s23] =	ssyncset.done $0x0  }
0xa4: {  	s25 =	simm.s32 $0x1B8E;
	s24 =	sld [smem:$0x3FFE];
	[sflag:s23] =	ssyncadd.s32 $0xFFFFFFFF  }
0xa5: {  	s26 =	simm.s32 $execute0_lowered;
	[smem:$0x3FD2] =	sst s25  }
0xa6: {  	s4 =	sshll.u32 s26, $0x1;
	_ =	strace $0x8000004F;
	[dreg:$0x1] =	wrdreg $0xFFFFFFFF  }
0xa7: {  	s28 =	simm.s32 $_size_execute0_lowered;
	s2 =	sadd.s32 s2, s4;
	[dreg:$0x0] =	wrdreg $0x0  }
0xa8: {  	s4 =	sshll.u32 s28, $0x1;
	[dreg:$0x2] =	wrdreg s2  }
0xa9: {  	[dreg:$0x3] =	wrdreg s4  }
0xaa: {  	[dreg:$0x4] =	wrdreg $0xC0  }
0xab: {  	_ =	task [dreg:s6], $0x5FFFF  }
0xac: {  	[dreg:$0x1] =	wrdreg $0xFFFFFFFF  }
0xad: {  	[dreg:$0x0] =	wrdreg $0x60  }
0xae: {  	[dreg:$0x2] =	wrdreg s24  }
0xaf: {  	[dreg:$0x3] =	wrdreg $0xB7800  }
0xb0: {  	[dreg:$0x4] =	wrdreg $0x9  }
0xb1: {  	_ =	task.clear_ibuf [dreg:s6], $0x5FFFF;
	_ =	strace $0x9000004F  }
0xb2: {  	s29 =	simm.s32 $0x9;
	_ =	strace $0x80000051  }
0xb3: {  	_ =	swait.ge [sflag:s29], $0x1  }
0xb4: {  	[sflag:s29] =	ssyncadd.s32 $0xFFFFFFFF  }
0xb5: {  	_ =	strace $0x90000051  }
0xb6: {  	_ =	sfence  }
0xb7: {  	s30 =	sld [smem:$0x0];
	_ =	sdelay $0x2  }
0xb8: {  	s31 =	sshll.u32 s1, $0xD;
	s1 =	sshrl.u32 s1, $0x2  }
0xb9: {  	s3 =	sand.u32 $0x4000, s31;
	s1 =	sadd.s32 s1, s30  }
0xba: {  	s0 =	sor.u32 s3, s0;
	s1 =	sshll.u32 s1, $0x11  }
0xbb: {  	s0 =	sor.u32 s1, s0  }
0xbc: {  	s0 =	sadd.s32 $0x8F2B, s0  }
0xbd: {  	[sflag:s0] =	ssyncadd.remote.s32 $0x1  }
0xbe: {  	_ =	sfence.sel $0xFFFF  }
0xbf: {  	[dreg:$0x0] =	wrdreg $0xFFFFFFFF;
	(pc) =	sbr.abs _section_cstart, $3  }
0xc0: {  	[dreg:$0x1] =	wrdreg $0xFFFFFFFF  }
0xc1: {  	_ =	task.clear_ibuf [dreg:s6], $0x2FFFF;
	_ =	strace $0x9FFFFFFF  }
0xc2: {  	(tm) =	ssettm $0x7FFFFFFF  }
0xc3: {  	_ =	shalt  }
tec
execute0_lowered:
.L_overlay_start_1:
0x0: {  	(tag) =	ssettag $0x1  }
0x1: {  	s0 =	srdreg.scid;
	s1 =	rddreg [dreg:$0x0]  }
0x2: {  	s2 =	rddreg [dreg:$0x1];
	s10 =	stileid.u32  }
0x3: {  	s3 =	simm.s32 $0x0;
	s28 =	simm.s32 $0x3;
	s30 =	simm.s32 $0x40  }
0x4: {  	s31 =	simm.s32 $0x7780;
	s29 =	simm.s32 $0x2;
	s8 =	smul.u32 $0x50000, s10  }
0x5: {  	s0 =	sand.u32 $0x1, s0;
	[smem:$0x7FF] =	sst s3;
	s26 =	smul.u32 $0x14000, s10  }
0x6: {  	p0 =	seq.s32 s10, $0xF;
	s4 =	sshll.u32 s0, $0x4;
	_ =	strace $0x80000050  }
0x7: {  	s7 =	ssub.s32 $0x2, s0;
	s0 =	smul.u32 $0x138800, s0;
	s4 =	sor.u32 s10, s4  }
0x8: {  	s9 =	sshrl.u32 s7, $0x1;
	s20 =	sshrl.u32 s8, $0x2;
	s5 =	smul.u32 $0x4E8, s4  }
0x9: {  	s6 =	smul.u32 $0xA00, s4;
	s9 =	ssub.s32 s7, s9;
	s7 =	sadd.s32 s20, s2  }
0xa: {  	s4 =	sadd.s32 $0x35800, s1;
	s22 =	sadd.s32 $0x1400, s7;
	s23 =	sadd.s32 $0x2800, s7  }
0xb: {  	s24 =	sadd.s32 $0x3C00, s7;
	s25 =	sadd.s32 $0x5000, s7;
	s12 =	sadd.s32 $0x7800, s7  }
0xc: {  	s13 =	sadd.s32 $0x8C00, s7;
	s14 =	sadd.s32 $0xA000, s7;
	s15 =	sadd.s32 $0xB400, s7  }
0xd: {  	s16 =	sadd.s32 $0xC800, s7;
	s17 =	sadd.s32 $0xDC00, s7;
	[dreg:$0x5] =	wrdreg s22  }
0xe: {  	s18 =	sadd.s32 $0xF000, s7;
	s19 =	sadd.s32 $0x10400, s7;
	[dreg:$0x6] =	wrdreg s23  }
0xf: {  	s20 =	sadd.s32 $0x11800, s7;
	s5 =	sadd.s32 s5, s1;
	[dreg:$0x7] =	wrdreg s24  }
0x10: {  	s6 =	sadd.s32 s6, s1;
	s1 =	sadd.s32 $0x5CA00, s1;
	[dreg:$0x8] =	wrdreg s25  }
0x11: {  	s22 =	sadd.s32 $0x12C00, s7;
	s23 =	sadd.s32 $0x12C000, s2;
	s5 =	sadd.s32 $0x17A00, s5  }
0x12: {  	s25 =	smax.u32 s9, $0x1;
	s21 =	sadd.s32 $0x21800, s6;
	[dreg:$0x3] =	wrdreg s5  }
0x13: {  	s6 =	sadd.s32 $0x12D400, s2;
	s12 =	smov.u32 @p0 s23;
	[dreg:$0x4] =	wrdreg s21  }
0x14: {  	s5 =	sadd.s32 s26, s0;
	s0 =	sshrl.u32 s0, $0x3;
	s13 =	smov.u32 @p0 s6  }
0x15: {  	s26 =	sadd.s32 $0x6400, s7;
	s5 =	sshrl.u32 s5, $0x3;
	s0 =	sadd.s32 s1, s0  }
0x16: {  	s21 =	sadd.s32 s1, s5;
	s1 =	sadd.s32 $0x12E800, s2;
	s5 =	sadd.s32 $0x12FC00, s2  }
0x17: {  	s24 =	sadd.s32 $0x25800, s0;
	s0 =	simm.s32 $0x9780;
	s14 =	smov.u32 @p0 s1  }
0x18: {  	s1 =	sadd.s32 $0x131000, s2;
	s15 =	smov.u32 @p0 s5;
	s5 =	sadd.s32 $0x132400, s2  }
0x19: {  	s16 =	smov.u32 @p0 s1;
	s1 =	sadd.s32 $0x133800, s2;
	s17 =	smov.u32 @p0 s5  }
0x1a: {  	s5 =	sadd.s32 $0x134C00, s2;
	s18 =	smov.u32 @p0 s1;
	s1 =	sadd.s32 $0x136000, s2  }
0x1b: {  	s19 =	smov.u32 @p0 s5;
	s20 =	smov.u32 @p0 s1;
	s1 =	sadd.s32 $0x137400, s2  }
0x1c: {  	v0 =	vimm.f32 $0.0e+00;
	s5 =	simm.s32 $0x0;
	s22 =	smov.u32 @p0 s1;
	s1 =	simm.s32 $0x1  }
.LBB2_1:
0x1d: {  	s6 =	rddreg [dreg:$0x3]  }
0x1e: {  	[tilespmem:s3], [sflag:$0x3] =	stream.linear.gather [hbm4b:s6+s3], $0x2740, $0x38;
	[tilespmem:$0x1F040] =	vst v63  }
0x1f: {  	_ =	swait.ge [sflag:s28], $0x2740  }
0x20: {  	[sflag:s28] =	ssyncset.done $0x0  }
0x21: {  	s8 =	simm.s32 $0x2780;
	s9 =	rddreg [dreg:$0x4];
	[sflag:s28] =	ssyncadd.s32 $0xFFFFD8C0  }
0x22: {  	[tilespmem:s8], [sflag:$0x3] =	stream.linear.gather [hbm4b:s9+s3], $0x4E80, $0x38;
	[tilespmem:$0x1F040] =	vst v63  }
0x23: {  	s10 =	sand.u32 $0x7E00, s3;
	s11 =	sand.u32 $0x70, s3;
	_ =	swait.ge [sflag:s28], $0x4E80  }
0x24: {  	s6 =	simm.s32 $0x40;
	s9 =	sshrl.u32 s10, $0x2;
	[sflag:s28] =	ssyncset.done $0x0  }
0x25: {  	s8 =	simm.s32 $0x0;
	s9 =	sor.u32 s11, s9;
	[sflag:s28] =	ssyncadd.s32 $0xFFFFB180  }
0x26: {  	[tilespmem:s31], [sflag:$0x1] =	stream.indirect.gather [hbm4b:s4+s30], $0x80, s3, s30, $0xb8;
	[tilespmem:$0x1F040] =	vst v63  }
.LBB2_2:
0x27: {  	p1 =	sne.s32 s6, $0x4FC0  }
0x28: {  	[tilespmem:s9+$0x9780] =	vst v0;
	s8 =	sadd.s32 $0x10, s8;
	s9 =	smov.u32 s6;
	s6 =	sadd.s32 $0x40, s6  }
.Ltmp0:
0x29: {  	(pc) =	sbr.rel @p1 .LBB2_2-.Ltmp0, $4  }
0x2a: {  	_ = 	snop  }
0x2b: {  	s9 =	sand.u32 $0x7E00, s9  }
0x2c: {  	s10 =	sand.u32 $0x70, s8;
	s9 =	sshrl.u32 s9, $0x2  }
0x2d: {  	s9 =	sor.u32 s10, s9  }
0x2e: {  	[tilespmem:s9+$0x9780] =	vst v0;
	s6 =	simm.s32 @!p0 $0x9780;
	s8 =	simm.s32 @!p0 $0x3  }
0x2f: {  	[spmem:s7] =	stream.linear.scatter @!p0 [tilespmem:s6], [sflag:$0x3], $0x1400, $0x38;
	[tilespmem:$0x1F040] =	vst v63  }
0x30: {  	_ =	swait.ge @!p0 [sflag:s8], $0x1400  }
0x31: {  	[sflag:s8] =	ssyncset.done @!p0 $0x0  }
0x32: {  	s9 =	rddreg [dreg:$0x5];
	[sflag:s8] =	ssyncadd.s32 @!p0 $0xFFFFEC00  }
0x33: {  	[spmem:s9] =	stream.linear.scatter @!p0 [tilespmem:s6], [sflag:$0x3], $0x1400, $0x38;
	[tilespmem:$0x1F040] =	vst v63  }
0x34: {  	_ =	swait.ge @!p0 [sflag:s8], $0x1400  }
0x35: {  	[sflag:s8] =	ssyncset.done @!p0 $0x0  }
0x36: {  	s9 =	rddreg [dreg:$0x6];
	[sflag:s8] =	ssyncadd.s32 @!p0 $0xFFFFEC00  }
0x37: {  	[spmem:s9] =	stream.linear.scatter @!p0 [tilespmem:s6], [sflag:$0x3], $0x1400, $0x38;
	[tilespmem:$0x1F040] =	vst v63  }
0x38: {  	_ =	swait.ge @!p0 [sflag:s8], $0x1400  }
0x39: {  	[sflag:s8] =	ssyncset.done @!p0 $0x0  }
0x3a: {  	s9 =	rddreg [dreg:$0x7];
	[sflag:s8] =	ssyncadd.s32 @!p0 $0xFFFFEC00  }
0x3b: {  	[spmem:s9] =	stream.linear.scatter @!p0 [tilespmem:s6], [sflag:$0x3], $0x1400, $0x38;
	[tilespmem:$0x1F040] =	vst v63  }
0x3c: {  	_ =	swait.ge @!p0 [sflag:s8], $0x1400  }
0x3d: {  	[sflag:s8] =	ssyncset.done @!p0 $0x0  }
0x3e: {  	s9 =	rddreg [dreg:$0x8];
	[sflag:s8] =	ssyncadd.s32 @!p0 $0xFFFFEC00  }
0x3f: {  	[spmem:s9] =	stream.linear.scatter @!p0 [tilespmem:s6], [sflag:$0x3], $0x1400, $0x38;
	[tilespmem:$0x1F040] =	vst v63  }
0x40: {  	_ =	swait.ge @!p0 [sflag:s8], $0x1400  }
0x41: {  	[sflag:s8] =	ssyncset.done @!p0 $0x0  }
0x42: {  	[sflag:s8] =	ssyncadd.s32 @!p0 $0xFFFFEC00  }
0x43: {  	[spmem:s26] =	stream.linear.scatter @!p0 [tilespmem:s6], [sflag:$0x3], $0x1400, $0x38;
	[tilespmem:$0x1F040] =	vst v63  }
0x44: {  	_ =	swait.ge @!p0 [sflag:s8], $0x1400  }
0x45: {  	[sflag:s8] =	ssyncset.done @!p0 $0x0  }
0x46: {  	[sflag:s8] =	ssyncadd.s32 @!p0 $0xFFFFEC00  }
0x47: {  	[spmem:s12] =	stream.linear.scatter [tilespmem:s0], [sflag:$0x3], $0x1400, $0x38;
	[tilespmem:$0x1F040] =	vst v63  }
0x48: {  	_ =	swait.ge [sflag:s28], $0x1400  }
0x49: {  	[sflag:s28] =	ssyncset.done $0x0  }
0x4a: {  	[sflag:s28] =	ssyncadd.s32 $0xFFFFEC00  }
0x4b: {  	[spmem:s13] =	stream.linear.scatter [tilespmem:s0], [sflag:$0x3], $0x1400, $0x38;
	[tilespmem:$0x1F040] =	vst v63  }
0x4c: {  	_ =	swait.ge [sflag:s28], $0x1400  }
0x4d: {  	[sflag:s28] =	ssyncset.done $0x0  }
0x4e: {  	[sflag:s28] =	ssyncadd.s32 $0xFFFFEC00  }
0x4f: {  	[spmem:s14] =	stream.linear.scatter [tilespmem:s0], [sflag:$0x3], $0x1400, $0x38;
	[tilespmem:$0x1F040] =	vst v63  }
0x50: {  	_ =	swait.ge [sflag:s28], $0x1400  }
0x51: {  	[sflag:s28] =	ssyncset.done $0x0  }
0x52: {  	[sflag:s28] =	ssyncadd.s32 $0xFFFFEC00  }
0x53: {  	[spmem:s15] =	stream.linear.scatter [tilespmem:s0], [sflag:$0x3], $0x1400, $0x38;
	[tilespmem:$0x1F040] =	vst v63  }
0x54: {  	_ =	swait.ge [sflag:s28], $0x1400  }
0x55: {  	[sflag:s28] =	ssyncset.done $0x0  }
0x56: {  	[sflag:s28] =	ssyncadd.s32 $0xFFFFEC00  }
0x57: {  	[spmem:s16] =	stream.linear.scatter [tilespmem:s0], [sflag:$0x3], $0x1400, $0x38;
	[tilespmem:$0x1F040] =	vst v63  }
0x58: {  	_ =	swait.ge [sflag:s28], $0x1400  }
0x59: {  	[sflag:s28] =	ssyncset.done $0x0  }
0x5a: {  	[sflag:s28] =	ssyncadd.s32 $0xFFFFEC00  }
0x5b: {  	[spmem:s17] =	stream.linear.scatter [tilespmem:s0], [sflag:$0x3], $0x1400, $0x38;
	[tilespmem:$0x1F040] =	vst v63  }
0x5c: {  	_ =	swait.ge [sflag:s28], $0x1400  }
0x5d: {  	[sflag:s28] =	ssyncset.done $0x0  }
0x5e: {  	[sflag:s28] =	ssyncadd.s32 $0xFFFFEC00  }
0x5f: {  	[spmem:s18] =	stream.linear.scatter [tilespmem:s0], [sflag:$0x3], $0x1400, $0x38;
	[tilespmem:$0x1F040] =	vst v63  }
0x60: {  	_ =	swait.ge [sflag:s28], $0x1400  }
0x61: {  	[sflag:s28] =	ssyncset.done $0x0  }
0x62: {  	[sflag:s28] =	ssyncadd.s32 $0xFFFFEC00  }
0x63: {  	[spmem:s19] =	stream.linear.scatter [tilespmem:s0], [sflag:$0x3], $0x1400, $0x38;
	[tilespmem:$0x1F040] =	vst v63  }
0x64: {  	_ =	swait.ge [sflag:s28], $0x1400  }
0x65: {  	[sflag:s28] =	ssyncset.done $0x0  }
0x66: {  	[sflag:s28] =	ssyncadd.s32 $0xFFFFEC00  }
0x67: {  	[spmem:s20] =	stream.linear.scatter [tilespmem:s0], [sflag:$0x3], $0x1400, $0x38;
	[tilespmem:$0x1F040] =	vst v63  }
0x68: {  	_ =	swait.ge [sflag:s28], $0x1400  }
0x69: {  	[sflag:s28] =	ssyncset.done $0x0  }
0x6a: {  	[sflag:s28] =	ssyncadd.s32 $0xFFFFEC00  }
0x6b: {  	[spmem:s22] =	stream.linear.scatter [tilespmem:s0], [sflag:$0x3], $0x1400, $0x38;
	[tilespmem:$0x1F040] =	vst v63  }
0x6c: {  	_ =	swait.ge [sflag:s28], $0x1400  }
0x6d: {  	[sflag:s28] =	ssyncset.done $0x0  }
0x6e: {  	[sflag:s28] =	ssyncadd.s32 $0xFFFFEC00  }
0x6f: {  	s8 =	simm.s32 $0x40;
	[bflag:$0x0] =	sbarrier.arrive $0xFFFF  }
0x70: {  	[tilespmem:s0], [sflag:$0x2] =	stream.indirect.gather [hbm4b:s4+s30], $0x80, s8, s30, $0xb8;
	[tilespmem:$0x1F040] =	vst v63  }
0x71: {  	_ =	swait.ge [sflag:s1], $0x2000  }
0x72: {  	[sflag:s1] =	ssyncset.done $0x0  }
0x73: {  	s9 =	simm.s32 $0x2780;
	[sflag:s1] =	ssyncadd.s32 $0xFFFFE000  }
0x74: {  	[spmem:s2] =	stream.indirect.scatter.add.f32 [tilespmem:s31], [sflag:$0x3], $0x80, s9, s30, $0xb8;
	[tilespmem:$0x1F040] =	vst v63  }
0x75: {  	_ =	swait.ge [sflag:s28], $0x2000  }
0x76: {  	[sflag:s28] =	ssyncset.done $0x0  }
0x77: {  	s10 =	simm.s32 $0x80;
	[sflag:s28] =	ssyncadd.s32 $0xFFFFE000  }
0x78: {  	[tilespmem:s31], [sflag:$0x1] =	stream.indirect.gather [hbm4b:s4+s30], $0x80, s10, s30, $0xb8;
	[tilespmem:$0x1F040] =	vst v63  }
0x79: {  	_ =	swait.ge [sflag:s29], $0x2000  }
0x7a: {  	[sflag:s29] =	ssyncset.done $0x0  }
0x7b: {  	s11 =	simm.s32 $0x2800;
	[sflag:s29] =	ssyncadd.s32 $0xFFFFE000  }
0x7c: {  	[spmem:s2] =	stream.indirect.scatter.add.f32 [tilespmem:s0], [sflag:$0x3], $0x80, s11, s30, $0xb8;
	[tilespmem:$0x1F040] =	vst v63  }
0x7d: {  	s6 =	simm.s32 $0x100;
	_ =	swait.ge [sflag:s28], $0x2000  }
0x7e: {  	s8 =	simm.s32 $0x400;
	s9 =	simm.s32 $0x800;
	[sflag:s28] =	ssyncset.done $0x0  }
.LBB2_4:
0x7f: {  	p1 =	sne.s32 s9, $0x13400;
	s10 =	sadd.s32 $0xFFFFFFC0, s6;
	[sflag:s28] =	ssyncadd.s32 $0xFFFFE000  }
0x80: {  	[tilespmem:s0], [sflag:$0x2] =	stream.indirect.gather [hbm4b:s4+s30], $0x80, s10, s30, $0xb8;
	[tilespmem:$0x1F040] =	vst v63  }
0x81: {  	s10 =	smov.u32 s9;
	s9 =	sadd.s32 $0x400, s9;
	_ =	swait.ge [sflag:s1], $0x2000  }
0x82: {  	s11 =	sshra.s32 s8, $0x2;
	s8 =	smov.u32 s10;
	[sflag:s1] =	ssyncset.done $0x0  }
0x83: {  	s10 =	sadd.s32 $0x2780, s11;
	[sflag:s1] =	ssyncadd.s32 $0xFFFFE000  }
0x84: {  	[spmem:s2] =	stream.indirect.scatter.add.f32 [tilespmem:s31], [sflag:$0x3], $0x80, s10, s30, $0xb8;
	[tilespmem:$0x1F040] =	vst v63  }
0x85: {  	_ =	swait.ge [sflag:s28], $0x2000  }
0x86: {  	[sflag:s28] =	ssyncset.done $0x0  }
0x87: {  	[sflag:s28] =	ssyncadd.s32 $0xFFFFE000  }
0x88: {  	[tilespmem:s31], [sflag:$0x1] =	stream.indirect.gather [hbm4b:s4+s30], $0x80, s6, s30, $0xb8;
	[tilespmem:$0x1F040] =	vst v63  }
0x89: {  	_ =	swait.ge [sflag:s29], $0x2000  }
.Ltmp1:
0x8a: {  	[sflag:s29] =	ssyncset.done $0x0;
	(pc) =	sbr.rel @p1 .LBB2_4-.Ltmp1, $4  }
0x8b: {  	s10 =	sadd.s32 $0x2800, s11;
	[sflag:s29] =	ssyncadd.s32 $0xFFFFE000  }
0x8c: {  	[spmem:s2] =	stream.indirect.scatter.add.f32 [tilespmem:s0], [sflag:$0x3], $0x80, s10, s30, $0xb8;
	[tilespmem:$0x1F040] =	vst v63  }
0x8d: {  	_ =	swait.ge [sflag:s28], $0x2000  }
0x8e: {  	s6 =	sadd.s32 $0x80, s6;
	[sflag:s28] =	ssyncset.done $0x0  }
0x8f: {  	s9 =	sadd.s32 $0xFFFFFFC0, s6;
	[sflag:s28] =	ssyncadd.s32 $0xFFFFE000  }
0x90: {  	[tilespmem:s0], [sflag:$0x2] =	stream.indirect.gather [hbm4b:s4+s30], $0x80, s9, s30, $0xb8;
	[tilespmem:$0x1F040] =	vst v63  }
0x91: {  	_ =	swait.ge [sflag:s1], $0x2000  }
0x92: {  	s8 =	sshra.s32 s8, $0x2;
	[sflag:s1] =	ssyncset.done $0x0  }
0x93: {  	s11 =	sadd.s32 $0x2780, s8;
	[sflag:s1] =	ssyncadd.s32 $0xFFFFE000  }
0x94: {  	[spmem:s2] =	stream.indirect.scatter.add.f32 [tilespmem:s31], [sflag:$0x3], $0x80, s11, s30, $0xb8;
	[tilespmem:$0x1F040] =	vst v63  }
0x95: {  	_ =	swait.ge [sflag:s28], $0x2000  }
0x96: {  	[sflag:s28] =	ssyncset.done $0x0  }
0x97: {  	[sflag:s28] =	ssyncadd.s32 $0xFFFFE000  }
0x98: {  	[tilespmem:s31], [sflag:$0x1] =	stream.indirect.gather [hbm4b:s4+s30], $0x80, s6, s30, $0xb8;
	[tilespmem:$0x1F040] =	vst v63  }
0x99: {  	_ =	swait.ge [sflag:s29], $0x2000  }
0x9a: {  	[sflag:s29] =	ssyncset.done $0x0  }
0x9b: {  	s10 =	sadd.s32 $0x2800, s8;
	[sflag:s29] =	ssyncadd.s32 $0xFFFFE000  }
0x9c: {  	[spmem:s2] =	stream.indirect.scatter.add.f32 [tilespmem:s0], [sflag:$0x3], $0x80, s10, s30, $0xb8;
	[tilespmem:$0x1F040] =	vst v63  }
0x9d: {  	_ =	swait.ge [sflag:s28], $0x2000  }
0x9e: {  	[sflag:s28] =	ssyncset.done $0x0  }
0x9f: {  	[sflag:s28] =	ssyncadd.s32 $0xFFFFE000  }
0xa0: {  	_ =	swait.ge [sflag:s1], $0x2000  }
0xa1: {  	[sflag:s1] =	ssyncset.done $0x0  }
0xa2: {  	s11 =	simm.s32 $0x7580;
	[sflag:s1] =	ssyncadd.s32 $0xFFFFE000  }
0xa3: {  	[spmem:s2] =	stream.indirect.scatter.add.f32 [tilespmem:s31], [sflag:$0x3], $0x80, s11, s30, $0xb8;
	[tilespmem:$0x1F040] =	vst v63  }
0xa4: {  	_ =	swait.ge [sflag:s28], $0x2000  }
0xa5: {  	[sflag:s28] =	ssyncset.done $0x0  }
0xa6: {  	[sflag:s28] =	ssyncadd.s32 $0xFFFFE000  }
0xa7: {  	s8 =	simm.s32 @p0 $0x1FC3;
	s6 =	sshrl.u32 @p0 s23, $0x3;
	[bflag:$0x0] =	sbarrier.arrive $0xFFFF  }
0xa8: {  	[hbm:s24], [sflag:s8] =	dma.local @p0 [spmem:s6], $0x1900  }
0xa9: {  	s6 =	simm.s32 @p0 $0x3  }
0xaa: {  	s5 =	sadd.s32 $0x1, s5;
	s8 =	stileid.u32;
	_ =	swait.ge @p0 [sflag:s6], $0x1900  }
0xab: {  	p1 =	sne.s32 s5, s25;
	s8 =	sshll.u32 @!p0 s8, $0x6;
	[sflag:s6] =	ssyncset.done @p0 $0x0  }
0xac: {  	[sflag:s6] =	ssyncadd.s32 @p0 $0xFFFFE700;
	s6 =	sor.u32 @!p0 $0x1C03, s8;
	s8 =	sshrl.u32 @!p0 s7, $0x3  }
0xad: {  	[hbm:s21], [sflag:s6] =	dma.local @!p0 [spmem:s8], $0x2800  }
.Ltmp2:
0xae: {  	_ = 	snop;
	(pc) =	sbr.rel @p1 .LBB2_1-.Ltmp2, $4  }
0xaf: {  	s6 =	simm.s32 @!p0 $0x3  }
0xb0: {  	_ =	swait.ge @!p0 [sflag:s6], $0x2800  }
0xb1: {  	[sflag:s6] =	ssyncset.done @!p0 $0x0  }
0xb2: {  	[sflag:s6] =	ssyncadd.s32 @!p0 $0xFFFFD800  }
0xb3: {  	_ =	sfence.sel $0x180000  }
0xb4: {  	[bflag:$0x0] =	sbarrier.arrive $0xFFFF  }
0xb5: {  	_ =	strace $0x90000050  }
0xb6: {  	s0 =	stileid.u32;
	[bflag:$0x2] =	sbarrier.arrive $0xFFFF  }
0xb7: {  	p0 =	sne.s32 s0, $0x0;
	s0 =	rddreg [dreg:$0x2]  }
0xb8: {  	s0 =	sadd.s32 @!p0 $0x100000, s0  }
0xb9: {  	[sflag:s0] =	ssyncadd.tile.s32 @!p0 $0x1;
	_ =	shalt  }
.Lfunc_end2:
_tile_overlayer_lowered:
.L_overlay_start_2:
0xba: {  	(tag) =	ssettag $0x2  }
0xbb: {  	s0 =	rddreg [dreg:$0x0];
	s2 =	stileid.u32  }
0xbc: {  	s1 =	rddreg [dreg:$0x1];
	p0 =	sne.s32 s2, $0x0  }
0xbd: {  	s3 =	rddreg [dreg:$0x2];
	[bflag:$0x3] =	sbarrier.arrive $0xFFFF;
	s2 =	simm.s32 @!p0 $0x1C03  }
0xbe: {  	[timem:s3], [sflag:s2] =	dma.local @!p0 [hbm:s0], s1  }
0xbf: {  	s0 =	simm.s32 @!p0 $0x3  }
0xc0: {  	_ =	swait.ge @!p0 [sflag:s0], s1  }
0xc1: {  	s1 =	ssub.s32 @!p0 $0x0, s1;
	[sflag:s0] =	ssyncset.done @!p0 $0x0  }
0xc2: {  	[sflag:s0] =	ssyncadd.s32 @!p0 s1  }
0xc3: {  	[bflag:$0x3] =	sbarrier.arrive $0xFFFF  }
0xc4: {  	_ =	shalt  }

</sc_bundles>
